<compile_context>
chip_gen: v7x
topology: tpu7x:2x2x1
jax: 0.10.2.dev20260603
libtpu: 0.0.44.dev20260713+nightly
codegen_flags: <defaults>
</compile_context>

<pallas_src>
import functools

import jax
import jax.numpy as jnp
from jax import lax
from jax.experimental import pallas as pl
from jax.experimental.pallas import tpu as pltpu
from jax.experimental.pallas import tpu_sc as plsc

N = 10000
E = 320000
D = 128
C = 1000

NC = 2
NS = 16
NW = NC * NS

N_PAD = 10240
RPT = N_PAD // NS
ROWS_PW = N_PAD // NW

ECH = 128
KE = 80
IBLK = 16
E_PAD = ECH * KE * NW
TOTCH = E_PAD // ECH
KE0 = 128
KE1 = 2 * KE - KE0
NBLK0 = KE0 // IBLK
NBLK1 = KE1 // IBLK

C_PAD = 1024
CRT = C_PAD // NS
CCH = 80
KC = ROWS_PW // CCH


def _sc_mesh():
    return plsc.VectorSubcoreMesh(core_axis_name="c", subcore_axis_name="s")


def _edge_scatter(h, src3, dst3, zeros_n):

    @functools.partial(
        pl.kernel,
        out_type=jax.ShapeDtypeStruct((NC, N_PAD, D), jnp.float32),
        mesh=_sc_mesh(),
        scratch_types=[
            pltpu.VMEM((IBLK, ECH), jnp.int32),
            pltpu.VMEM((IBLK, ECH), jnp.int32),
            pltpu.VMEM((IBLK, ECH), jnp.int32),
            pltpu.VMEM((IBLK, ECH), jnp.int32),
            pltpu.VMEM((ECH, D), jnp.float32),
            pltpu.VMEM((ECH, D), jnp.float32),
            pltpu.VMEM_SHARED((N_PAD, D), jnp.float32),
            pltpu.SemaphoreType.DMA,
            pltpu.SemaphoreType.DMA,
            pltpu.SemaphoreType.DMA,
            pltpu.SemaphoreType.DMA,
        ],
    )
    def k(h_hbm, src_hbm, dst_hbm, z_hbm, out_hbm, sb0, sb1, db0, db1,
          r0, r1, agg_sh, g0, g1, i0, i1):
        rows = [r0, r1]
        semg = [g0, g1]
        sbuf = [sb0, sb1]
        dbuf = [db0, db1]
        semi = [i0, i1]
        cid = lax.axis_index("c")
        sid = lax.axis_index("s")

        def do_block(sb, db):
            for b in range(2):
                pltpu.async_copy(h_hbm.at[sb.at[b]], rows[b], semg[b])

            def rnd(r, carry):
                for b in range(2):
                    c = 2 * r + b
                    pltpu.make_async_copy(
                        h_hbm.at[sb.at[c]], rows[b], semg[b]).wait()
                    pltpu.sync_copy(rows[b], agg_sh.at[db.at[c]], add=True)
                    pltpu.async_copy(h_hbm.at[sb.at[c + 2]], rows[b],
                                     semg[b])
                return carry

            lax.fori_loop(0, IBLK // 2 - 1, rnd, 0)
            for b in range(2):
                c = IBLK - 2 + b
                pltpu.make_async_copy(
                    h_hbm.at[sb.at[c]], rows[b], semg[b]).wait()
                pltpu.sync_copy(rows[b], agg_sh.at[db.at[c]], add=True)

        cb = jnp.where(cid == 0, sid * KE0, NS * KE0 + sid * KE1)
        nblk = jnp.where(cid == 0, NBLK0, NBLK1)

        pltpu.sync_copy(z_hbm.at[pl.ds(sid * RPT, RPT)],
                        agg_sh.at[pl.ds(sid * RPT, RPT)])
        for p in range(2):
            pltpu.async_copy(src_hbm.at[pl.ds(cb + p * IBLK, IBLK)],
                             sbuf[p], semi[p])
            pltpu.async_copy(dst_hbm.at[pl.ds(cb + p * IBLK, IBLK)],
                             dbuf[p], semi[p])
        plsc.subcore_barrier()

        def blkpair(j, carry):
            for p in range(2):
                nb = 2 * j + p
                off = cb + nb * IBLK
                pltpu.make_async_copy(
                    src_hbm.at[pl.ds(off, IBLK)], sbuf[p], semi[p]).wait()
                pltpu.make_async_copy(
                    dst_hbm.at[pl.ds(off, IBLK)], dbuf[p], semi[p]).wait()
                do_block(sbuf[p], dbuf[p])

                @pl.when(nb + 2 < nblk)
                def _():
                    off2 = cb + (nb + 2) * IBLK
                    pltpu.async_copy(src_hbm.at[pl.ds(off2, IBLK)],
                                     sbuf[p], semi[p])
                    pltpu.async_copy(dst_hbm.at[pl.ds(off2, IBLK)],
                                     dbuf[p], semi[p])
            return carry

        lax.fori_loop(0, nblk // 2, blkpair, 0)
        plsc.subcore_barrier()
        pltpu.sync_copy(agg_sh.at[pl.ds(sid * RPT, RPT)],
                        out_hbm.at[cid, pl.ds(sid * RPT, RPT)])

    return k(h, src3, dst3, zeros_n)


def _tc_layer(agg, h, Wn, Wr, b8, *, relu, ext):
    BLK = 1024

    def body(a0, a1, hh, wn, wr, bb, oo, of=None):
        acc = jnp.dot(a0[0], wn[...], preferred_element_type=jnp.float32)
        acc = acc + jnp.dot(hh[...], wr[...], preferred_element_type=jnp.float32)
        acc = acc + jnp.dot(a1[0], wn[...], preferred_element_type=jnp.float32)
        acc = acc + bb[0:1, :]
        if relu:
            acc = jnp.maximum(acc, 0.0)
        if ext:
            i = pl.program_id(0)
            rows = i * BLK + lax.broadcasted_iota(jnp.int32, (BLK, 1), 0)
            m = (rows < N).astype(jnp.float32)
            oo[...] = acc * m
            of[...] = jnp.broadcast_to(m, (BLK, D))
        else:
            oo[...] = acc

    if ext:
        out_specs = [pl.BlockSpec((BLK, D), lambda i: (i, 0)),
                     pl.BlockSpec((BLK, D), lambda i: (i, 0))]
        out_shape = [jax.ShapeDtypeStruct((N_PAD, D), jnp.float32),
                     jax.ShapeDtypeStruct((N_PAD, D), jnp.float32)]
    else:
        out_specs = pl.BlockSpec((BLK, D), lambda i: (i, 0))
        out_shape = jax.ShapeDtypeStruct((N_PAD, D), jnp.float32)

    return pl.pallas_call(
        body,
        grid=(N_PAD // BLK,),
        in_specs=[
            pl.BlockSpec((1, BLK, D), lambda i: (0, i, 0)),
            pl.BlockSpec((1, BLK, D), lambda i: (1, i, 0)),
            pl.BlockSpec((BLK, D), lambda i: (i, 0)),
            pl.BlockSpec((D, D), lambda i: (0, 0)),
            pl.BlockSpec((D, D), lambda i: (0, 0)),
            pl.BlockSpec((8, D), lambda i: (0, 0)),
        ],
        out_specs=out_specs,
        out_shape=out_shape,
    )(agg, agg, h, Wn, Wr, b8)


def _cluster_scatter(h2v, h2f, cl3, zeros_c):

    @functools.partial(
        pl.kernel,
        out_type=[jax.ShapeDtypeStruct((NC, C_PAD, D), jnp.float32),
                  jax.ShapeDtypeStruct((NC, C_PAD, D), jnp.float32)],
        mesh=_sc_mesh(),
        scratch_types=[
            pltpu.VMEM((KC, CCH), jnp.int32),
            pltpu.VMEM((CCH, D), jnp.float32),
            pltpu.VMEM((CCH, D), jnp.float32),
            pltpu.VMEM_SHARED((C_PAD, D), jnp.float32),
            pltpu.VMEM_SHARED((C_PAD, D), jnp.float32),
        ],
    )
    def k(hv_hbm, hf_hbm, cl_hbm, z_hbm, outv_hbm, outf_hbm,
          cl_v, rv_v, rf_v, tabv_sh, tabf_sh):
        cid = lax.axis_index("c")
        sid = lax.axis_index("s")
        wid = cid * NS + sid
        pltpu.sync_copy(z_hbm.at[pl.ds(sid * CRT, CRT)],
                        tabv_sh.at[pl.ds(sid * CRT, CRT)])
        pltpu.sync_copy(z_hbm.at[pl.ds(sid * CRT, CRT)],
                        tabf_sh.at[pl.ds(sid * CRT, CRT)])
        pltpu.sync_copy(cl_hbm.at[wid], cl_v)
        plsc.subcore_barrier()
        base = wid * ROWS_PW

        def body(kk, carry):
            pltpu.sync_copy(hv_hbm.at[pl.ds(base + kk * CCH, CCH)], rv_v)
            pltpu.sync_copy(rv_v, tabv_sh.at[cl_v.at[kk]], add=True)
            pltpu.sync_copy(hf_hbm.at[pl.ds(base + kk * CCH, CCH)], rf_v)
            pltpu.sync_copy(rf_v, tabf_sh.at[cl_v.at[kk]], add=True)
            return carry

        lax.fori_loop(0, KC, body, 0)
        plsc.subcore_barrier()
        pltpu.sync_copy(tabv_sh.at[pl.ds(sid * CRT, CRT)],
                        outv_hbm.at[cid, pl.ds(sid * CRT, CRT)])
        pltpu.sync_copy(tabf_sh.at[pl.ds(sid * CRT, CRT)],
                        outf_hbm.at[cid, pl.ds(sid * CRT, CRT)])

    return k(h2v, h2f, cl3, zeros_c)


def _tc_mean(csv, csf):

    def body(v0, v1, f0, f1, oo):
        tot = v0[0] + v1[0]
        cnt = f0[0] + f1[0]
        oo[...] = tot / jnp.maximum(cnt, 1.0)

    spec = lambda j: pl.BlockSpec((1, C_PAD, D), lambda i: (j, 0, 0))
    return pl.pallas_call(
        body,
        grid=(1,),
        in_specs=[spec(0), spec(1), spec(0), spec(1)],
        out_specs=pl.BlockSpec((C_PAD, D), lambda i: (0, 0)),
        out_shape=jax.ShapeDtypeStruct((C_PAD, D), jnp.float32),
    )(csv, csv, csf, csf)


def _cluster_gather(mean, cl3):

    @functools.partial(
        pl.kernel,
        out_type=jax.ShapeDtypeStruct((N_PAD, D), jnp.float32),
        mesh=_sc_mesh(),
        scratch_types=[
            pltpu.VMEM((KC, CCH), jnp.int32),
            pltpu.VMEM((CCH, D), jnp.float32),
            pltpu.SemaphoreType.DMA,
        ],
    )
    def k(mean_hbm, cl_hbm, out_hbm, cl_v, rows_v, sem):
        cid = lax.axis_index("c")
        sid = lax.axis_index("s")
        wid = cid * NS + sid
        pltpu.sync_copy(cl_hbm.at[wid], cl_v)
        base = wid * ROWS_PW

        def body(kk, carry):
            pltpu.async_copy(mean_hbm.at[cl_v.at[kk]], rows_v, sem).wait()
            pltpu.sync_copy(rows_v, out_hbm.at[pl.ds(base + kk * CCH, CCH)])
            return carry

        lax.fori_loop(0, KC, body, 0)

    return k(mean, cl3)


def kernel(x, edge_index, cluster_assignment, W1n, W1r, b1, W2n, W2r, b2):
    src = edge_index[0]
    dst = edge_index[1]
    pad_e = E_PAD - E
    src3 = jnp.concatenate(
        [src, jnp.zeros((pad_e,), jnp.int32)]).reshape(TOTCH, ECH)
    dst3 = jnp.concatenate(
        [dst, jnp.full((pad_e,), N_PAD - 1, jnp.int32)]).reshape(TOTCH, ECH)
    cl3 = jnp.pad(cluster_assignment, (0, N_PAD - N)).reshape(NW, KC, CCH)
    x_pad = jnp.pad(x, ((0, N_PAD - N), (0, 0)))
    zeros_n = jnp.zeros((N_PAD, D), jnp.float32)
    zeros_c = jnp.zeros((C_PAD, D), jnp.float32)
    b1b = jnp.broadcast_to(b1.reshape(1, D), (8, D))
    b2b = jnp.broadcast_to(b2.reshape(1, D), (8, D))

    agg1 = _edge_scatter(x_pad, src3, dst3, zeros_n)
    h1 = _tc_layer(agg1, x_pad, W1n, W1r, b1b, relu=True, ext=False)
    agg2 = _edge_scatter(h1, src3, dst3, zeros_n)
    h2v, h2f = _tc_layer(agg2, h1, W2n, W2r, b2b, relu=False, ext=True)
    csv, csf = _cluster_scatter(h2v, h2f, cl3, zeros_c)
    mean = _tc_mean(csv, csf)
    outp = _cluster_gather(mean, cl3)
    return outp[:N]

# --- scband reference (transcript-rebuilt; emitter-appended) ---
"""Pipeline reference for scband-encoder-73529840107973 (READ-ONLY COPY).

The authoritative reference and input builder live on the scoring server;
editing this copy changes nothing except your own understanding.
"""

import jax, jax.numpy as jnp
import numpy as np

N = 10000
E = 320000
D = 128
C = 1000


def setup_inputs(seed: int = 0) -> dict:
    key = jax.random.key(seed)
    ks = jax.random.split(key, 10)
    x = jax.random.normal(ks[0], (N, D), dtype=jnp.float32)
    edge_index = jax.random.randint(ks[1], (2, E), 0, N, dtype=jnp.int32)
    cluster_assignment = jax.random.randint(ks[2], (N,), 0, C, dtype=jnp.int32)
    s = 1.0 / np.sqrt(D)
    W1n = jax.random.normal(ks[3], (D, D), dtype=jnp.float32) * s
    W1r = jax.random.normal(ks[4], (D, D), dtype=jnp.float32) * s
    b1 = jnp.zeros((D,), dtype=jnp.float32)
    W2n = jax.random.normal(ks[5], (D, D), dtype=jnp.float32) * s
    W2r = jax.random.normal(ks[6], (D, D), dtype=jnp.float32) * s
    b2 = jnp.zeros((D,), dtype=jnp.float32)
    return {
        "x": x,
        "edge_index": edge_index,
        "cluster_assignment": cluster_assignment,
        "W1n": W1n,
        "W1r": W1r,
        "b1": b1,
        "W2n": W2n,
        "W2r": W2r,
        "b2": b2,
    }


def reference(x, edge_index, cluster_assignment, W1n, W1r, b1, W2n, W2r, b2):
    src = edge_index[0]
    dst = edge_index[1]

    def graph_conv(h, Wn, Wr, b):
        # message passing: gather from src nodes, scatter-add to dst nodes
        msg = jnp.take(h, src, axis=0)
        agg = jax.ops.segment_sum(msg, dst, num_segments=N)
        return agg @ Wn + h @ Wr + b

    # layer 1 + relu (relu between all but last layer)
    h = graph_conv(x, W1n, W1r, b1)
    h = jax.nn.relu(h)
    # layer 2 (last layer, no relu)
    h = graph_conv(h, W2n, W2r, b2)

    # aggregate_by_cluster=True: scatter-mean over clusters then gather back
    sums = jax.ops.segment_sum(h, cluster_assignment, num_segments=C)
    counts = jax.ops.segment_sum(jnp.ones((N, 1), dtype=jnp.float32), cluster_assignment, num_segments=C)
    cluster_mean = sums / jnp.maximum(counts, 1.0)
    out = jnp.take(cluster_mean, cluster_assignment, axis=0)
    return out

if __name__ == "__main__":
    import jax
    _d = setup_inputs()
    print(jax.jit(kernel)(*tuple(_d.values())))

</pallas_src>

<mosaic_0001>
#map = affine_map<(d0, d1) -> (0, 0)>
#map1 = affine_map<(d0, d1) -> (0, 0, 0)>
module attributes {stable_mosaic.version = 14 : i64} {
  func.func @k(%arg0: i32, %arg1: i32, %arg2: memref<1024x128xf32, #tpu.memory_space<hbm>>, %arg3: memref<32x4x80xi32, #tpu.memory_space<hbm>>, %arg4: memref<10240x128xf32, #tpu.memory_space<hbm>>, %arg5: memref<4x80xi32, #tpu.memory_space<vmem>>, %arg6: memref<80x128xf32, #tpu.memory_space<vmem>>, %arg7: memref<!tpu.dma_semaphore, #tpu.memory_space<semaphore_mem>>) attributes {dimension_semantics = [#tpu.dimension_semantics<core_parallel>, #tpu.dimension_semantics<subcore_parallel>], iteration_bounds = array<i64: 2, 16>, scalar_prefetch = 0 : i64, scratch_operands = 3 : i64, tpu.core_type = #tpu.core_type<sc_vector_subcore>, window_params = [{transform_indices = #map}, {transform_indices = #map1}, {transform_indices = #map}]} {
    %mul3A = arith.constant 16 : i32
    %mul3A_0 = arith.muli %arg0, %mul3A : i32
    %add3A = arith.addi %mul3A_0, %arg1 : i32
    "tpu.region"() ({
      %run_scoped3A = tpu.sem_alloc : memref<!tpu.dma_semaphore, #tpu.memory_space<semaphore_mem>>
      %dma_start3A = arith.constant 0 : i32
      %dma_start3A_8 = arith.constant 0 : i32
      %dma_start3A_9 = tpu.memref_slice %arg3[%add3A, %dma_start3A, %dma_start3A_8] : memref<32x4x80xi32, #tpu.memory_space<hbm>> -> memref<1x4x80xi32, #tpu.memory_space<hbm>>
      %dma_start3A_10 = tpu.memref_squeeze %dma_start3A_9 : memref<1x4x80xi32, #tpu.memory_space<hbm>> -> memref<4x80xi32, #tpu.memory_space<hbm>>
      %dma_start3A_11 = arith.constant 0 : i32
      %dma_start3A_12 = arith.constant 0 : i32
      %dma_start3A_13 = tpu.memref_slice %arg3[%add3A, %dma_start3A_11, %dma_start3A_12] : memref<32x4x80xi32, #tpu.memory_space<hbm>> -> memref<1x4x80xi32, #tpu.memory_space<hbm>>
      %dma_start3A_14 = tpu.memref_squeeze %dma_start3A_13 : memref<1x4x80xi32, #tpu.memory_space<hbm>> -> memref<4x80xi32, #tpu.memory_space<hbm>>
      tpu.enqueue_dma source(%dma_start3A_14 : memref<4x80xi32, #tpu.memory_space<hbm>>) target(%arg5 : memref<4x80xi32, #tpu.memory_space<vmem>>) target_semaphore(%run_scoped3A : memref<!tpu.dma_semaphore, #tpu.memory_space<semaphore_mem>>)
      %dma_wait3A = arith.constant 0 : i32
      %dma_wait3A_15 = arith.constant 0 : i32
      %dma_wait3A_16 = tpu.memref_slice %arg3[%add3A, %dma_wait3A, %dma_wait3A_15] : memref<32x4x80xi32, #tpu.memory_space<hbm>> -> memref<1x4x80xi32, #tpu.memory_space<hbm>>
      %dma_wait3A_17 = tpu.memref_squeeze %dma_wait3A_16 : memref<1x4x80xi32, #tpu.memory_space<hbm>> -> memref<4x80xi32, #tpu.memory_space<hbm>>
      %dma_wait3A_18 = arith.constant 0 : i32
      %dma_wait3A_19 = arith.constant 0 : i32
      %dma_wait3A_20 = tpu.memref_slice %arg3[%add3A, %dma_wait3A_18, %dma_wait3A_19] : memref<32x4x80xi32, #tpu.memory_space<hbm>> -> memref<1x4x80xi32, #tpu.memory_space<hbm>>
      %dma_wait3A_21 = tpu.memref_squeeze %dma_wait3A_20 : memref<1x4x80xi32, #tpu.memory_space<hbm>> -> memref<4x80xi32, #tpu.memory_space<hbm>>
      tpu.wait_dma2 semaphore(%run_scoped3A : memref<!tpu.dma_semaphore, #tpu.memory_space<semaphore_mem>>) src(%dma_wait3A_21 : memref<4x80xi32, #tpu.memory_space<hbm>>) dst(%arg5 : memref<4x80xi32, #tpu.memory_space<vmem>>)
      tpu.yield
    }) : () -> ()
    %mul3A_1 = arith.constant 320 : i32
    %mul3A_2 = arith.muli %add3A, %mul3A_1 : i32
    %scan3A = arith.constant 0 : i32
    %scan3A_3 = arith.constant 0 : i32
    %scan3A_4 = arith.constant 4 : i32
    %scan3A_5 = arith.addi %scan3A_3, %scan3A_4 : i32
    %scan3A_6 = arith.constant 1 : i32
    scf.for %scan3A_8 = %scan3A_3 to %scan3A_5 step %scan3A_6  : i32 {
      %dma_start3A = arith.constant 0 : i32
      %dma_start3A_9 = tpu.memref_slice %arg5[%scan3A_8, %dma_start3A] : memref<4x80xi32, #tpu.memory_space<vmem>> -> memref<1x80xi32, #tpu.memory_space<vmem>>
      %dma_start3A_10 = tpu.memref_squeeze %dma_start3A_9 : memref<1x80xi32, #tpu.memory_space<vmem>> -> memref<80xi32, #tpu.memory_space<vmem>>
      %dma_start3A_11 = arith.constant 0 : i32
      %dma_start3A_12 = arith.constant 0 : i32
      %dma_start3A_13 = tpu.memref_slice %arg2[%dma_start3A_11, %dma_start3A_12] : memref<1024x128xf32, #tpu.memory_space<hbm>> -> memref<1024x128xf32, #tpu.memory_space<hbm>>
      tpu.enqueue_indirect_dma source(%dma_start3A_13 : memref<1024x128xf32, #tpu.memory_space<hbm>>) target(%arg6 : memref<80x128xf32, #tpu.memory_space<vmem>>) offsets(%dma_start3A_10 : memref<80xi32, #tpu.memory_space<vmem>>) semaphore(%arg7 : memref<!tpu.dma_semaphore, #tpu.memory_space<semaphore_mem>>)
      %dma_wait3A = arith.constant 0 : i32
      %dma_wait3A_14 = tpu.memref_slice %arg5[%scan3A_8, %dma_wait3A] : memref<4x80xi32, #tpu.memory_space<vmem>> -> memref<1x80xi32, #tpu.memory_space<vmem>>
      %dma_wait3A_15 = tpu.memref_squeeze %dma_wait3A_14 : memref<1x80xi32, #tpu.memory_space<vmem>> -> memref<80xi32, #tpu.memory_space<vmem>>
      %dma_wait3A_16 = arith.constant 0 : i32
      %dma_wait3A_17 = arith.constant 0 : i32
      %dma_wait3A_18 = tpu.memref_slice %arg2[%dma_wait3A_16, %dma_wait3A_17] : memref<1024x128xf32, #tpu.memory_space<hbm>> -> memref<1024x128xf32, #tpu.memory_space<hbm>>
      tpu.wait_indirect_dma semaphore(%arg7 : memref<!tpu.dma_semaphore, #tpu.memory_space<semaphore_mem>>) src(%dma_wait3A_18 : memref<1024x128xf32, #tpu.memory_space<hbm>>) dst(%arg6 : memref<80x128xf32, #tpu.memory_space<vmem>>)
      %mul3A_19 = arith.constant 80 : i32
      %mul3A_20 = arith.muli %scan3A_8, %mul3A_19 : i32
      %add3A_21 = arith.addi %mul3A_2, %mul3A_20 : i32
      "tpu.region"() ({
        %run_scoped3A = tpu.sem_alloc : memref<!tpu.dma_semaphore, #tpu.memory_space<semaphore_mem>>
        %dma_start3A_22 = arith.constant 0 : i32
        %dma_start3A_23 = tpu.memref_slice %arg4[%add3A_21, %dma_start3A_22] : memref<10240x128xf32, #tpu.memory_space<hbm>> -> memref<80x128xf32, #tpu.memory_space<hbm>>
        %dma_start3A_24 = arith.constant 0 : i32
        %dma_start3A_25 = tpu.memref_slice %arg4[%add3A_21, %dma_start3A_24] : memref<10240x128xf32, #tpu.memory_space<hbm>> -> memref<80x128xf32, #tpu.memory_space<hbm>>
        tpu.enqueue_dma source(%arg6 : memref<80x128xf32, #tpu.memory_space<vmem>>) target(%dma_start3A_25 : memref<80x128xf32, #tpu.memory_space<hbm>>) target_semaphore(%run_scoped3A : memref<!tpu.dma_semaphore, #tpu.memory_space<semaphore_mem>>)
        %dma_wait3A_26 = arith.constant 0 : i32
        %dma_wait3A_27 = tpu.memref_slice %arg4[%add3A_21, %dma_wait3A_26] : memref<10240x128xf32, #tpu.memory_space<hbm>> -> memref<80x128xf32, #tpu.memory_space<hbm>>
        %dma_wait3A_28 = arith.constant 0 : i32
        %dma_wait3A_29 = tpu.memref_slice %arg4[%add3A_21, %dma_wait3A_28] : memref<10240x128xf32, #tpu.memory_space<hbm>> -> memref<80x128xf32, #tpu.memory_space<hbm>>
        tpu.wait_dma2 semaphore(%run_scoped3A : memref<!tpu.dma_semaphore, #tpu.memory_space<semaphore_mem>>) src(%arg6 : memref<80x128xf32, #tpu.memory_space<vmem>>) dst(%dma_wait3A_29 : memref<80x128xf32, #tpu.memory_space<hbm>>)
        tpu.yield
      }) : () -> ()
    }
    %scan3A_7 = arith.constant 4 : i32
    return
  }
}

#map = affine_map<(d0, d1) -> (0, 0)>
#map1 = affine_map<(d0, d1) -> (0, 0, 0)>
module attributes {stable_mosaic.version = 14 : i64} {
  func.func @k(%arg0: i32, %arg1: i32, %arg2: memref<10240x128xf32, #tpu.memory_space<hbm>>, %arg3: memref<2560x128xi32, #tpu.memory_space<hbm>>, %arg4: memref<2560x128xi32, #tpu.memory_space<hbm>>, %arg5: memref<10240x128xf32, #tpu.memory_space<hbm>>, %arg6: memref<2x10240x128xf32, #tpu.memory_space<hbm>>, %arg7: memref<16x128xi32, #tpu.memory_space<vmem>>, %arg8: memref<16x128xi32, #tpu.memory_space<vmem>>, %arg9: memref<16x128xi32, #tpu.memory_space<vmem>>, %arg10: memref<16x128xi32, #tpu.memory_space<vmem>>, %arg11: memref<128x128xf32, #tpu.memory_space<vmem>>, %arg12: memref<128x128xf32, #tpu.memory_space<vmem>>, %arg13: memref<10240x128xf32, #tpu.memory_space<vmem_shared>>, %arg14: memref<!tpu.dma_semaphore, #tpu.memory_space<semaphore_mem>>, %arg15: memref<!tpu.dma_semaphore, #tpu.memory_space<semaphore_mem>>, %arg16: memref<!tpu.dma_semaphore, #tpu.memory_space<semaphore_mem>>, %arg17: memref<!tpu.dma_semaphore, #tpu.memory_space<semaphore_mem>>) attributes {dimension_semantics = [#tpu.dimension_semantics<core_parallel>, #tpu.dimension_semantics<subcore_parallel>], iteration_bounds = array<i64: 2, 16>, scalar_prefetch = 0 : i64, scratch_operands = 11 : i64, tpu.core_type = #tpu.core_type<sc_vector_subcore>, window_params = [{transform_indices = #map}, {transform_indices = #map}, {transform_indices = #map}, {transform_indices = #map}, {transform_indices = #map1}]} {
    %eq3A = arith.constant 0 : i32
    %eq3A_0 = arith.cmpi eq, %arg0, %eq3A : i32
    %mul3A = arith.constant 128 : i32
    %mul3A_1 = arith.muli %arg1, %mul3A : i32
    %mul3A_2 = arith.constant 32 : i32
    %mul3A_3 = arith.muli %arg1, %mul3A_2 : i32
    %add3A = arith.constant 2048 : i32
    %add3A_4 = arith.addi %add3A, %mul3A_3 : i32
    %select_n3A = arith.select %eq3A_0, %mul3A_1, %add3A_4 : i32
    %eq3A_5 = arith.constant 0 : i32
    %eq3A_6 = arith.cmpi eq, %arg0, %eq3A_5 : i32
    %jit3A = arith.constant 8 : i32
    %jit3A_7 = arith.constant 2 : i32
    %select_n3A_8 = arith.select %eq3A_6, %jit3A, %jit3A_7 : i32
    %mul3A_9 = arith.constant 640 : i32
    %mul3A_10 = arith.muli %arg1, %mul3A_9 : i32
    %mul3A_11 = arith.constant 640 : i32
    %mul3A_12 = arith.muli %arg1, %mul3A_11 : i32
    "tpu.region"() ({
      %run_scoped3A = tpu.sem_alloc : memref<!tpu.dma_semaphore, #tpu.memory_space<semaphore_mem>>
      %dma_start3A_68 = arith.constant 0 : i32
      %dma_start3A_69 = tpu.memref_slice %arg13[%mul3A_12, %dma_start3A_68] : memref<10240x128xf32, #tpu.memory_space<vmem_shared>> -> memref<640x128xf32, #tpu.memory_space<vmem_shared>>
      %dma_start3A_70 = arith.constant 0 : i32
      %dma_start3A_71 = tpu.memref_slice %arg5[%mul3A_10, %dma_start3A_70] : memref<10240x128xf32, #tpu.memory_space<hbm>> -> memref<640x128xf32, #tpu.memory_space<hbm>>
      tpu.enqueue_dma source(%dma_start3A_71 : memref<640x128xf32, #tpu.memory_space<hbm>>) target(%dma_start3A_69 : memref<640x128xf32, #tpu.memory_space<vmem_shared>>) target_semaphore(%run_scoped3A : memref<!tpu.dma_semaphore, #tpu.memory_space<semaphore_mem>>)
      %dma_wait3A = arith.constant 0 : i32
      %dma_wait3A_72 = tpu.memref_slice %arg13[%mul3A_12, %dma_wait3A] : memref<10240x128xf32, #tpu.memory_space<vmem_shared>> -> memref<640x128xf32, #tpu.memory_space<vmem_shared>>
      %dma_wait3A_73 = arith.constant 0 : i32
      %dma_wait3A_74 = tpu.memref_slice %arg5[%mul3A_10, %dma_wait3A_73] : memref<10240x128xf32, #tpu.memory_space<hbm>> -> memref<640x128xf32, #tpu.memory_space<hbm>>
      tpu.wait_dma2 semaphore(%run_scoped3A : memref<!tpu.dma_semaphore, #tpu.memory_space<semaphore_mem>>) src(%dma_wait3A_74 : memref<640x128xf32, #tpu.memory_space<hbm>>) dst(%dma_wait3A_72 : memref<640x128xf32, #tpu.memory_space<vmem_shared>>)
      tpu.yield
    }) : () -> ()
    %add3A_13 = arith.constant 0 : i32
    %add3A_14 = arith.addi %select_n3A, %add3A_13 : i32
    %dma_start3A = arith.constant 0 : i32
    %dma_start3A_15 = tpu.memref_slice %arg3[%add3A_14, %dma_start3A] : memref<2560x128xi32, #tpu.memory_space<hbm>> -> memref<16x128xi32, #tpu.memory_space<hbm>>
    %dma_start3A_16 = arith.constant 0 : i32
    %dma_start3A_17 = tpu.memref_slice %arg3[%add3A_14, %dma_start3A_16] : memref<2560x128xi32, #tpu.memory_space<hbm>> -> memref<16x128xi32, #tpu.memory_space<hbm>>
    tpu.enqueue_dma source(%dma_start3A_17 : memref<16x128xi32, #tpu.memory_space<hbm>>) target(%arg7 : memref<16x128xi32, #tpu.memory_space<vmem>>) target_semaphore(%arg16 : memref<!tpu.dma_semaphore, #tpu.memory_space<semaphore_mem>>)
    %add3A_18 = arith.constant 0 : i32
    %add3A_19 = arith.addi %select_n3A, %add3A_18 : i32
    %dma_start3A_20 = arith.constant 0 : i32
    %dma_start3A_21 = tpu.memref_slice %arg4[%add3A_19, %dma_start3A_20] : memref<2560x128xi32, #tpu.memory_space<hbm>> -> memref<16x128xi32, #tpu.memory_space<hbm>>
    %dma_start3A_22 = arith.constant 0 : i32
    %dma_start3A_23 = tpu.memref_slice %arg4[%add3A_19, %dma_start3A_22] : memref<2560x128xi32, #tpu.memory_space<hbm>> -> memref<16x128xi32, #tpu.memory_space<hbm>>
    tpu.enqueue_dma source(%dma_start3A_23 : memref<16x128xi32, #tpu.memory_space<hbm>>) target(%arg9 : memref<16x128xi32, #tpu.memory_space<vmem>>) target_semaphore(%arg16 : memref<!tpu.dma_semaphore, #tpu.memory_space<semaphore_mem>>)
    %add3A_24 = arith.constant 16 : i32
    %add3A_25 = arith.addi %select_n3A, %add3A_24 : i32
    %dma_start3A_26 = arith.constant 0 : i32
    %dma_start3A_27 = tpu.memref_slice %arg3[%add3A_25, %dma_start3A_26] : memref<2560x128xi32, #tpu.memory_space<hbm>> -> memref<16x128xi32, #tpu.memory_space<hbm>>
    %dma_start3A_28 = arith.constant 0 : i32
    %dma_start3A_29 = tpu.memref_slice %arg3[%add3A_25, %dma_start3A_28] : memref<2560x128xi32, #tpu.memory_space<hbm>> -> memref<16x128xi32, #tpu.memory_space<hbm>>
    tpu.enqueue_dma source(%dma_start3A_29 : memref<16x128xi32, #tpu.memory_space<hbm>>) target(%arg8 : memref<16x128xi32, #tpu.memory_space<vmem>>) target_semaphore(%arg17 : memref<!tpu.dma_semaphore, #tpu.memory_space<semaphore_mem>>)
    %add3A_30 = arith.constant 16 : i32
    %add3A_31 = arith.addi %select_n3A, %add3A_30 : i32
    %dma_start3A_32 = arith.constant 0 : i32
    %dma_start3A_33 = tpu.memref_slice %arg4[%add3A_31, %dma_start3A_32] : memref<2560x128xi32, #tpu.memory_space<hbm>> -> memref<16x128xi32, #tpu.memory_space<hbm>>
    %dma_start3A_34 = arith.constant 0 : i32
    %dma_start3A_35 = tpu.memref_slice %arg4[%add3A_31, %dma_start3A_34] : memref<2560x128xi32, #tpu.memory_space<hbm>> -> memref<16x128xi32, #tpu.memory_space<hbm>>
    tpu.enqueue_dma source(%dma_start3A_35 : memref<16x128xi32, #tpu.memory_space<hbm>>) target(%arg10 : memref<16x128xi32, #tpu.memory_space<vmem>>) target_semaphore(%arg17 : memref<!tpu.dma_semaphore, #tpu.memory_space<semaphore_mem>>)
    %barrier3A = arith.constant 0 : index
    tpu.barrier barrier_id(%barrier3A)
    %jit3A_36 = arith.constant 2 : i32
    %div3A = arith.divsi %select_n3A_8, %jit3A_36 : i32
    %sign3A = arith.constant 0 : i32
    %sign3A_37 = arith.cmpi sgt, %select_n3A_8, %sign3A : i32
    %sign3A_38 = arith.extui %sign3A_37 : i1 to i32
    %sign3A_39 = arith.constant 0 : i32
    %sign3A_40 = arith.cmpi slt, %select_n3A_8, %sign3A_39 : i32
    %sign3A_41 = arith.extui %sign3A_40 : i1 to i32
    %sign3A_42 = arith.subi %sign3A_38, %sign3A_41 : i32
    %sign3A_43 = arith.constant 0 : i32
    %sign3A_44 = arith.cmpi sgt, %jit3A_36, %sign3A_43 : i32
    %sign3A_45 = arith.extui %sign3A_44 : i1 to i32
    %sign3A_46 = arith.constant 0 : i32
    %sign3A_47 = arith.cmpi slt, %jit3A_36, %sign3A_46 : i32
    %sign3A_48 = arith.extui %sign3A_47 : i1 to i32
    %sign3A_49 = arith.subi %sign3A_45, %sign3A_48 : i32
    %ne3A = arith.cmpi ne, %sign3A_42, %sign3A_49 : i32
    %rem3A = arith.remsi %select_n3A_8, %jit3A_36 : i32
    %ne3A_50 = arith.constant 0 : i32
    %ne3A_51 = arith.cmpi ne, %rem3A, %ne3A_50 : i32
    %and3A = arith.andi %ne3A, %ne3A_51 : i1
    %sub3A = arith.constant 1 : i32
    %sub3A_52 = arith.subi %div3A, %sub3A : i32
    %select_n3A_53 = arith.select %and3A, %sub3A_52, %div3A : i32
    %while3A = arith.constant 0 : i32
    %while3A_54 = arith.constant 0 : i32
    %while3A_55 = arith.subi %select_n3A_53, %while3A_54 : i32
    %while3A_56 = arith.addi %while3A_54, %while3A_55 : i32
    %while3A_57 = arith.constant 1 : i32
    %while3A_58 = arith.divsi %while3A_55, %while3A_57 : i32
    %while3A_59 = arith.muli %while3A_58, %while3A_57 : i32
    %while3A_60 = arith.addi %while3A_54, %while3A_59 : i32
    %while3A_61 = arith.constant 1 : i32
    scf.for %while3A_68 = %while3A_54 to %while3A_60 step %while3A_61  : i32 {
      %mul3A_69 = arith.constant 2 : i32
      %mul3A_70 = arith.muli %mul3A_69, %while3A_68 : i32
      %add3A_71 = arith.constant 0 : i32
      %add3A_72 = arith.addi %mul3A_70, %add3A_71 : i32
      %mul3A_73 = arith.constant 16 : i32
      %mul3A_74 = arith.muli %add3A_72, %mul3A_73 : i32
      %add3A_75 = arith.addi %select_n3A, %mul3A_74 : i32
      %dma_wait3A = arith.constant 0 : i32
      %dma_wait3A_76 = tpu.memref_slice %arg3[%add3A_75, %dma_wait3A] : memref<2560x128xi32, #tpu.memory_space<hbm>> -> memref<16x128xi32, #tpu.memory_space<hbm>>
      %dma_wait3A_77 = arith.constant 0 : i32
      %dma_wait3A_78 = tpu.memref_slice %arg3[%add3A_75, %dma_wait3A_77] : memref<2560x128xi32, #tpu.memory_space<hbm>> -> memref<16x128xi32, #tpu.memory_space<hbm>>
      tpu.wait_dma2 semaphore(%arg16 : memref<!tpu.dma_semaphore, #tpu.memory_space<semaphore_mem>>) src(%dma_wait3A_78 : memref<16x128xi32, #tpu.memory_space<hbm>>) dst(%arg7 : memref<16x128xi32, #tpu.memory_space<vmem>>)
      %dma_wait3A_79 = arith.constant 0 : i32
      %dma_wait3A_80 = tpu.memref_slice %arg4[%add3A_75, %dma_wait3A_79] : memref<2560x128xi32, #tpu.memory_space<hbm>> -> memref<16x128xi32, #tpu.memory_space<hbm>>
      %dma_wait3A_81 = arith.constant 0 : i32
      %dma_wait3A_82 = tpu.memref_slice %arg4[%add3A_75, %dma_wait3A_81] : memref<2560x128xi32, #tpu.memory_space<hbm>> -> memref<16x128xi32, #tpu.memory_space<hbm>>
      tpu.wait_dma2 semaphore(%arg16 : memref<!tpu.dma_semaphore, #tpu.memory_space<semaphore_mem>>) src(%dma_wait3A_82 : memref<16x128xi32, #tpu.memory_space<hbm>>) dst(%arg9 : memref<16x128xi32, #tpu.memory_space<vmem>>)
      %dma_start3A_83 = arith.constant 0 : i32
      %dma_start3A_84 = arith.constant 0 : i32
      %dma_start3A_85 = tpu.memref_slice %arg7[%dma_start3A_83, %dma_start3A_84] : memref<16x128xi32, #tpu.memory_space<vmem>> -> memref<1x128xi32, #tpu.memory_space<vmem>>
      %dma_start3A_86 = tpu.memref_squeeze %dma_start3A_85 : memref<1x128xi32, #tpu.memory_space<vmem>> -> memref<128xi32, #tpu.memory_space<vmem>>
      %dma_start3A_87 = arith.constant 0 : i32
      %dma_start3A_88 = arith.constant 0 : i32
      %dma_start3A_89 = tpu.memref_slice %arg2[%dma_start3A_87, %dma_start3A_88] : memref<10240x128xf32, #tpu.memory_space<hbm>> -> memref<10240x128xf32, #tpu.memory_space<hbm>>
      tpu.enqueue_indirect_dma source(%dma_start3A_89 : memref<10240x128xf32, #tpu.memory_space<hbm>>) target(%arg11 : memref<128x128xf32, #tpu.memory_space<vmem>>) offsets(%dma_start3A_86 : memref<128xi32, #tpu.memory_space<vmem>>) semaphore(%arg14 : memref<!tpu.dma_semaphore, #tpu.memory_space<semaphore_mem>>)
      %dma_start3A_90 = arith.constant 1 : i32
      %dma_start3A_91 = arith.constant 0 : i32
      %dma_start3A_92 = tpu.memref_slice %arg7[%dma_start3A_90, %dma_start3A_91] : memref<16x128xi32, #tpu.memory_space<vmem>> -> memref<1x128xi32, #tpu.memory_space<vmem>>
      %dma_start3A_93 = tpu.memref_squeeze %dma_start3A_92 : memref<1x128xi32, #tpu.memory_space<vmem>> -> memref<128xi32, #tpu.memory_space<vmem>>
      %dma_start3A_94 = arith.constant 0 : i32
      %dma_start3A_95 = arith.constant 0 : i32
      %dma_start3A_96 = tpu.memref_slice %arg2[%dma_start3A_94, %dma_start3A_95] : memref<10240x128xf32, #tpu.memory_space<hbm>> -> memref<10240x128xf32, #tpu.memory_space<hbm>>
      tpu.enqueue_indirect_dma source(%dma_start3A_96 : memref<10240x128xf32, #tpu.memory_space<hbm>>) target(%arg12 : memref<128x128xf32, #tpu.memory_space<vmem>>) offsets(%dma_start3A_93 : memref<128xi32, #tpu.memory_space<vmem>>) semaphore(%arg15 : memref<!tpu.dma_semaphore, #tpu.memory_space<semaphore_mem>>)
      %scan3A = arith.constant 0 : i32
      %scan3A_97 = arith.constant 0 : i32
      %scan3A_98 = arith.constant 7 : i32
      %scan3A_99 = arith.addi %scan3A_97, %scan3A_98 : i32
      %scan3A_100 = arith.constant 1 : i32
      scf.for %scan3A_177 = %scan3A_97 to %scan3A_99 step %scan3A_100  : i32 {
        %mul3A_178 = arith.constant 2 : i32
        %mul3A_179 = arith.muli %mul3A_178, %scan3A_177 : i32
        %add3A_180 = arith.constant 0 : i32
        %add3A_181 = arith.addi %mul3A_179, %add3A_180 : i32
        %dma_wait3A_182 = arith.constant 0 : i32
        %dma_wait3A_183 = tpu.memref_slice %arg7[%add3A_181, %dma_wait3A_182] : memref<16x128xi32, #tpu.memory_space<vmem>> -> memref<1x128xi32, #tpu.memory_space<vmem>>
        %dma_wait3A_184 = tpu.memref_squeeze %dma_wait3A_183 : memref<1x128xi32, #tpu.memory_space<vmem>> -> memref<128xi32, #tpu.memory_space<vmem>>
        %dma_wait3A_185 = arith.constant 0 : i32
        %dma_wait3A_186 = arith.constant 0 : i32
        %dma_wait3A_187 = tpu.memref_slice %arg2[%dma_wait3A_185, %dma_wait3A_186] : memref<10240x128xf32, #tpu.memory_space<hbm>> -> memref<10240x128xf32, #tpu.memory_space<hbm>>
        tpu.wait_indirect_dma semaphore(%arg14 : memref<!tpu.dma_semaphore, #tpu.memory_space<semaphore_mem>>) src(%dma_wait3A_187 : memref<10240x128xf32, #tpu.memory_space<hbm>>) dst(%arg11 : memref<128x128xf32, #tpu.memory_space<vmem>>)
        "tpu.region"() ({
          %run_scoped3A_214 = tpu.sem_alloc : memref<!tpu.dma_semaphore, #tpu.memory_space<semaphore_mem>>
          %dma_start3A_215 = arith.constant 0 : i32
          %dma_start3A_216 = tpu.memref_slice %arg9[%add3A_181, %dma_start3A_215] : memref<16x128xi32, #tpu.memory_space<vmem>> -> memref<1x128xi32, #tpu.memory_space<vmem>>
          %dma_start3A_217 = tpu.memref_squeeze %dma_start3A_216 : memref<1x128xi32, #tpu.memory_space<vmem>> -> memref<128xi32, #tpu.memory_space<vmem>>
          %dma_start3A_218 = arith.constant 0 : i32
          %dma_start3A_219 = arith.constant 0 : i32
          %dma_start3A_220 = tpu.memref_slice %arg13[%dma_start3A_218, %dma_start3A_219] : memref<10240x128xf32, #tpu.memory_space<vmem_shared>> -> memref<10240x128xf32, #tpu.memory_space<vmem_shared>>
          tpu.enqueue_indirect_dma source(%arg11 : memref<128x128xf32, #tpu.memory_space<vmem>>) target(%dma_start3A_220 : memref<10240x128xf32, #tpu.memory_space<vmem_shared>>) offsets(%dma_start3A_217 : memref<128xi32, #tpu.memory_space<vmem>>) semaphore(%run_scoped3A_214 : memref<!tpu.dma_semaphore, #tpu.memory_space<semaphore_mem>>) {add = true}
          %dma_wait3A_221 = arith.constant 0 : i32
          %dma_wait3A_222 = tpu.memref_slice %arg9[%add3A_181, %dma_wait3A_221] : memref<16x128xi32, #tpu.memory_space<vmem>> -> memref<1x128xi32, #tpu.memory_space<vmem>>
          %dma_wait3A_223 = tpu.memref_squeeze %dma_wait3A_222 : memref<1x128xi32, #tpu.memory_space<vmem>> -> memref<128xi32, #tpu.memory_space<vmem>>
          %dma_wait3A_224 = arith.constant 0 : i32
          %dma_wait3A_225 = arith.constant 0 : i32
          %dma_wait3A_226 = tpu.memref_slice %arg13[%dma_wait3A_224, %dma_wait3A_225] : memref<10240x128xf32, #tpu.memory_space<vmem_shared>> -> memref<10240x128xf32, #tpu.memory_space<vmem_shared>>
          tpu.wait_indirect_dma semaphore(%run_scoped3A_214 : memref<!tpu.dma_semaphore, #tpu.memory_space<semaphore_mem>>) src(%arg11 : memref<128x128xf32, #tpu.memory_space<vmem>>) dst(%dma_wait3A_226 : memref<10240x128xf32, #tpu.memory_space<vmem_shared>>)
          tpu.yield
        }) : () -> ()
        %add3A_188 = arith.constant 2 : i32
        %add3A_189 = arith.addi %add3A_181, %add3A_188 : i32
        %dma_start3A_190 = arith.constant 0 : i32
        %dma_start3A_191 = tpu.memref_slice %arg7[%add3A_189, %dma_start3A_190] : memref<16x128xi32, #tpu.memory_space<vmem>> -> memref<1x128xi32, #tpu.memory_space<vmem>>
        %dma_start3A_192 = tpu.memref_squeeze %dma_start3A_191 : memref<1x128xi32, #tpu.memory_space<vmem>> -> memref<128xi32, #tpu.memory_space<vmem>>
        %dma_start3A_193 = arith.constant 0 : i32
        %dma_start3A_194 = arith.constant 0 : i32
        %dma_start3A_195 = tpu.memref_slice %arg2[%dma_start3A_193, %dma_start3A_194] : memref<10240x128xf32, #tpu.memory_space<hbm>> -> memref<10240x128xf32, #tpu.memory_space<hbm>>
        tpu.enqueue_indirect_dma source(%dma_start3A_195 : memref<10240x128xf32, #tpu.memory_space<hbm>>) target(%arg11 : memref<128x128xf32, #tpu.memory_space<vmem>>) offsets(%dma_start3A_192 : memref<128xi32, #tpu.memory_space<vmem>>) semaphore(%arg14 : memref<!tpu.dma_semaphore, #tpu.memory_space<semaphore_mem>>)
        %mul3A_196 = arith.constant 2 : i32
        %mul3A_197 = arith.muli %mul3A_196, %scan3A_177 : i32
        %add3A_198 = arith.constant 1 : i32
        %add3A_199 = arith.addi %mul3A_197, %add3A_198 : i32
        %dma_wait3A_200 = arith.constant 0 : i32
        %dma_wait3A_201 = tpu.memref_slice %arg7[%add3A_199, %dma_wait3A_200] : memref<16x128xi32, #tpu.memory_space<vmem>> -> memref<1x128xi32, #tpu.memory_space<vmem>>
        %dma_wait3A_202 = tpu.memref_squeeze %dma_wait3A_201 : memref<1x128xi32, #tpu.memory_space<vmem>> -> memref<128xi32, #tpu.memory_space<vmem>>
        %dma_wait3A_203 = arith.constant 0 : i32
        %dma_wait3A_204 = arith.constant 0 : i32
        %dma_wait3A_205 = tpu.memref_slice %arg2[%dma_wait3A_203, %dma_wait3A_204] : memref<10240x128xf32, #tpu.memory_space<hbm>> -> memref<10240x128xf32, #tpu.memory_space<hbm>>
        tpu.wait_indirect_dma semaphore(%arg15 : memref<!tpu.dma_semaphore, #tpu.memory_space<semaphore_mem>>) src(%dma_wait3A_205 : memref<10240x128xf32, #tpu.memory_space<hbm>>) dst(%arg12 : memref<128x128xf32, #tpu.memory_space<vmem>>)
        "tpu.region"() ({
          %run_scoped3A_214 = tpu.sem_alloc : memref<!tpu.dma_semaphore, #tpu.memory_space<semaphore_mem>>
          %dma_start3A_215 = arith.constant 0 : i32
          %dma_start3A_216 = tpu.memref_slice %arg9[%add3A_199, %dma_start3A_215] : memref<16x128xi32, #tpu.memory_space<vmem>> -> memref<1x128xi32, #tpu.memory_space<vmem>>
          %dma_start3A_217 = tpu.memref_squeeze %dma_start3A_216 : memref<1x128xi32, #tpu.memory_space<vmem>> -> memref<128xi32, #tpu.memory_space<vmem>>
          %dma_start3A_218 = arith.constant 0 : i32
          %dma_start3A_219 = arith.constant 0 : i32
          %dma_start3A_220 = tpu.memref_slice %arg13[%dma_start3A_218, %dma_start3A_219] : memref<10240x128xf32, #tpu.memory_space<vmem_shared>> -> memref<10240x128xf32, #tpu.memory_space<vmem_shared>>
          tpu.enqueue_indirect_dma source(%arg12 : memref<128x128xf32, #tpu.memory_space<vmem>>) target(%dma_start3A_220 : memref<10240x128xf32, #tpu.memory_space<vmem_shared>>) offsets(%dma_start3A_217 : memref<128xi32, #tpu.memory_space<vmem>>) semaphore(%run_scoped3A_214 : memref<!tpu.dma_semaphore, #tpu.memory_space<semaphore_mem>>) {add = true}
          %dma_wait3A_221 = arith.constant 0 : i32
          %dma_wait3A_222 = tpu.memref_slice %arg9[%add3A_199, %dma_wait3A_221] : memref<16x128xi32, #tpu.memory_space<vmem>> -> memref<1x128xi32, #tpu.memory_space<vmem>>
          %dma_wait3A_223 = tpu.memref_squeeze %dma_wait3A_222 : memref<1x128xi32, #tpu.memory_space<vmem>> -> memref<128xi32, #tpu.memory_space<vmem>>
          %dma_wait3A_224 = arith.constant 0 : i32
          %dma_wait3A_225 = arith.constant 0 : i32
          %dma_wait3A_226 = tpu.memref_slice %arg13[%dma_wait3A_224, %dma_wait3A_225] : memref<10240x128xf32, #tpu.memory_space<vmem_shared>> -> memref<10240x128xf32, #tpu.memory_space<vmem_shared>>
          tpu.wait_indirect_dma semaphore(%run_scoped3A_214 : memref<!tpu.dma_semaphore, #tpu.memory_space<semaphore_mem>>) src(%arg12 : memref<128x128xf32, #tpu.memory_space<vmem>>) dst(%dma_wait3A_226 : memref<10240x128xf32, #tpu.memory_space<vmem_shared>>)
          tpu.yield
        }) : () -> ()
        %add3A_206 = arith.constant 2 : i32
        %add3A_207 = arith.addi %add3A_199, %add3A_206 : i32
        %dma_start3A_208 = arith.constant 0 : i32
        %dma_start3A_209 = tpu.memref_slice %arg7[%add3A_207, %dma_start3A_208] : memref<16x128xi32, #tpu.memory_space<vmem>> -> memref<1x128xi32, #tpu.memory_space<vmem>>
        %dma_start3A_210 = tpu.memref_squeeze %dma_start3A_209 : memref<1x128xi32, #tpu.memory_space<vmem>> -> memref<128xi32, #tpu.memory_space<vmem>>
        %dma_start3A_211 = arith.constant 0 : i32
        %dma_start3A_212 = arith.constant 0 : i32
        %dma_start3A_213 = tpu.memref_slice %arg2[%dma_start3A_211, %dma_start3A_212] : memref<10240x128xf32, #tpu.memory_space<hbm>> -> memref<10240x128xf32, #tpu.memory_space<hbm>>
        tpu.enqueue_indirect_dma source(%dma_start3A_213 : memref<10240x128xf32, #tpu.memory_space<hbm>>) target(%arg12 : memref<128x128xf32, #tpu.memory_space<vmem>>) offsets(%dma_start3A_210 : memref<128xi32, #tpu.memory_space<vmem>>) semaphore(%arg15 : memref<!tpu.dma_semaphore, #tpu.memory_space<semaphore_mem>>)
      }
      %scan3A_101 = arith.constant 7 : i32
      %dma_wait3A_102 = arith.constant 14 : i32
      %dma_wait3A_103 = arith.constant 0 : i32
      %dma_wait3A_104 = tpu.memref_slice %arg7[%dma_wait3A_102, %dma_wait3A_103] : memref<16x128xi32, #tpu.memory_space<vmem>> -> memref<1x128xi32, #tpu.memory_space<vmem>>
      %dma_wait3A_105 = tpu.memref_squeeze %dma_wait3A_104 : memref<1x128xi32, #tpu.memory_space<vmem>> -> memref<128xi32, #tpu.memory_space<vmem>>
      %dma_wait3A_106 = arith.constant 0 : i32
      %dma_wait3A_107 = arith.constant 0 : i32
      %dma_wait3A_108 = tpu.memref_slice %arg2[%dma_wait3A_106, %dma_wait3A_107] : memref<10240x128xf32, #tpu.memory_space<hbm>> -> memref<10240x128xf32, #tpu.memory_space<hbm>>
      tpu.wait_indirect_dma semaphore(%arg14 : memref<!tpu.dma_semaphore, #tpu.memory_space<semaphore_mem>>) src(%dma_wait3A_108 : memref<10240x128xf32, #tpu.memory_space<hbm>>) dst(%arg11 : memref<128x128xf32, #tpu.memory_space<vmem>>)
      %run_scoped3A = arith.constant 14 : i32
      "tpu.region"() ({
        %run_scoped3A_177 = tpu.sem_alloc : memref<!tpu.dma_semaphore, #tpu.memory_space<semaphore_mem>>
        %dma_start3A_178 = arith.constant 0 : i32
        %dma_start3A_179 = tpu.memref_slice %arg9[%run_scoped3A, %dma_start3A_178] : memref<16x128xi32, #tpu.memory_space<vmem>> -> memref<1x128xi32, #tpu.memory_space<vmem>>
        %dma_start3A_180 = tpu.memref_squeeze %dma_start3A_179 : memref<1x128xi32, #tpu.memory_space<vmem>> -> memref<128xi32, #tpu.memory_space<vmem>>
        %dma_start3A_181 = arith.constant 0 : i32
        %dma_start3A_182 = arith.constant 0 : i32
        %dma_start3A_183 = tpu.memref_slice %arg13[%dma_start3A_181, %dma_start3A_182] : memref<10240x128xf32, #tpu.memory_space<vmem_shared>> -> memref<10240x128xf32, #tpu.memory_space<vmem_shared>>
        tpu.enqueue_indirect_dma source(%arg11 : memref<128x128xf32, #tpu.memory_space<vmem>>) target(%dma_start3A_183 : memref<10240x128xf32, #tpu.memory_space<vmem_shared>>) offsets(%dma_start3A_180 : memref<128xi32, #tpu.memory_space<vmem>>) semaphore(%run_scoped3A_177 : memref<!tpu.dma_semaphore, #tpu.memory_space<semaphore_mem>>) {add = true}
        %dma_wait3A_184 = arith.constant 0 : i32
        %dma_wait3A_185 = tpu.memref_slice %arg9[%run_scoped3A, %dma_wait3A_184] : memref<16x128xi32, #tpu.memory_space<vmem>> -> memref<1x128xi32, #tpu.memory_space<vmem>>
        %dma_wait3A_186 = tpu.memref_squeeze %dma_wait3A_185 : memref<1x128xi32, #tpu.memory_space<vmem>> -> memref<128xi32, #tpu.memory_space<vmem>>
        %dma_wait3A_187 = arith.constant 0 : i32
        %dma_wait3A_188 = arith.constant 0 : i32
        %dma_wait3A_189 = tpu.memref_slice %arg13[%dma_wait3A_187, %dma_wait3A_188] : memref<10240x128xf32, #tpu.memory_space<vmem_shared>> -> memref<10240x128xf32, #tpu.memory_space<vmem_shared>>
        tpu.wait_indirect_dma semaphore(%run_scoped3A_177 : memref<!tpu.dma_semaphore, #tpu.memory_space<semaphore_mem>>) src(%arg11 : memref<128x128xf32, #tpu.memory_space<vmem>>) dst(%dma_wait3A_189 : memref<10240x128xf32, #tpu.memory_space<vmem_shared>>)
        tpu.yield
      }) : () -> ()
      %dma_wait3A_109 = arith.constant 15 : i32
      %dma_wait3A_110 = arith.constant 0 : i32
      %dma_wait3A_111 = tpu.memref_slice %arg7[%dma_wait3A_109, %dma_wait3A_110] : memref<16x128xi32, #tpu.memory_space<vmem>> -> memref<1x128xi32, #tpu.memory_space<vmem>>
      %dma_wait3A_112 = tpu.memref_squeeze %dma_wait3A_111 : memref<1x128xi32, #tpu.memory_space<vmem>> -> memref<128xi32, #tpu.memory_space<vmem>>
      %dma_wait3A_113 = arith.constant 0 : i32
      %dma_wait3A_114 = arith.constant 0 : i32
      %dma_wait3A_115 = tpu.memref_slice %arg2[%dma_wait3A_113, %dma_wait3A_114] : memref<10240x128xf32, #tpu.memory_space<hbm>> -> memref<10240x128xf32, #tpu.memory_space<hbm>>
      tpu.wait_indirect_dma semaphore(%arg15 : memref<!tpu.dma_semaphore, #tpu.memory_space<semaphore_mem>>) src(%dma_wait3A_115 : memref<10240x128xf32, #tpu.memory_space<hbm>>) dst(%arg12 : memref<128x128xf32, #tpu.memory_space<vmem>>)
      %run_scoped3A_116 = arith.constant 15 : i32
      "tpu.region"() ({
        %run_scoped3A_177 = tpu.sem_alloc : memref<!tpu.dma_semaphore, #tpu.memory_space<semaphore_mem>>
        %dma_start3A_178 = arith.constant 0 : i32
        %dma_start3A_179 = tpu.memref_slice %arg9[%run_scoped3A_116, %dma_start3A_178] : memref<16x128xi32, #tpu.memory_space<vmem>> -> memref<1x128xi32, #tpu.memory_space<vmem>>
        %dma_start3A_180 = tpu.memref_squeeze %dma_start3A_179 : memref<1x128xi32, #tpu.memory_space<vmem>> -> memref<128xi32, #tpu.memory_space<vmem>>
        %dma_start3A_181 = arith.constant 0 : i32
        %dma_start3A_182 = arith.constant 0 : i32
        %dma_start3A_183 = tpu.memref_slice %arg13[%dma_start3A_181, %dma_start3A_182] : memref<10240x128xf32, #tpu.memory_space<vmem_shared>> -> memref<10240x128xf32, #tpu.memory_space<vmem_shared>>
        tpu.enqueue_indirect_dma source(%arg12 : memref<128x128xf32, #tpu.memory_space<vmem>>) target(%dma_start3A_183 : memref<10240x128xf32, #tpu.memory_space<vmem_shared>>) offsets(%dma_start3A_180 : memref<128xi32, #tpu.memory_space<vmem>>) semaphore(%run_scoped3A_177 : memref<!tpu.dma_semaphore, #tpu.memory_space<semaphore_mem>>) {add = true}
        %dma_wait3A_184 = arith.constant 0 : i32
        %dma_wait3A_185 = tpu.memref_slice %arg9[%run_scoped3A_116, %dma_wait3A_184] : memref<16x128xi32, #tpu.memory_space<vmem>> -> memref<1x128xi32, #tpu.memory_space<vmem>>
        %dma_wait3A_186 = tpu.memref_squeeze %dma_wait3A_185 : memref<1x128xi32, #tpu.memory_space<vmem>> -> memref<128xi32, #tpu.memory_space<vmem>>
        %dma_wait3A_187 = arith.constant 0 : i32
        %dma_wait3A_188 = arith.constant 0 : i32
        %dma_wait3A_189 = tpu.memref_slice %arg13[%dma_wait3A_187, %dma_wait3A_188] : memref<10240x128xf32, #tpu.memory_space<vmem_shared>> -> memref<10240x128xf32, #tpu.memory_space<vmem_shared>>
        tpu.wait_indirect_dma semaphore(%run_scoped3A_177 : memref<!tpu.dma_semaphore, #tpu.memory_space<semaphore_mem>>) src(%arg12 : memref<128x128xf32, #tpu.memory_space<vmem>>) dst(%dma_wait3A_189 : memref<10240x128xf32, #tpu.memory_space<vmem_shared>>)
        tpu.yield
      }) : () -> ()
      %add3A_117 = arith.constant 2 : i32
      %add3A_118 = arith.addi %add3A_72, %add3A_117 : i32
      %lt3A = arith.cmpi slt, %add3A_118, %select_n3A_8 : i32
      %convert_element_type3A = arith.extui %lt3A : i1 to i32
      %cond3A = arith.constant 0 : i32
      %cond3A_119 = arith.cmpi ne, %convert_element_type3A, %cond3A : i32
      scf.if %cond3A_119 {
        %add3A_177 = arith.constant 2 : i32
        %add3A_178 = arith.addi %add3A_72, %add3A_177 : i32
        %mul3A_179 = arith.constant 16 : i32
        %mul3A_180 = arith.muli %add3A_178, %mul3A_179 : i32
        %add3A_181 = arith.addi %select_n3A, %mul3A_180 : i32
        %dma_start3A_182 = arith.constant 0 : i32
        %dma_start3A_183 = tpu.memref_slice %arg3[%add3A_181, %dma_start3A_182] : memref<2560x128xi32, #tpu.memory_space<hbm>> -> memref<16x128xi32, #tpu.memory_space<hbm>>
        %dma_start3A_184 = arith.constant 0 : i32
        %dma_start3A_185 = tpu.memref_slice %arg3[%add3A_181, %dma_start3A_184] : memref<2560x128xi32, #tpu.memory_space<hbm>> -> memref<16x128xi32, #tpu.memory_space<hbm>>
        tpu.enqueue_dma source(%dma_start3A_185 : memref<16x128xi32, #tpu.memory_space<hbm>>) target(%arg7 : memref<16x128xi32, #tpu.memory_space<vmem>>) target_semaphore(%arg16 : memref<!tpu.dma_semaphore, #tpu.memory_space<semaphore_mem>>)
        %dma_start3A_186 = arith.constant 0 : i32
        %dma_start3A_187 = tpu.memref_slice %arg4[%add3A_181, %dma_start3A_186] : memref<2560x128xi32, #tpu.memory_space<hbm>> -> memref<16x128xi32, #tpu.memory_space<hbm>>
        %dma_start3A_188 = arith.constant 0 : i32
        %dma_start3A_189 = tpu.memref_slice %arg4[%add3A_181, %dma_start3A_188] : memref<2560x128xi32, #tpu.memory_space<hbm>> -> memref<16x128xi32, #tpu.memory_space<hbm>>
        tpu.enqueue_dma source(%dma_start3A_189 : memref<16x128xi32, #tpu.memory_space<hbm>>) target(%arg9 : memref<16x128xi32, #tpu.memory_space<vmem>>) target_semaphore(%arg16 : memref<!tpu.dma_semaphore, #tpu.memory_space<semaphore_mem>>)
      } else {
      }
      %mul3A_120 = arith.constant 2 : i32
      %mul3A_121 = arith.muli %mul3A_120, %while3A_68 : i32
      %add3A_122 = arith.constant 1 : i32
      %add3A_123 = arith.addi %mul3A_121, %add3A_122 : i32
      %mul3A_124 = arith.constant 16 : i32
      %mul3A_125 = arith.muli %add3A_123, %mul3A_124 : i32
      %add3A_126 = arith.addi %select_n3A, %mul3A_125 : i32
      %dma_wait3A_127 = arith.constant 0 : i32
      %dma_wait3A_128 = tpu.memref_slice %arg3[%add3A_126, %dma_wait3A_127] : memref<2560x128xi32, #tpu.memory_space<hbm>> -> memref<16x128xi32, #tpu.memory_space<hbm>>
      %dma_wait3A_129 = arith.constant 0 : i32
      %dma_wait3A_130 = tpu.memref_slice %arg3[%add3A_126, %dma_wait3A_129] : memref<2560x128xi32, #tpu.memory_space<hbm>> -> memref<16x128xi32, #tpu.memory_space<hbm>>
      tpu.wait_dma2 semaphore(%arg17 : memref<!tpu.dma_semaphore, #tpu.memory_space<semaphore_mem>>) src(%dma_wait3A_130 : memref<16x128xi32, #tpu.memory_space<hbm>>) dst(%arg8 : memref<16x128xi32, #tpu.memory_space<vmem>>)
      %dma_wait3A_131 = arith.constant 0 : i32
      %dma_wait3A_132 = tpu.memref_slice %arg4[%add3A_126, %dma_wait3A_131] : memref<2560x128xi32, #tpu.memory_space<hbm>> -> memref<16x128xi32, #tpu.memory_space<hbm>>
      %dma_wait3A_133 = arith.constant 0 : i32
      %dma_wait3A_134 = tpu.memref_slice %arg4[%add3A_126, %dma_wait3A_133] : memref<2560x128xi32, #tpu.memory_space<hbm>> -> memref<16x128xi32, #tpu.memory_space<hbm>>
      tpu.wait_dma2 semaphore(%arg17 : memref<!tpu.dma_semaphore, #tpu.memory_space<semaphore_mem>>) src(%dma_wait3A_134 : memref<16x128xi32, #tpu.memory_space<hbm>>) dst(%arg10 : memref<16x128xi32, #tpu.memory_space<vmem>>)
      %dma_start3A_135 = arith.constant 0 : i32
      %dma_start3A_136 = arith.constant 0 : i32
      %dma_start3A_137 = tpu.memref_slice %arg8[%dma_start3A_135, %dma_start3A_136] : memref<16x128xi32, #tpu.memory_space<vmem>> -> memref<1x128xi32, #tpu.memory_space<vmem>>
      %dma_start3A_138 = tpu.memref_squeeze %dma_start3A_137 : memref<1x128xi32, #tpu.memory_space<vmem>> -> memref<128xi32, #tpu.memory_space<vmem>>
      %dma_start3A_139 = arith.constant 0 : i32
      %dma_start3A_140 = arith.constant 0 : i32
      %dma_start3A_141 = tpu.memref_slice %arg2[%dma_start3A_139, %dma_start3A_140] : memref<10240x128xf32, #tpu.memory_space<hbm>> -> memref<10240x128xf32, #tpu.memory_space<hbm>>
      tpu.enqueue_indirect_dma source(%dma_start3A_141 : memref<10240x128xf32, #tpu.memory_space<hbm>>) target(%arg11 : memref<128x128xf32, #tpu.memory_space<vmem>>) offsets(%dma_start3A_138 : memref<128xi32, #tpu.memory_space<vmem>>) semaphore(%arg14 : memref<!tpu.dma_semaphore, #tpu.memory_space<semaphore_mem>>)
      %dma_start3A_142 = arith.constant 1 : i32
      %dma_start3A_143 = arith.constant 0 : i32
      %dma_start3A_144 = tpu.memref_slice %arg8[%dma_start3A_142, %dma_start3A_143] : memref<16x128xi32, #tpu.memory_space<vmem>> -> memref<1x128xi32, #tpu.memory_space<vmem>>
      %dma_start3A_145 = tpu.memref_squeeze %dma_start3A_144 : memref<1x128xi32, #tpu.memory_space<vmem>> -> memref<128xi32, #tpu.memory_space<vmem>>
      %dma_start3A_146 = arith.constant 0 : i32
      %dma_start3A_147 = arith.constant 0 : i32
      %dma_start3A_148 = tpu.memref_slice %arg2[%dma_start3A_146, %dma_start3A_147] : memref<10240x128xf32, #tpu.memory_space<hbm>> -> memref<10240x128xf32, #tpu.memory_space<hbm>>
      tpu.enqueue_indirect_dma source(%dma_start3A_148 : memref<10240x128xf32, #tpu.memory_space<hbm>>) target(%arg12 : memref<128x128xf32, #tpu.memory_space<vmem>>) offsets(%dma_start3A_145 : memref<128xi32, #tpu.memory_space<vmem>>) semaphore(%arg15 : memref<!tpu.dma_semaphore, #tpu.memory_space<semaphore_mem>>)
      %scan3A_149 = arith.constant 0 : i32
      %scan3A_150 = arith.constant 0 : i32
      %scan3A_151 = arith.constant 7 : i32
      %scan3A_152 = arith.addi %scan3A_150, %scan3A_151 : i32
      %scan3A_153 = arith.constant 1 : i32
      scf.for %scan3A_177 = %scan3A_150 to %scan3A_152 step %scan3A_153  : i32 {
        %mul3A_178 = arith.constant 2 : i32
        %mul3A_179 = arith.muli %mul3A_178, %scan3A_177 : i32
        %add3A_180 = arith.constant 0 : i32
        %add3A_181 = arith.addi %mul3A_179, %add3A_180 : i32
        %dma_wait3A_182 = arith.constant 0 : i32
        %dma_wait3A_183 = tpu.memref_slice %arg8[%add3A_181, %dma_wait3A_182] : memref<16x128xi32, #tpu.memory_space<vmem>> -> memref<1x128xi32, #tpu.memory_space<vmem>>
        %dma_wait3A_184 = tpu.memref_squeeze %dma_wait3A_183 : memref<1x128xi32, #tpu.memory_space<vmem>> -> memref<128xi32, #tpu.memory_space<vmem>>
        %dma_wait3A_185 = arith.constant 0 : i32
        %dma_wait3A_186 = arith.constant 0 : i32
        %dma_wait3A_187 = tpu.memref_slice %arg2[%dma_wait3A_185, %dma_wait3A_186] : memref<10240x128xf32, #tpu.memory_space<hbm>> -> memref<10240x128xf32, #tpu.memory_space<hbm>>
        tpu.wait_indirect_dma semaphore(%arg14 : memref<!tpu.dma_semaphore, #tpu.memory_space<semaphore_mem>>) src(%dma_wait3A_187 : memref<10240x128xf32, #tpu.memory_space<hbm>>) dst(%arg11 : memref<128x128xf32, #tpu.memory_space<vmem>>)
        "tpu.region"() ({
          %run_scoped3A_214 = tpu.sem_alloc : memref<!tpu.dma_semaphore, #tpu.memory_space<semaphore_mem>>
          %dma_start3A_215 = arith.constant 0 : i32
          %dma_start3A_216 = tpu.memref_slice %arg10[%add3A_181, %dma_start3A_215] : memref<16x128xi32, #tpu.memory_space<vmem>> -> memref<1x128xi32, #tpu.memory_space<vmem>>
          %dma_start3A_217 = tpu.memref_squeeze %dma_start3A_216 : memref<1x128xi32, #tpu.memory_space<vmem>> -> memref<128xi32, #tpu.memory_space<vmem>>
          %dma_start3A_218 = arith.constant 0 : i32
          %dma_start3A_219 = arith.constant 0 : i32
          %dma_start3A_220 = tpu.memref_slice %arg13[%dma_start3A_218, %dma_start3A_219] : memref<10240x128xf32, #tpu.memory_space<vmem_shared>> -> memref<10240x128xf32, #tpu.memory_space<vmem_shared>>
          tpu.enqueue_indirect_dma source(%arg11 : memref<128x128xf32, #tpu.memory_space<vmem>>) target(%dma_start3A_220 : memref<10240x128xf32, #tpu.memory_space<vmem_shared>>) offsets(%dma_start3A_217 : memref<128xi32, #tpu.memory_space<vmem>>) semaphore(%run_scoped3A_214 : memref<!tpu.dma_semaphore, #tpu.memory_space<semaphore_mem>>) {add = true}
          %dma_wait3A_221 = arith.constant 0 : i32
          %dma_wait3A_222 = tpu.memref_slice %arg10[%add3A_181, %dma_wait3A_221] : memref<16x128xi32, #tpu.memory_space<vmem>> -> memref<1x128xi32, #tpu.memory_space<vmem>>
          %dma_wait3A_223 = tpu.memref_squeeze %dma_wait3A_222 : memref<1x128xi32, #tpu.memory_space<vmem>> -> memref<128xi32, #tpu.memory_space<vmem>>
          %dma_wait3A_224 = arith.constant 0 : i32
          %dma_wait3A_225 = arith.constant 0 : i32
          %dma_wait3A_226 = tpu.memref_slice %arg13[%dma_wait3A_224, %dma_wait3A_225] : memref<10240x128xf32, #tpu.memory_space<vmem_shared>> -> memref<10240x128xf32, #tpu.memory_space<vmem_shared>>
          tpu.wait_indirect_dma semaphore(%run_scoped3A_214 : memref<!tpu.dma_semaphore, #tpu.memory_space<semaphore_mem>>) src(%arg11 : memref<128x128xf32, #tpu.memory_space<vmem>>) dst(%dma_wait3A_226 : memref<10240x128xf32, #tpu.memory_space<vmem_shared>>)
          tpu.yield
        }) : () -> ()
        %add3A_188 = arith.constant 2 : i32
        %add3A_189 = arith.addi %add3A_181, %add3A_188 : i32
        %dma_start3A_190 = arith.constant 0 : i32
        %dma_start3A_191 = tpu.memref_slice %arg8[%add3A_189, %dma_start3A_190] : memref<16x128xi32, #tpu.memory_space<vmem>> -> memref<1x128xi32, #tpu.memory_space<vmem>>
        %dma_start3A_192 = tpu.memref_squeeze %dma_start3A_191 : memref<1x128xi32, #tpu.memory_space<vmem>> -> memref<128xi32, #tpu.memory_space<vmem>>
        %dma_start3A_193 = arith.constant 0 : i32
        %dma_start3A_194 = arith.constant 0 : i32
        %dma_start3A_195 = tpu.memref_slice %arg2[%dma_start3A_193, %dma_start3A_194] : memref<10240x128xf32, #tpu.memory_space<hbm>> -> memref<10240x128xf32, #tpu.memory_space<hbm>>
        tpu.enqueue_indirect_dma source(%dma_start3A_195 : memref<10240x128xf32, #tpu.memory_space<hbm>>) target(%arg11 : memref<128x128xf32, #tpu.memory_space<vmem>>) offsets(%dma_start3A_192 : memref<128xi32, #tpu.memory_space<vmem>>) semaphore(%arg14 : memref<!tpu.dma_semaphore, #tpu.memory_space<semaphore_mem>>)
        %mul3A_196 = arith.constant 2 : i32
        %mul3A_197 = arith.muli %mul3A_196, %scan3A_177 : i32
        %add3A_198 = arith.constant 1 : i32
        %add3A_199 = arith.addi %mul3A_197, %add3A_198 : i32
        %dma_wait3A_200 = arith.constant 0 : i32
        %dma_wait3A_201 = tpu.memref_slice %arg8[%add3A_199, %dma_wait3A_200] : memref<16x128xi32, #tpu.memory_space<vmem>> -> memref<1x128xi32, #tpu.memory_space<vmem>>
        %dma_wait3A_202 = tpu.memref_squeeze %dma_wait3A_201 : memref<1x128xi32, #tpu.memory_space<vmem>> -> memref<128xi32, #tpu.memory_space<vmem>>
        %dma_wait3A_203 = arith.constant 0 : i32
        %dma_wait3A_204 = arith.constant 0 : i32
        %dma_wait3A_205 = tpu.memref_slice %arg2[%dma_wait3A_203, %dma_wait3A_204] : memref<10240x128xf32, #tpu.memory_space<hbm>> -> memref<10240x128xf32, #tpu.memory_space<hbm>>
        tpu.wait_indirect_dma semaphore(%arg15 : memref<!tpu.dma_semaphore, #tpu.memory_space<semaphore_mem>>) src(%dma_wait3A_205 : memref<10240x128xf32, #tpu.memory_space<hbm>>) dst(%arg12 : memref<128x128xf32, #tpu.memory_space<vmem>>)
        "tpu.region"() ({
          %run_scoped3A_214 = tpu.sem_alloc : memref<!tpu.dma_semaphore, #tpu.memory_space<semaphore_mem>>
          %dma_start3A_215 = arith.constant 0 : i32
          %dma_start3A_216 = tpu.memref_slice %arg10[%add3A_199, %dma_start3A_215] : memref<16x128xi32, #tpu.memory_space<vmem>> -> memref<1x128xi32, #tpu.memory_space<vmem>>
          %dma_start3A_217 = tpu.memref_squeeze %dma_start3A_216 : memref<1x128xi32, #tpu.memory_space<vmem>> -> memref<128xi32, #tpu.memory_space<vmem>>
          %dma_start3A_218 = arith.constant 0 : i32
          %dma_start3A_219 = arith.constant 0 : i32
          %dma_start3A_220 = tpu.memref_slice %arg13[%dma_start3A_218, %dma_start3A_219] : memref<10240x128xf32, #tpu.memory_space<vmem_shared>> -> memref<10240x128xf32, #tpu.memory_space<vmem_shared>>
          tpu.enqueue_indirect_dma source(%arg12 : memref<128x128xf32, #tpu.memory_space<vmem>>) target(%dma_start3A_220 : memref<10240x128xf32, #tpu.memory_space<vmem_shared>>) offsets(%dma_start3A_217 : memref<128xi32, #tpu.memory_space<vmem>>) semaphore(%run_scoped3A_214 : memref<!tpu.dma_semaphore, #tpu.memory_space<semaphore_mem>>) {add = true}
          %dma_wait3A_221 = arith.constant 0 : i32
          %dma_wait3A_222 = tpu.memref_slice %arg10[%add3A_199, %dma_wait3A_221] : memref<16x128xi32, #tpu.memory_space<vmem>> -> memref<1x128xi32, #tpu.memory_space<vmem>>
          %dma_wait3A_223 = tpu.memref_squeeze %dma_wait3A_222 : memref<1x128xi32, #tpu.memory_space<vmem>> -> memref<128xi32, #tpu.memory_space<vmem>>
          %dma_wait3A_224 = arith.constant 0 : i32
          %dma_wait3A_225 = arith.constant 0 : i32
          %dma_wait3A_226 = tpu.memref_slice %arg13[%dma_wait3A_224, %dma_wait3A_225] : memref<10240x128xf32, #tpu.memory_space<vmem_shared>> -> memref<10240x128xf32, #tpu.memory_space<vmem_shared>>
          tpu.wait_indirect_dma semaphore(%run_scoped3A_214 : memref<!tpu.dma_semaphore, #tpu.memory_space<semaphore_mem>>) src(%arg12 : memref<128x128xf32, #tpu.memory_space<vmem>>) dst(%dma_wait3A_226 : memref<10240x128xf32, #tpu.memory_space<vmem_shared>>)
          tpu.yield
        }) : () -> ()
        %add3A_206 = arith.constant 2 : i32
        %add3A_207 = arith.addi %add3A_199, %add3A_206 : i32
        %dma_start3A_208 = arith.constant 0 : i32
        %dma_start3A_209 = tpu.memref_slice %arg8[%add3A_207, %dma_start3A_208] : memref<16x128xi32, #tpu.memory_space<vmem>> -> memref<1x128xi32, #tpu.memory_space<vmem>>
        %dma_start3A_210 = tpu.memref_squeeze %dma_start3A_209 : memref<1x128xi32, #tpu.memory_space<vmem>> -> memref<128xi32, #tpu.memory_space<vmem>>
        %dma_start3A_211 = arith.constant 0 : i32
        %dma_start3A_212 = arith.constant 0 : i32
        %dma_start3A_213 = tpu.memref_slice %arg2[%dma_start3A_211, %dma_start3A_212] : memref<10240x128xf32, #tpu.memory_space<hbm>> -> memref<10240x128xf32, #tpu.memory_space<hbm>>
        tpu.enqueue_indirect_dma source(%dma_start3A_213 : memref<10240x128xf32, #tpu.memory_space<hbm>>) target(%arg12 : memref<128x128xf32, #tpu.memory_space<vmem>>) offsets(%dma_start3A_210 : memref<128xi32, #tpu.memory_space<vmem>>) semaphore(%arg15 : memref<!tpu.dma_semaphore, #tpu.memory_space<semaphore_mem>>)
      }
      %scan3A_154 = arith.constant 7 : i32
      %dma_wait3A_155 = arith.constant 14 : i32
      %dma_wait3A_156 = arith.constant 0 : i32
      %dma_wait3A_157 = tpu.memref_slice %arg8[%dma_wait3A_155, %dma_wait3A_156] : memref<16x128xi32, #tpu.memory_space<vmem>> -> memref<1x128xi32, #tpu.memory_space<vmem>>
      %dma_wait3A_158 = tpu.memref_squeeze %dma_wait3A_157 : memref<1x128xi32, #tpu.memory_space<vmem>> -> memref<128xi32, #tpu.memory_space<vmem>>
      %dma_wait3A_159 = arith.constant 0 : i32
      %dma_wait3A_160 = arith.constant 0 : i32
      %dma_wait3A_161 = tpu.memref_slice %arg2[%dma_wait3A_159, %dma_wait3A_160] : memref<10240x128xf32, #tpu.memory_space<hbm>> -> memref<10240x128xf32, #tpu.memory_space<hbm>>
      tpu.wait_indirect_dma semaphore(%arg14 : memref<!tpu.dma_semaphore, #tpu.memory_space<semaphore_mem>>) src(%dma_wait3A_161 : memref<10240x128xf32, #tpu.memory_space<hbm>>) dst(%arg11 : memref<128x128xf32, #tpu.memory_space<vmem>>)
      %run_scoped3A_162 = arith.constant 14 : i32
      "tpu.region"() ({
        %run_scoped3A_177 = tpu.sem_alloc : memref<!tpu.dma_semaphore, #tpu.memory_space<semaphore_mem>>
        %dma_start3A_178 = arith.constant 0 : i32
        %dma_start3A_179 = tpu.memref_slice %arg10[%run_scoped3A_162, %dma_start3A_178] : memref<16x128xi32, #tpu.memory_space<vmem>> -> memref<1x128xi32, #tpu.memory_space<vmem>>
        %dma_start3A_180 = tpu.memref_squeeze %dma_start3A_179 : memref<1x128xi32, #tpu.memory_space<vmem>> -> memref<128xi32, #tpu.memory_space<vmem>>
        %dma_start3A_181 = arith.constant 0 : i32
        %dma_start3A_182 = arith.constant 0 : i32
        %dma_start3A_183 = tpu.memref_slice %arg13[%dma_start3A_181, %dma_start3A_182] : memref<10240x128xf32, #tpu.memory_space<vmem_shared>> -> memref<10240x128xf32, #tpu.memory_space<vmem_shared>>
        tpu.enqueue_indirect_dma source(%arg11 : memref<128x128xf32, #tpu.memory_space<vmem>>) target(%dma_start3A_183 : memref<10240x128xf32, #tpu.memory_space<vmem_shared>>) offsets(%dma_start3A_180 : memref<128xi32, #tpu.memory_space<vmem>>) semaphore(%run_scoped3A_177 : memref<!tpu.dma_semaphore, #tpu.memory_space<semaphore_mem>>) {add = true}
        %dma_wait3A_184 = arith.constant 0 : i32
        %dma_wait3A_185 = tpu.memref_slice %arg10[%run_scoped3A_162, %dma_wait3A_184] : memref<16x128xi32, #tpu.memory_space<vmem>> -> memref<1x128xi32, #tpu.memory_space<vmem>>
        %dma_wait3A_186 = tpu.memref_squeeze %dma_wait3A_185 : memref<1x128xi32, #tpu.memory_space<vmem>> -> memref<128xi32, #tpu.memory_space<vmem>>
        %dma_wait3A_187 = arith.constant 0 : i32
        %dma_wait3A_188 = arith.constant 0 : i32
        %dma_wait3A_189 = tpu.memref_slice %arg13[%dma_wait3A_187, %dma_wait3A_188] : memref<10240x128xf32, #tpu.memory_space<vmem_shared>> -> memref<10240x128xf32, #tpu.memory_space<vmem_shared>>
        tpu.wait_indirect_dma semaphore(%run_scoped3A_177 : memref<!tpu.dma_semaphore, #tpu.memory_space<semaphore_mem>>) src(%arg11 : memref<128x128xf32, #tpu.memory_space<vmem>>) dst(%dma_wait3A_189 : memref<10240x128xf32, #tpu.memory_space<vmem_shared>>)
        tpu.yield
      }) : () -> ()
      %dma_wait3A_163 = arith.constant 15 : i32
      %dma_wait3A_164 = arith.constant 0 : i32
      %dma_wait3A_165 = tpu.memref_slice %arg8[%dma_wait3A_163, %dma_wait3A_164] : memref<16x128xi32, #tpu.memory_space<vmem>> -> memref<1x128xi32, #tpu.memory_space<vmem>>
      %dma_wait3A_166 = tpu.memref_squeeze %dma_wait3A_165 : memref<1x128xi32, #tpu.memory_space<vmem>> -> memref<128xi32, #tpu.memory_space<vmem>>
      %dma_wait3A_167 = arith.constant 0 : i32
      %dma_wait3A_168 = arith.constant 0 : i32
      %dma_wait3A_169 = tpu.memref_slice %arg2[%dma_wait3A_167, %dma_wait3A_168] : memref<10240x128xf32, #tpu.memory_space<hbm>> -> memref<10240x128xf32, #tpu.memory_space<hbm>>
      tpu.wait_indirect_dma semaphore(%arg15 : memref<!tpu.dma_semaphore, #tpu.memory_space<semaphore_mem>>) src(%dma_wait3A_169 : memref<10240x128xf32, #tpu.memory_space<hbm>>) dst(%arg12 : memref<128x128xf32, #tpu.memory_space<vmem>>)
      %run_scoped3A_170 = arith.constant 15 : i32
      "tpu.region"() ({
        %run_scoped3A_177 = tpu.sem_alloc : memref<!tpu.dma_semaphore, #tpu.memory_space<semaphore_mem>>
        %dma_start3A_178 = arith.constant 0 : i32
        %dma_start3A_179 = tpu.memref_slice %arg10[%run_scoped3A_170, %dma_start3A_178] : memref<16x128xi32, #tpu.memory_space<vmem>> -> memref<1x128xi32, #tpu.memory_space<vmem>>
        %dma_start3A_180 = tpu.memref_squeeze %dma_start3A_179 : memref<1x128xi32, #tpu.memory_space<vmem>> -> memref<128xi32, #tpu.memory_space<vmem>>
        %dma_start3A_181 = arith.constant 0 : i32
        %dma_start3A_182 = arith.constant 0 : i32
        %dma_start3A_183 = tpu.memref_slice %arg13[%dma_start3A_181, %dma_start3A_182] : memref<10240x128xf32, #tpu.memory_space<vmem_shared>> -> memref<10240x128xf32, #tpu.memory_space<vmem_shared>>
        tpu.enqueue_indirect_dma source(%arg12 : memref<128x128xf32, #tpu.memory_space<vmem>>) target(%dma_start3A_183 : memref<10240x128xf32, #tpu.memory_space<vmem_shared>>) offsets(%dma_start3A_180 : memref<128xi32, #tpu.memory_space<vmem>>) semaphore(%run_scoped3A_177 : memref<!tpu.dma_semaphore, #tpu.memory_space<semaphore_mem>>) {add = true}
        %dma_wait3A_184 = arith.constant 0 : i32
        %dma_wait3A_185 = tpu.memref_slice %arg10[%run_scoped3A_170, %dma_wait3A_184] : memref<16x128xi32, #tpu.memory_space<vmem>> -> memref<1x128xi32, #tpu.memory_space<vmem>>
        %dma_wait3A_186 = tpu.memref_squeeze %dma_wait3A_185 : memref<1x128xi32, #tpu.memory_space<vmem>> -> memref<128xi32, #tpu.memory_space<vmem>>
        %dma_wait3A_187 = arith.constant 0 : i32
        %dma_wait3A_188 = arith.constant 0 : i32
        %dma_wait3A_189 = tpu.memref_slice %arg13[%dma_wait3A_187, %dma_wait3A_188] : memref<10240x128xf32, #tpu.memory_space<vmem_shared>> -> memref<10240x128xf32, #tpu.memory_space<vmem_shared>>
        tpu.wait_indirect_dma semaphore(%run_scoped3A_177 : memref<!tpu.dma_semaphore, #tpu.memory_space<semaphore_mem>>) src(%arg12 : memref<128x128xf32, #tpu.memory_space<vmem>>) dst(%dma_wait3A_189 : memref<10240x128xf32, #tpu.memory_space<vmem_shared>>)
        tpu.yield
      }) : () -> ()
      %add3A_171 = arith.constant 2 : i32
      %add3A_172 = arith.addi %add3A_123, %add3A_171 : i32
      %lt3A_173 = arith.cmpi slt, %add3A_172, %select_n3A_8 : i32
      %convert_element_type3A_174 = arith.extui %lt3A_173 : i1 to i32
      %cond3A_175 = arith.constant 0 : i32
      %cond3A_176 = arith.cmpi ne, %convert_element_type3A_174, %cond3A_175 : i32
      scf.if %cond3A_176 {
        %add3A_177 = arith.constant 2 : i32
        %add3A_178 = arith.addi %add3A_123, %add3A_177 : i32
        %mul3A_179 = arith.constant 16 : i32
        %mul3A_180 = arith.muli %add3A_178, %mul3A_179 : i32
        %add3A_181 = arith.addi %select_n3A, %mul3A_180 : i32
        %dma_start3A_182 = arith.constant 0 : i32
        %dma_start3A_183 = tpu.memref_slice %arg3[%add3A_181, %dma_start3A_182] : memref<2560x128xi32, #tpu.memory_space<hbm>> -> memref<16x128xi32, #tpu.memory_space<hbm>>
        %dma_start3A_184 = arith.constant 0 : i32
        %dma_start3A_185 = tpu.memref_slice %arg3[%add3A_181, %dma_start3A_184] : memref<2560x128xi32, #tpu.memory_space<hbm>> -> memref<16x128xi32, #tpu.memory_space<hbm>>
        tpu.enqueue_dma source(%dma_start3A_185 : memref<16x128xi32, #tpu.memory_space<hbm>>) target(%arg8 : memref<16x128xi32, #tpu.memory_space<vmem>>) target_semaphore(%arg17 : memref<!tpu.dma_semaphore, #tpu.memory_space<semaphore_mem>>)
        %dma_start3A_186 = arith.constant 0 : i32
        %dma_start3A_187 = tpu.memref_slice %arg4[%add3A_181, %dma_start3A_186] : memref<2560x128xi32, #tpu.memory_space<hbm>> -> memref<16x128xi32, #tpu.memory_space<hbm>>
        %dma_start3A_188 = arith.constant 0 : i32
        %dma_start3A_189 = tpu.memref_slice %arg4[%add3A_181, %dma_start3A_188] : memref<2560x128xi32, #tpu.memory_space<hbm>> -> memref<16x128xi32, #tpu.memory_space<hbm>>
        tpu.enqueue_dma source(%dma_start3A_189 : memref<16x128xi32, #tpu.memory_space<hbm>>) target(%arg10 : memref<16x128xi32, #tpu.memory_space<vmem>>) target_semaphore(%arg17 : memref<!tpu.dma_semaphore, #tpu.memory_space<semaphore_mem>>)
      } else {
      }
    }
    %while3A_62 = arith.constant 1 : i32
    scf.for %while3A_68 = %while3A_60 to %while3A_56 step %while3A_62  : i32 {
      %mul3A_69 = arith.constant 2 : i32
      %mul3A_70 = arith.muli %mul3A_69, %while3A_68 : i32
      %add3A_71 = arith.constant 0 : i32
      %add3A_72 = arith.addi %mul3A_70, %add3A_71 : i32
      %mul3A_73 = arith.constant 16 : i32
      %mul3A_74 = arith.muli %add3A_72, %mul3A_73 : i32
      %add3A_75 = arith.addi %select_n3A, %mul3A_74 : i32
      %dma_wait3A = arith.constant 0 : i32
      %dma_wait3A_76 = tpu.memref_slice %arg3[%add3A_75, %dma_wait3A] : memref<2560x128xi32, #tpu.memory_space<hbm>> -> memref<16x128xi32, #tpu.memory_space<hbm>>
      %dma_wait3A_77 = arith.constant 0 : i32
      %dma_wait3A_78 = tpu.memref_slice %arg3[%add3A_75, %dma_wait3A_77] : memref<2560x128xi32, #tpu.memory_space<hbm>> -> memref<16x128xi32, #tpu.memory_space<hbm>>
      tpu.wait_dma2 semaphore(%arg16 : memref<!tpu.dma_semaphore, #tpu.memory_space<semaphore_mem>>) src(%dma_wait3A_78 : memref<16x128xi32, #tpu.memory_space<hbm>>) dst(%arg7 : memref<16x128xi32, #tpu.memory_space<vmem>>)
      %dma_wait3A_79 = arith.constant 0 : i32
      %dma_wait3A_80 = tpu.memref_slice %arg4[%add3A_75, %dma_wait3A_79] : memref<2560x128xi32, #tpu.memory_space<hbm>> -> memref<16x128xi32, #tpu.memory_space<hbm>>
      %dma_wait3A_81 = arith.constant 0 : i32
      %dma_wait3A_82 = tpu.memref_slice %arg4[%add3A_75, %dma_wait3A_81] : memref<2560x128xi32, #tpu.memory_space<hbm>> -> memref<16x128xi32, #tpu.memory_space<hbm>>
      tpu.wait_dma2 semaphore(%arg16 : memref<!tpu.dma_semaphore, #tpu.memory_space<semaphore_mem>>) src(%dma_wait3A_82 : memref<16x128xi32, #tpu.memory_space<hbm>>) dst(%arg9 : memref<16x128xi32, #tpu.memory_space<vmem>>)
      %dma_start3A_83 = arith.constant 0 : i32
      %dma_start3A_84 = arith.constant 0 : i32
      %dma_start3A_85 = tpu.memref_slice %arg7[%dma_start3A_83, %dma_start3A_84] : memref<16x128xi32, #tpu.memory_space<vmem>> -> memref<1x128xi32, #tpu.memory_space<vmem>>
      %dma_start3A_86 = tpu.memref_squeeze %dma_start3A_85 : memref<1x128xi32, #tpu.memory_space<vmem>> -> memref<128xi32, #tpu.memory_space<vmem>>
      %dma_start3A_87 = arith.constant 0 : i32
      %dma_start3A_88 = arith.constant 0 : i32
      %dma_start3A_89 = tpu.memref_slice %arg2[%dma_start3A_87, %dma_start3A_88] : memref<10240x128xf32, #tpu.memory_space<hbm>> -> memref<10240x128xf32, #tpu.memory_space<hbm>>
      tpu.enqueue_indirect_dma source(%dma_start3A_89 : memref<10240x128xf32, #tpu.memory_space<hbm>>) target(%arg11 : memref<128x128xf32, #tpu.memory_space<vmem>>) offsets(%dma_start3A_86 : memref<128xi32, #tpu.memory_space<vmem>>) semaphore(%arg14 : memref<!tpu.dma_semaphore, #tpu.memory_space<semaphore_mem>>)
      %dma_start3A_90 = arith.constant 1 : i32
      %dma_start3A_91 = arith.constant 0 : i32
      %dma_start3A_92 = tpu.memref_slice %arg7[%dma_start3A_90, %dma_start3A_91] : memref<16x128xi32, #tpu.memory_space<vmem>> -> memref<1x128xi32, #tpu.memory_space<vmem>>
      %dma_start3A_93 = tpu.memref_squeeze %dma_start3A_92 : memref<1x128xi32, #tpu.memory_space<vmem>> -> memref<128xi32, #tpu.memory_space<vmem>>
      %dma_start3A_94 = arith.constant 0 : i32
      %dma_start3A_95 = arith.constant 0 : i32
      %dma_start3A_96 = tpu.memref_slice %arg2[%dma_start3A_94, %dma_start3A_95] : memref<10240x128xf32, #tpu.memory_space<hbm>> -> memref<10240x128xf32, #tpu.memory_space<hbm>>
      tpu.enqueue_indirect_dma source(%dma_start3A_96 : memref<10240x128xf32, #tpu.memory_space<hbm>>) target(%arg12 : memref<128x128xf32, #tpu.memory_space<vmem>>) offsets(%dma_start3A_93 : memref<128xi32, #tpu.memory_space<vmem>>) semaphore(%arg15 : memref<!tpu.dma_semaphore, #tpu.memory_space<semaphore_mem>>)
      %scan3A = arith.constant 0 : i32
      %scan3A_97 = arith.constant 0 : i32
      %scan3A_98 = arith.constant 7 : i32
      %scan3A_99 = arith.addi %scan3A_97, %scan3A_98 : i32
      %scan3A_100 = arith.constant 1 : i32
      scf.for %scan3A_177 = %scan3A_97 to %scan3A_99 step %scan3A_100  : i32 {
        %mul3A_178 = arith.constant 2 : i32
        %mul3A_179 = arith.muli %mul3A_178, %scan3A_177 : i32
        %add3A_180 = arith.constant 0 : i32
        %add3A_181 = arith.addi %mul3A_179, %add3A_180 : i32
        %dma_wait3A_182 = arith.constant 0 : i32
        %dma_wait3A_183 = tpu.memref_slice %arg7[%add3A_181, %dma_wait3A_182] : memref<16x128xi32, #tpu.memory_space<vmem>> -> memref<1x128xi32, #tpu.memory_space<vmem>>
        %dma_wait3A_184 = tpu.memref_squeeze %dma_wait3A_183 : memref<1x128xi32, #tpu.memory_space<vmem>> -> memref<128xi32, #tpu.memory_space<vmem>>
        %dma_wait3A_185 = arith.constant 0 : i32
        %dma_wait3A_186 = arith.constant 0 : i32
        %dma_wait3A_187 = tpu.memref_slice %arg2[%dma_wait3A_185, %dma_wait3A_186] : memref<10240x128xf32, #tpu.memory_space<hbm>> -> memref<10240x128xf32, #tpu.memory_space<hbm>>
        tpu.wait_indirect_dma semaphore(%arg14 : memref<!tpu.dma_semaphore, #tpu.memory_space<semaphore_mem>>) src(%dma_wait3A_187 : memref<10240x128xf32, #tpu.memory_space<hbm>>) dst(%arg11 : memref<128x128xf32, #tpu.memory_space<vmem>>)
        "tpu.region"() ({
          %run_scoped3A_214 = tpu.sem_alloc : memref<!tpu.dma_semaphore, #tpu.memory_space<semaphore_mem>>
          %dma_start3A_215 = arith.constant 0 : i32
          %dma_start3A_216 = tpu.memref_slice %arg9[%add3A_181, %dma_start3A_215] : memref<16x128xi32, #tpu.memory_space<vmem>> -> memref<1x128xi32, #tpu.memory_space<vmem>>
          %dma_start3A_217 = tpu.memref_squeeze %dma_start3A_216 : memref<1x128xi32, #tpu.memory_space<vmem>> -> memref<128xi32, #tpu.memory_space<vmem>>
          %dma_start3A_218 = arith.constant 0 : i32
          %dma_start3A_219 = arith.constant 0 : i32
          %dma_start3A_220 = tpu.memref_slice %arg13[%dma_start3A_218, %dma_start3A_219] : memref<10240x128xf32, #tpu.memory_space<vmem_shared>> -> memref<10240x128xf32, #tpu.memory_space<vmem_shared>>
          tpu.enqueue_indirect_dma source(%arg11 : memref<128x128xf32, #tpu.memory_space<vmem>>) target(%dma_start3A_220 : memref<10240x128xf32, #tpu.memory_space<vmem_shared>>) offsets(%dma_start3A_217 : memref<128xi32, #tpu.memory_space<vmem>>) semaphore(%run_scoped3A_214 : memref<!tpu.dma_semaphore, #tpu.memory_space<semaphore_mem>>) {add = true}
          %dma_wait3A_221 = arith.constant 0 : i32
          %dma_wait3A_222 = tpu.memref_slice %arg9[%add3A_181, %dma_wait3A_221] : memref<16x128xi32, #tpu.memory_space<vmem>> -> memref<1x128xi32, #tpu.memory_space<vmem>>
          %dma_wait3A_223 = tpu.memref_squeeze %dma_wait3A_222 : memref<1x128xi32, #tpu.memory_space<vmem>> -> memref<128xi32, #tpu.memory_space<vmem>>
          %dma_wait3A_224 = arith.constant 0 : i32
          %dma_wait3A_225 = arith.constant 0 : i32
          %dma_wait3A_226 = tpu.memref_slice %arg13[%dma_wait3A_224, %dma_wait3A_225] : memref<10240x128xf32, #tpu.memory_space<vmem_shared>> -> memref<10240x128xf32, #tpu.memory_space<vmem_shared>>
          tpu.wait_indirect_dma semaphore(%run_scoped3A_214 : memref<!tpu.dma_semaphore, #tpu.memory_space<semaphore_mem>>) src(%arg11 : memref<128x128xf32, #tpu.memory_space<vmem>>) dst(%dma_wait3A_226 : memref<10240x128xf32, #tpu.memory_space<vmem_shared>>)
          tpu.yield
        }) : () -> ()
        %add3A_188 = arith.constant 2 : i32
        %add3A_189 = arith.addi %add3A_181, %add3A_188 : i32
        %dma_start3A_190 = arith.constant 0 : i32
        %dma_start3A_191 = tpu.memref_slice %arg7[%add3A_189, %dma_start3A_190] : memref<16x128xi32, #tpu.memory_space<vmem>> -> memref<1x128xi32, #tpu.memory_space<vmem>>
        %dma_start3A_192 = tpu.memref_squeeze %dma_start3A_191 : memref<1x128xi32, #tpu.memory_space<vmem>> -> memref<128xi32, #tpu.memory_space<vmem>>
        %dma_start3A_193 = arith.constant 0 : i32
        %dma_start3A_194 = arith.constant 0 : i32
        %dma_start3A_195 = tpu.memref_slice %arg2[%dma_start3A_193, %dma_start3A_194] : memref<10240x128xf32, #tpu.memory_space<hbm>> -> memref<10240x128xf32, #tpu.memory_space<hbm>>
        tpu.enqueue_indirect_dma source(%dma_start3A_195 : memref<10240x128xf32, #tpu.memory_space<hbm>>) target(%arg11 : memref<128x128xf32, #tpu.memory_space<vmem>>) offsets(%dma_start3A_192 : memref<128xi32, #tpu.memory_space<vmem>>) semaphore(%arg14 : memref<!tpu.dma_semaphore, #tpu.memory_space<semaphore_mem>>)
        %mul3A_196 = arith.constant 2 : i32
        %mul3A_197 = arith.muli %mul3A_196, %scan3A_177 : i32
        %add3A_198 = arith.constant 1 : i32
        %add3A_199 = arith.addi %mul3A_197, %add3A_198 : i32
        %dma_wait3A_200 = arith.constant 0 : i32
        %dma_wait3A_201 = tpu.memref_slice %arg7[%add3A_199, %dma_wait3A_200] : memref<16x128xi32, #tpu.memory_space<vmem>> -> memref<1x128xi32, #tpu.memory_space<vmem>>
        %dma_wait3A_202 = tpu.memref_squeeze %dma_wait3A_201 : memref<1x128xi32, #tpu.memory_space<vmem>> -> memref<128xi32, #tpu.memory_space<vmem>>
        %dma_wait3A_203 = arith.constant 0 : i32
        %dma_wait3A_204 = arith.constant 0 : i32
        %dma_wait3A_205 = tpu.memref_slice %arg2[%dma_wait3A_203, %dma_wait3A_204] : memref<10240x128xf32, #tpu.memory_space<hbm>> -> memref<10240x128xf32, #tpu.memory_space<hbm>>
        tpu.wait_indirect_dma semaphore(%arg15 : memref<!tpu.dma_semaphore, #tpu.memory_space<semaphore_mem>>) src(%dma_wait3A_205 : memref<10240x128xf32, #tpu.memory_space<hbm>>) dst(%arg12 : memref<128x128xf32, #tpu.memory_space<vmem>>)
        "tpu.region"() ({
          %run_scoped3A_214 = tpu.sem_alloc : memref<!tpu.dma_semaphore, #tpu.memory_space<semaphore_mem>>
          %dma_start3A_215 = arith.constant 0 : i32
          %dma_start3A_216 = tpu.memref_slice %arg9[%add3A_199, %dma_start3A_215] : memref<16x128xi32, #tpu.memory_space<vmem>> -> memref<1x128xi32, #tpu.memory_space<vmem>>
          %dma_start3A_217 = tpu.memref_squeeze %dma_start3A_216 : memref<1x128xi32, #tpu.memory_space<vmem>> -> memref<128xi32, #tpu.memory_space<vmem>>
          %dma_start3A_218 = arith.constant 0 : i32
          %dma_start3A_219 = arith.constant 0 : i32
          %dma_start3A_220 = tpu.memref_slice %arg13[%dma_start3A_218, %dma_start3A_219] : memref<10240x128xf32, #tpu.memory_space<vmem_shared>> -> memref<10240x128xf32, #tpu.memory_space<vmem_shared>>
          tpu.enqueue_indirect_dma source(%arg12 : memref<128x128xf32, #tpu.memory_space<vmem>>) target(%dma_start3A_220 : memref<10240x128xf32, #tpu.memory_space<vmem_shared>>) offsets(%dma_start3A_217 : memref<128xi32, #tpu.memory_space<vmem>>) semaphore(%run_scoped3A_214 : memref<!tpu.dma_semaphore, #tpu.memory_space<semaphore_mem>>) {add = true}
          %dma_wait3A_221 = arith.constant 0 : i32
          %dma_wait3A_222 = tpu.memref_slice %arg9[%add3A_199, %dma_wait3A_221] : memref<16x128xi32, #tpu.memory_space<vmem>> -> memref<1x128xi32, #tpu.memory_space<vmem>>
          %dma_wait3A_223 = tpu.memref_squeeze %dma_wait3A_222 : memref<1x128xi32, #tpu.memory_space<vmem>> -> memref<128xi32, #tpu.memory_space<vmem>>
          %dma_wait3A_224 = arith.constant 0 : i32
          %dma_wait3A_225 = arith.constant 0 : i32
          %dma_wait3A_226 = tpu.memref_slice %arg13[%dma_wait3A_224, %dma_wait3A_225] : memref<10240x128xf32, #tpu.memory_space<vmem_shared>> -> memref<10240x128xf32, #tpu.memory_space<vmem_shared>>
          tpu.wait_indirect_dma semaphore(%run_scoped3A_214 : memref<!tpu.dma_semaphore, #tpu.memory_space<semaphore_mem>>) src(%arg12 : memref<128x128xf32, #tpu.memory_space<vmem>>) dst(%dma_wait3A_226 : memref<10240x128xf32, #tpu.memory_space<vmem_shared>>)
          tpu.yield
        }) : () -> ()
        %add3A_206 = arith.constant 2 : i32
        %add3A_207 = arith.addi %add3A_199, %add3A_206 : i32
        %dma_start3A_208 = arith.constant 0 : i32
        %dma_start3A_209 = tpu.memref_slice %arg7[%add3A_207, %dma_start3A_208] : memref<16x128xi32, #tpu.memory_space<vmem>> -> memref<1x128xi32, #tpu.memory_space<vmem>>
        %dma_start3A_210 = tpu.memref_squeeze %dma_start3A_209 : memref<1x128xi32, #tpu.memory_space<vmem>> -> memref<128xi32, #tpu.memory_space<vmem>>
        %dma_start3A_211 = arith.constant 0 : i32
        %dma_start3A_212 = arith.constant 0 : i32
        %dma_start3A_213 = tpu.memref_slice %arg2[%dma_start3A_211, %dma_start3A_212] : memref<10240x128xf32, #tpu.memory_space<hbm>> -> memref<10240x128xf32, #tpu.memory_space<hbm>>
        tpu.enqueue_indirect_dma source(%dma_start3A_213 : memref<10240x128xf32, #tpu.memory_space<hbm>>) target(%arg12 : memref<128x128xf32, #tpu.memory_space<vmem>>) offsets(%dma_start3A_210 : memref<128xi32, #tpu.memory_space<vmem>>) semaphore(%arg15 : memref<!tpu.dma_semaphore, #tpu.memory_space<semaphore_mem>>)
      }
      %scan3A_101 = arith.constant 7 : i32
      %dma_wait3A_102 = arith.constant 14 : i32
      %dma_wait3A_103 = arith.constant 0 : i32
      %dma_wait3A_104 = tpu.memref_slice %arg7[%dma_wait3A_102, %dma_wait3A_103] : memref<16x128xi32, #tpu.memory_space<vmem>> -> memref<1x128xi32, #tpu.memory_space<vmem>>
      %dma_wait3A_105 = tpu.memref_squeeze %dma_wait3A_104 : memref<1x128xi32, #tpu.memory_space<vmem>> -> memref<128xi32, #tpu.memory_space<vmem>>
      %dma_wait3A_106 = arith.constant 0 : i32
      %dma_wait3A_107 = arith.constant 0 : i32
      %dma_wait3A_108 = tpu.memref_slice %arg2[%dma_wait3A_106, %dma_wait3A_107] : memref<10240x128xf32, #tpu.memory_space<hbm>> -> memref<10240x128xf32, #tpu.memory_space<hbm>>
      tpu.wait_indirect_dma semaphore(%arg14 : memref<!tpu.dma_semaphore, #tpu.memory_space<semaphore_mem>>) src(%dma_wait3A_108 : memref<10240x128xf32, #tpu.memory_space<hbm>>) dst(%arg11 : memref<128x128xf32, #tpu.memory_space<vmem>>)
      %run_scoped3A = arith.constant 14 : i32
      "tpu.region"() ({
        %run_scoped3A_177 = tpu.sem_alloc : memref<!tpu.dma_semaphore, #tpu.memory_space<semaphore_mem>>
        %dma_start3A_178 = arith.constant 0 : i32
        %dma_start3A_179 = tpu.memref_slice %arg9[%run_scoped3A, %dma_start3A_178] : memref<16x128xi32, #tpu.memory_space<vmem>> -> memref<1x128xi32, #tpu.memory_space<vmem>>
        %dma_start3A_180 = tpu.memref_squeeze %dma_start3A_179 : memref<1x128xi32, #tpu.memory_space<vmem>> -> memref<128xi32, #tpu.memory_space<vmem>>
        %dma_start3A_181 = arith.constant 0 : i32
        %dma_start3A_182 = arith.constant 0 : i32
        %dma_start3A_183 = tpu.memref_slice %arg13[%dma_start3A_181, %dma_start3A_182] : memref<10240x128xf32, #tpu.memory_space<vmem_shared>> -> memref<10240x128xf32, #tpu.memory_space<vmem_shared>>
        tpu.enqueue_indirect_dma source(%arg11 : memref<128x128xf32, #tpu.memory_space<vmem>>) target(%dma_start3A_183 : memref<10240x128xf32, #tpu.memory_space<vmem_shared>>) offsets(%dma_start3A_180 : memref<128xi32, #tpu.memory_space<vmem>>) semaphore(%run_scoped3A_177 : memref<!tpu.dma_semaphore, #tpu.memory_space<semaphore_mem>>) {add = true}
        %dma_wait3A_184 = arith.constant 0 : i32
        %dma_wait3A_185 = tpu.memref_slice %arg9[%run_scoped3A, %dma_wait3A_184] : memref<16x128xi32, #tpu.memory_space<vmem>> -> memref<1x128xi32, #tpu.memory_space<vmem>>
        %dma_wait3A_186 = tpu.memref_squeeze %dma_wait3A_185 : memref<1x128xi32, #tpu.memory_space<vmem>> -> memref<128xi32, #tpu.memory_space<vmem>>
        %dma_wait3A_187 = arith.constant 0 : i32
        %dma_wait3A_188 = arith.constant 0 : i32
        %dma_wait3A_189 = tpu.memref_slice %arg13[%dma_wait3A_187, %dma_wait3A_188] : memref<10240x128xf32, #tpu.memory_space<vmem_shared>> -> memref<10240x128xf32, #tpu.memory_space<vmem_shared>>
        tpu.wait_indirect_dma semaphore(%run_scoped3A_177 : memref<!tpu.dma_semaphore, #tpu.memory_space<semaphore_mem>>) src(%arg11 : memref<128x128xf32, #tpu.memory_space<vmem>>) dst(%dma_wait3A_189 : memref<10240x128xf32, #tpu.memory_space<vmem_shared>>)
        tpu.yield
      }) : () -> ()
      %dma_wait3A_109 = arith.constant 15 : i32
      %dma_wait3A_110 = arith.constant 0 : i32
      %dma_wait3A_111 = tpu.memref_slice %arg7[%dma_wait3A_109, %dma_wait3A_110] : memref<16x128xi32, #tpu.memory_space<vmem>> -> memref<1x128xi32, #tpu.memory_space<vmem>>
      %dma_wait3A_112 = tpu.memref_squeeze %dma_wait3A_111 : memref<1x128xi32, #tpu.memory_space<vmem>> -> memref<128xi32, #tpu.memory_space<vmem>>
      %dma_wait3A_113 = arith.constant 0 : i32
      %dma_wait3A_114 = arith.constant 0 : i32
      %dma_wait3A_115 = tpu.memref_slice %arg2[%dma_wait3A_113, %dma_wait3A_114] : memref<10240x128xf32, #tpu.memory_space<hbm>> -> memref<10240x128xf32, #tpu.memory_space<hbm>>
      tpu.wait_indirect_dma semaphore(%arg15 : memref<!tpu.dma_semaphore, #tpu.memory_space<semaphore_mem>>) src(%dma_wait3A_115 : memref<10240x128xf32, #tpu.memory_space<hbm>>) dst(%arg12 : memref<128x128xf32, #tpu.memory_space<vmem>>)
      %run_scoped3A_116 = arith.constant 15 : i32
      "tpu.region"() ({
        %run_scoped3A_177 = tpu.sem_alloc : memref<!tpu.dma_semaphore, #tpu.memory_space<semaphore_mem>>
        %dma_start3A_178 = arith.constant 0 : i32
        %dma_start3A_179 = tpu.memref_slice %arg9[%run_scoped3A_116, %dma_start3A_178] : memref<16x128xi32, #tpu.memory_space<vmem>> -> memref<1x128xi32, #tpu.memory_space<vmem>>
        %dma_start3A_180 = tpu.memref_squeeze %dma_start3A_179 : memref<1x128xi32, #tpu.memory_space<vmem>> -> memref<128xi32, #tpu.memory_space<vmem>>
        %dma_start3A_181 = arith.constant 0 : i32
        %dma_start3A_182 = arith.constant 0 : i32
        %dma_start3A_183 = tpu.memref_slice %arg13[%dma_start3A_181, %dma_start3A_182] : memref<10240x128xf32, #tpu.memory_space<vmem_shared>> -> memref<10240x128xf32, #tpu.memory_space<vmem_shared>>
        tpu.enqueue_indirect_dma source(%arg12 : memref<128x128xf32, #tpu.memory_space<vmem>>) target(%dma_start3A_183 : memref<10240x128xf32, #tpu.memory_space<vmem_shared>>) offsets(%dma_start3A_180 : memref<128xi32, #tpu.memory_space<vmem>>) semaphore(%run_scoped3A_177 : memref<!tpu.dma_semaphore, #tpu.memory_space<semaphore_mem>>) {add = true}
        %dma_wait3A_184 = arith.constant 0 : i32
        %dma_wait3A_185 = tpu.memref_slice %arg9[%run_scoped3A_116, %dma_wait3A_184] : memref<16x128xi32, #tpu.memory_space<vmem>> -> memref<1x128xi32, #tpu.memory_space<vmem>>
        %dma_wait3A_186 = tpu.memref_squeeze %dma_wait3A_185 : memref<1x128xi32, #tpu.memory_space<vmem>> -> memref<128xi32, #tpu.memory_space<vmem>>
        %dma_wait3A_187 = arith.constant 0 : i32
        %dma_wait3A_188 = arith.constant 0 : i32
        %dma_wait3A_189 = tpu.memref_slice %arg13[%dma_wait3A_187, %dma_wait3A_188] : memref<10240x128xf32, #tpu.memory_space<vmem_shared>> -> memref<10240x128xf32, #tpu.memory_space<vmem_shared>>
        tpu.wait_indirect_dma semaphore(%run_scoped3A_177 : memref<!tpu.dma_semaphore, #tpu.memory_space<semaphore_mem>>) src(%arg12 : memref<128x128xf32, #tpu.memory_space<vmem>>) dst(%dma_wait3A_189 : memref<10240x128xf32, #tpu.memory_space<vmem_shared>>)
        tpu.yield
      }) : () -> ()
      %add3A_117 = arith.constant 2 : i32
      %add3A_118 = arith.addi %add3A_72, %add3A_117 : i32
      %lt3A = arith.cmpi slt, %add3A_118, %select_n3A_8 : i32
      %convert_element_type3A = arith.extui %lt3A : i1 to i32
      %cond3A = arith.constant 0 : i32
      %cond3A_119 = arith.cmpi ne, %convert_element_type3A, %cond3A : i32
      scf.if %cond3A_119 {
        %add3A_177 = arith.constant 2 : i32
        %add3A_178 = arith.addi %add3A_72, %add3A_177 : i32
        %mul3A_179 = arith.constant 16 : i32
        %mul3A_180 = arith.muli %add3A_178, %mul3A_179 : i32
        %add3A_181 = arith.addi %select_n3A, %mul3A_180 : i32
        %dma_start3A_182 = arith.constant 0 : i32
        %dma_start3A_183 = tpu.memref_slice %arg3[%add3A_181, %dma_start3A_182] : memref<2560x128xi32, #tpu.memory_space<hbm>> -> memref<16x128xi32, #tpu.memory_space<hbm>>
        %dma_start3A_184 = arith.constant 0 : i32
        %dma_start3A_185 = tpu.memref_slice %arg3[%add3A_181, %dma_start3A_184] : memref<2560x128xi32, #tpu.memory_space<hbm>> -> memref<16x128xi32, #tpu.memory_space<hbm>>
        tpu.enqueue_dma source(%dma_start3A_185 : memref<16x128xi32, #tpu.memory_space<hbm>>) target(%arg7 : memref<16x128xi32, #tpu.memory_space<vmem>>) target_semaphore(%arg16 : memref<!tpu.dma_semaphore, #tpu.memory_space<semaphore_mem>>)
        %dma_start3A_186 = arith.constant 0 : i32
        %dma_start3A_187 = tpu.memref_slice %arg4[%add3A_181, %dma_start3A_186] : memref<2560x128xi32, #tpu.memory_space<hbm>> -> memref<16x128xi32, #tpu.memory_space<hbm>>
        %dma_start3A_188 = arith.constant 0 : i32
        %dma_start3A_189 = tpu.memref_slice %arg4[%add3A_181, %dma_start3A_188] : memref<2560x128xi32, #tpu.memory_space<hbm>> -> memref<16x128xi32, #tpu.memory_space<hbm>>
        tpu.enqueue_dma source(%dma_start3A_189 : memref<16x128xi32, #tpu.memory_space<hbm>>) target(%arg9 : memref<16x128xi32, #tpu.memory_space<vmem>>) target_semaphore(%arg16 : memref<!tpu.dma_semaphore, #tpu.memory_space<semaphore_mem>>)
      } else {
      }
      %mul3A_120 = arith.constant 2 : i32
      %mul3A_121 = arith.muli %mul3A_120, %while3A_68 : i32
      %add3A_122 = arith.constant 1 : i32
      %add3A_123 = arith.addi %mul3A_121, %add3A_122 : i32
      %mul3A_124 = arith.constant 16 : i32
      %mul3A_125 = arith.muli %add3A_123, %mul3A_124 : i32
      %add3A_126 = arith.addi %select_n3A, %mul3A_125 : i32
      %dma_wait3A_127 = arith.constant 0 : i32
      %dma_wait3A_128 = tpu.memref_slice %arg3[%add3A_126, %dma_wait3A_127] : memref<2560x128xi32, #tpu.memory_space<hbm>> -> memref<16x128xi32, #tpu.memory_space<hbm>>
      %dma_wait3A_129 = arith.constant 0 : i32
      %dma_wait3A_130 = tpu.memref_slice %arg3[%add3A_126, %dma_wait3A_129] : memref<2560x128xi32, #tpu.memory_space<hbm>> -> memref<16x128xi32, #tpu.memory_space<hbm>>
      tpu.wait_dma2 semaphore(%arg17 : memref<!tpu.dma_semaphore, #tpu.memory_space<semaphore_mem>>) src(%dma_wait3A_130 : memref<16x128xi32, #tpu.memory_space<hbm>>) dst(%arg8 : memref<16x128xi32, #tpu.memory_space<vmem>>)
      %dma_wait3A_131 = arith.constant 0 : i32
      %dma_wait3A_132 = tpu.memref_slice %arg4[%add3A_126, %dma_wait3A_131] : memref<2560x128xi32, #tpu.memory_space<hbm>> -> memref<16x128xi32, #tpu.memory_space<hbm>>
      %dma_wait3A_133 = arith.constant 0 : i32
      %dma_wait3A_134 = tpu.memref_slice %arg4[%add3A_126, %dma_wait3A_133] : memref<2560x128xi32, #tpu.memory_space<hbm>> -> memref<16x128xi32, #tpu.memory_space<hbm>>
      tpu.wait_dma2 semaphore(%arg17 : memref<!tpu.dma_semaphore, #tpu.memory_space<semaphore_mem>>) src(%dma_wait3A_134 : memref<16x128xi32, #tpu.memory_space<hbm>>) dst(%arg10 : memref<16x128xi32, #tpu.memory_space<vmem>>)
      %dma_start3A_135 = arith.constant 0 : i32
      %dma_start3A_136 = arith.constant 0 : i32
      %dma_start3A_137 = tpu.memref_slice %arg8[%dma_start3A_135, %dma_start3A_136] : memref<16x128xi32, #tpu.memory_space<vmem>> -> memref<1x128xi32, #tpu.memory_space<vmem>>
      %dma_start3A_138 = tpu.memref_squeeze %dma_start3A_137 : memref<1x128xi32, #tpu.memory_space<vmem>> -> memref<128xi32, #tpu.memory_space<vmem>>
      %dma_start3A_139 = arith.constant 0 : i32
      %dma_start3A_140 = arith.constant 0 : i32
      %dma_start3A_141 = tpu.memref_slice %arg2[%dma_start3A_139, %dma_start3A_140] : memref<10240x128xf32, #tpu.memory_space<hbm>> -> memref<10240x128xf32, #tpu.memory_space<hbm>>
      tpu.enqueue_indirect_dma source(%dma_start3A_141 : memref<10240x128xf32, #tpu.memory_space<hbm>>) target(%arg11 : memref<128x128xf32, #tpu.memory_space<vmem>>) offsets(%dma_start3A_138 : memref<128xi32, #tpu.memory_space<vmem>>) semaphore(%arg14 : memref<!tpu.dma_semaphore, #tpu.memory_space<semaphore_mem>>)
      %dma_start3A_142 = arith.constant 1 : i32
      %dma_start3A_143 = arith.constant 0 : i32
      %dma_start3A_144 = tpu.memref_slice %arg8[%dma_start3A_142, %dma_start3A_143] : memref<16x128xi32, #tpu.memory_space<vmem>> -> memref<1x128xi32, #tpu.memory_space<vmem>>
      %dma_start3A_145 = tpu.memref_squeeze %dma_start3A_144 : memref<1x128xi32, #tpu.memory_space<vmem>> -> memref<128xi32, #tpu.memory_space<vmem>>
      %dma_start3A_146 = arith.constant 0 : i32
      %dma_start3A_147 = arith.constant 0 : i32
      %dma_start3A_148 = tpu.memref_slice %arg2[%dma_start3A_146, %dma_start3A_147] : memref<10240x128xf32, #tpu.memory_space<hbm>> -> memref<10240x128xf32, #tpu.memory_space<hbm>>
      tpu.enqueue_indirect_dma source(%dma_start3A_148 : memref<10240x128xf32, #tpu.memory_space<hbm>>) target(%arg12 : memref<128x128xf32, #tpu.memory_space<vmem>>) offsets(%dma_start3A_145 : memref<128xi32, #tpu.memory_space<vmem>>) semaphore(%arg15 : memref<!tpu.dma_semaphore, #tpu.memory_space<semaphore_mem>>)
      %scan3A_149 = arith.constant 0 : i32
      %scan3A_150 = arith.constant 0 : i32
      %scan3A_151 = arith.constant 7 : i32
      %scan3A_152 = arith.addi %scan3A_150, %scan3A_151 : i32
      %scan3A_153 = arith.constant 1 : i32
      scf.for %scan3A_177 = %scan3A_150 to %scan3A_152 step %scan3A_153  : i32 {
        %mul3A_178 = arith.constant 2 : i32
        %mul3A_179 = arith.muli %mul3A_178, %scan3A_177 : i32
        %add3A_180 = arith.constant 0 : i32
        %add3A_181 = arith.addi %mul3A_179, %add3A_180 : i32
        %dma_wait3A_182 = arith.constant 0 : i32
        %dma_wait3A_183 = tpu.memref_slice %arg8[%add3A_181, %dma_wait3A_182] : memref<16x128xi32, #tpu.memory_space<vmem>> -> memref<1x128xi32, #tpu.memory_space<vmem>>
        %dma_wait3A_184 = tpu.memref_squeeze %dma_wait3A_183 : memref<1x128xi32, #tpu.memory_space<vmem>> -> memref<128xi32, #tpu.memory_space<vmem>>
        %dma_wait3A_185 = arith.constant 0 : i32
        %dma_wait3A_186 = arith.constant 0 : i32
        %dma_wait3A_187 = tpu.memref_slice %arg2[%dma_wait3A_185, %dma_wait3A_186] : memref<10240x128xf32, #tpu.memory_space<hbm>> -> memref<10240x128xf32, #tpu.memory_space<hbm>>
        tpu.wait_indirect_dma semaphore(%arg14 : memref<!tpu.dma_semaphore, #tpu.memory_space<semaphore_mem>>) src(%dma_wait3A_187 : memref<10240x128xf32, #tpu.memory_space<hbm>>) dst(%arg11 : memref<128x128xf32, #tpu.memory_space<vmem>>)
        "tpu.region"() ({
          %run_scoped3A_214 = tpu.sem_alloc : memref<!tpu.dma_semaphore, #tpu.memory_space<semaphore_mem>>
          %dma_start3A_215 = arith.constant 0 : i32
          %dma_start3A_216 = tpu.memref_slice %arg10[%add3A_181, %dma_start3A_215] : memref<16x128xi32, #tpu.memory_space<vmem>> -> memref<1x128xi32, #tpu.memory_space<vmem>>
          %dma_start3A_217 = tpu.memref_squeeze %dma_start3A_216 : memref<1x128xi32, #tpu.memory_space<vmem>> -> memref<128xi32, #tpu.memory_space<vmem>>
          %dma_start3A_218 = arith.constant 0 : i32
          %dma_start3A_219 = arith.constant 0 : i32
          %dma_start3A_220 = tpu.memref_slice %arg13[%dma_start3A_218, %dma_start3A_219] : memref<10240x128xf32, #tpu.memory_space<vmem_shared>> -> memref<10240x128xf32, #tpu.memory_space<vmem_shared>>
          tpu.enqueue_indirect_dma source(%arg11 : memref<128x128xf32, #tpu.memory_space<vmem>>) target(%dma_start3A_220 : memref<10240x128xf32, #tpu.memory_space<vmem_shared>>) offsets(%dma_start3A_217 : memref<128xi32, #tpu.memory_space<vmem>>) semaphore(%run_scoped3A_214 : memref<!tpu.dma_semaphore, #tpu.memory_space<semaphore_mem>>) {add = true}
          %dma_wait3A_221 = arith.constant 0 : i32
          %dma_wait3A_222 = tpu.memref_slice %arg10[%add3A_181, %dma_wait3A_221] : memref<16x128xi32, #tpu.memory_space<vmem>> -> memref<1x128xi32, #tpu.memory_space<vmem>>
          %dma_wait3A_223 = tpu.memref_squeeze %dma_wait3A_222 : memref<1x128xi32, #tpu.memory_space<vmem>> -> memref<128xi32, #tpu.memory_space<vmem>>
          %dma_wait3A_224 = arith.constant 0 : i32
          %dma_wait3A_225 = arith.constant 0 : i32
          %dma_wait3A_226 = tpu.memref_slice %arg13[%dma_wait3A_224, %dma_wait3A_225] : memref<10240x128xf32, #tpu.memory_space<vmem_shared>> -> memref<10240x128xf32, #tpu.memory_space<vmem_shared>>
          tpu.wait_indirect_dma semaphore(%run_scoped3A_214 : memref<!tpu.dma_semaphore, #tpu.memory_space<semaphore_mem>>) src(%arg11 : memref<128x128xf32, #tpu.memory_space<vmem>>) dst(%dma_wait3A_226 : memref<10240x128xf32, #tpu.memory_space<vmem_shared>>)
          tpu.yield
        }) : () -> ()
        %add3A_188 = arith.constant 2 : i32
        %add3A_189 = arith.addi %add3A_181, %add3A_188 : i32
        %dma_start3A_190 = arith.constant 0 : i32
        %dma_start3A_191 = tpu.memref_slice %arg8[%add3A_189, %dma_start3A_190] : memref<16x128xi32, #tpu.memory_space<vmem>> -> memref<1x128xi32, #tpu.memory_space<vmem>>
        %dma_start3A_192 = tpu.memref_squeeze %dma_start3A_191 : memref<1x128xi32, #tpu.memory_space<vmem>> -> memref<128xi32, #tpu.memory_space<vmem>>
        %dma_start3A_193 = arith.constant 0 : i32
        %dma_start3A_194 = arith.constant 0 : i32
        %dma_start3A_195 = tpu.memref_slice %arg2[%dma_start3A_193, %dma_start3A_194] : memref<10240x128xf32, #tpu.memory_space<hbm>> -> memref<10240x128xf32, #tpu.memory_space<hbm>>
        tpu.enqueue_indirect_dma source(%dma_start3A_195 : memref<10240x128xf32, #tpu.memory_space<hbm>>) target(%arg11 : memref<128x128xf32, #tpu.memory_space<vmem>>) offsets(%dma_start3A_192 : memref<128xi32, #tpu.memory_space<vmem>>) semaphore(%arg14 : memref<!tpu.dma_semaphore, #tpu.memory_space<semaphore_mem>>)
        %mul3A_196 = arith.constant 2 : i32
        %mul3A_197 = arith.muli %mul3A_196, %scan3A_177 : i32
        %add3A_198 = arith.constant 1 : i32
        %add3A_199 = arith.addi %mul3A_197, %add3A_198 : i32
        %dma_wait3A_200 = arith.constant 0 : i32
        %dma_wait3A_201 = tpu.memref_slice %arg8[%add3A_199, %dma_wait3A_200] : memref<16x128xi32, #tpu.memory_space<vmem>> -> memref<1x128xi32, #tpu.memory_space<vmem>>
        %dma_wait3A_202 = tpu.memref_squeeze %dma_wait3A_201 : memref<1x128xi32, #tpu.memory_space<vmem>> -> memref<128xi32, #tpu.memory_space<vmem>>
        %dma_wait3A_203 = arith.constant 0 : i32
        %dma_wait3A_204 = arith.constant 0 : i32
        %dma_wait3A_205 = tpu.memref_slice %arg2[%dma_wait3A_203, %dma_wait3A_204] : memref<10240x128xf32, #tpu.memory_space<hbm>> -> memref<10240x128xf32, #tpu.memory_space<hbm>>
        tpu.wait_indirect_dma semaphore(%arg15 : memref<!tpu.dma_semaphore, #tpu.memory_space<semaphore_mem>>) src(%dma_wait3A_205 : memref<10240x128xf32, #tpu.memory_space<hbm>>) dst(%arg12 : memref<128x128xf32, #tpu.memory_space<vmem>>)
        "tpu.region"() ({
          %run_scoped3A_214 = tpu.sem_alloc : memref<!tpu.dma_semaphore, #tpu.memory_space<semaphore_mem>>
          %dma_start3A_215 = arith.constant 0 : i32
          %dma_start3A_216 = tpu.memref_slice %arg10[%add3A_199, %dma_start3A_215] : memref<16x128xi32, #tpu.memory_space<vmem>> -> memref<1x128xi32, #tpu.memory_space<vmem>>
          %dma_start3A_217 = tpu.memref_squeeze %dma_start3A_216 : memref<1x128xi32, #tpu.memory_space<vmem>> -> memref<128xi32, #tpu.memory_space<vmem>>
          %dma_start3A_218 = arith.constant 0 : i32
          %dma_start3A_219 = arith.constant 0 : i32
          %dma_start3A_220 = tpu.memref_slice %arg13[%dma_start3A_218, %dma_start3A_219] : memref<10240x128xf32, #tpu.memory_space<vmem_shared>> -> memref<10240x128xf32, #tpu.memory_space<vmem_shared>>
          tpu.enqueue_indirect_dma source(%arg12 : memref<128x128xf32, #tpu.memory_space<vmem>>) target(%dma_start3A_220 : memref<10240x128xf32, #tpu.memory_space<vmem_shared>>) offsets(%dma_start3A_217 : memref<128xi32, #tpu.memory_space<vmem>>) semaphore(%run_scoped3A_214 : memref<!tpu.dma_semaphore, #tpu.memory_space<semaphore_mem>>) {add = true}
          %dma_wait3A_221 = arith.constant 0 : i32
          %dma_wait3A_222 = tpu.memref_slice %arg10[%add3A_199, %dma_wait3A_221] : memref<16x128xi32, #tpu.memory_space<vmem>> -> memref<1x128xi32, #tpu.memory_space<vmem>>
          %dma_wait3A_223 = tpu.memref_squeeze %dma_wait3A_222 : memref<1x128xi32, #tpu.memory_space<vmem>> -> memref<128xi32, #tpu.memory_space<vmem>>
          %dma_wait3A_224 = arith.constant 0 : i32
          %dma_wait3A_225 = arith.constant 0 : i32
          %dma_wait3A_226 = tpu.memref_slice %arg13[%dma_wait3A_224, %dma_wait3A_225] : memref<10240x128xf32, #tpu.memory_space<vmem_shared>> -> memref<10240x128xf32, #tpu.memory_space<vmem_shared>>
          tpu.wait_indirect_dma semaphore(%run_scoped3A_214 : memref<!tpu.dma_semaphore, #tpu.memory_space<semaphore_mem>>) src(%arg12 : memref<128x128xf32, #tpu.memory_space<vmem>>) dst(%dma_wait3A_226 : memref<10240x128xf32, #tpu.memory_space<vmem_shared>>)
          tpu.yield
        }) : () -> ()
        %add3A_206 = arith.constant 2 : i32
        %add3A_207 = arith.addi %add3A_199, %add3A_206 : i32
        %dma_start3A_208 = arith.constant 0 : i32
        %dma_start3A_209 = tpu.memref_slice %arg8[%add3A_207, %dma_start3A_208] : memref<16x128xi32, #tpu.memory_space<vmem>> -> memref<1x128xi32, #tpu.memory_space<vmem>>
        %dma_start3A_210 = tpu.memref_squeeze %dma_start3A_209 : memref<1x128xi32, #tpu.memory_space<vmem>> -> memref<128xi32, #tpu.memory_space<vmem>>
        %dma_start3A_211 = arith.constant 0 : i32
        %dma_start3A_212 = arith.constant 0 : i32
        %dma_start3A_213 = tpu.memref_slice %arg2[%dma_start3A_211, %dma_start3A_212] : memref<10240x128xf32, #tpu.memory_space<hbm>> -> memref<10240x128xf32, #tpu.memory_space<hbm>>
        tpu.enqueue_indirect_dma source(%dma_start3A_213 : memref<10240x128xf32, #tpu.memory_space<hbm>>) target(%arg12 : memref<128x128xf32, #tpu.memory_space<vmem>>) offsets(%dma_start3A_210 : memref<128xi32, #tpu.memory_space<vmem>>) semaphore(%arg15 : memref<!tpu.dma_semaphore, #tpu.memory_space<semaphore_mem>>)
      }
      %scan3A_154 = arith.constant 7 : i32
      %dma_wait3A_155 = arith.constant 14 : i32
      %dma_wait3A_156 = arith.constant 0 : i32
      %dma_wait3A_157 = tpu.memref_slice %arg8[%dma_wait3A_155, %dma_wait3A_156] : memref<16x128xi32, #tpu.memory_space<vmem>> -> memref<1x128xi32, #tpu.memory_space<vmem>>
      %dma_wait3A_158 = tpu.memref_squeeze %dma_wait3A_157 : memref<1x128xi32, #tpu.memory_space<vmem>> -> memref<128xi32, #tpu.memory_space<vmem>>
      %dma_wait3A_159 = arith.constant 0 : i32
      %dma_wait3A_160 = arith.constant 0 : i32
      %dma_wait3A_161 = tpu.memref_slice %arg2[%dma_wait3A_159, %dma_wait3A_160] : memref<10240x128xf32, #tpu.memory_space<hbm>> -> memref<10240x128xf32, #tpu.memory_space<hbm>>
      tpu.wait_indirect_dma semaphore(%arg14 : memref<!tpu.dma_semaphore, #tpu.memory_space<semaphore_mem>>) src(%dma_wait3A_161 : memref<10240x128xf32, #tpu.memory_space<hbm>>) dst(%arg11 : memref<128x128xf32, #tpu.memory_space<vmem>>)
      %run_scoped3A_162 = arith.constant 14 : i32
      "tpu.region"() ({
        %run_scoped3A_177 = tpu.sem_alloc : memref<!tpu.dma_semaphore, #tpu.memory_space<semaphore_mem>>
        %dma_start3A_178 = arith.constant 0 : i32
        %dma_start3A_179 = tpu.memref_slice %arg10[%run_scoped3A_162, %dma_start3A_178] : memref<16x128xi32, #tpu.memory_space<vmem>> -> memref<1x128xi32, #tpu.memory_space<vmem>>
        %dma_start3A_180 = tpu.memref_squeeze %dma_start3A_179 : memref<1x128xi32, #tpu.memory_space<vmem>> -> memref<128xi32, #tpu.memory_space<vmem>>
        %dma_start3A_181 = arith.constant 0 : i32
        %dma_start3A_182 = arith.constant 0 : i32
        %dma_start3A_183 = tpu.memref_slice %arg13[%dma_start3A_181, %dma_start3A_182] : memref<10240x128xf32, #tpu.memory_space<vmem_shared>> -> memref<10240x128xf32, #tpu.memory_space<vmem_shared>>
        tpu.enqueue_indirect_dma source(%arg11 : memref<128x128xf32, #tpu.memory_space<vmem>>) target(%dma_start3A_183 : memref<10240x128xf32, #tpu.memory_space<vmem_shared>>) offsets(%dma_start3A_180 : memref<128xi32, #tpu.memory_space<vmem>>) semaphore(%run_scoped3A_177 : memref<!tpu.dma_semaphore, #tpu.memory_space<semaphore_mem>>) {add = true}
        %dma_wait3A_184 = arith.constant 0 : i32
        %dma_wait3A_185 = tpu.memref_slice %arg10[%run_scoped3A_162, %dma_wait3A_184] : memref<16x128xi32, #tpu.memory_space<vmem>> -> memref<1x128xi32, #tpu.memory_space<vmem>>
        %dma_wait3A_186 = tpu.memref_squeeze %dma_wait3A_185 : memref<1x128xi32, #tpu.memory_space<vmem>> -> memref<128xi32, #tpu.memory_space<vmem>>
        %dma_wait3A_187 = arith.constant 0 : i32
        %dma_wait3A_188 = arith.constant 0 : i32
        %dma_wait3A_189 = tpu.memref_slice %arg13[%dma_wait3A_187, %dma_wait3A_188] : memref<10240x128xf32, #tpu.memory_space<vmem_shared>> -> memref<10240x128xf32, #tpu.memory_space<vmem_shared>>
        tpu.wait_indirect_dma semaphore(%run_scoped3A_177 : memref<!tpu.dma_semaphore, #tpu.memory_space<semaphore_mem>>) src(%arg11 : memref<128x128xf32, #tpu.memory_space<vmem>>) dst(%dma_wait3A_189 : memref<10240x128xf32, #tpu.memory_space<vmem_shared>>)
        tpu.yield
      }) : () -> ()
      %dma_wait3A_163 = arith.constant 15 : i32
      %dma_wait3A_164 = arith.constant 0 : i32
      %dma_wait3A_165 = tpu.memref_slice %arg8[%dma_wait3A_163, %dma_wait3A_164] : memref<16x128xi32, #tpu.memory_space<vmem>> -> memref<1x128xi32, #tpu.memory_space<vmem>>
      %dma_wait3A_166 = tpu.memref_squeeze %dma_wait3A_165 : memref<1x128xi32, #tpu.memory_space<vmem>> -> memref<128xi32, #tpu.memory_space<vmem>>
      %dma_wait3A_167 = arith.constant 0 : i32
      %dma_wait3A_168 = arith.constant 0 : i32
      %dma_wait3A_169 = tpu.memref_slice %arg2[%dma_wait3A_167, %dma_wait3A_168] : memref<10240x128xf32, #tpu.memory_space<hbm>> -> memref<10240x128xf32, #tpu.memory_space<hbm>>
      tpu.wait_indirect_dma semaphore(%arg15 : memref<!tpu.dma_semaphore, #tpu.memory_space<semaphore_mem>>) src(%dma_wait3A_169 : memref<10240x128xf32, #tpu.memory_space<hbm>>) dst(%arg12 : memref<128x128xf32, #tpu.memory_space<vmem>>)
      %run_scoped3A_170 = arith.constant 15 : i32
      "tpu.region"() ({
        %run_scoped3A_177 = tpu.sem_alloc : memref<!tpu.dma_semaphore, #tpu.memory_space<semaphore_mem>>
        %dma_start3A_178 = arith.constant 0 : i32
        %dma_start3A_179 = tpu.memref_slice %arg10[%run_scoped3A_170, %dma_start3A_178] : memref<16x128xi32, #tpu.memory_space<vmem>> -> memref<1x128xi32, #tpu.memory_space<vmem>>
        %dma_start3A_180 = tpu.memref_squeeze %dma_start3A_179 : memref<1x128xi32, #tpu.memory_space<vmem>> -> memref<128xi32, #tpu.memory_space<vmem>>
        %dma_start3A_181 = arith.constant 0 : i32
        %dma_start3A_182 = arith.constant 0 : i32
        %dma_start3A_183 = tpu.memref_slice %arg13[%dma_start3A_181, %dma_start3A_182] : memref<10240x128xf32, #tpu.memory_space<vmem_shared>> -> memref<10240x128xf32, #tpu.memory_space<vmem_shared>>
        tpu.enqueue_indirect_dma source(%arg12 : memref<128x128xf32, #tpu.memory_space<vmem>>) target(%dma_start3A_183 : memref<10240x128xf32, #tpu.memory_space<vmem_shared>>) offsets(%dma_start3A_180 : memref<128xi32, #tpu.memory_space<vmem>>) semaphore(%run_scoped3A_177 : memref<!tpu.dma_semaphore, #tpu.memory_space<semaphore_mem>>) {add = true}
        %dma_wait3A_184 = arith.constant 0 : i32
        %dma_wait3A_185 = tpu.memref_slice %arg10[%run_scoped3A_170, %dma_wait3A_184] : memref<16x128xi32, #tpu.memory_space<vmem>> -> memref<1x128xi32, #tpu.memory_space<vmem>>
        %dma_wait3A_186 = tpu.memref_squeeze %dma_wait3A_185 : memref<1x128xi32, #tpu.memory_space<vmem>> -> memref<128xi32, #tpu.memory_space<vmem>>
        %dma_wait3A_187 = arith.constant 0 : i32
        %dma_wait3A_188 = arith.constant 0 : i32
        %dma_wait3A_189 = tpu.memref_slice %arg13[%dma_wait3A_187, %dma_wait3A_188] : memref<10240x128xf32, #tpu.memory_space<vmem_shared>> -> memref<10240x128xf32, #tpu.memory_space<vmem_shared>>
        tpu.wait_indirect_dma semaphore(%run_scoped3A_177 : memref<!tpu.dma_semaphore, #tpu.memory_space<semaphore_mem>>) src(%arg12 : memref<128x128xf32, #tpu.memory_space<vmem>>) dst(%dma_wait3A_189 : memref<10240x128xf32, #tpu.memory_space<vmem_shared>>)
        tpu.yield
      }) : () -> ()
      %add3A_171 = arith.constant 2 : i32
      %add3A_172 = arith.addi %add3A_123, %add3A_171 : i32
      %lt3A_173 = arith.cmpi slt, %add3A_172, %select_n3A_8 : i32
      %convert_element_type3A_174 = arith.extui %lt3A_173 : i1 to i32
      %cond3A_175 = arith.constant 0 : i32
      %cond3A_176 = arith.cmpi ne, %convert_element_type3A_174, %cond3A_175 : i32
      scf.if %cond3A_176 {
        %add3A_177 = arith.constant 2 : i32
        %add3A_178 = arith.addi %add3A_123, %add3A_177 : i32
        %mul3A_179 = arith.constant 16 : i32
        %mul3A_180 = arith.muli %add3A_178, %mul3A_179 : i32
        %add3A_181 = arith.addi %select_n3A, %mul3A_180 : i32
        %dma_start3A_182 = arith.constant 0 : i32
        %dma_start3A_183 = tpu.memref_slice %arg3[%add3A_181, %dma_start3A_182] : memref<2560x128xi32, #tpu.memory_space<hbm>> -> memref<16x128xi32, #tpu.memory_space<hbm>>
        %dma_start3A_184 = arith.constant 0 : i32
        %dma_start3A_185 = tpu.memref_slice %arg3[%add3A_181, %dma_start3A_184] : memref<2560x128xi32, #tpu.memory_space<hbm>> -> memref<16x128xi32, #tpu.memory_space<hbm>>
        tpu.enqueue_dma source(%dma_start3A_185 : memref<16x128xi32, #tpu.memory_space<hbm>>) target(%arg8 : memref<16x128xi32, #tpu.memory_space<vmem>>) target_semaphore(%arg17 : memref<!tpu.dma_semaphore, #tpu.memory_space<semaphore_mem>>)
        %dma_start3A_186 = arith.constant 0 : i32
        %dma_start3A_187 = tpu.memref_slice %arg4[%add3A_181, %dma_start3A_186] : memref<2560x128xi32, #tpu.memory_space<hbm>> -> memref<16x128xi32, #tpu.memory_space<hbm>>
        %dma_start3A_188 = arith.constant 0 : i32
        %dma_start3A_189 = tpu.memref_slice %arg4[%add3A_181, %dma_start3A_188] : memref<2560x128xi32, #tpu.memory_space<hbm>> -> memref<16x128xi32, #tpu.memory_space<hbm>>
        tpu.enqueue_dma source(%dma_start3A_189 : memref<16x128xi32, #tpu.memory_space<hbm>>) target(%arg10 : memref<16x128xi32, #tpu.memory_space<vmem>>) target_semaphore(%arg17 : memref<!tpu.dma_semaphore, #tpu.memory_space<semaphore_mem>>)
      } else {
      }
    }
    %barrier3A_63 = arith.constant 0 : index
    tpu.barrier barrier_id(%barrier3A_63)
    %mul3A_64 = arith.constant 640 : i32
    %mul3A_65 = arith.muli %arg1, %mul3A_64 : i32
    %mul3A_66 = arith.constant 640 : i32
    %mul3A_67 = arith.muli %arg1, %mul3A_66 : i32
    "tpu.region"() ({
      %run_scoped3A = tpu.sem_alloc : memref<!tpu.dma_semaphore, #tpu.memory_space<semaphore_mem>>
      %dma_start3A_68 = arith.constant 0 : i32
      %dma_start3A_69 = tpu.memref_slice %arg6[%arg0, %mul3A_67, %dma_start3A_68] : memref<2x10240x128xf32, #tpu.memory_space<hbm>> -> memref<1x640x128xf32, #tpu.memory_space<hbm>>
      %dma_start3A_70 = tpu.memref_squeeze %dma_start3A_69 : memref<1x640x128xf32, #tpu.memory_space<hbm>> -> memref<640x128xf32, #tpu.memory_space<hbm>>
      %dma_start3A_71 = arith.constant 0 : i32
      %dma_start3A_72 = tpu.memref_slice %arg13[%mul3A_65, %dma_start3A_71] : memref<10240x128xf32, #tpu.memory_space<vmem_shared>> -> memref<640x128xf32, #tpu.memory_space<vmem_shared>>
      tpu.enqueue_dma source(%dma_start3A_72 : memref<640x128xf32, #tpu.memory_space<vmem_shared>>) target(%dma_start3A_70 : memref<640x128xf32, #tpu.memory_space<hbm>>) target_semaphore(%run_scoped3A : memref<!tpu.dma_semaphore, #tpu.memory_space<semaphore_mem>>)
      %dma_wait3A = arith.constant 0 : i32
      %dma_wait3A_73 = tpu.memref_slice %arg6[%arg0, %mul3A_67, %dma_wait3A] : memref<2x10240x128xf32, #tpu.memory_space<hbm>> -> memref<1x640x128xf32, #tpu.memory_space<hbm>>
      %dma_wait3A_74 = tpu.memref_squeeze %dma_wait3A_73 : memref<1x640x128xf32, #tpu.memory_space<hbm>> -> memref<640x128xf32, #tpu.memory_space<hbm>>
      %dma_wait3A_75 = arith.constant 0 : i32
      %dma_wait3A_76 = tpu.memref_slice %arg13[%mul3A_65, %dma_wait3A_75] : memref<10240x128xf32, #tpu.memory_space<vmem_shared>> -> memref<640x128xf32, #tpu.memory_space<vmem_shared>>
      tpu.wait_dma2 semaphore(%run_scoped3A : memref<!tpu.dma_semaphore, #tpu.memory_space<semaphore_mem>>) src(%dma_wait3A_76 : memref<640x128xf32, #tpu.memory_space<vmem_shared>>) dst(%dma_wait3A_74 : memref<640x128xf32, #tpu.memory_space<hbm>>)
      tpu.yield
    }) : () -> ()
    return
  }
}

#map = affine_map<(d0, d1) -> (0, 0)>
#map1 = affine_map<(d0, d1) -> (0, 0, 0)>
module attributes {stable_mosaic.version = 14 : i64} {
  func.func @k(%arg0: i32, %arg1: i32, %arg2: memref<10240x128xf32, #tpu.memory_space<hbm>>, %arg3: memref<2560x128xi32, #tpu.memory_space<hbm>>, %arg4: memref<2560x128xi32, #tpu.memory_space<hbm>>, %arg5: memref<10240x128xf32, #tpu.memory_space<hbm>>, %arg6: memref<2x10240x128xf32, #tpu.memory_space<hbm>>, %arg7: memref<16x128xi32, #tpu.memory_space<vmem>>, %arg8: memref<16x128xi32, #tpu.memory_space<vmem>>, %arg9: memref<16x128xi32, #tpu.memory_space<vmem>>, %arg10: memref<16x128xi32, #tpu.memory_space<vmem>>, %arg11: memref<128x128xf32, #tpu.memory_space<vmem>>, %arg12: memref<128x128xf32, #tpu.memory_space<vmem>>, %arg13: memref<10240x128xf32, #tpu.memory_space<vmem_shared>>, %arg14: memref<!tpu.dma_semaphore, #tpu.memory_space<semaphore_mem>>, %arg15: memref<!tpu.dma_semaphore, #tpu.memory_space<semaphore_mem>>, %arg16: memref<!tpu.dma_semaphore, #tpu.memory_space<semaphore_mem>>, %arg17: memref<!tpu.dma_semaphore, #tpu.memory_space<semaphore_mem>>) attributes {dimension_semantics = [#tpu.dimension_semantics<core_parallel>, #tpu.dimension_semantics<subcore_parallel>], iteration_bounds = array<i64: 2, 16>, scalar_prefetch = 0 : i64, scratch_operands = 11 : i64, tpu.core_type = #tpu.core_type<sc_vector_subcore>, window_params = [{transform_indices = #map}, {transform_indices = #map}, {transform_indices = #map}, {transform_indices = #map}, {transform_indices = #map1}]} {
    %eq3A = arith.constant 0 : i32
    %eq3A_0 = arith.cmpi eq, %arg0, %eq3A : i32
    %mul3A = arith.constant 128 : i32
    %mul3A_1 = arith.muli %arg1, %mul3A : i32
    %mul3A_2 = arith.constant 32 : i32
    %mul3A_3 = arith.muli %arg1, %mul3A_2 : i32
    %add3A = arith.constant 2048 : i32
    %add3A_4 = arith.addi %add3A, %mul3A_3 : i32
    %select_n3A = arith.select %eq3A_0, %mul3A_1, %add3A_4 : i32
    %eq3A_5 = arith.constant 0 : i32
    %eq3A_6 = arith.cmpi eq, %arg0, %eq3A_5 : i32
    %jit3A = arith.constant 8 : i32
    %jit3A_7 = arith.constant 2 : i32
    %select_n3A_8 = arith.select %eq3A_6, %jit3A, %jit3A_7 : i32
    %mul3A_9 = arith.constant 640 : i32
    %mul3A_10 = arith.muli %arg1, %mul3A_9 : i32
    %mul3A_11 = arith.constant 640 : i32
    %mul3A_12 = arith.muli %arg1, %mul3A_11 : i32
    "tpu.region"() ({
      %run_scoped3A = tpu.sem_alloc : memref<!tpu.dma_semaphore, #tpu.memory_space<semaphore_mem>>
      %dma_start3A_68 = arith.constant 0 : i32
      %dma_start3A_69 = tpu.memref_slice %arg13[%mul3A_12, %dma_start3A_68] : memref<10240x128xf32, #tpu.memory_space<vmem_shared>> -> memref<640x128xf32, #tpu.memory_space<vmem_shared>>
      %dma_start3A_70 = arith.constant 0 : i32
      %dma_start3A_71 = tpu.memref_slice %arg5[%mul3A_10, %dma_start3A_70] : memref<10240x128xf32, #tpu.memory_space<hbm>> -> memref<640x128xf32, #tpu.memory_space<hbm>>
      tpu.enqueue_dma source(%dma_start3A_71 : memref<640x128xf32, #tpu.memory_space<hbm>>) target(%dma_start3A_69 : memref<640x128xf32, #tpu.memory_space<vmem_shared>>) target_semaphore(%run_scoped3A : memref<!tpu.dma_semaphore, #tpu.memory_space<semaphore_mem>>)
      %dma_wait3A = arith.constant 0 : i32
      %dma_wait3A_72 = tpu.memref_slice %arg13[%mul3A_12, %dma_wait3A] : memref<10240x128xf32, #tpu.memory_space<vmem_shared>> -> memref<640x128xf32, #tpu.memory_space<vmem_shared>>
      %dma_wait3A_73 = arith.constant 0 : i32
      %dma_wait3A_74 = tpu.memref_slice %arg5[%mul3A_10, %dma_wait3A_73] : memref<10240x128xf32, #tpu.memory_space<hbm>> -> memref<640x128xf32, #tpu.memory_space<hbm>>
      tpu.wait_dma2 semaphore(%run_scoped3A : memref<!tpu.dma_semaphore, #tpu.memory_space<semaphore_mem>>) src(%dma_wait3A_74 : memref<640x128xf32, #tpu.memory_space<hbm>>) dst(%dma_wait3A_72 : memref<640x128xf32, #tpu.memory_space<vmem_shared>>)
      tpu.yield
    }) : () -> ()
    %add3A_13 = arith.constant 0 : i32
    %add3A_14 = arith.addi %select_n3A, %add3A_13 : i32
    %dma_start3A = arith.constant 0 : i32
    %dma_start3A_15 = tpu.memref_slice %arg3[%add3A_14, %dma_start3A] : memref<2560x128xi32, #tpu.memory_space<hbm>> -> memref<16x128xi32, #tpu.memory_space<hbm>>
    %dma_start3A_16 = arith.constant 0 : i32
    %dma_start3A_17 = tpu.memref_slice %arg3[%add3A_14, %dma_start3A_16] : memref<2560x128xi32, #tpu.memory_space<hbm>> -> memref<16x128xi32, #tpu.memory_space<hbm>>
    tpu.enqueue_dma source(%dma_start3A_17 : memref<16x128xi32, #tpu.memory_space<hbm>>) target(%arg7 : memref<16x128xi32, #tpu.memory_space<vmem>>) target_semaphore(%arg16 : memref<!tpu.dma_semaphore, #tpu.memory_space<semaphore_mem>>)
    %add3A_18 = arith.constant 0 : i32
    %add3A_19 = arith.addi %select_n3A, %add3A_18 : i32
    %dma_start3A_20 = arith.constant 0 : i32
    %dma_start3A_21 = tpu.memref_slice %arg4[%add3A_19, %dma_start3A_20] : memref<2560x128xi32, #tpu.memory_space<hbm>> -> memref<16x128xi32, #tpu.memory_space<hbm>>
    %dma_start3A_22 = arith.constant 0 : i32
    %dma_start3A_23 = tpu.memref_slice %arg4[%add3A_19, %dma_start3A_22] : memref<2560x128xi32, #tpu.memory_space<hbm>> -> memref<16x128xi32, #tpu.memory_space<hbm>>
    tpu.enqueue_dma source(%dma_start3A_23 : memref<16x128xi32, #tpu.memory_space<hbm>>) target(%arg9 : memref<16x128xi32, #tpu.memory_space<vmem>>) target_semaphore(%arg16 : memref<!tpu.dma_semaphore, #tpu.memory_space<semaphore_mem>>)
    %add3A_24 = arith.constant 16 : i32
    %add3A_25 = arith.addi %select_n3A, %add3A_24 : i32
    %dma_start3A_26 = arith.constant 0 : i32
    %dma_start3A_27 = tpu.memref_slice %arg3[%add3A_25, %dma_start3A_26] : memref<2560x128xi32, #tpu.memory_space<hbm>> -> memref<16x128xi32, #tpu.memory_space<hbm>>
    %dma_start3A_28 = arith.constant 0 : i32
    %dma_start3A_29 = tpu.memref_slice %arg3[%add3A_25, %dma_start3A_28] : memref<2560x128xi32, #tpu.memory_space<hbm>> -> memref<16x128xi32, #tpu.memory_space<hbm>>
    tpu.enqueue_dma source(%dma_start3A_29 : memref<16x128xi32, #tpu.memory_space<hbm>>) target(%arg8 : memref<16x128xi32, #tpu.memory_space<vmem>>) target_semaphore(%arg17 : memref<!tpu.dma_semaphore, #tpu.memory_space<semaphore_mem>>)
    %add3A_30 = arith.constant 16 : i32
    %add3A_31 = arith.addi %select_n3A, %add3A_30 : i32
    %dma_start3A_32 = arith.constant 0 : i32
    %dma_start3A_33 = tpu.memref_slice %arg4[%add3A_31, %dma_start3A_32] : memref<2560x128xi32, #tpu.memory_space<hbm>> -> memref<16x128xi32, #tpu.memory_space<hbm>>
    %dma_start3A_34 = arith.constant 0 : i32
    %dma_start3A_35 = tpu.memref_slice %arg4[%add3A_31, %dma_start3A_34] : memref<2560x128xi32, #tpu.memory_space<hbm>> -> memref<16x128xi32, #tpu.memory_space<hbm>>
    tpu.enqueue_dma source(%dma_start3A_35 : memref<16x128xi32, #tpu.memory_space<hbm>>) target(%arg10 : memref<16x128xi32, #tpu.memory_space<vmem>>) target_semaphore(%arg17 : memref<!tpu.dma_semaphore, #tpu.memory_space<semaphore_mem>>)
    %barrier3A = arith.constant 0 : index
    tpu.barrier barrier_id(%barrier3A)
    %jit3A_36 = arith.constant 2 : i32
    %div3A = arith.divsi %select_n3A_8, %jit3A_36 : i32
    %sign3A = arith.constant 0 : i32
    %sign3A_37 = arith.cmpi sgt, %select_n3A_8, %sign3A : i32
    %sign3A_38 = arith.extui %sign3A_37 : i1 to i32
    %sign3A_39 = arith.constant 0 : i32
    %sign3A_40 = arith.cmpi slt, %select_n3A_8, %sign3A_39 : i32
    %sign3A_41 = arith.extui %sign3A_40 : i1 to i32
    %sign3A_42 = arith.subi %sign3A_38, %sign3A_41 : i32
    %sign3A_43 = arith.constant 0 : i32
    %sign3A_44 = arith.cmpi sgt, %jit3A_36, %sign3A_43 : i32
    %sign3A_45 = arith.extui %sign3A_44 : i1 to i32
    %sign3A_46 = arith.constant 0 : i32
    %sign3A_47 = arith.cmpi slt, %jit3A_36, %sign3A_46 : i32
    %sign3A_48 = arith.extui %sign3A_47 : i1 to i32
    %sign3A_49 = arith.subi %sign3A_45, %sign3A_48 : i32
    %ne3A = arith.cmpi ne, %sign3A_42, %sign3A_49 : i32
    %rem3A = arith.remsi %select_n3A_8, %jit3A_36 : i32
    %ne3A_50 = arith.constant 0 : i32
    %ne3A_51 = arith.cmpi ne, %rem3A, %ne3A_50 : i32
    %and3A = arith.andi %ne3A, %ne3A_51 : i1
    %sub3A = arith.constant 1 : i32
    %sub3A_52 = arith.subi %div3A, %sub3A : i32
    %select_n3A_53 = arith.select %and3A, %sub3A_52, %div3A : i32
    %while3A = arith.constant 0 : i32
    %while3A_54 = arith.constant 0 : i32
    %while3A_55 = arith.subi %select_n3A_53, %while3A_54 : i32
    %while3A_56 = arith.addi %while3A_54, %while3A_55 : i32
    %while3A_57 = arith.constant 1 : i32
    %while3A_58 = arith.divsi %while3A_55, %while3A_57 : i32
    %while3A_59 = arith.muli %while3A_58, %while3A_57 : i32
    %while3A_60 = arith.addi %while3A_54, %while3A_59 : i32
    %while3A_61 = arith.constant 1 : i32
    scf.for %while3A_68 = %while3A_54 to %while3A_60 step %while3A_61  : i32 {
      %mul3A_69 = arith.constant 2 : i32
      %mul3A_70 = arith.muli %mul3A_69, %while3A_68 : i32
      %add3A_71 = arith.constant 0 : i32
      %add3A_72 = arith.addi %mul3A_70, %add3A_71 : i32
      %mul3A_73 = arith.constant 16 : i32
      %mul3A_74 = arith.muli %add3A_72, %mul3A_73 : i32
      %add3A_75 = arith.addi %select_n3A, %mul3A_74 : i32
      %dma_wait3A = arith.constant 0 : i32
      %dma_wait3A_76 = tpu.memref_slice %arg3[%add3A_75, %dma_wait3A] : memref<2560x128xi32, #tpu.memory_space<hbm>> -> memref<16x128xi32, #tpu.memory_space<hbm>>
      %dma_wait3A_77 = arith.constant 0 : i32
      %dma_wait3A_78 = tpu.memref_slice %arg3[%add3A_75, %dma_wait3A_77] : memref<2560x128xi32, #tpu.memory_space<hbm>> -> memref<16x128xi32, #tpu.memory_space<hbm>>
      tpu.wait_dma2 semaphore(%arg16 : memref<!tpu.dma_semaphore, #tpu.memory_space<semaphore_mem>>) src(%dma_wait3A_78 : memref<16x128xi32, #tpu.memory_space<hbm>>) dst(%arg7 : memref<16x128xi32, #tpu.memory_space<vmem>>)
      %dma_wait3A_79 = arith.constant 0 : i32
      %dma_wait3A_80 = tpu.memref_slice %arg4[%add3A_75, %dma_wait3A_79] : memref<2560x128xi32, #tpu.memory_space<hbm>> -> memref<16x128xi32, #tpu.memory_space<hbm>>
      %dma_wait3A_81 = arith.constant 0 : i32
      %dma_wait3A_82 = tpu.memref_slice %arg4[%add3A_75, %dma_wait3A_81] : memref<2560x128xi32, #tpu.memory_space<hbm>> -> memref<16x128xi32, #tpu.memory_space<hbm>>
      tpu.wait_dma2 semaphore(%arg16 : memref<!tpu.dma_semaphore, #tpu.memory_space<semaphore_mem>>) src(%dma_wait3A_82 : memref<16x128xi32, #tpu.memory_space<hbm>>) dst(%arg9 : memref<16x128xi32, #tpu.memory_space<vmem>>)
      %dma_start3A_83 = arith.constant 0 : i32
      %dma_start3A_84 = arith.constant 0 : i32
      %dma_start3A_85 = tpu.memref_slice %arg7[%dma_start3A_83, %dma_start3A_84] : memref<16x128xi32, #tpu.memory_space<vmem>> -> memref<1x128xi32, #tpu.memory_space<vmem>>
      %dma_start3A_86 = tpu.memref_squeeze %dma_start3A_85 : memref<1x128xi32, #tpu.memory_space<vmem>> -> memref<128xi32, #tpu.memory_space<vmem>>
      %dma_start3A_87 = arith.constant 0 : i32
      %dma_start3A_88 = arith.constant 0 : i32
      %dma_start3A_89 = tpu.memref_slice %arg2[%dma_start3A_87, %dma_start3A_88] : memref<10240x128xf32, #tpu.memory_space<hbm>> -> memref<10240x128xf32, #tpu.memory_space<hbm>>
      tpu.enqueue_indirect_dma source(%dma_start3A_89 : memref<10240x128xf32, #tpu.memory_space<hbm>>) target(%arg11 : memref<128x128xf32, #tpu.memory_space<vmem>>) offsets(%dma_start3A_86 : memref<128xi32, #tpu.memory_space<vmem>>) semaphore(%arg14 : memref<!tpu.dma_semaphore, #tpu.memory_space<semaphore_mem>>)
      %dma_start3A_90 = arith.constant 1 : i32
      %dma_start3A_91 = arith.constant 0 : i32
      %dma_start3A_92 = tpu.memref_slice %arg7[%dma_start3A_90, %dma_start3A_91] : memref<16x128xi32, #tpu.memory_space<vmem>> -> memref<1x128xi32, #tpu.memory_space<vmem>>
      %dma_start3A_93 = tpu.memref_squeeze %dma_start3A_92 : memref<1x128xi32, #tpu.memory_space<vmem>> -> memref<128xi32, #tpu.memory_space<vmem>>
      %dma_start3A_94 = arith.constant 0 : i32
      %dma_start3A_95 = arith.constant 0 : i32
      %dma_start3A_96 = tpu.memref_slice %arg2[%dma_start3A_94, %dma_start3A_95] : memref<10240x128xf32, #tpu.memory_space<hbm>> -> memref<10240x128xf32, #tpu.memory_space<hbm>>
      tpu.enqueue_indirect_dma source(%dma_start3A_96 : memref<10240x128xf32, #tpu.memory_space<hbm>>) target(%arg12 : memref<128x128xf32, #tpu.memory_space<vmem>>) offsets(%dma_start3A_93 : memref<128xi32, #tpu.memory_space<vmem>>) semaphore(%arg15 : memref<!tpu.dma_semaphore, #tpu.memory_space<semaphore_mem>>)
      %scan3A = arith.constant 0 : i32
      %scan3A_97 = arith.constant 0 : i32
      %scan3A_98 = arith.constant 7 : i32
      %scan3A_99 = arith.addi %scan3A_97, %scan3A_98 : i32
      %scan3A_100 = arith.constant 1 : i32
      scf.for %scan3A_177 = %scan3A_97 to %scan3A_99 step %scan3A_100  : i32 {
        %mul3A_178 = arith.constant 2 : i32
        %mul3A_179 = arith.muli %mul3A_178, %scan3A_177 : i32
        %add3A_180 = arith.constant 0 : i32
        %add3A_181 = arith.addi %mul3A_179, %add3A_180 : i32
        %dma_wait3A_182 = arith.constant 0 : i32
        %dma_wait3A_183 = tpu.memref_slice %arg7[%add3A_181, %dma_wait3A_182] : memref<16x128xi32, #tpu.memory_space<vmem>> -> memref<1x128xi32, #tpu.memory_space<vmem>>
        %dma_wait3A_184 = tpu.memref_squeeze %dma_wait3A_183 : memref<1x128xi32, #tpu.memory_space<vmem>> -> memref<128xi32, #tpu.memory_space<vmem>>
        %dma_wait3A_185 = arith.constant 0 : i32
        %dma_wait3A_186 = arith.constant 0 : i32
        %dma_wait3A_187 = tpu.memref_slice %arg2[%dma_wait3A_185, %dma_wait3A_186] : memref<10240x128xf32, #tpu.memory_space<hbm>> -> memref<10240x128xf32, #tpu.memory_space<hbm>>
        tpu.wait_indirect_dma semaphore(%arg14 : memref<!tpu.dma_semaphore, #tpu.memory_space<semaphore_mem>>) src(%dma_wait3A_187 : memref<10240x128xf32, #tpu.memory_space<hbm>>) dst(%arg11 : memref<128x128xf32, #tpu.memory_space<vmem>>)
        "tpu.region"() ({
          %run_scoped3A_214 = tpu.sem_alloc : memref<!tpu.dma_semaphore, #tpu.memory_space<semaphore_mem>>
          %dma_start3A_215 = arith.constant 0 : i32
          %dma_start3A_216 = tpu.memref_slice %arg9[%add3A_181, %dma_start3A_215] : memref<16x128xi32, #tpu.memory_space<vmem>> -> memref<1x128xi32, #tpu.memory_space<vmem>>
          %dma_start3A_217 = tpu.memref_squeeze %dma_start3A_216 : memref<1x128xi32, #tpu.memory_space<vmem>> -> memref<128xi32, #tpu.memory_space<vmem>>
          %dma_start3A_218 = arith.constant 0 : i32
          %dma_start3A_219 = arith.constant 0 : i32
          %dma_start3A_220 = tpu.memref_slice %arg13[%dma_start3A_218, %dma_start3A_219] : memref<10240x128xf32, #tpu.memory_space<vmem_shared>> -> memref<10240x128xf32, #tpu.memory_space<vmem_shared>>
          tpu.enqueue_indirect_dma source(%arg11 : memref<128x128xf32, #tpu.memory_space<vmem>>) target(%dma_start3A_220 : memref<10240x128xf32, #tpu.memory_space<vmem_shared>>) offsets(%dma_start3A_217 : memref<128xi32, #tpu.memory_space<vmem>>) semaphore(%run_scoped3A_214 : memref<!tpu.dma_semaphore, #tpu.memory_space<semaphore_mem>>) {add = true}
          %dma_wait3A_221 = arith.constant 0 : i32
          %dma_wait3A_222 = tpu.memref_slice %arg9[%add3A_181, %dma_wait3A_221] : memref<16x128xi32, #tpu.memory_space<vmem>> -> memref<1x128xi32, #tpu.memory_space<vmem>>
          %dma_wait3A_223 = tpu.memref_squeeze %dma_wait3A_222 : memref<1x128xi32, #tpu.memory_space<vmem>> -> memref<128xi32, #tpu.memory_space<vmem>>
          %dma_wait3A_224 = arith.constant 0 : i32
          %dma_wait3A_225 = arith.constant 0 : i32
          %dma_wait3A_226 = tpu.memref_slice %arg13[%dma_wait3A_224, %dma_wait3A_225] : memref<10240x128xf32, #tpu.memory_space<vmem_shared>> -> memref<10240x128xf32, #tpu.memory_space<vmem_shared>>
          tpu.wait_indirect_dma semaphore(%run_scoped3A_214 : memref<!tpu.dma_semaphore, #tpu.memory_space<semaphore_mem>>) src(%arg11 : memref<128x128xf32, #tpu.memory_space<vmem>>) dst(%dma_wait3A_226 : memref<10240x128xf32, #tpu.memory_space<vmem_shared>>)
          tpu.yield
        }) : () -> ()
        %add3A_188 = arith.constant 2 : i32
        %add3A_189 = arith.addi %add3A_181, %add3A_188 : i32
        %dma_start3A_190 = arith.constant 0 : i32
        %dma_start3A_191 = tpu.memref_slice %arg7[%add3A_189, %dma_start3A_190] : memref<16x128xi32, #tpu.memory_space<vmem>> -> memref<1x128xi32, #tpu.memory_space<vmem>>
        %dma_start3A_192 = tpu.memref_squeeze %dma_start3A_191 : memref<1x128xi32, #tpu.memory_space<vmem>> -> memref<128xi32, #tpu.memory_space<vmem>>
        %dma_start3A_193 = arith.constant 0 : i32
        %dma_start3A_194 = arith.constant 0 : i32
        %dma_start3A_195 = tpu.memref_slice %arg2[%dma_start3A_193, %dma_start3A_194] : memref<10240x128xf32, #tpu.memory_space<hbm>> -> memref<10240x128xf32, #tpu.memory_space<hbm>>
        tpu.enqueue_indirect_dma source(%dma_start3A_195 : memref<10240x128xf32, #tpu.memory_space<hbm>>) target(%arg11 : memref<128x128xf32, #tpu.memory_space<vmem>>) offsets(%dma_start3A_192 : memref<128xi32, #tpu.memory_space<vmem>>) semaphore(%arg14 : memref<!tpu.dma_semaphore, #tpu.memory_space<semaphore_mem>>)
        %mul3A_196 = arith.constant 2 : i32
        %mul3A_197 = arith.muli %mul3A_196, %scan3A_177 : i32
        %add3A_198 = arith.constant 1 : i32
        %add3A_199 = arith.addi %mul3A_197, %add3A_198 : i32
        %dma_wait3A_200 = arith.constant 0 : i32
        %dma_wait3A_201 = tpu.memref_slice %arg7[%add3A_199, %dma_wait3A_200] : memref<16x128xi32, #tpu.memory_space<vmem>> -> memref<1x128xi32, #tpu.memory_space<vmem>>
        %dma_wait3A_202 = tpu.memref_squeeze %dma_wait3A_201 : memref<1x128xi32, #tpu.memory_space<vmem>> -> memref<128xi32, #tpu.memory_space<vmem>>
        %dma_wait3A_203 = arith.constant 0 : i32
        %dma_wait3A_204 = arith.constant 0 : i32
        %dma_wait3A_205 = tpu.memref_slice %arg2[%dma_wait3A_203, %dma_wait3A_204] : memref<10240x128xf32, #tpu.memory_space<hbm>> -> memref<10240x128xf32, #tpu.memory_space<hbm>>
        tpu.wait_indirect_dma semaphore(%arg15 : memref<!tpu.dma_semaphore, #tpu.memory_space<semaphore_mem>>) src(%dma_wait3A_205 : memref<10240x128xf32, #tpu.memory_space<hbm>>) dst(%arg12 : memref<128x128xf32, #tpu.memory_space<vmem>>)
        "tpu.region"() ({
          %run_scoped3A_214 = tpu.sem_alloc : memref<!tpu.dma_semaphore, #tpu.memory_space<semaphore_mem>>
          %dma_start3A_215 = arith.constant 0 : i32
          %dma_start3A_216 = tpu.memref_slice %arg9[%add3A_199, %dma_start3A_215] : memref<16x128xi32, #tpu.memory_space<vmem>> -> memref<1x128xi32, #tpu.memory_space<vmem>>
          %dma_start3A_217 = tpu.memref_squeeze %dma_start3A_216 : memref<1x128xi32, #tpu.memory_space<vmem>> -> memref<128xi32, #tpu.memory_space<vmem>>
          %dma_start3A_218 = arith.constant 0 : i32
          %dma_start3A_219 = arith.constant 0 : i32
          %dma_start3A_220 = tpu.memref_slice %arg13[%dma_start3A_218, %dma_start3A_219] : memref<10240x128xf32, #tpu.memory_space<vmem_shared>> -> memref<10240x128xf32, #tpu.memory_space<vmem_shared>>
          tpu.enqueue_indirect_dma source(%arg12 : memref<128x128xf32, #tpu.memory_space<vmem>>) target(%dma_start3A_220 : memref<10240x128xf32, #tpu.memory_space<vmem_shared>>) offsets(%dma_start3A_217 : memref<128xi32, #tpu.memory_space<vmem>>) semaphore(%run_scoped3A_214 : memref<!tpu.dma_semaphore, #tpu.memory_space<semaphore_mem>>) {add = true}
          %dma_wait3A_221 = arith.constant 0 : i32
          %dma_wait3A_222 = tpu.memref_slice %arg9[%add3A_199, %dma_wait3A_221] : memref<16x128xi32, #tpu.memory_space<vmem>> -> memref<1x128xi32, #tpu.memory_space<vmem>>
          %dma_wait3A_223 = tpu.memref_squeeze %dma_wait3A_222 : memref<1x128xi32, #tpu.memory_space<vmem>> -> memref<128xi32, #tpu.memory_space<vmem>>
          %dma_wait3A_224 = arith.constant 0 : i32
          %dma_wait3A_225 = arith.constant 0 : i32
          %dma_wait3A_226 = tpu.memref_slice %arg13[%dma_wait3A_224, %dma_wait3A_225] : memref<10240x128xf32, #tpu.memory_space<vmem_shared>> -> memref<10240x128xf32, #tpu.memory_space<vmem_shared>>
          tpu.wait_indirect_dma semaphore(%run_scoped3A_214 : memref<!tpu.dma_semaphore, #tpu.memory_space<semaphore_mem>>) src(%arg12 : memref<128x128xf32, #tpu.memory_space<vmem>>) dst(%dma_wait3A_226 : memref<10240x128xf32, #tpu.memory_space<vmem_shared>>)
          tpu.yield
        }) : () -> ()
        %add3A_206 = arith.constant 2 : i32
        %add3A_207 = arith.addi %add3A_199, %add3A_206 : i32
        %dma_start3A_208 = arith.constant 0 : i32
        %dma_start3A_209 = tpu.memref_slice %arg7[%add3A_207, %dma_start3A_208] : memref<16x128xi32, #tpu.memory_space<vmem>> -> memref<1x128xi32, #tpu.memory_space<vmem>>
        %dma_start3A_210 = tpu.memref_squeeze %dma_start3A_209 : memref<1x128xi32, #tpu.memory_space<vmem>> -> memref<128xi32, #tpu.memory_space<vmem>>
        %dma_start3A_211 = arith.constant 0 : i32
        %dma_start3A_212 = arith.constant 0 : i32
        %dma_start3A_213 = tpu.memref_slice %arg2[%dma_start3A_211, %dma_start3A_212] : memref<10240x128xf32, #tpu.memory_space<hbm>> -> memref<10240x128xf32, #tpu.memory_space<hbm>>
        tpu.enqueue_indirect_dma source(%dma_start3A_213 : memref<10240x128xf32, #tpu.memory_space<hbm>>) target(%arg12 : memref<128x128xf32, #tpu.memory_space<vmem>>) offsets(%dma_start3A_210 : memref<128xi32, #tpu.memory_space<vmem>>) semaphore(%arg15 : memref<!tpu.dma_semaphore, #tpu.memory_space<semaphore_mem>>)
      }
      %scan3A_101 = arith.constant 7 : i32
      %dma_wait3A_102 = arith.constant 14 : i32
      %dma_wait3A_103 = arith.constant 0 : i32
      %dma_wait3A_104 = tpu.memref_slice %arg7[%dma_wait3A_102, %dma_wait3A_103] : memref<16x128xi32, #tpu.memory_space<vmem>> -> memref<1x128xi32, #tpu.memory_space<vmem>>
      %dma_wait3A_105 = tpu.memref_squeeze %dma_wait3A_104 : memref<1x128xi32, #tpu.memory_space<vmem>> -> memref<128xi32, #tpu.memory_space<vmem>>
      %dma_wait3A_106 = arith.constant 0 : i32
      %dma_wait3A_107 = arith.constant 0 : i32
      %dma_wait3A_108 = tpu.memref_slice %arg2[%dma_wait3A_106, %dma_wait3A_107] : memref<10240x128xf32, #tpu.memory_space<hbm>> -> memref<10240x128xf32, #tpu.memory_space<hbm>>
      tpu.wait_indirect_dma semaphore(%arg14 : memref<!tpu.dma_semaphore, #tpu.memory_space<semaphore_mem>>) src(%dma_wait3A_108 : memref<10240x128xf32, #tpu.memory_space<hbm>>) dst(%arg11 : memref<128x128xf32, #tpu.memory_space<vmem>>)
      %run_scoped3A = arith.constant 14 : i32
      "tpu.region"() ({
        %run_scoped3A_177 = tpu.sem_alloc : memref<!tpu.dma_semaphore, #tpu.memory_space<semaphore_mem>>
        %dma_start3A_178 = arith.constant 0 : i32
        %dma_start3A_179 = tpu.memref_slice %arg9[%run_scoped3A, %dma_start3A_178] : memref<16x128xi32, #tpu.memory_space<vmem>> -> memref<1x128xi32, #tpu.memory_space<vmem>>
        %dma_start3A_180 = tpu.memref_squeeze %dma_start3A_179 : memref<1x128xi32, #tpu.memory_space<vmem>> -> memref<128xi32, #tpu.memory_space<vmem>>
        %dma_start3A_181 = arith.constant 0 : i32
        %dma_start3A_182 = arith.constant 0 : i32
        %dma_start3A_183 = tpu.memref_slice %arg13[%dma_start3A_181, %dma_start3A_182] : memref<10240x128xf32, #tpu.memory_space<vmem_shared>> -> memref<10240x128xf32, #tpu.memory_space<vmem_shared>>
        tpu.enqueue_indirect_dma source(%arg11 : memref<128x128xf32, #tpu.memory_space<vmem>>) target(%dma_start3A_183 : memref<10240x128xf32, #tpu.memory_space<vmem_shared>>) offsets(%dma_start3A_180 : memref<128xi32, #tpu.memory_space<vmem>>) semaphore(%run_scoped3A_177 : memref<!tpu.dma_semaphore, #tpu.memory_space<semaphore_mem>>) {add = true}
        %dma_wait3A_184 = arith.constant 0 : i32
        %dma_wait3A_185 = tpu.memref_slice %arg9[%run_scoped3A, %dma_wait3A_184] : memref<16x128xi32, #tpu.memory_space<vmem>> -> memref<1x128xi32, #tpu.memory_space<vmem>>
        %dma_wait3A_186 = tpu.memref_squeeze %dma_wait3A_185 : memref<1x128xi32, #tpu.memory_space<vmem>> -> memref<128xi32, #tpu.memory_space<vmem>>
        %dma_wait3A_187 = arith.constant 0 : i32
        %dma_wait3A_188 = arith.constant 0 : i32
        %dma_wait3A_189 = tpu.memref_slice %arg13[%dma_wait3A_187, %dma_wait3A_188] : memref<10240x128xf32, #tpu.memory_space<vmem_shared>> -> memref<10240x128xf32, #tpu.memory_space<vmem_shared>>
        tpu.wait_indirect_dma semaphore(%run_scoped3A_177 : memref<!tpu.dma_semaphore, #tpu.memory_space<semaphore_mem>>) src(%arg11 : memref<128x128xf32, #tpu.memory_space<vmem>>) dst(%dma_wait3A_189 : memref<10240x128xf32, #tpu.memory_space<vmem_shared>>)
        tpu.yield
      }) : () -> ()
      %dma_wait3A_109 = arith.constant 15 : i32
      %dma_wait3A_110 = arith.constant 0 : i32
      %dma_wait3A_111 = tpu.memref_slice %arg7[%dma_wait3A_109, %dma_wait3A_110] : memref<16x128xi32, #tpu.memory_space<vmem>> -> memref<1x128xi32, #tpu.memory_space<vmem>>
      %dma_wait3A_112 = tpu.memref_squeeze %dma_wait3A_111 : memref<1x128xi32, #tpu.memory_space<vmem>> -> memref<128xi32, #tpu.memory_space<vmem>>
      %dma_wait3A_113 = arith.constant 0 : i32
      %dma_wait3A_114 = arith.constant 0 : i32
      %dma_wait3A_115 = tpu.memref_slice %arg2[%dma_wait3A_113, %dma_wait3A_114] : memref<10240x128xf32, #tpu.memory_space<hbm>> -> memref<10240x128xf32, #tpu.memory_space<hbm>>
      tpu.wait_indirect_dma semaphore(%arg15 : memref<!tpu.dma_semaphore, #tpu.memory_space<semaphore_mem>>) src(%dma_wait3A_115 : memref<10240x128xf32, #tpu.memory_space<hbm>>) dst(%arg12 : memref<128x128xf32, #tpu.memory_space<vmem>>)
      %run_scoped3A_116 = arith.constant 15 : i32
      "tpu.region"() ({
        %run_scoped3A_177 = tpu.sem_alloc : memref<!tpu.dma_semaphore, #tpu.memory_space<semaphore_mem>>
        %dma_start3A_178 = arith.constant 0 : i32
        %dma_start3A_179 = tpu.memref_slice %arg9[%run_scoped3A_116, %dma_start3A_178] : memref<16x128xi32, #tpu.memory_space<vmem>> -> memref<1x128xi32, #tpu.memory_space<vmem>>
        %dma_start3A_180 = tpu.memref_squeeze %dma_start3A_179 : memref<1x128xi32, #tpu.memory_space<vmem>> -> memref<128xi32, #tpu.memory_space<vmem>>
        %dma_start3A_181 = arith.constant 0 : i32
        %dma_start3A_182 = arith.constant 0 : i32
        %dma_start3A_183 = tpu.memref_slice %arg13[%dma_start3A_181, %dma_start3A_182] : memref<10240x128xf32, #tpu.memory_space<vmem_shared>> -> memref<10240x128xf32, #tpu.memory_space<vmem_shared>>
        tpu.enqueue_indirect_dma source(%arg12 : memref<128x128xf32, #tpu.memory_space<vmem>>) target(%dma_start3A_183 : memref<10240x128xf32, #tpu.memory_space<vmem_shared>>) offsets(%dma_start3A_180 : memref<128xi32, #tpu.memory_space<vmem>>) semaphore(%run_scoped3A_177 : memref<!tpu.dma_semaphore, #tpu.memory_space<semaphore_mem>>) {add = true}
        %dma_wait3A_184 = arith.constant 0 : i32
        %dma_wait3A_185 = tpu.memref_slice %arg9[%run_scoped3A_116, %dma_wait3A_184] : memref<16x128xi32, #tpu.memory_space<vmem>> -> memref<1x128xi32, #tpu.memory_space<vmem>>
        %dma_wait3A_186 = tpu.memref_squeeze %dma_wait3A_185 : memref<1x128xi32, #tpu.memory_space<vmem>> -> memref<128xi32, #tpu.memory_space<vmem>>
        %dma_wait3A_187 = arith.constant 0 : i32
        %dma_wait3A_188 = arith.constant 0 : i32
        %dma_wait3A_189 = tpu.memref_slice %arg13[%dma_wait3A_187, %dma_wait3A_188] : memref<10240x128xf32, #tpu.memory_space<vmem_shared>> -> memref<10240x128xf32, #tpu.memory_space<vmem_shared>>
        tpu.wait_indirect_dma semaphore(%run_scoped3A_177 : memref<!tpu.dma_semaphore, #tpu.memory_space<semaphore_mem>>) src(%arg12 : memref<128x128xf32, #tpu.memory_space<vmem>>) dst(%dma_wait3A_189 : memref<10240x128xf32, #tpu.memory_space<vmem_shared>>)
        tpu.yield
      }) : () -> ()
      %add3A_117 = arith.constant 2 : i32
      %add3A_118 = arith.addi %add3A_72, %add3A_117 : i32
      %lt3A = arith.cmpi slt, %add3A_118, %select_n3A_8 : i32
      %convert_element_type3A = arith.extui %lt3A : i1 to i32
      %cond3A = arith.constant 0 : i32
      %cond3A_119 = arith.cmpi ne, %convert_element_type3A, %cond3A : i32
      scf.if %cond3A_119 {
        %add3A_177 = arith.constant 2 : i32
        %add3A_178 = arith.addi %add3A_72, %add3A_177 : i32
        %mul3A_179 = arith.constant 16 : i32
        %mul3A_180 = arith.muli %add3A_178, %mul3A_179 : i32
        %add3A_181 = arith.addi %select_n3A, %mul3A_180 : i32
        %dma_start3A_182 = arith.constant 0 : i32
        %dma_start3A_183 = tpu.memref_slice %arg3[%add3A_181, %dma_start3A_182] : memref<2560x128xi32, #tpu.memory_space<hbm>> -> memref<16x128xi32, #tpu.memory_space<hbm>>
        %dma_start3A_184 = arith.constant 0 : i32
        %dma_start3A_185 = tpu.memref_slice %arg3[%add3A_181, %dma_start3A_184] : memref<2560x128xi32, #tpu.memory_space<hbm>> -> memref<16x128xi32, #tpu.memory_space<hbm>>
        tpu.enqueue_dma source(%dma_start3A_185 : memref<16x128xi32, #tpu.memory_space<hbm>>) target(%arg7 : memref<16x128xi32, #tpu.memory_space<vmem>>) target_semaphore(%arg16 : memref<!tpu.dma_semaphore, #tpu.memory_space<semaphore_mem>>)
        %dma_start3A_186 = arith.constant 0 : i32
        %dma_start3A_187 = tpu.memref_slice %arg4[%add3A_181, %dma_start3A_186] : memref<2560x128xi32, #tpu.memory_space<hbm>> -> memref<16x128xi32, #tpu.memory_space<hbm>>
        %dma_start3A_188 = arith.constant 0 : i32
        %dma_start3A_189 = tpu.memref_slice %arg4[%add3A_181, %dma_start3A_188] : memref<2560x128xi32, #tpu.memory_space<hbm>> -> memref<16x128xi32, #tpu.memory_space<hbm>>
        tpu.enqueue_dma source(%dma_start3A_189 : memref<16x128xi32, #tpu.memory_space<hbm>>) target(%arg9 : memref<16x128xi32, #tpu.memory_space<vmem>>) target_semaphore(%arg16 : memref<!tpu.dma_semaphore, #tpu.memory_space<semaphore_mem>>)
      } else {
      }
      %mul3A_120 = arith.constant 2 : i32
      %mul3A_121 = arith.muli %mul3A_120, %while3A_68 : i32
      %add3A_122 = arith.constant 1 : i32
      %add3A_123 = arith.addi %mul3A_121, %add3A_122 : i32
      %mul3A_124 = arith.constant 16 : i32
      %mul3A_125 = arith.muli %add3A_123, %mul3A_124 : i32
      %add3A_126 = arith.addi %select_n3A, %mul3A_125 : i32
      %dma_wait3A_127 = arith.constant 0 : i32
      %dma_wait3A_128 = tpu.memref_slice %arg3[%add3A_126, %dma_wait3A_127] : memref<2560x128xi32, #tpu.memory_space<hbm>> -> memref<16x128xi32, #tpu.memory_space<hbm>>
      %dma_wait3A_129 = arith.constant 0 : i32
      %dma_wait3A_130 = tpu.memref_slice %arg3[%add3A_126, %dma_wait3A_129] : memref<2560x128xi32, #tpu.memory_space<hbm>> -> memref<16x128xi32, #tpu.memory_space<hbm>>
      tpu.wait_dma2 semaphore(%arg17 : memref<!tpu.dma_semaphore, #tpu.memory_space<semaphore_mem>>) src(%dma_wait3A_130 : memref<16x128xi32, #tpu.memory_space<hbm>>) dst(%arg8 : memref<16x128xi32, #tpu.memory_space<vmem>>)
      %dma_wait3A_131 = arith.constant 0 : i32
      %dma_wait3A_132 = tpu.memref_slice %arg4[%add3A_126, %dma_wait3A_131] : memref<2560x128xi32, #tpu.memory_space<hbm>> -> memref<16x128xi32, #tpu.memory_space<hbm>>
      %dma_wait3A_133 = arith.constant 0 : i32
      %dma_wait3A_134 = tpu.memref_slice %arg4[%add3A_126, %dma_wait3A_133] : memref<2560x128xi32, #tpu.memory_space<hbm>> -> memref<16x128xi32, #tpu.memory_space<hbm>>
      tpu.wait_dma2 semaphore(%arg17 : memref<!tpu.dma_semaphore, #tpu.memory_space<semaphore_mem>>) src(%dma_wait3A_134 : memref<16x128xi32, #tpu.memory_space<hbm>>) dst(%arg10 : memref<16x128xi32, #tpu.memory_space<vmem>>)
      %dma_start3A_135 = arith.constant 0 : i32
      %dma_start3A_136 = arith.constant 0 : i32
      %dma_start3A_137 = tpu.memref_slice %arg8[%dma_start3A_135, %dma_start3A_136] : memref<16x128xi32, #tpu.memory_space<vmem>> -> memref<1x128xi32, #tpu.memory_space<vmem>>
      %dma_start3A_138 = tpu.memref_squeeze %dma_start3A_137 : memref<1x128xi32, #tpu.memory_space<vmem>> -> memref<128xi32, #tpu.memory_space<vmem>>
      %dma_start3A_139 = arith.constant 0 : i32
      %dma_start3A_140 = arith.constant 0 : i32
      %dma_start3A_141 = tpu.memref_slice %arg2[%dma_start3A_139, %dma_start3A_140] : memref<10240x128xf32, #tpu.memory_space<hbm>> -> memref<10240x128xf32, #tpu.memory_space<hbm>>
      tpu.enqueue_indirect_dma source(%dma_start3A_141 : memref<10240x128xf32, #tpu.memory_space<hbm>>) target(%arg11 : memref<128x128xf32, #tpu.memory_space<vmem>>) offsets(%dma_start3A_138 : memref<128xi32, #tpu.memory_space<vmem>>) semaphore(%arg14 : memref<!tpu.dma_semaphore, #tpu.memory_space<semaphore_mem>>)
      %dma_start3A_142 = arith.constant 1 : i32
      %dma_start3A_143 = arith.constant 0 : i32
      %dma_start3A_144 = tpu.memref_slice %arg8[%dma_start3A_142, %dma_start3A_143] : memref<16x128xi32, #tpu.memory_space<vmem>> -> memref<1x128xi32, #tpu.memory_space<vmem>>
      %dma_start3A_145 = tpu.memref_squeeze %dma_start3A_144 : memref<1x128xi32, #tpu.memory_space<vmem>> -> memref<128xi32, #tpu.memory_space<vmem>>
      %dma_start3A_146 = arith.constant 0 : i32
      %dma_start3A_147 = arith.constant 0 : i32
      %dma_start3A_148 = tpu.memref_slice %arg2[%dma_start3A_146, %dma_start3A_147] : memref<10240x128xf32, #tpu.memory_space<hbm>> -> memref<10240x128xf32, #tpu.memory_space<hbm>>
      tpu.enqueue_indirect_dma source(%dma_start3A_148 : memref<10240x128xf32, #tpu.memory_space<hbm>>) target(%arg12 : memref<128x128xf32, #tpu.memory_space<vmem>>) offsets(%dma_start3A_145 : memref<128xi32, #tpu.memory_space<vmem>>) semaphore(%arg15 : memref<!tpu.dma_semaphore, #tpu.memory_space<semaphore_mem>>)
      %scan3A_149 = arith.constant 0 : i32
      %scan3A_150 = arith.constant 0 : i32
      %scan3A_151 = arith.constant 7 : i32
      %scan3A_152 = arith.addi %scan3A_150, %scan3A_151 : i32
      %scan3A_153 = arith.constant 1 : i32
      scf.for %scan3A_177 = %scan3A_150 to %scan3A_152 step %scan3A_153  : i32 {
        %mul3A_178 = arith.constant 2 : i32
        %mul3A_179 = arith.muli %mul3A_178, %scan3A_177 : i32
        %add3A_180 = arith.constant 0 : i32
        %add3A_181 = arith.addi %mul3A_179, %add3A_180 : i32
        %dma_wait3A_182 = arith.constant 0 : i32
        %dma_wait3A_183 = tpu.memref_slice %arg8[%add3A_181, %dma_wait3A_182] : memref<16x128xi32, #tpu.memory_space<vmem>> -> memref<1x128xi32, #tpu.memory_space<vmem>>
        %dma_wait3A_184 = tpu.memref_squeeze %dma_wait3A_183 : memref<1x128xi32, #tpu.memory_space<vmem>> -> memref<128xi32, #tpu.memory_space<vmem>>
        %dma_wait3A_185 = arith.constant 0 : i32
        %dma_wait3A_186 = arith.constant 0 : i32
        %dma_wait3A_187 = tpu.memref_slice %arg2[%dma_wait3A_185, %dma_wait3A_186] : memref<10240x128xf32, #tpu.memory_space<hbm>> -> memref<10240x128xf32, #tpu.memory_space<hbm>>
        tpu.wait_indirect_dma semaphore(%arg14 : memref<!tpu.dma_semaphore, #tpu.memory_space<semaphore_mem>>) src(%dma_wait3A_187 : memref<10240x128xf32, #tpu.memory_space<hbm>>) dst(%arg11 : memref<128x128xf32, #tpu.memory_space<vmem>>)
        "tpu.region"() ({
          %run_scoped3A_214 = tpu.sem_alloc : memref<!tpu.dma_semaphore, #tpu.memory_space<semaphore_mem>>
          %dma_start3A_215 = arith.constant 0 : i32
          %dma_start3A_216 = tpu.memref_slice %arg10[%add3A_181, %dma_start3A_215] : memref<16x128xi32, #tpu.memory_space<vmem>> -> memref<1x128xi32, #tpu.memory_space<vmem>>
          %dma_start3A_217 = tpu.memref_squeeze %dma_start3A_216 : memref<1x128xi32, #tpu.memory_space<vmem>> -> memref<128xi32, #tpu.memory_space<vmem>>
          %dma_start3A_218 = arith.constant 0 : i32
          %dma_start3A_219 = arith.constant 0 : i32
          %dma_start3A_220 = tpu.memref_slice %arg13[%dma_start3A_218, %dma_start3A_219] : memref<10240x128xf32, #tpu.memory_space<vmem_shared>> -> memref<10240x128xf32, #tpu.memory_space<vmem_shared>>
          tpu.enqueue_indirect_dma source(%arg11 : memref<128x128xf32, #tpu.memory_space<vmem>>) target(%dma_start3A_220 : memref<10240x128xf32, #tpu.memory_space<vmem_shared>>) offsets(%dma_start3A_217 : memref<128xi32, #tpu.memory_space<vmem>>) semaphore(%run_scoped3A_214 : memref<!tpu.dma_semaphore, #tpu.memory_space<semaphore_mem>>) {add = true}
          %dma_wait3A_221 = arith.constant 0 : i32
          %dma_wait3A_222 = tpu.memref_slice %arg10[%add3A_181, %dma_wait3A_221] : memref<16x128xi32, #tpu.memory_space<vmem>> -> memref<1x128xi32, #tpu.memory_space<vmem>>
          %dma_wait3A_223 = tpu.memref_squeeze %dma_wait3A_222 : memref<1x128xi32, #tpu.memory_space<vmem>> -> memref<128xi32, #tpu.memory_space<vmem>>
          %dma_wait3A_224 = arith.constant 0 : i32
          %dma_wait3A_225 = arith.constant 0 : i32
          %dma_wait3A_226 = tpu.memref_slice %arg13[%dma_wait3A_224, %dma_wait3A_225] : memref<10240x128xf32, #tpu.memory_space<vmem_shared>> -> memref<10240x128xf32, #tpu.memory_space<vmem_shared>>
          tpu.wait_indirect_dma semaphore(%run_scoped3A_214 : memref<!tpu.dma_semaphore, #tpu.memory_space<semaphore_mem>>) src(%arg11 : memref<128x128xf32, #tpu.memory_space<vmem>>) dst(%dma_wait3A_226 : memref<10240x128xf32, #tpu.memory_space<vmem_shared>>)
          tpu.yield
        }) : () -> ()
        %add3A_188 = arith.constant 2 : i32
        %add3A_189 = arith.addi %add3A_181, %add3A_188 : i32
        %dma_start3A_190 = arith.constant 0 : i32
        %dma_start3A_191 = tpu.memref_slice %arg8[%add3A_189, %dma_start3A_190] : memref<16x128xi32, #tpu.memory_space<vmem>> -> memref<1x128xi32, #tpu.memory_space<vmem>>
        %dma_start3A_192 = tpu.memref_squeeze %dma_start3A_191 : memref<1x128xi32, #tpu.memory_space<vmem>> -> memref<128xi32, #tpu.memory_space<vmem>>
        %dma_start3A_193 = arith.constant 0 : i32
        %dma_start3A_194 = arith.constant 0 : i32
        %dma_start3A_195 = tpu.memref_slice %arg2[%dma_start3A_193, %dma_start3A_194] : memref<10240x128xf32, #tpu.memory_space<hbm>> -> memref<10240x128xf32, #tpu.memory_space<hbm>>
        tpu.enqueue_indirect_dma source(%dma_start3A_195 : memref<10240x128xf32, #tpu.memory_space<hbm>>) target(%arg11 : memref<128x128xf32, #tpu.memory_space<vmem>>) offsets(%dma_start3A_192 : memref<128xi32, #tpu.memory_space<vmem>>) semaphore(%arg14 : memref<!tpu.dma_semaphore, #tpu.memory_space<semaphore_mem>>)
        %mul3A_196 = arith.constant 2 : i32
        %mul3A_197 = arith.muli %mul3A_196, %scan3A_177 : i32
        %add3A_198 = arith.constant 1 : i32
        %add3A_199 = arith.addi %mul3A_197, %add3A_198 : i32
        %dma_wait3A_200 = arith.constant 0 : i32
        %dma_wait3A_201 = tpu.memref_slice %arg8[%add3A_199, %dma_wait3A_200] : memref<16x128xi32, #tpu.memory_space<vmem>> -> memref<1x128xi32, #tpu.memory_space<vmem>>
        %dma_wait3A_202 = tpu.memref_squeeze %dma_wait3A_201 : memref<1x128xi32, #tpu.memory_space<vmem>> -> memref<128xi32, #tpu.memory_space<vmem>>
        %dma_wait3A_203 = arith.constant 0 : i32
        %dma_wait3A_204 = arith.constant 0 : i32
        %dma_wait3A_205 = tpu.memref_slice %arg2[%dma_wait3A_203, %dma_wait3A_204] : memref<10240x128xf32, #tpu.memory_space<hbm>> -> memref<10240x128xf32, #tpu.memory_space<hbm>>
        tpu.wait_indirect_dma semaphore(%arg15 : memref<!tpu.dma_semaphore, #tpu.memory_space<semaphore_mem>>) src(%dma_wait3A_205 : memref<10240x128xf32, #tpu.memory_space<hbm>>) dst(%arg12 : memref<128x128xf32, #tpu.memory_space<vmem>>)
        "tpu.region"() ({
          %run_scoped3A_214 = tpu.sem_alloc : memref<!tpu.dma_semaphore, #tpu.memory_space<semaphore_mem>>
          %dma_start3A_215 = arith.constant 0 : i32
          %dma_start3A_216 = tpu.memref_slice %arg10[%add3A_199, %dma_start3A_215] : memref<16x128xi32, #tpu.memory_space<vmem>> -> memref<1x128xi32, #tpu.memory_space<vmem>>
          %dma_start3A_217 = tpu.memref_squeeze %dma_start3A_216 : memref<1x128xi32, #tpu.memory_space<vmem>> -> memref<128xi32, #tpu.memory_space<vmem>>
          %dma_start3A_218 = arith.constant 0 : i32
          %dma_start3A_219 = arith.constant 0 : i32
          %dma_start3A_220 = tpu.memref_slice %arg13[%dma_start3A_218, %dma_start3A_219] : memref<10240x128xf32, #tpu.memory_space<vmem_shared>> -> memref<10240x128xf32, #tpu.memory_space<vmem_shared>>
          tpu.enqueue_indirect_dma source(%arg12 : memref<128x128xf32, #tpu.memory_space<vmem>>) target(%dma_start3A_220 : memref<10240x128xf32, #tpu.memory_space<vmem_shared>>) offsets(%dma_start3A_217 : memref<128xi32, #tpu.memory_space<vmem>>) semaphore(%run_scoped3A_214 : memref<!tpu.dma_semaphore, #tpu.memory_space<semaphore_mem>>) {add = true}
          %dma_wait3A_221 = arith.constant 0 : i32
          %dma_wait3A_222 = tpu.memref_slice %arg10[%add3A_199, %dma_wait3A_221] : memref<16x128xi32, #tpu.memory_space<vmem>> -> memref<1x128xi32, #tpu.memory_space<vmem>>
          %dma_wait3A_223 = tpu.memref_squeeze %dma_wait3A_222 : memref<1x128xi32, #tpu.memory_space<vmem>> -> memref<128xi32, #tpu.memory_space<vmem>>
          %dma_wait3A_224 = arith.constant 0 : i32
          %dma_wait3A_225 = arith.constant 0 : i32
          %dma_wait3A_226 = tpu.memref_slice %arg13[%dma_wait3A_224, %dma_wait3A_225] : memref<10240x128xf32, #tpu.memory_space<vmem_shared>> -> memref<10240x128xf32, #tpu.memory_space<vmem_shared>>
          tpu.wait_indirect_dma semaphore(%run_scoped3A_214 : memref<!tpu.dma_semaphore, #tpu.memory_space<semaphore_mem>>) src(%arg12 : memref<128x128xf32, #tpu.memory_space<vmem>>) dst(%dma_wait3A_226 : memref<10240x128xf32, #tpu.memory_space<vmem_shared>>)
          tpu.yield
        }) : () -> ()
        %add3A_206 = arith.constant 2 : i32
        %add3A_207 = arith.addi %add3A_199, %add3A_206 : i32
        %dma_start3A_208 = arith.constant 0 : i32
        %dma_start3A_209 = tpu.memref_slice %arg8[%add3A_207, %dma_start3A_208] : memref<16x128xi32, #tpu.memory_space<vmem>> -> memref<1x128xi32, #tpu.memory_space<vmem>>
        %dma_start3A_210 = tpu.memref_squeeze %dma_start3A_209 : memref<1x128xi32, #tpu.memory_space<vmem>> -> memref<128xi32, #tpu.memory_space<vmem>>
        %dma_start3A_211 = arith.constant 0 : i32
        %dma_start3A_212 = arith.constant 0 : i32
        %dma_start3A_213 = tpu.memref_slice %arg2[%dma_start3A_211, %dma_start3A_212] : memref<10240x128xf32, #tpu.memory_space<hbm>> -> memref<10240x128xf32, #tpu.memory_space<hbm>>
        tpu.enqueue_indirect_dma source(%dma_start3A_213 : memref<10240x128xf32, #tpu.memory_space<hbm>>) target(%arg12 : memref<128x128xf32, #tpu.memory_space<vmem>>) offsets(%dma_start3A_210 : memref<128xi32, #tpu.memory_space<vmem>>) semaphore(%arg15 : memref<!tpu.dma_semaphore, #tpu.memory_space<semaphore_mem>>)
      }
      %scan3A_154 = arith.constant 7 : i32
      %dma_wait3A_155 = arith.constant 14 : i32
      %dma_wait3A_156 = arith.constant 0 : i32
      %dma_wait3A_157 = tpu.memref_slice %arg8[%dma_wait3A_155, %dma_wait3A_156] : memref<16x128xi32, #tpu.memory_space<vmem>> -> memref<1x128xi32, #tpu.memory_space<vmem>>
      %dma_wait3A_158 = tpu.memref_squeeze %dma_wait3A_157 : memref<1x128xi32, #tpu.memory_space<vmem>> -> memref<128xi32, #tpu.memory_space<vmem>>
      %dma_wait3A_159 = arith.constant 0 : i32
      %dma_wait3A_160 = arith.constant 0 : i32
      %dma_wait3A_161 = tpu.memref_slice %arg2[%dma_wait3A_159, %dma_wait3A_160] : memref<10240x128xf32, #tpu.memory_space<hbm>> -> memref<10240x128xf32, #tpu.memory_space<hbm>>
      tpu.wait_indirect_dma semaphore(%arg14 : memref<!tpu.dma_semaphore, #tpu.memory_space<semaphore_mem>>) src(%dma_wait3A_161 : memref<10240x128xf32, #tpu.memory_space<hbm>>) dst(%arg11 : memref<128x128xf32, #tpu.memory_space<vmem>>)
      %run_scoped3A_162 = arith.constant 14 : i32
      "tpu.region"() ({
        %run_scoped3A_177 = tpu.sem_alloc : memref<!tpu.dma_semaphore, #tpu.memory_space<semaphore_mem>>
        %dma_start3A_178 = arith.constant 0 : i32
        %dma_start3A_179 = tpu.memref_slice %arg10[%run_scoped3A_162, %dma_start3A_178] : memref<16x128xi32, #tpu.memory_space<vmem>> -> memref<1x128xi32, #tpu.memory_space<vmem>>
        %dma_start3A_180 = tpu.memref_squeeze %dma_start3A_179 : memref<1x128xi32, #tpu.memory_space<vmem>> -> memref<128xi32, #tpu.memory_space<vmem>>
        %dma_start3A_181 = arith.constant 0 : i32
        %dma_start3A_182 = arith.constant 0 : i32
        %dma_start3A_183 = tpu.memref_slice %arg13[%dma_start3A_181, %dma_start3A_182] : memref<10240x128xf32, #tpu.memory_space<vmem_shared>> -> memref<10240x128xf32, #tpu.memory_space<vmem_shared>>
        tpu.enqueue_indirect_dma source(%arg11 : memref<128x128xf32, #tpu.memory_space<vmem>>) target(%dma_start3A_183 : memref<10240x128xf32, #tpu.memory_space<vmem_shared>>) offsets(%dma_start3A_180 : memref<128xi32, #tpu.memory_space<vmem>>) semaphore(%run_scoped3A_177 : memref<!tpu.dma_semaphore, #tpu.memory_space<semaphore_mem>>) {add = true}
        %dma_wait3A_184 = arith.constant 0 : i32
        %dma_wait3A_185 = tpu.memref_slice %arg10[%run_scoped3A_162, %dma_wait3A_184] : memref<16x128xi32, #tpu.memory_space<vmem>> -> memref<1x128xi32, #tpu.memory_space<vmem>>
        %dma_wait3A_186 = tpu.memref_squeeze %dma_wait3A_185 : memref<1x128xi32, #tpu.memory_space<vmem>> -> memref<128xi32, #tpu.memory_space<vmem>>
        %dma_wait3A_187 = arith.constant 0 : i32
        %dma_wait3A_188 = arith.constant 0 : i32
        %dma_wait3A_189 = tpu.memref_slice %arg13[%dma_wait3A_187, %dma_wait3A_188] : memref<10240x128xf32, #tpu.memory_space<vmem_shared>> -> memref<10240x128xf32, #tpu.memory_space<vmem_shared>>
        tpu.wait_indirect_dma semaphore(%run_scoped3A_177 : memref<!tpu.dma_semaphore, #tpu.memory_space<semaphore_mem>>) src(%arg11 : memref<128x128xf32, #tpu.memory_space<vmem>>) dst(%dma_wait3A_189 : memref<10240x128xf32, #tpu.memory_space<vmem_shared>>)
        tpu.yield
      }) : () -> ()
      %dma_wait3A_163 = arith.constant 15 : i32
      %dma_wait3A_164 = arith.constant 0 : i32
      %dma_wait3A_165 = tpu.memref_slice %arg8[%dma_wait3A_163, %dma_wait3A_164] : memref<16x128xi32, #tpu.memory_space<vmem>> -> memref<1x128xi32, #tpu.memory_space<vmem>>
      %dma_wait3A_166 = tpu.memref_squeeze %dma_wait3A_165 : memref<1x128xi32, #tpu.memory_space<vmem>> -> memref<128xi32, #tpu.memory_space<vmem>>
      %dma_wait3A_167 = arith.constant 0 : i32
      %dma_wait3A_168 = arith.constant 0 : i32
      %dma_wait3A_169 = tpu.memref_slice %arg2[%dma_wait3A_167, %dma_wait3A_168] : memref<10240x128xf32, #tpu.memory_space<hbm>> -> memref<10240x128xf32, #tpu.memory_space<hbm>>
      tpu.wait_indirect_dma semaphore(%arg15 : memref<!tpu.dma_semaphore, #tpu.memory_space<semaphore_mem>>) src(%dma_wait3A_169 : memref<10240x128xf32, #tpu.memory_space<hbm>>) dst(%arg12 : memref<128x128xf32, #tpu.memory_space<vmem>>)
      %run_scoped3A_170 = arith.constant 15 : i32
      "tpu.region"() ({
        %run_scoped3A_177 = tpu.sem_alloc : memref<!tpu.dma_semaphore, #tpu.memory_space<semaphore_mem>>
        %dma_start3A_178 = arith.constant 0 : i32
        %dma_start3A_179 = tpu.memref_slice %arg10[%run_scoped3A_170, %dma_start3A_178] : memref<16x128xi32, #tpu.memory_space<vmem>> -> memref<1x128xi32, #tpu.memory_space<vmem>>
        %dma_start3A_180 = tpu.memref_squeeze %dma_start3A_179 : memref<1x128xi32, #tpu.memory_space<vmem>> -> memref<128xi32, #tpu.memory_space<vmem>>
        %dma_start3A_181 = arith.constant 0 : i32
        %dma_start3A_182 = arith.constant 0 : i32
        %dma_start3A_183 = tpu.memref_slice %arg13[%dma_start3A_181, %dma_start3A_182] : memref<10240x128xf32, #tpu.memory_space<vmem_shared>> -> memref<10240x128xf32, #tpu.memory_space<vmem_shared>>
        tpu.enqueue_indirect_dma source(%arg12 : memref<128x128xf32, #tpu.memory_space<vmem>>) target(%dma_start3A_183 : memref<10240x128xf32, #tpu.memory_space<vmem_shared>>) offsets(%dma_start3A_180 : memref<128xi32, #tpu.memory_space<vmem>>) semaphore(%run_scoped3A_177 : memref<!tpu.dma_semaphore, #tpu.memory_space<semaphore_mem>>) {add = true}
        %dma_wait3A_184 = arith.constant 0 : i32
        %dma_wait3A_185 = tpu.memref_slice %arg10[%run_scoped3A_170, %dma_wait3A_184] : memref<16x128xi32, #tpu.memory_space<vmem>> -> memref<1x128xi32, #tpu.memory_space<vmem>>
        %dma_wait3A_186 = tpu.memref_squeeze %dma_wait3A_185 : memref<1x128xi32, #tpu.memory_space<vmem>> -> memref<128xi32, #tpu.memory_space<vmem>>
        %dma_wait3A_187 = arith.constant 0 : i32
        %dma_wait3A_188 = arith.constant 0 : i32
        %dma_wait3A_189 = tpu.memref_slice %arg13[%dma_wait3A_187, %dma_wait3A_188] : memref<10240x128xf32, #tpu.memory_space<vmem_shared>> -> memref<10240x128xf32, #tpu.memory_space<vmem_shared>>
        tpu.wait_indirect_dma semaphore(%run_scoped3A_177 : memref<!tpu.dma_semaphore, #tpu.memory_space<semaphore_mem>>) src(%arg12 : memref<128x128xf32, #tpu.memory_space<vmem>>) dst(%dma_wait3A_189 : memref<10240x128xf32, #tpu.memory_space<vmem_shared>>)
        tpu.yield
      }) : () -> ()
      %add3A_171 = arith.constant 2 : i32
      %add3A_172 = arith.addi %add3A_123, %add3A_171 : i32
      %lt3A_173 = arith.cmpi slt, %add3A_172, %select_n3A_8 : i32
      %convert_element_type3A_174 = arith.extui %lt3A_173 : i1 to i32
      %cond3A_175 = arith.constant 0 : i32
      %cond3A_176 = arith.cmpi ne, %convert_element_type3A_174, %cond3A_175 : i32
      scf.if %cond3A_176 {
        %add3A_177 = arith.constant 2 : i32
        %add3A_178 = arith.addi %add3A_123, %add3A_177 : i32
        %mul3A_179 = arith.constant 16 : i32
        %mul3A_180 = arith.muli %add3A_178, %mul3A_179 : i32
        %add3A_181 = arith.addi %select_n3A, %mul3A_180 : i32
        %dma_start3A_182 = arith.constant 0 : i32
        %dma_start3A_183 = tpu.memref_slice %arg3[%add3A_181, %dma_start3A_182] : memref<2560x128xi32, #tpu.memory_space<hbm>> -> memref<16x128xi32, #tpu.memory_space<hbm>>
        %dma_start3A_184 = arith.constant 0 : i32
        %dma_start3A_185 = tpu.memref_slice %arg3[%add3A_181, %dma_start3A_184] : memref<2560x128xi32, #tpu.memory_space<hbm>> -> memref<16x128xi32, #tpu.memory_space<hbm>>
        tpu.enqueue_dma source(%dma_start3A_185 : memref<16x128xi32, #tpu.memory_space<hbm>>) target(%arg8 : memref<16x128xi32, #tpu.memory_space<vmem>>) target_semaphore(%arg17 : memref<!tpu.dma_semaphore, #tpu.memory_space<semaphore_mem>>)
        %dma_start3A_186 = arith.constant 0 : i32
        %dma_start3A_187 = tpu.memref_slice %arg4[%add3A_181, %dma_start3A_186] : memref<2560x128xi32, #tpu.memory_space<hbm>> -> memref<16x128xi32, #tpu.memory_space<hbm>>
        %dma_start3A_188 = arith.constant 0 : i32
        %dma_start3A_189 = tpu.memref_slice %arg4[%add3A_181, %dma_start3A_188] : memref<2560x128xi32, #tpu.memory_space<hbm>> -> memref<16x128xi32, #tpu.memory_space<hbm>>
        tpu.enqueue_dma source(%dma_start3A_189 : memref<16x128xi32, #tpu.memory_space<hbm>>) target(%arg10 : memref<16x128xi32, #tpu.memory_space<vmem>>) target_semaphore(%arg17 : memref<!tpu.dma_semaphore, #tpu.memory_space<semaphore_mem>>)
      } else {
      }
    }
    %while3A_62 = arith.constant 1 : i32
    scf.for %while3A_68 = %while3A_60 to %while3A_56 step %while3A_62  : i32 {
      %mul3A_69 = arith.constant 2 : i32
      %mul3A_70 = arith.muli %mul3A_69, %while3A_68 : i32
      %add3A_71 = arith.constant 0 : i32
      %add3A_72 = arith.addi %mul3A_70, %add3A_71 : i32
      %mul3A_73 = arith.constant 16 : i32
      %mul3A_74 = arith.muli %add3A_72, %mul3A_73 : i32
      %add3A_75 = arith.addi %select_n3A, %mul3A_74 : i32
      %dma_wait3A = arith.constant 0 : i32
      %dma_wait3A_76 = tpu.memref_slice %arg3[%add3A_75, %dma_wait3A] : memref<2560x128xi32, #tpu.memory_space<hbm>> -> memref<16x128xi32, #tpu.memory_space<hbm>>
      %dma_wait3A_77 = arith.constant 0 : i32
      %dma_wait3A_78 = tpu.memref_slice %arg3[%add3A_75, %dma_wait3A_77] : memref<2560x128xi32, #tpu.memory_space<hbm>> -> memref<16x128xi32, #tpu.memory_space<hbm>>
      tpu.wait_dma2 semaphore(%arg16 : memref<!tpu.dma_semaphore, #tpu.memory_space<semaphore_mem>>) src(%dma_wait3A_78 : memref<16x128xi32, #tpu.memory_space<hbm>>) dst(%arg7 : memref<16x128xi32, #tpu.memory_space<vmem>>)
      %dma_wait3A_79 = arith.constant 0 : i32
      %dma_wait3A_80 = tpu.memref_slice %arg4[%add3A_75, %dma_wait3A_79] : memref<2560x128xi32, #tpu.memory_space<hbm>> -> memref<16x128xi32, #tpu.memory_space<hbm>>
      %dma_wait3A_81 = arith.constant 0 : i32
      %dma_wait3A_82 = tpu.memref_slice %arg4[%add3A_75, %dma_wait3A_81] : memref<2560x128xi32, #tpu.memory_space<hbm>> -> memref<16x128xi32, #tpu.memory_space<hbm>>
      tpu.wait_dma2 semaphore(%arg16 : memref<!tpu.dma_semaphore, #tpu.memory_space<semaphore_mem>>) src(%dma_wait3A_82 : memref<16x128xi32, #tpu.memory_space<hbm>>) dst(%arg9 : memref<16x128xi32, #tpu.memory_space<vmem>>)
      %dma_start3A_83 = arith.constant 0 : i32
      %dma_start3A_84 = arith.constant 0 : i32
      %dma_start3A_85 = tpu.memref_slice %arg7[%dma_start3A_83, %dma_start3A_84] : memref<16x128xi32, #tpu.memory_space<vmem>> -> memref<1x128xi32, #tpu.memory_space<vmem>>
      %dma_start3A_86 = tpu.memref_squeeze %dma_start3A_85 : memref<1x128xi32, #tpu.memory_space<vmem>> -> memref<128xi32, #tpu.memory_space<vmem>>
      %dma_start3A_87 = arith.constant 0 : i32
      %dma_start3A_88 = arith.constant 0 : i32
      %dma_start3A_89 = tpu.memref_slice %arg2[%dma_start3A_87, %dma_start3A_88] : memref<10240x128xf32, #tpu.memory_space<hbm>> -> memref<10240x128xf32, #tpu.memory_space<hbm>>
      tpu.enqueue_indirect_dma source(%dma_start3A_89 : memref<10240x128xf32, #tpu.memory_space<hbm>>) target(%arg11 : memref<128x128xf32, #tpu.memory_space<vmem>>) offsets(%dma_start3A_86 : memref<128xi32, #tpu.memory_space<vmem>>) semaphore(%arg14 : memref<!tpu.dma_semaphore, #tpu.memory_space<semaphore_mem>>)
      %dma_start3A_90 = arith.constant 1 : i32
      %dma_start3A_91 = arith.constant 0 : i32
      %dma_start3A_92 = tpu.memref_slice %arg7[%dma_start3A_90, %dma_start3A_91] : memref<16x128xi32, #tpu.memory_space<vmem>> -> memref<1x128xi32, #tpu.memory_space<vmem>>
      %dma_start3A_93 = tpu.memref_squeeze %dma_start3A_92 : memref<1x128xi32, #tpu.memory_space<vmem>> -> memref<128xi32, #tpu.memory_space<vmem>>
      %dma_start3A_94 = arith.constant 0 : i32
      %dma_start3A_95 = arith.constant 0 : i32
      %dma_start3A_96 = tpu.memref_slice %arg2[%dma_start3A_94, %dma_start3A_95] : memref<10240x128xf32, #tpu.memory_space<hbm>> -> memref<10240x128xf32, #tpu.memory_space<hbm>>
      tpu.enqueue_indirect_dma source(%dma_start3A_96 : memref<10240x128xf32, #tpu.memory_space<hbm>>) target(%arg12 : memref<128x128xf32, #tpu.memory_space<vmem>>) offsets(%dma_start3A_93 : memref<128xi32, #tpu.memory_space<vmem>>) semaphore(%arg15 : memref<!tpu.dma_semaphore, #tpu.memory_space<semaphore_mem>>)
      %scan3A = arith.constant 0 : i32
      %scan3A_97 = arith.constant 0 : i32
      %scan3A_98 = arith.constant 7 : i32
      %scan3A_99 = arith.addi %scan3A_97, %scan3A_98 : i32
      %scan3A_100 = arith.constant 1 : i32
      scf.for %scan3A_177 = %scan3A_97 to %scan3A_99 step %scan3A_100  : i32 {
        %mul3A_178 = arith.constant 2 : i32
        %mul3A_179 = arith.muli %mul3A_178, %scan3A_177 : i32
        %add3A_180 = arith.constant 0 : i32
        %add3A_181 = arith.addi %mul3A_179, %add3A_180 : i32
        %dma_wait3A_182 = arith.constant 0 : i32
        %dma_wait3A_183 = tpu.memref_slice %arg7[%add3A_181, %dma_wait3A_182] : memref<16x128xi32, #tpu.memory_space<vmem>> -> memref<1x128xi32, #tpu.memory_space<vmem>>
        %dma_wait3A_184 = tpu.memref_squeeze %dma_wait3A_183 : memref<1x128xi32, #tpu.memory_space<vmem>> -> memref<128xi32, #tpu.memory_space<vmem>>
        %dma_wait3A_185 = arith.constant 0 : i32
        %dma_wait3A_186 = arith.constant 0 : i32
        %dma_wait3A_187 = tpu.memref_slice %arg2[%dma_wait3A_185, %dma_wait3A_186] : memref<10240x128xf32, #tpu.memory_space<hbm>> -> memref<10240x128xf32, #tpu.memory_space<hbm>>
        tpu.wait_indirect_dma semaphore(%arg14 : memref<!tpu.dma_semaphore, #tpu.memory_space<semaphore_mem>>) src(%dma_wait3A_187 : memref<10240x128xf32, #tpu.memory_space<hbm>>) dst(%arg11 : memref<128x128xf32, #tpu.memory_space<vmem>>)
        "tpu.region"() ({
          %run_scoped3A_214 = tpu.sem_alloc : memref<!tpu.dma_semaphore, #tpu.memory_space<semaphore_mem>>
          %dma_start3A_215 = arith.constant 0 : i32
          %dma_start3A_216 = tpu.memref_slice %arg9[%add3A_181, %dma_start3A_215] : memref<16x128xi32, #tpu.memory_space<vmem>> -> memref<1x128xi32, #tpu.memory_space<vmem>>
          %dma_start3A_217 = tpu.memref_squeeze %dma_start3A_216 : memref<1x128xi32, #tpu.memory_space<vmem>> -> memref<128xi32, #tpu.memory_space<vmem>>
          %dma_start3A_218 = arith.constant 0 : i32
          %dma_start3A_219 = arith.constant 0 : i32
          %dma_start3A_220 = tpu.memref_slice %arg13[%dma_start3A_218, %dma_start3A_219] : memref<10240x128xf32, #tpu.memory_space<vmem_shared>> -> memref<10240x128xf32, #tpu.memory_space<vmem_shared>>
          tpu.enqueue_indirect_dma source(%arg11 : memref<128x128xf32, #tpu.memory_space<vmem>>) target(%dma_start3A_220 : memref<10240x128xf32, #tpu.memory_space<vmem_shared>>) offsets(%dma_start3A_217 : memref<128xi32, #tpu.memory_space<vmem>>) semaphore(%run_scoped3A_214 : memref<!tpu.dma_semaphore, #tpu.memory_space<semaphore_mem>>) {add = true}
          %dma_wait3A_221 = arith.constant 0 : i32
          %dma_wait3A_222 = tpu.memref_slice %arg9[%add3A_181, %dma_wait3A_221] : memref<16x128xi32, #tpu.memory_space<vmem>> -> memref<1x128xi32, #tpu.memory_space<vmem>>
          %dma_wait3A_223 = tpu.memref_squeeze %dma_wait3A_222 : memref<1x128xi32, #tpu.memory_space<vmem>> -> memref<128xi32, #tpu.memory_space<vmem>>
          %dma_wait3A_224 = arith.constant 0 : i32
          %dma_wait3A_225 = arith.constant 0 : i32
          %dma_wait3A_226 = tpu.memref_slice %arg13[%dma_wait3A_224, %dma_wait3A_225] : memref<10240x128xf32, #tpu.memory_space<vmem_shared>> -> memref<10240x128xf32, #tpu.memory_space<vmem_shared>>
          tpu.wait_indirect_dma semaphore(%run_scoped3A_214 : memref<!tpu.dma_semaphore, #tpu.memory_space<semaphore_mem>>) src(%arg11 : memref<128x128xf32, #tpu.memory_space<vmem>>) dst(%dma_wait3A_226 : memref<10240x128xf32, #tpu.memory_space<vmem_shared>>)
          tpu.yield
        }) : () -> ()
        %add3A_188 = arith.constant 2 : i32
        %add3A_189 = arith.addi %add3A_181, %add3A_188 : i32
        %dma_start3A_190 = arith.constant 0 : i32
        %dma_start3A_191 = tpu.memref_slice %arg7[%add3A_189, %dma_start3A_190] : memref<16x128xi32, #tpu.memory_space<vmem>> -> memref<1x128xi32, #tpu.memory_space<vmem>>
        %dma_start3A_192 = tpu.memref_squeeze %dma_start3A_191 : memref<1x128xi32, #tpu.memory_space<vmem>> -> memref<128xi32, #tpu.memory_space<vmem>>
        %dma_start3A_193 = arith.constant 0 : i32
        %dma_start3A_194 = arith.constant 0 : i32
        %dma_start3A_195 = tpu.memref_slice %arg2[%dma_start3A_193, %dma_start3A_194] : memref<10240x128xf32, #tpu.memory_space<hbm>> -> memref<10240x128xf32, #tpu.memory_space<hbm>>
        tpu.enqueue_indirect_dma source(%dma_start3A_195 : memref<10240x128xf32, #tpu.memory_space<hbm>>) target(%arg11 : memref<128x128xf32, #tpu.memory_space<vmem>>) offsets(%dma_start3A_192 : memref<128xi32, #tpu.memory_space<vmem>>) semaphore(%arg14 : memref<!tpu.dma_semaphore, #tpu.memory_space<semaphore_mem>>)
        %mul3A_196 = arith.constant 2 : i32
        %mul3A_197 = arith.muli %mul3A_196, %scan3A_177 : i32
        %add3A_198 = arith.constant 1 : i32
        %add3A_199 = arith.addi %mul3A_197, %add3A_198 : i32
        %dma_wait3A_200 = arith.constant 0 : i32
        %dma_wait3A_201 = tpu.memref_slice %arg7[%add3A_199, %dma_wait3A_200] : memref<16x128xi32, #tpu.memory_space<vmem>> -> memref<1x128xi32, #tpu.memory_space<vmem>>
        %dma_wait3A_202 = tpu.memref_squeeze %dma_wait3A_201 : memref<1x128xi32, #tpu.memory_space<vmem>> -> memref<128xi32, #tpu.memory_space<vmem>>
        %dma_wait3A_203 = arith.constant 0 : i32
        %dma_wait3A_204 = arith.constant 0 : i32
        %dma_wait3A_205 = tpu.memref_slice %arg2[%dma_wait3A_203, %dma_wait3A_204] : memref<10240x128xf32, #tpu.memory_space<hbm>> -> memref<10240x128xf32, #tpu.memory_space<hbm>>
        tpu.wait_indirect_dma semaphore(%arg15 : memref<!tpu.dma_semaphore, #tpu.memory_space<semaphore_mem>>) src(%dma_wait3A_205 : memref<10240x128xf32, #tpu.memory_space<hbm>>) dst(%arg12 : memref<128x128xf32, #tpu.memory_space<vmem>>)
        "tpu.region"() ({
          %run_scoped3A_214 = tpu.sem_alloc : memref<!tpu.dma_semaphore, #tpu.memory_space<semaphore_mem>>
          %dma_start3A_215 = arith.constant 0 : i32
          %dma_start3A_216 = tpu.memref_slice %arg9[%add3A_199, %dma_start3A_215] : memref<16x128xi32, #tpu.memory_space<vmem>> -> memref<1x128xi32, #tpu.memory_space<vmem>>
          %dma_start3A_217 = tpu.memref_squeeze %dma_start3A_216 : memref<1x128xi32, #tpu.memory_space<vmem>> -> memref<128xi32, #tpu.memory_space<vmem>>
          %dma_start3A_218 = arith.constant 0 : i32
          %dma_start3A_219 = arith.constant 0 : i32
          %dma_start3A_220 = tpu.memref_slice %arg13[%dma_start3A_218, %dma_start3A_219] : memref<10240x128xf32, #tpu.memory_space<vmem_shared>> -> memref<10240x128xf32, #tpu.memory_space<vmem_shared>>
          tpu.enqueue_indirect_dma source(%arg12 : memref<128x128xf32, #tpu.memory_space<vmem>>) target(%dma_start3A_220 : memref<10240x128xf32, #tpu.memory_space<vmem_shared>>) offsets(%dma_start3A_217 : memref<128xi32, #tpu.memory_space<vmem>>) semaphore(%run_scoped3A_214 : memref<!tpu.dma_semaphore, #tpu.memory_space<semaphore_mem>>) {add = true}
          %dma_wait3A_221 = arith.constant 0 : i32
          %dma_wait3A_222 = tpu.memref_slice %arg9[%add3A_199, %dma_wait3A_221] : memref<16x128xi32, #tpu.memory_space<vmem>> -> memref<1x128xi32, #tpu.memory_space<vmem>>
          %dma_wait3A_223 = tpu.memref_squeeze %dma_wait3A_222 : memref<1x128xi32, #tpu.memory_space<vmem>> -> memref<128xi32, #tpu.memory_space<vmem>>
          %dma_wait3A_224 = arith.constant 0 : i32
          %dma_wait3A_225 = arith.constant 0 : i32
          %dma_wait3A_226 = tpu.memref_slice %arg13[%dma_wait3A_224, %dma_wait3A_225] : memref<10240x128xf32, #tpu.memory_space<vmem_shared>> -> memref<10240x128xf32, #tpu.memory_space<vmem_shared>>
          tpu.wait_indirect_dma semaphore(%run_scoped3A_214 : memref<!tpu.dma_semaphore, #tpu.memory_space<semaphore_mem>>) src(%arg12 : memref<128x128xf32, #tpu.memory_space<vmem>>) dst(%dma_wait3A_226 : memref<10240x128xf32, #tpu.memory_space<vmem_shared>>)
          tpu.yield
        }) : () -> ()
        %add3A_206 = arith.constant 2 : i32
        %add3A_207 = arith.addi %add3A_199, %add3A_206 : i32
        %dma_start3A_208 = arith.constant 0 : i32
        %dma_start3A_209 = tpu.memref_slice %arg7[%add3A_207, %dma_start3A_208] : memref<16x128xi32, #tpu.memory_space<vmem>> -> memref<1x128xi32, #tpu.memory_space<vmem>>
        %dma_start3A_210 = tpu.memref_squeeze %dma_start3A_209 : memref<1x128xi32, #tpu.memory_space<vmem>> -> memref<128xi32, #tpu.memory_space<vmem>>
        %dma_start3A_211 = arith.constant 0 : i32
        %dma_start3A_212 = arith.constant 0 : i32
        %dma_start3A_213 = tpu.memref_slice %arg2[%dma_start3A_211, %dma_start3A_212] : memref<10240x128xf32, #tpu.memory_space<hbm>> -> memref<10240x128xf32, #tpu.memory_space<hbm>>
        tpu.enqueue_indirect_dma source(%dma_start3A_213 : memref<10240x128xf32, #tpu.memory_space<hbm>>) target(%arg12 : memref<128x128xf32, #tpu.memory_space<vmem>>) offsets(%dma_start3A_210 : memref<128xi32, #tpu.memory_space<vmem>>) semaphore(%arg15 : memref<!tpu.dma_semaphore, #tpu.memory_space<semaphore_mem>>)
      }
      %scan3A_101 = arith.constant 7 : i32
      %dma_wait3A_102 = arith.constant 14 : i32
      %dma_wait3A_103 = arith.constant 0 : i32
      %dma_wait3A_104 = tpu.memref_slice %arg7[%dma_wait3A_102, %dma_wait3A_103] : memref<16x128xi32, #tpu.memory_space<vmem>> -> memref<1x128xi32, #tpu.memory_space<vmem>>
      %dma_wait3A_105 = tpu.memref_squeeze %dma_wait3A_104 : memref<1x128xi32, #tpu.memory_space<vmem>> -> memref<128xi32, #tpu.memory_space<vmem>>
      %dma_wait3A_106 = arith.constant 0 : i32
      %dma_wait3A_107 = arith.constant 0 : i32
      %dma_wait3A_108 = tpu.memref_slice %arg2[%dma_wait3A_106, %dma_wait3A_107] : memref<10240x128xf32, #tpu.memory_space<hbm>> -> memref<10240x128xf32, #tpu.memory_space<hbm>>
      tpu.wait_indirect_dma semaphore(%arg14 : memref<!tpu.dma_semaphore, #tpu.memory_space<semaphore_mem>>) src(%dma_wait3A_108 : memref<10240x128xf32, #tpu.memory_space<hbm>>) dst(%arg11 : memref<128x128xf32, #tpu.memory_space<vmem>>)
      %run_scoped3A = arith.constant 14 : i32
      "tpu.region"() ({
        %run_scoped3A_177 = tpu.sem_alloc : memref<!tpu.dma_semaphore, #tpu.memory_space<semaphore_mem>>
        %dma_start3A_178 = arith.constant 0 : i32
        %dma_start3A_179 = tpu.memref_slice %arg9[%run_scoped3A, %dma_start3A_178] : memref<16x128xi32, #tpu.memory_space<vmem>> -> memref<1x128xi32, #tpu.memory_space<vmem>>
        %dma_start3A_180 = tpu.memref_squeeze %dma_start3A_179 : memref<1x128xi32, #tpu.memory_space<vmem>> -> memref<128xi32, #tpu.memory_space<vmem>>
        %dma_start3A_181 = arith.constant 0 : i32
        %dma_start3A_182 = arith.constant 0 : i32
        %dma_start3A_183 = tpu.memref_slice %arg13[%dma_start3A_181, %dma_start3A_182] : memref<10240x128xf32, #tpu.memory_space<vmem_shared>> -> memref<10240x128xf32, #tpu.memory_space<vmem_shared>>
        tpu.enqueue_indirect_dma source(%arg11 : memref<128x128xf32, #tpu.memory_space<vmem>>) target(%dma_start3A_183 : memref<10240x128xf32, #tpu.memory_space<vmem_shared>>) offsets(%dma_start3A_180 : memref<128xi32, #tpu.memory_space<vmem>>) semaphore(%run_scoped3A_177 : memref<!tpu.dma_semaphore, #tpu.memory_space<semaphore_mem>>) {add = true}
        %dma_wait3A_184 = arith.constant 0 : i32
        %dma_wait3A_185 = tpu.memref_slice %arg9[%run_scoped3A, %dma_wait3A_184] : memref<16x128xi32, #tpu.memory_space<vmem>> -> memref<1x128xi32, #tpu.memory_space<vmem>>
        %dma_wait3A_186 = tpu.memref_squeeze %dma_wait3A_185 : memref<1x128xi32, #tpu.memory_space<vmem>> -> memref<128xi32, #tpu.memory_space<vmem>>
        %dma_wait3A_187 = arith.constant 0 : i32
        %dma_wait3A_188 = arith.constant 0 : i32
        %dma_wait3A_189 = tpu.memref_slice %arg13[%dma_wait3A_187, %dma_wait3A_188] : memref<10240x128xf32, #tpu.memory_space<vmem_shared>> -> memref<10240x128xf32, #tpu.memory_space<vmem_shared>>
        tpu.wait_indirect_dma semaphore(%run_scoped3A_177 : memref<!tpu.dma_semaphore, #tpu.memory_space<semaphore_mem>>) src(%arg11 : memref<128x128xf32, #tpu.memory_space<vmem>>) dst(%dma_wait3A_189 : memref<10240x128xf32, #tpu.memory_space<vmem_shared>>)
        tpu.yield
      }) : () -> ()
      %dma_wait3A_109 = arith.constant 15 : i32
      %dma_wait3A_110 = arith.constant 0 : i32
      %dma_wait3A_111 = tpu.memref_slice %arg7[%dma_wait3A_109, %dma_wait3A_110] : memref<16x128xi32, #tpu.memory_space<vmem>> -> memref<1x128xi32, #tpu.memory_space<vmem>>
      %dma_wait3A_112 = tpu.memref_squeeze %dma_wait3A_111 : memref<1x128xi32, #tpu.memory_space<vmem>> -> memref<128xi32, #tpu.memory_space<vmem>>
      %dma_wait3A_113 = arith.constant 0 : i32
      %dma_wait3A_114 = arith.constant 0 : i32
      %dma_wait3A_115 = tpu.memref_slice %arg2[%dma_wait3A_113, %dma_wait3A_114] : memref<10240x128xf32, #tpu.memory_space<hbm>> -> memref<10240x128xf32, #tpu.memory_space<hbm>>
      tpu.wait_indirect_dma semaphore(%arg15 : memref<!tpu.dma_semaphore, #tpu.memory_space<semaphore_mem>>) src(%dma_wait3A_115 : memref<10240x128xf32, #tpu.memory_space<hbm>>) dst(%arg12 : memref<128x128xf32, #tpu.memory_space<vmem>>)
      %run_scoped3A_116 = arith.constant 15 : i32
      "tpu.region"() ({
        %run_scoped3A_177 = tpu.sem_alloc : memref<!tpu.dma_semaphore, #tpu.memory_space<semaphore_mem>>
        %dma_start3A_178 = arith.constant 0 : i32
        %dma_start3A_179 = tpu.memref_slice %arg9[%run_scoped3A_116, %dma_start3A_178] : memref<16x128xi32, #tpu.memory_space<vmem>> -> memref<1x128xi32, #tpu.memory_space<vmem>>
        %dma_start3A_180 = tpu.memref_squeeze %dma_start3A_179 : memref<1x128xi32, #tpu.memory_space<vmem>> -> memref<128xi32, #tpu.memory_space<vmem>>
        %dma_start3A_181 = arith.constant 0 : i32
        %dma_start3A_182 = arith.constant 0 : i32
        %dma_start3A_183 = tpu.memref_slice %arg13[%dma_start3A_181, %dma_start3A_182] : memref<10240x128xf32, #tpu.memory_space<vmem_shared>> -> memref<10240x128xf32, #tpu.memory_space<vmem_shared>>
        tpu.enqueue_indirect_dma source(%arg12 : memref<128x128xf32, #tpu.memory_space<vmem>>) target(%dma_start3A_183 : memref<10240x128xf32, #tpu.memory_space<vmem_shared>>) offsets(%dma_start3A_180 : memref<128xi32, #tpu.memory_space<vmem>>) semaphore(%run_scoped3A_177 : memref<!tpu.dma_semaphore, #tpu.memory_space<semaphore_mem>>) {add = true}
        %dma_wait3A_184 = arith.constant 0 : i32
        %dma_wait3A_185 = tpu.memref_slice %arg9[%run_scoped3A_116, %dma_wait3A_184] : memref<16x128xi32, #tpu.memory_space<vmem>> -> memref<1x128xi32, #tpu.memory_space<vmem>>
        %dma_wait3A_186 = tpu.memref_squeeze %dma_wait3A_185 : memref<1x128xi32, #tpu.memory_space<vmem>> -> memref<128xi32, #tpu.memory_space<vmem>>
        %dma_wait3A_187 = arith.constant 0 : i32
        %dma_wait3A_188 = arith.constant 0 : i32
        %dma_wait3A_189 = tpu.memref_slice %arg13[%dma_wait3A_187, %dma_wait3A_188] : memref<10240x128xf32, #tpu.memory_space<vmem_shared>> -> memref<10240x128xf32, #tpu.memory_space<vmem_shared>>
        tpu.wait_indirect_dma semaphore(%run_scoped3A_177 : memref<!tpu.dma_semaphore, #tpu.memory_space<semaphore_mem>>) src(%arg12 : memref<128x128xf32, #tpu.memory_space<vmem>>) dst(%dma_wait3A_189 : memref<10240x128xf32, #tpu.memory_space<vmem_shared>>)
        tpu.yield
      }) : () -> ()
      %add3A_117 = arith.constant 2 : i32
      %add3A_118 = arith.addi %add3A_72, %add3A_117 : i32
      %lt3A = arith.cmpi slt, %add3A_118, %select_n3A_8 : i32
      %convert_element_type3A = arith.extui %lt3A : i1 to i32
      %cond3A = arith.constant 0 : i32
      %cond3A_119 = arith.cmpi ne, %convert_element_type3A, %cond3A : i32
      scf.if %cond3A_119 {
        %add3A_177 = arith.constant 2 : i32
        %add3A_178 = arith.addi %add3A_72, %add3A_177 : i32
        %mul3A_179 = arith.constant 16 : i32
        %mul3A_180 = arith.muli %add3A_178, %mul3A_179 : i32
        %add3A_181 = arith.addi %select_n3A, %mul3A_180 : i32
        %dma_start3A_182 = arith.constant 0 : i32
        %dma_start3A_183 = tpu.memref_slice %arg3[%add3A_181, %dma_start3A_182] : memref<2560x128xi32, #tpu.memory_space<hbm>> -> memref<16x128xi32, #tpu.memory_space<hbm>>
        %dma_start3A_184 = arith.constant 0 : i32
        %dma_start3A_185 = tpu.memref_slice %arg3[%add3A_181, %dma_start3A_184] : memref<2560x128xi32, #tpu.memory_space<hbm>> -> memref<16x128xi32, #tpu.memory_space<hbm>>
        tpu.enqueue_dma source(%dma_start3A_185 : memref<16x128xi32, #tpu.memory_space<hbm>>) target(%arg7 : memref<16x128xi32, #tpu.memory_space<vmem>>) target_semaphore(%arg16 : memref<!tpu.dma_semaphore, #tpu.memory_space<semaphore_mem>>)
        %dma_start3A_186 = arith.constant 0 : i32
        %dma_start3A_187 = tpu.memref_slice %arg4[%add3A_181, %dma_start3A_186] : memref<2560x128xi32, #tpu.memory_space<hbm>> -> memref<16x128xi32, #tpu.memory_space<hbm>>
        %dma_start3A_188 = arith.constant 0 : i32
        %dma_start3A_189 = tpu.memref_slice %arg4[%add3A_181, %dma_start3A_188] : memref<2560x128xi32, #tpu.memory_space<hbm>> -> memref<16x128xi32, #tpu.memory_space<hbm>>
        tpu.enqueue_dma source(%dma_start3A_189 : memref<16x128xi32, #tpu.memory_space<hbm>>) target(%arg9 : memref<16x128xi32, #tpu.memory_space<vmem>>) target_semaphore(%arg16 : memref<!tpu.dma_semaphore, #tpu.memory_space<semaphore_mem>>)
      } else {
      }
      %mul3A_120 = arith.constant 2 : i32
      %mul3A_121 = arith.muli %mul3A_120, %while3A_68 : i32
      %add3A_122 = arith.constant 1 : i32
      %add3A_123 = arith.addi %mul3A_121, %add3A_122 : i32
      %mul3A_124 = arith.constant 16 : i32
      %mul3A_125 = arith.muli %add3A_123, %mul3A_124 : i32
      %add3A_126 = arith.addi %select_n3A, %mul3A_125 : i32
      %dma_wait3A_127 = arith.constant 0 : i32
      %dma_wait3A_128 = tpu.memref_slice %arg3[%add3A_126, %dma_wait3A_127] : memref<2560x128xi32, #tpu.memory_space<hbm>> -> memref<16x128xi32, #tpu.memory_space<hbm>>
      %dma_wait3A_129 = arith.constant 0 : i32
      %dma_wait3A_130 = tpu.memref_slice %arg3[%add3A_126, %dma_wait3A_129] : memref<2560x128xi32, #tpu.memory_space<hbm>> -> memref<16x128xi32, #tpu.memory_space<hbm>>
      tpu.wait_dma2 semaphore(%arg17 : memref<!tpu.dma_semaphore, #tpu.memory_space<semaphore_mem>>) src(%dma_wait3A_130 : memref<16x128xi32, #tpu.memory_space<hbm>>) dst(%arg8 : memref<16x128xi32, #tpu.memory_space<vmem>>)
      %dma_wait3A_131 = arith.constant 0 : i32
      %dma_wait3A_132 = tpu.memref_slice %arg4[%add3A_126, %dma_wait3A_131] : memref<2560x128xi32, #tpu.memory_space<hbm>> -> memref<16x128xi32, #tpu.memory_space<hbm>>
      %dma_wait3A_133 = arith.constant 0 : i32
      %dma_wait3A_134 = tpu.memref_slice %arg4[%add3A_126, %dma_wait3A_133] : memref<2560x128xi32, #tpu.memory_space<hbm>> -> memref<16x128xi32, #tpu.memory_space<hbm>>
      tpu.wait_dma2 semaphore(%arg17 : memref<!tpu.dma_semaphore, #tpu.memory_space<semaphore_mem>>) src(%dma_wait3A_134 : memref<16x128xi32, #tpu.memory_space<hbm>>) dst(%arg10 : memref<16x128xi32, #tpu.memory_space<vmem>>)
      %dma_start3A_135 = arith.constant 0 : i32
      %dma_start3A_136 = arith.constant 0 : i32
      %dma_start3A_137 = tpu.memref_slice %arg8[%dma_start3A_135, %dma_start3A_136] : memref<16x128xi32, #tpu.memory_space<vmem>> -> memref<1x128xi32, #tpu.memory_space<vmem>>
      %dma_start3A_138 = tpu.memref_squeeze %dma_start3A_137 : memref<1x128xi32, #tpu.memory_space<vmem>> -> memref<128xi32, #tpu.memory_space<vmem>>
      %dma_start3A_139 = arith.constant 0 : i32
      %dma_start3A_140 = arith.constant 0 : i32
      %dma_start3A_141 = tpu.memref_slice %arg2[%dma_start3A_139, %dma_start3A_140] : memref<10240x128xf32, #tpu.memory_space<hbm>> -> memref<10240x128xf32, #tpu.memory_space<hbm>>
      tpu.enqueue_indirect_dma source(%dma_start3A_141 : memref<10240x128xf32, #tpu.memory_space<hbm>>) target(%arg11 : memref<128x128xf32, #tpu.memory_space<vmem>>) offsets(%dma_start3A_138 : memref<128xi32, #tpu.memory_space<vmem>>) semaphore(%arg14 : memref<!tpu.dma_semaphore, #tpu.memory_space<semaphore_mem>>)
      %dma_start3A_142 = arith.constant 1 : i32
      %dma_start3A_143 = arith.constant 0 : i32
      %dma_start3A_144 = tpu.memref_slice %arg8[%dma_start3A_142, %dma_start3A_143] : memref<16x128xi32, #tpu.memory_space<vmem>> -> memref<1x128xi32, #tpu.memory_space<vmem>>
      %dma_start3A_145 = tpu.memref_squeeze %dma_start3A_144 : memref<1x128xi32, #tpu.memory_space<vmem>> -> memref<128xi32, #tpu.memory_space<vmem>>
      %dma_start3A_146 = arith.constant 0 : i32
      %dma_start3A_147 = arith.constant 0 : i32
      %dma_start3A_148 = tpu.memref_slice %arg2[%dma_start3A_146, %dma_start3A_147] : memref<10240x128xf32, #tpu.memory_space<hbm>> -> memref<10240x128xf32, #tpu.memory_space<hbm>>
      tpu.enqueue_indirect_dma source(%dma_start3A_148 : memref<10240x128xf32, #tpu.memory_space<hbm>>) target(%arg12 : memref<128x128xf32, #tpu.memory_space<vmem>>) offsets(%dma_start3A_145 : memref<128xi32, #tpu.memory_space<vmem>>) semaphore(%arg15 : memref<!tpu.dma_semaphore, #tpu.memory_space<semaphore_mem>>)
      %scan3A_149 = arith.constant 0 : i32
      %scan3A_150 = arith.constant 0 : i32
      %scan3A_151 = arith.constant 7 : i32
      %scan3A_152 = arith.addi %scan3A_150, %scan3A_151 : i32
      %scan3A_153 = arith.constant 1 : i32
      scf.for %scan3A_177 = %scan3A_150 to %scan3A_152 step %scan3A_153  : i32 {
        %mul3A_178 = arith.constant 2 : i32
        %mul3A_179 = arith.muli %mul3A_178, %scan3A_177 : i32
        %add3A_180 = arith.constant 0 : i32
        %add3A_181 = arith.addi %mul3A_179, %add3A_180 : i32
        %dma_wait3A_182 = arith.constant 0 : i32
        %dma_wait3A_183 = tpu.memref_slice %arg8[%add3A_181, %dma_wait3A_182] : memref<16x128xi32, #tpu.memory_space<vmem>> -> memref<1x128xi32, #tpu.memory_space<vmem>>
        %dma_wait3A_184 = tpu.memref_squeeze %dma_wait3A_183 : memref<1x128xi32, #tpu.memory_space<vmem>> -> memref<128xi32, #tpu.memory_space<vmem>>
        %dma_wait3A_185 = arith.constant 0 : i32
        %dma_wait3A_186 = arith.constant 0 : i32
        %dma_wait3A_187 = tpu.memref_slice %arg2[%dma_wait3A_185, %dma_wait3A_186] : memref<10240x128xf32, #tpu.memory_space<hbm>> -> memref<10240x128xf32, #tpu.memory_space<hbm>>
        tpu.wait_indirect_dma semaphore(%arg14 : memref<!tpu.dma_semaphore, #tpu.memory_space<semaphore_mem>>) src(%dma_wait3A_187 : memref<10240x128xf32, #tpu.memory_space<hbm>>) dst(%arg11 : memref<128x128xf32, #tpu.memory_space<vmem>>)
        "tpu.region"() ({
          %run_scoped3A_214 = tpu.sem_alloc : memref<!tpu.dma_semaphore, #tpu.memory_space<semaphore_mem>>
          %dma_start3A_215 = arith.constant 0 : i32
          %dma_start3A_216 = tpu.memref_slice %arg10[%add3A_181, %dma_start3A_215] : memref<16x128xi32, #tpu.memory_space<vmem>> -> memref<1x128xi32, #tpu.memory_space<vmem>>
          %dma_start3A_217 = tpu.memref_squeeze %dma_start3A_216 : memref<1x128xi32, #tpu.memory_space<vmem>> -> memref<128xi32, #tpu.memory_space<vmem>>
          %dma_start3A_218 = arith.constant 0 : i32
          %dma_start3A_219 = arith.constant 0 : i32
          %dma_start3A_220 = tpu.memref_slice %arg13[%dma_start3A_218, %dma_start3A_219] : memref<10240x128xf32, #tpu.memory_space<vmem_shared>> -> memref<10240x128xf32, #tpu.memory_space<vmem_shared>>
          tpu.enqueue_indirect_dma source(%arg11 : memref<128x128xf32, #tpu.memory_space<vmem>>) target(%dma_start3A_220 : memref<10240x128xf32, #tpu.memory_space<vmem_shared>>) offsets(%dma_start3A_217 : memref<128xi32, #tpu.memory_space<vmem>>) semaphore(%run_scoped3A_214 : memref<!tpu.dma_semaphore, #tpu.memory_space<semaphore_mem>>) {add = true}
          %dma_wait3A_221 = arith.constant 0 : i32
          %dma_wait3A_222 = tpu.memref_slice %arg10[%add3A_181, %dma_wait3A_221] : memref<16x128xi32, #tpu.memory_space<vmem>> -> memref<1x128xi32, #tpu.memory_space<vmem>>
          %dma_wait3A_223 = tpu.memref_squeeze %dma_wait3A_222 : memref<1x128xi32, #tpu.memory_space<vmem>> -> memref<128xi32, #tpu.memory_space<vmem>>
          %dma_wait3A_224 = arith.constant 0 : i32
          %dma_wait3A_225 = arith.constant 0 : i32
          %dma_wait3A_226 = tpu.memref_slice %arg13[%dma_wait3A_224, %dma_wait3A_225] : memref<10240x128xf32, #tpu.memory_space<vmem_shared>> -> memref<10240x128xf32, #tpu.memory_space<vmem_shared>>
          tpu.wait_indirect_dma semaphore(%run_scoped3A_214 : memref<!tpu.dma_semaphore, #tpu.memory_space<semaphore_mem>>) src(%arg11 : memref<128x128xf32, #tpu.memory_space<vmem>>) dst(%dma_wait3A_226 : memref<10240x128xf32, #tpu.memory_space<vmem_shared>>)
          tpu.yield
        }) : () -> ()
        %add3A_188 = arith.constant 2 : i32
        %add3A_189 = arith.addi %add3A_181, %add3A_188 : i32
        %dma_start3A_190 = arith.constant 0 : i32
        %dma_start3A_191 = tpu.memref_slice %arg8[%add3A_189, %dma_start3A_190] : memref<16x128xi32, #tpu.memory_space<vmem>> -> memref<1x128xi32, #tpu.memory_space<vmem>>
        %dma_start3A_192 = tpu.memref_squeeze %dma_start3A_191 : memref<1x128xi32, #tpu.memory_space<vmem>> -> memref<128xi32, #tpu.memory_space<vmem>>
        %dma_start3A_193 = arith.constant 0 : i32
        %dma_start3A_194 = arith.constant 0 : i32
        %dma_start3A_195 = tpu.memref_slice %arg2[%dma_start3A_193, %dma_start3A_194] : memref<10240x128xf32, #tpu.memory_space<hbm>> -> memref<10240x128xf32, #tpu.memory_space<hbm>>
        tpu.enqueue_indirect_dma source(%dma_start3A_195 : memref<10240x128xf32, #tpu.memory_space<hbm>>) target(%arg11 : memref<128x128xf32, #tpu.memory_space<vmem>>) offsets(%dma_start3A_192 : memref<128xi32, #tpu.memory_space<vmem>>) semaphore(%arg14 : memref<!tpu.dma_semaphore, #tpu.memory_space<semaphore_mem>>)
        %mul3A_196 = arith.constant 2 : i32
        %mul3A_197 = arith.muli %mul3A_196, %scan3A_177 : i32
        %add3A_198 = arith.constant 1 : i32
        %add3A_199 = arith.addi %mul3A_197, %add3A_198 : i32
        %dma_wait3A_200 = arith.constant 0 : i32
        %dma_wait3A_201 = tpu.memref_slice %arg8[%add3A_199, %dma_wait3A_200] : memref<16x128xi32, #tpu.memory_space<vmem>> -> memref<1x128xi32, #tpu.memory_space<vmem>>
        %dma_wait3A_202 = tpu.memref_squeeze %dma_wait3A_201 : memref<1x128xi32, #tpu.memory_space<vmem>> -> memref<128xi32, #tpu.memory_space<vmem>>
        %dma_wait3A_203 = arith.constant 0 : i32
        %dma_wait3A_204 = arith.constant 0 : i32
        %dma_wait3A_205 = tpu.memref_slice %arg2[%dma_wait3A_203, %dma_wait3A_204] : memref<10240x128xf32, #tpu.memory_space<hbm>> -> memref<10240x128xf32, #tpu.memory_space<hbm>>
        tpu.wait_indirect_dma semaphore(%arg15 : memref<!tpu.dma_semaphore, #tpu.memory_space<semaphore_mem>>) src(%dma_wait3A_205 : memref<10240x128xf32, #tpu.memory_space<hbm>>) dst(%arg12 : memref<128x128xf32, #tpu.memory_space<vmem>>)
        "tpu.region"() ({
          %run_scoped3A_214 = tpu.sem_alloc : memref<!tpu.dma_semaphore, #tpu.memory_space<semaphore_mem>>
          %dma_start3A_215 = arith.constant 0 : i32
          %dma_start3A_216 = tpu.memref_slice %arg10[%add3A_199, %dma_start3A_215] : memref<16x128xi32, #tpu.memory_space<vmem>> -> memref<1x128xi32, #tpu.memory_space<vmem>>
          %dma_start3A_217 = tpu.memref_squeeze %dma_start3A_216 : memref<1x128xi32, #tpu.memory_space<vmem>> -> memref<128xi32, #tpu.memory_space<vmem>>
          %dma_start3A_218 = arith.constant 0 : i32
          %dma_start3A_219 = arith.constant 0 : i32
          %dma_start3A_220 = tpu.memref_slice %arg13[%dma_start3A_218, %dma_start3A_219] : memref<10240x128xf32, #tpu.memory_space<vmem_shared>> -> memref<10240x128xf32, #tpu.memory_space<vmem_shared>>
          tpu.enqueue_indirect_dma source(%arg12 : memref<128x128xf32, #tpu.memory_space<vmem>>) target(%dma_start3A_220 : memref<10240x128xf32, #tpu.memory_space<vmem_shared>>) offsets(%dma_start3A_217 : memref<128xi32, #tpu.memory_space<vmem>>) semaphore(%run_scoped3A_214 : memref<!tpu.dma_semaphore, #tpu.memory_space<semaphore_mem>>) {add = true}
          %dma_wait3A_221 = arith.constant 0 : i32
          %dma_wait3A_222 = tpu.memref_slice %arg10[%add3A_199, %dma_wait3A_221] : memref<16x128xi32, #tpu.memory_space<vmem>> -> memref<1x128xi32, #tpu.memory_space<vmem>>
          %dma_wait3A_223 = tpu.memref_squeeze %dma_wait3A_222 : memref<1x128xi32, #tpu.memory_space<vmem>> -> memref<128xi32, #tpu.memory_space<vmem>>
          %dma_wait3A_224 = arith.constant 0 : i32
          %dma_wait3A_225 = arith.constant 0 : i32
          %dma_wait3A_226 = tpu.memref_slice %arg13[%dma_wait3A_224, %dma_wait3A_225] : memref<10240x128xf32, #tpu.memory_space<vmem_shared>> -> memref<10240x128xf32, #tpu.memory_space<vmem_shared>>
          tpu.wait_indirect_dma semaphore(%run_scoped3A_214 : memref<!tpu.dma_semaphore, #tpu.memory_space<semaphore_mem>>) src(%arg12 : memref<128x128xf32, #tpu.memory_space<vmem>>) dst(%dma_wait3A_226 : memref<10240x128xf32, #tpu.memory_space<vmem_shared>>)
          tpu.yield
        }) : () -> ()
        %add3A_206 = arith.constant 2 : i32
        %add3A_207 = arith.addi %add3A_199, %add3A_206 : i32
        %dma_start3A_208 = arith.constant 0 : i32
        %dma_start3A_209 = tpu.memref_slice %arg8[%add3A_207, %dma_start3A_208] : memref<16x128xi32, #tpu.memory_space<vmem>> -> memref<1x128xi32, #tpu.memory_space<vmem>>
        %dma_start3A_210 = tpu.memref_squeeze %dma_start3A_209 : memref<1x128xi32, #tpu.memory_space<vmem>> -> memref<128xi32, #tpu.memory_space<vmem>>
        %dma_start3A_211 = arith.constant 0 : i32
        %dma_start3A_212 = arith.constant 0 : i32
        %dma_start3A_213 = tpu.memref_slice %arg2[%dma_start3A_211, %dma_start3A_212] : memref<10240x128xf32, #tpu.memory_space<hbm>> -> memref<10240x128xf32, #tpu.memory_space<hbm>>
        tpu.enqueue_indirect_dma source(%dma_start3A_213 : memref<10240x128xf32, #tpu.memory_space<hbm>>) target(%arg12 : memref<128x128xf32, #tpu.memory_space<vmem>>) offsets(%dma_start3A_210 : memref<128xi32, #tpu.memory_space<vmem>>) semaphore(%arg15 : memref<!tpu.dma_semaphore, #tpu.memory_space<semaphore_mem>>)
      }
      %scan3A_154 = arith.constant 7 : i32
      %dma_wait3A_155 = arith.constant 14 : i32
      %dma_wait3A_156 = arith.constant 0 : i32
      %dma_wait3A_157 = tpu.memref_slice %arg8[%dma_wait3A_155, %dma_wait3A_156] : memref<16x128xi32, #tpu.memory_space<vmem>> -> memref<1x128xi32, #tpu.memory_space<vmem>>
      %dma_wait3A_158 = tpu.memref_squeeze %dma_wait3A_157 : memref<1x128xi32, #tpu.memory_space<vmem>> -> memref<128xi32, #tpu.memory_space<vmem>>
      %dma_wait3A_159 = arith.constant 0 : i32
      %dma_wait3A_160 = arith.constant 0 : i32
      %dma_wait3A_161 = tpu.memref_slice %arg2[%dma_wait3A_159, %dma_wait3A_160] : memref<10240x128xf32, #tpu.memory_space<hbm>> -> memref<10240x128xf32, #tpu.memory_space<hbm>>
      tpu.wait_indirect_dma semaphore(%arg14 : memref<!tpu.dma_semaphore, #tpu.memory_space<semaphore_mem>>) src(%dma_wait3A_161 : memref<10240x128xf32, #tpu.memory_space<hbm>>) dst(%arg11 : memref<128x128xf32, #tpu.memory_space<vmem>>)
      %run_scoped3A_162 = arith.constant 14 : i32
      "tpu.region"() ({
        %run_scoped3A_177 = tpu.sem_alloc : memref<!tpu.dma_semaphore, #tpu.memory_space<semaphore_mem>>
        %dma_start3A_178 = arith.constant 0 : i32
        %dma_start3A_179 = tpu.memref_slice %arg10[%run_scoped3A_162, %dma_start3A_178] : memref<16x128xi32, #tpu.memory_space<vmem>> -> memref<1x128xi32, #tpu.memory_space<vmem>>
        %dma_start3A_180 = tpu.memref_squeeze %dma_start3A_179 : memref<1x128xi32, #tpu.memory_space<vmem>> -> memref<128xi32, #tpu.memory_space<vmem>>
        %dma_start3A_181 = arith.constant 0 : i32
        %dma_start3A_182 = arith.constant 0 : i32
        %dma_start3A_183 = tpu.memref_slice %arg13[%dma_start3A_181, %dma_start3A_182] : memref<10240x128xf32, #tpu.memory_space<vmem_shared>> -> memref<10240x128xf32, #tpu.memory_space<vmem_shared>>
        tpu.enqueue_indirect_dma source(%arg11 : memref<128x128xf32, #tpu.memory_space<vmem>>) target(%dma_start3A_183 : memref<10240x128xf32, #tpu.memory_space<vmem_shared>>) offsets(%dma_start3A_180 : memref<128xi32, #tpu.memory_space<vmem>>) semaphore(%run_scoped3A_177 : memref<!tpu.dma_semaphore, #tpu.memory_space<semaphore_mem>>) {add = true}
        %dma_wait3A_184 = arith.constant 0 : i32
        %dma_wait3A_185 = tpu.memref_slice %arg10[%run_scoped3A_162, %dma_wait3A_184] : memref<16x128xi32, #tpu.memory_space<vmem>> -> memref<1x128xi32, #tpu.memory_space<vmem>>
        %dma_wait3A_186 = tpu.memref_squeeze %dma_wait3A_185 : memref<1x128xi32, #tpu.memory_space<vmem>> -> memref<128xi32, #tpu.memory_space<vmem>>
        %dma_wait3A_187 = arith.constant 0 : i32
        %dma_wait3A_188 = arith.constant 0 : i32
        %dma_wait3A_189 = tpu.memref_slice %arg13[%dma_wait3A_187, %dma_wait3A_188] : memref<10240x128xf32, #tpu.memory_space<vmem_shared>> -> memref<10240x128xf32, #tpu.memory_space<vmem_shared>>
        tpu.wait_indirect_dma semaphore(%run_scoped3A_177 : memref<!tpu.dma_semaphore, #tpu.memory_space<semaphore_mem>>) src(%arg11 : memref<128x128xf32, #tpu.memory_space<vmem>>) dst(%dma_wait3A_189 : memref<10240x128xf32, #tpu.memory_space<vmem_shared>>)
        tpu.yield
      }) : () -> ()
      %dma_wait3A_163 = arith.constant 15 : i32
      %dma_wait3A_164 = arith.constant 0 : i32
      %dma_wait3A_165 = tpu.memref_slice %arg8[%dma_wait3A_163, %dma_wait3A_164] : memref<16x128xi32, #tpu.memory_space<vmem>> -> memref<1x128xi32, #tpu.memory_space<vmem>>
      %dma_wait3A_166 = tpu.memref_squeeze %dma_wait3A_165 : memref<1x128xi32, #tpu.memory_space<vmem>> -> memref<128xi32, #tpu.memory_space<vmem>>
      %dma_wait3A_167 = arith.constant 0 : i32
      %dma_wait3A_168 = arith.constant 0 : i32
      %dma_wait3A_169 = tpu.memref_slice %arg2[%dma_wait3A_167, %dma_wait3A_168] : memref<10240x128xf32, #tpu.memory_space<hbm>> -> memref<10240x128xf32, #tpu.memory_space<hbm>>
      tpu.wait_indirect_dma semaphore(%arg15 : memref<!tpu.dma_semaphore, #tpu.memory_space<semaphore_mem>>) src(%dma_wait3A_169 : memref<10240x128xf32, #tpu.memory_space<hbm>>) dst(%arg12 : memref<128x128xf32, #tpu.memory_space<vmem>>)
      %run_scoped3A_170 = arith.constant 15 : i32
      "tpu.region"() ({
        %run_scoped3A_177 = tpu.sem_alloc : memref<!tpu.dma_semaphore, #tpu.memory_space<semaphore_mem>>
        %dma_start3A_178 = arith.constant 0 : i32
        %dma_start3A_179 = tpu.memref_slice %arg10[%run_scoped3A_170, %dma_start3A_178] : memref<16x128xi32, #tpu.memory_space<vmem>> -> memref<1x128xi32, #tpu.memory_space<vmem>>
        %dma_start3A_180 = tpu.memref_squeeze %dma_start3A_179 : memref<1x128xi32, #tpu.memory_space<vmem>> -> memref<128xi32, #tpu.memory_space<vmem>>
        %dma_start3A_181 = arith.constant 0 : i32
        %dma_start3A_182 = arith.constant 0 : i32
        %dma_start3A_183 = tpu.memref_slice %arg13[%dma_start3A_181, %dma_start3A_182] : memref<10240x128xf32, #tpu.memory_space<vmem_shared>> -> memref<10240x128xf32, #tpu.memory_space<vmem_shared>>
        tpu.enqueue_indirect_dma source(%arg12 : memref<128x128xf32, #tpu.memory_space<vmem>>) target(%dma_start3A_183 : memref<10240x128xf32, #tpu.memory_space<vmem_shared>>) offsets(%dma_start3A_180 : memref<128xi32, #tpu.memory_space<vmem>>) semaphore(%run_scoped3A_177 : memref<!tpu.dma_semaphore, #tpu.memory_space<semaphore_mem>>) {add = true}
        %dma_wait3A_184 = arith.constant 0 : i32
        %dma_wait3A_185 = tpu.memref_slice %arg10[%run_scoped3A_170, %dma_wait3A_184] : memref<16x128xi32, #tpu.memory_space<vmem>> -> memref<1x128xi32, #tpu.memory_space<vmem>>
        %dma_wait3A_186 = tpu.memref_squeeze %dma_wait3A_185 : memref<1x128xi32, #tpu.memory_space<vmem>> -> memref<128xi32, #tpu.memory_space<vmem>>
        %dma_wait3A_187 = arith.constant 0 : i32
        %dma_wait3A_188 = arith.constant 0 : i32
        %dma_wait3A_189 = tpu.memref_slice %arg13[%dma_wait3A_187, %dma_wait3A_188] : memref<10240x128xf32, #tpu.memory_space<vmem_shared>> -> memref<10240x128xf32, #tpu.memory_space<vmem_shared>>
        tpu.wait_indirect_dma semaphore(%run_scoped3A_177 : memref<!tpu.dma_semaphore, #tpu.memory_space<semaphore_mem>>) src(%arg12 : memref<128x128xf32, #tpu.memory_space<vmem>>) dst(%dma_wait3A_189 : memref<10240x128xf32, #tpu.memory_space<vmem_shared>>)
        tpu.yield
      }) : () -> ()
      %add3A_171 = arith.constant 2 : i32
      %add3A_172 = arith.addi %add3A_123, %add3A_171 : i32
      %lt3A_173 = arith.cmpi slt, %add3A_172, %select_n3A_8 : i32
      %convert_element_type3A_174 = arith.extui %lt3A_173 : i1 to i32
      %cond3A_175 = arith.constant 0 : i32
      %cond3A_176 = arith.cmpi ne, %convert_element_type3A_174, %cond3A_175 : i32
      scf.if %cond3A_176 {
        %add3A_177 = arith.constant 2 : i32
        %add3A_178 = arith.addi %add3A_123, %add3A_177 : i32
        %mul3A_179 = arith.constant 16 : i32
        %mul3A_180 = arith.muli %add3A_178, %mul3A_179 : i32
        %add3A_181 = arith.addi %select_n3A, %mul3A_180 : i32
        %dma_start3A_182 = arith.constant 0 : i32
        %dma_start3A_183 = tpu.memref_slice %arg3[%add3A_181, %dma_start3A_182] : memref<2560x128xi32, #tpu.memory_space<hbm>> -> memref<16x128xi32, #tpu.memory_space<hbm>>
        %dma_start3A_184 = arith.constant 0 : i32
        %dma_start3A_185 = tpu.memref_slice %arg3[%add3A_181, %dma_start3A_184] : memref<2560x128xi32, #tpu.memory_space<hbm>> -> memref<16x128xi32, #tpu.memory_space<hbm>>
        tpu.enqueue_dma source(%dma_start3A_185 : memref<16x128xi32, #tpu.memory_space<hbm>>) target(%arg8 : memref<16x128xi32, #tpu.memory_space<vmem>>) target_semaphore(%arg17 : memref<!tpu.dma_semaphore, #tpu.memory_space<semaphore_mem>>)
        %dma_start3A_186 = arith.constant 0 : i32
        %dma_start3A_187 = tpu.memref_slice %arg4[%add3A_181, %dma_start3A_186] : memref<2560x128xi32, #tpu.memory_space<hbm>> -> memref<16x128xi32, #tpu.memory_space<hbm>>
        %dma_start3A_188 = arith.constant 0 : i32
        %dma_start3A_189 = tpu.memref_slice %arg4[%add3A_181, %dma_start3A_188] : memref<2560x128xi32, #tpu.memory_space<hbm>> -> memref<16x128xi32, #tpu.memory_space<hbm>>
        tpu.enqueue_dma source(%dma_start3A_189 : memref<16x128xi32, #tpu.memory_space<hbm>>) target(%arg10 : memref<16x128xi32, #tpu.memory_space<vmem>>) target_semaphore(%arg17 : memref<!tpu.dma_semaphore, #tpu.memory_space<semaphore_mem>>)
      } else {
      }
    }
    %barrier3A_63 = arith.constant 0 : index
    tpu.barrier barrier_id(%barrier3A_63)
    %mul3A_64 = arith.constant 640 : i32
    %mul3A_65 = arith.muli %arg1, %mul3A_64 : i32
    %mul3A_66 = arith.constant 640 : i32
    %mul3A_67 = arith.muli %arg1, %mul3A_66 : i32
    "tpu.region"() ({
      %run_scoped3A = tpu.sem_alloc : memref<!tpu.dma_semaphore, #tpu.memory_space<semaphore_mem>>
      %dma_start3A_68 = arith.constant 0 : i32
      %dma_start3A_69 = tpu.memref_slice %arg6[%arg0, %mul3A_67, %dma_start3A_68] : memref<2x10240x128xf32, #tpu.memory_space<hbm>> -> memref<1x640x128xf32, #tpu.memory_space<hbm>>
      %dma_start3A_70 = tpu.memref_squeeze %dma_start3A_69 : memref<1x640x128xf32, #tpu.memory_space<hbm>> -> memref<640x128xf32, #tpu.memory_space<hbm>>
      %dma_start3A_71 = arith.constant 0 : i32
      %dma_start3A_72 = tpu.memref_slice %arg13[%mul3A_65, %dma_start3A_71] : memref<10240x128xf32, #tpu.memory_space<vmem_shared>> -> memref<640x128xf32, #tpu.memory_space<vmem_shared>>
      tpu.enqueue_dma source(%dma_start3A_72 : memref<640x128xf32, #tpu.memory_space<vmem_shared>>) target(%dma_start3A_70 : memref<640x128xf32, #tpu.memory_space<hbm>>) target_semaphore(%run_scoped3A : memref<!tpu.dma_semaphore, #tpu.memory_space<semaphore_mem>>)
      %dma_wait3A = arith.constant 0 : i32
      %dma_wait3A_73 = tpu.memref_slice %arg6[%arg0, %mul3A_67, %dma_wait3A] : memref<2x10240x128xf32, #tpu.memory_space<hbm>> -> memref<1x640x128xf32, #tpu.memory_space<hbm>>
      %dma_wait3A_74 = tpu.memref_squeeze %dma_wait3A_73 : memref<1x640x128xf32, #tpu.memory_space<hbm>> -> memref<640x128xf32, #tpu.memory_space<hbm>>
      %dma_wait3A_75 = arith.constant 0 : i32
      %dma_wait3A_76 = tpu.memref_slice %arg13[%mul3A_65, %dma_wait3A_75] : memref<10240x128xf32, #tpu.memory_space<vmem_shared>> -> memref<640x128xf32, #tpu.memory_space<vmem_shared>>
      tpu.wait_dma2 semaphore(%run_scoped3A : memref<!tpu.dma_semaphore, #tpu.memory_space<semaphore_mem>>) src(%dma_wait3A_76 : memref<640x128xf32, #tpu.memory_space<vmem_shared>>) dst(%dma_wait3A_74 : memref<640x128xf32, #tpu.memory_space<hbm>>)
      tpu.yield
    }) : () -> ()
    return
  }
}

#map = affine_map<(d0, d1) -> (0, 0)>
#map1 = affine_map<(d0, d1) -> (0, 0, 0)>
module attributes {stable_mosaic.version = 14 : i64} {
  func.func @k(%arg0: i32, %arg1: i32, %arg2: memref<10240x128xf32, #tpu.memory_space<hbm>>, %arg3: memref<10240x128xf32, #tpu.memory_space<hbm>>, %arg4: memref<32x4x80xi32, #tpu.memory_space<hbm>>, %arg5: memref<1024x128xf32, #tpu.memory_space<hbm>>, %arg6: memref<2x1024x128xf32, #tpu.memory_space<hbm>>, %arg7: memref<2x1024x128xf32, #tpu.memory_space<hbm>>, %arg8: memref<4x80xi32, #tpu.memory_space<vmem>>, %arg9: memref<80x128xf32, #tpu.memory_space<vmem>>, %arg10: memref<80x128xf32, #tpu.memory_space<vmem>>, %arg11: memref<1024x128xf32, #tpu.memory_space<vmem_shared>>, %arg12: memref<1024x128xf32, #tpu.memory_space<vmem_shared>>) attributes {dimension_semantics = [#tpu.dimension_semantics<core_parallel>, #tpu.dimension_semantics<subcore_parallel>], iteration_bounds = array<i64: 2, 16>, scalar_prefetch = 0 : i64, scratch_operands = 5 : i64, tpu.core_type = #tpu.core_type<sc_vector_subcore>, window_params = [{transform_indices = #map}, {transform_indices = #map}, {transform_indices = #map1}, {transform_indices = #map}, {transform_indices = #map1}, {transform_indices = #map1}]} {
    %mul3A = arith.constant 16 : i32
    %mul3A_0 = arith.muli %arg0, %mul3A : i32
    %add3A = arith.addi %mul3A_0, %arg1 : i32
    %mul3A_1 = arith.constant 64 : i32
    %mul3A_2 = arith.muli %arg1, %mul3A_1 : i32
    %mul3A_3 = arith.constant 64 : i32
    %mul3A_4 = arith.muli %arg1, %mul3A_3 : i32
    "tpu.region"() ({
      %run_scoped3A = tpu.sem_alloc : memref<!tpu.dma_semaphore, #tpu.memory_space<semaphore_mem>>
      %dma_start3A = arith.constant 0 : i32
      %dma_start3A_25 = tpu.memref_slice %arg11[%mul3A_4, %dma_start3A] : memref<1024x128xf32, #tpu.memory_space<vmem_shared>> -> memref<64x128xf32, #tpu.memory_space<vmem_shared>>
      %dma_start3A_26 = arith.constant 0 : i32
      %dma_start3A_27 = tpu.memref_slice %arg5[%mul3A_2, %dma_start3A_26] : memref<1024x128xf32, #tpu.memory_space<hbm>> -> memref<64x128xf32, #tpu.memory_space<hbm>>
      tpu.enqueue_dma source(%dma_start3A_27 : memref<64x128xf32, #tpu.memory_space<hbm>>) target(%dma_start3A_25 : memref<64x128xf32, #tpu.memory_space<vmem_shared>>) target_semaphore(%run_scoped3A : memref<!tpu.dma_semaphore, #tpu.memory_space<semaphore_mem>>)
      %dma_wait3A = arith.constant 0 : i32
      %dma_wait3A_28 = tpu.memref_slice %arg11[%mul3A_4, %dma_wait3A] : memref<1024x128xf32, #tpu.memory_space<vmem_shared>> -> memref<64x128xf32, #tpu.memory_space<vmem_shared>>
      %dma_wait3A_29 = arith.constant 0 : i32
      %dma_wait3A_30 = tpu.memref_slice %arg5[%mul3A_2, %dma_wait3A_29] : memref<1024x128xf32, #tpu.memory_space<hbm>> -> memref<64x128xf32, #tpu.memory_space<hbm>>
      tpu.wait_dma2 semaphore(%run_scoped3A : memref<!tpu.dma_semaphore, #tpu.memory_space<semaphore_mem>>) src(%dma_wait3A_30 : memref<64x128xf32, #tpu.memory_space<hbm>>) dst(%dma_wait3A_28 : memref<64x128xf32, #tpu.memory_space<vmem_shared>>)
      tpu.yield
    }) : () -> ()
    %mul3A_5 = arith.constant 64 : i32
    %mul3A_6 = arith.muli %arg1, %mul3A_5 : i32
    %mul3A_7 = arith.constant 64 : i32
    %mul3A_8 = arith.muli %arg1, %mul3A_7 : i32
    "tpu.region"() ({
      %run_scoped3A = tpu.sem_alloc : memref<!tpu.dma_semaphore, #tpu.memory_space<semaphore_mem>>
      %dma_start3A = arith.constant 0 : i32
      %dma_start3A_25 = tpu.memref_slice %arg12[%mul3A_8, %dma_start3A] : memref<1024x128xf32, #tpu.memory_space<vmem_shared>> -> memref<64x128xf32, #tpu.memory_space<vmem_shared>>
      %dma_start3A_26 = arith.constant 0 : i32
      %dma_start3A_27 = tpu.memref_slice %arg5[%mul3A_6, %dma_start3A_26] : memref<1024x128xf32, #tpu.memory_space<hbm>> -> memref<64x128xf32, #tpu.memory_space<hbm>>
      tpu.enqueue_dma source(%dma_start3A_27 : memref<64x128xf32, #tpu.memory_space<hbm>>) target(%dma_start3A_25 : memref<64x128xf32, #tpu.memory_space<vmem_shared>>) target_semaphore(%run_scoped3A : memref<!tpu.dma_semaphore, #tpu.memory_space<semaphore_mem>>)
      %dma_wait3A = arith.constant 0 : i32
      %dma_wait3A_28 = tpu.memref_slice %arg12[%mul3A_8, %dma_wait3A] : memref<1024x128xf32, #tpu.memory_space<vmem_shared>> -> memref<64x128xf32, #tpu.memory_space<vmem_shared>>
      %dma_wait3A_29 = arith.constant 0 : i32
      %dma_wait3A_30 = tpu.memref_slice %arg5[%mul3A_6, %dma_wait3A_29] : memref<1024x128xf32, #tpu.memory_space<hbm>> -> memref<64x128xf32, #tpu.memory_space<hbm>>
      tpu.wait_dma2 semaphore(%run_scoped3A : memref<!tpu.dma_semaphore, #tpu.memory_space<semaphore_mem>>) src(%dma_wait3A_30 : memref<64x128xf32, #tpu.memory_space<hbm>>) dst(%dma_wait3A_28 : memref<64x128xf32, #tpu.memory_space<vmem_shared>>)
      tpu.yield
    }) : () -> ()
    "tpu.region"() ({
      %run_scoped3A = tpu.sem_alloc : memref<!tpu.dma_semaphore, #tpu.memory_space<semaphore_mem>>
      %dma_start3A = arith.constant 0 : i32
      %dma_start3A_25 = arith.constant 0 : i32
      %dma_start3A_26 = tpu.memref_slice %arg4[%add3A, %dma_start3A, %dma_start3A_25] : memref<32x4x80xi32, #tpu.memory_space<hbm>> -> memref<1x4x80xi32, #tpu.memory_space<hbm>>
      %dma_start3A_27 = tpu.memref_squeeze %dma_start3A_26 : memref<1x4x80xi32, #tpu.memory_space<hbm>> -> memref<4x80xi32, #tpu.memory_space<hbm>>
      %dma_start3A_28 = arith.constant 0 : i32
      %dma_start3A_29 = arith.constant 0 : i32
      %dma_start3A_30 = tpu.memref_slice %arg4[%add3A, %dma_start3A_28, %dma_start3A_29] : memref<32x4x80xi32, #tpu.memory_space<hbm>> -> memref<1x4x80xi32, #tpu.memory_space<hbm>>
      %dma_start3A_31 = tpu.memref_squeeze %dma_start3A_30 : memref<1x4x80xi32, #tpu.memory_space<hbm>> -> memref<4x80xi32, #tpu.memory_space<hbm>>
      tpu.enqueue_dma source(%dma_start3A_31 : memref<4x80xi32, #tpu.memory_space<hbm>>) target(%arg8 : memref<4x80xi32, #tpu.memory_space<vmem>>) target_semaphore(%run_scoped3A : memref<!tpu.dma_semaphore, #tpu.memory_space<semaphore_mem>>)
      %dma_wait3A = arith.constant 0 : i32
      %dma_wait3A_32 = arith.constant 0 : i32
      %dma_wait3A_33 = tpu.memref_slice %arg4[%add3A, %dma_wait3A, %dma_wait3A_32] : memref<32x4x80xi32, #tpu.memory_space<hbm>> -> memref<1x4x80xi32, #tpu.memory_space<hbm>>
      %dma_wait3A_34 = tpu.memref_squeeze %dma_wait3A_33 : memref<1x4x80xi32, #tpu.memory_space<hbm>> -> memref<4x80xi32, #tpu.memory_space<hbm>>
      %dma_wait3A_35 = arith.constant 0 : i32
      %dma_wait3A_36 = arith.constant 0 : i32
      %dma_wait3A_37 = tpu.memref_slice %arg4[%add3A, %dma_wait3A_35, %dma_wait3A_36] : memref<32x4x80xi32, #tpu.memory_space<hbm>> -> memref<1x4x80xi32, #tpu.memory_space<hbm>>
      %dma_wait3A_38 = tpu.memref_squeeze %dma_wait3A_37 : memref<1x4x80xi32, #tpu.memory_space<hbm>> -> memref<4x80xi32, #tpu.memory_space<hbm>>
      tpu.wait_dma2 semaphore(%run_scoped3A : memref<!tpu.dma_semaphore, #tpu.memory_space<semaphore_mem>>) src(%dma_wait3A_38 : memref<4x80xi32, #tpu.memory_space<hbm>>) dst(%arg8 : memref<4x80xi32, #tpu.memory_space<vmem>>)
      tpu.yield
    }) : () -> ()
    %barrier3A = arith.constant 0 : index
    tpu.barrier barrier_id(%barrier3A)
    %mul3A_9 = arith.constant 320 : i32
    %mul3A_10 = arith.muli %add3A, %mul3A_9 : i32
    %scan3A = arith.constant 0 : i32
    %scan3A_11 = arith.constant 0 : i32
    %scan3A_12 = arith.constant 4 : i32
    %scan3A_13 = arith.addi %scan3A_11, %scan3A_12 : i32
    %scan3A_14 = arith.constant 1 : i32
    scf.for %scan3A_25 = %scan3A_11 to %scan3A_13 step %scan3A_14  : i32 {
      %mul3A_26 = arith.constant 80 : i32
      %mul3A_27 = arith.muli %scan3A_25, %mul3A_26 : i32
      %add3A_28 = arith.addi %mul3A_10, %mul3A_27 : i32
      "tpu.region"() ({
        %run_scoped3A = tpu.sem_alloc : memref<!tpu.dma_semaphore, #tpu.memory_space<semaphore_mem>>
        %dma_start3A = arith.constant 0 : i32
        %dma_start3A_32 = tpu.memref_slice %arg2[%add3A_28, %dma_start3A] : memref<10240x128xf32, #tpu.memory_space<hbm>> -> memref<80x128xf32, #tpu.memory_space<hbm>>
        %dma_start3A_33 = arith.constant 0 : i32
        %dma_start3A_34 = tpu.memref_slice %arg2[%add3A_28, %dma_start3A_33] : memref<10240x128xf32, #tpu.memory_space<hbm>> -> memref<80x128xf32, #tpu.memory_space<hbm>>
        tpu.enqueue_dma source(%dma_start3A_34 : memref<80x128xf32, #tpu.memory_space<hbm>>) target(%arg9 : memref<80x128xf32, #tpu.memory_space<vmem>>) target_semaphore(%run_scoped3A : memref<!tpu.dma_semaphore, #tpu.memory_space<semaphore_mem>>)
        %dma_wait3A = arith.constant 0 : i32
        %dma_wait3A_35 = tpu.memref_slice %arg2[%add3A_28, %dma_wait3A] : memref<10240x128xf32, #tpu.memory_space<hbm>> -> memref<80x128xf32, #tpu.memory_space<hbm>>
        %dma_wait3A_36 = arith.constant 0 : i32
        %dma_wait3A_37 = tpu.memref_slice %arg2[%add3A_28, %dma_wait3A_36] : memref<10240x128xf32, #tpu.memory_space<hbm>> -> memref<80x128xf32, #tpu.memory_space<hbm>>
        tpu.wait_dma2 semaphore(%run_scoped3A : memref<!tpu.dma_semaphore, #tpu.memory_space<semaphore_mem>>) src(%dma_wait3A_37 : memref<80x128xf32, #tpu.memory_space<hbm>>) dst(%arg9 : memref<80x128xf32, #tpu.memory_space<vmem>>)
        tpu.yield
      }) : () -> ()
      "tpu.region"() ({
        %run_scoped3A = tpu.sem_alloc : memref<!tpu.dma_semaphore, #tpu.memory_space<semaphore_mem>>
        %dma_start3A = arith.constant 0 : i32
        %dma_start3A_32 = tpu.memref_slice %arg8[%scan3A_25, %dma_start3A] : memref<4x80xi32, #tpu.memory_space<vmem>> -> memref<1x80xi32, #tpu.memory_space<vmem>>
        %dma_start3A_33 = tpu.memref_squeeze %dma_start3A_32 : memref<1x80xi32, #tpu.memory_space<vmem>> -> memref<80xi32, #tpu.memory_space<vmem>>
        %dma_start3A_34 = arith.constant 0 : i32
        %dma_start3A_35 = arith.constant 0 : i32
        %dma_start3A_36 = tpu.memref_slice %arg11[%dma_start3A_34, %dma_start3A_35] : memref<1024x128xf32, #tpu.memory_space<vmem_shared>> -> memref<1024x128xf32, #tpu.memory_space<vmem_shared>>
        tpu.enqueue_indirect_dma source(%arg9 : memref<80x128xf32, #tpu.memory_space<vmem>>) target(%dma_start3A_36 : memref<1024x128xf32, #tpu.memory_space<vmem_shared>>) offsets(%dma_start3A_33 : memref<80xi32, #tpu.memory_space<vmem>>) semaphore(%run_scoped3A : memref<!tpu.dma_semaphore, #tpu.memory_space<semaphore_mem>>) {add = true}
        %dma_wait3A = arith.constant 0 : i32
        %dma_wait3A_37 = tpu.memref_slice %arg8[%scan3A_25, %dma_wait3A] : memref<4x80xi32, #tpu.memory_space<vmem>> -> memref<1x80xi32, #tpu.memory_space<vmem>>
        %dma_wait3A_38 = tpu.memref_squeeze %dma_wait3A_37 : memref<1x80xi32, #tpu.memory_space<vmem>> -> memref<80xi32, #tpu.memory_space<vmem>>
        %dma_wait3A_39 = arith.constant 0 : i32
        %dma_wait3A_40 = arith.constant 0 : i32
        %dma_wait3A_41 = tpu.memref_slice %arg11[%dma_wait3A_39, %dma_wait3A_40] : memref<1024x128xf32, #tpu.memory_space<vmem_shared>> -> memref<1024x128xf32, #tpu.memory_space<vmem_shared>>
        tpu.wait_indirect_dma semaphore(%run_scoped3A : memref<!tpu.dma_semaphore, #tpu.memory_space<semaphore_mem>>) src(%arg9 : memref<80x128xf32, #tpu.memory_space<vmem>>) dst(%dma_wait3A_41 : memref<1024x128xf32, #tpu.memory_space<vmem_shared>>)
        tpu.yield
      }) : () -> ()
      %mul3A_29 = arith.constant 80 : i32
      %mul3A_30 = arith.muli %scan3A_25, %mul3A_29 : i32
      %add3A_31 = arith.addi %mul3A_10, %mul3A_30 : i32
      "tpu.region"() ({
        %run_scoped3A = tpu.sem_alloc : memref<!tpu.dma_semaphore, #tpu.memory_space<semaphore_mem>>
        %dma_start3A = arith.constant 0 : i32
        %dma_start3A_32 = tpu.memref_slice %arg3[%add3A_31, %dma_start3A] : memref<10240x128xf32, #tpu.memory_space<hbm>> -> memref<80x128xf32, #tpu.memory_space<hbm>>
        %dma_start3A_33 = arith.constant 0 : i32
        %dma_start3A_34 = tpu.memref_slice %arg3[%add3A_31, %dma_start3A_33] : memref<10240x128xf32, #tpu.memory_space<hbm>> -> memref<80x128xf32, #tpu.memory_space<hbm>>
        tpu.enqueue_dma source(%dma_start3A_34 : memref<80x128xf32, #tpu.memory_space<hbm>>) target(%arg10 : memref<80x128xf32, #tpu.memory_space<vmem>>) target_semaphore(%run_scoped3A : memref<!tpu.dma_semaphore, #tpu.memory_space<semaphore_mem>>)
        %dma_wait3A = arith.constant 0 : i32
        %dma_wait3A_35 = tpu.memref_slice %arg3[%add3A_31, %dma_wait3A] : memref<10240x128xf32, #tpu.memory_space<hbm>> -> memref<80x128xf32, #tpu.memory_space<hbm>>
        %dma_wait3A_36 = arith.constant 0 : i32
        %dma_wait3A_37 = tpu.memref_slice %arg3[%add3A_31, %dma_wait3A_36] : memref<10240x128xf32, #tpu.memory_space<hbm>> -> memref<80x128xf32, #tpu.memory_space<hbm>>
        tpu.wait_dma2 semaphore(%run_scoped3A : memref<!tpu.dma_semaphore, #tpu.memory_space<semaphore_mem>>) src(%dma_wait3A_37 : memref<80x128xf32, #tpu.memory_space<hbm>>) dst(%arg10 : memref<80x128xf32, #tpu.memory_space<vmem>>)
        tpu.yield
      }) : () -> ()
      "tpu.region"() ({
        %run_scoped3A = tpu.sem_alloc : memref<!tpu.dma_semaphore, #tpu.memory_space<semaphore_mem>>
        %dma_start3A = arith.constant 0 : i32
        %dma_start3A_32 = tpu.memref_slice %arg8[%scan3A_25, %dma_start3A] : memref<4x80xi32, #tpu.memory_space<vmem>> -> memref<1x80xi32, #tpu.memory_space<vmem>>
        %dma_start3A_33 = tpu.memref_squeeze %dma_start3A_32 : memref<1x80xi32, #tpu.memory_space<vmem>> -> memref<80xi32, #tpu.memory_space<vmem>>
        %dma_start3A_34 = arith.constant 0 : i32
        %dma_start3A_35 = arith.constant 0 : i32
        %dma_start3A_36 = tpu.memref_slice %arg12[%dma_start3A_34, %dma_start3A_35] : memref<1024x128xf32, #tpu.memory_space<vmem_shared>> -> memref<1024x128xf32, #tpu.memory_space<vmem_shared>>
        tpu.enqueue_indirect_dma source(%arg10 : memref<80x128xf32, #tpu.memory_space<vmem>>) target(%dma_start3A_36 : memref<1024x128xf32, #tpu.memory_space<vmem_shared>>) offsets(%dma_start3A_33 : memref<80xi32, #tpu.memory_space<vmem>>) semaphore(%run_scoped3A : memref<!tpu.dma_semaphore, #tpu.memory_space<semaphore_mem>>) {add = true}
        %dma_wait3A = arith.constant 0 : i32
        %dma_wait3A_37 = tpu.memref_slice %arg8[%scan3A_25, %dma_wait3A] : memref<4x80xi32, #tpu.memory_space<vmem>> -> memref<1x80xi32, #tpu.memory_space<vmem>>
        %dma_wait3A_38 = tpu.memref_squeeze %dma_wait3A_37 : memref<1x80xi32, #tpu.memory_space<vmem>> -> memref<80xi32, #tpu.memory_space<vmem>>
        %dma_wait3A_39 = arith.constant 0 : i32
        %dma_wait3A_40 = arith.constant 0 : i32
        %dma_wait3A_41 = tpu.memref_slice %arg12[%dma_wait3A_39, %dma_wait3A_40] : memref<1024x128xf32, #tpu.memory_space<vmem_shared>> -> memref<1024x128xf32, #tpu.memory_space<vmem_shared>>
        tpu.wait_indirect_dma semaphore(%run_scoped3A : memref<!tpu.dma_semaphore, #tpu.memory_space<semaphore_mem>>) src(%arg10 : memref<80x128xf32, #tpu.memory_space<vmem>>) dst(%dma_wait3A_41 : memref<1024x128xf32, #tpu.memory_space<vmem_shared>>)
        tpu.yield
      }) : () -> ()
    }
    %scan3A_15 = arith.constant 4 : i32
    %barrier3A_16 = arith.constant 0 : index
    tpu.barrier barrier_id(%barrier3A_16)
    %mul3A_17 = arith.constant 64 : i32
    %mul3A_18 = arith.muli %arg1, %mul3A_17 : i32
    %mul3A_19 = arith.constant 64 : i32
    %mul3A_20 = arith.muli %arg1, %mul3A_19 : i32
    "tpu.region"() ({
      %run_scoped3A = tpu.sem_alloc : memref<!tpu.dma_semaphore, #tpu.memory_space<semaphore_mem>>
      %dma_start3A = arith.constant 0 : i32
      %dma_start3A_25 = tpu.memref_slice %arg6[%arg0, %mul3A_20, %dma_start3A] : memref<2x1024x128xf32, #tpu.memory_space<hbm>> -> memref<1x64x128xf32, #tpu.memory_space<hbm>>
      %dma_start3A_26 = tpu.memref_squeeze %dma_start3A_25 : memref<1x64x128xf32, #tpu.memory_space<hbm>> -> memref<64x128xf32, #tpu.memory_space<hbm>>
      %dma_start3A_27 = arith.constant 0 : i32
      %dma_start3A_28 = tpu.memref_slice %arg11[%mul3A_18, %dma_start3A_27] : memref<1024x128xf32, #tpu.memory_space<vmem_shared>> -> memref<64x128xf32, #tpu.memory_space<vmem_shared>>
      tpu.enqueue_dma source(%dma_start3A_28 : memref<64x128xf32, #tpu.memory_space<vmem_shared>>) target(%dma_start3A_26 : memref<64x128xf32, #tpu.memory_space<hbm>>) target_semaphore(%run_scoped3A : memref<!tpu.dma_semaphore, #tpu.memory_space<semaphore_mem>>)
      %dma_wait3A = arith.constant 0 : i32
      %dma_wait3A_29 = tpu.memref_slice %arg6[%arg0, %mul3A_20, %dma_wait3A] : memref<2x1024x128xf32, #tpu.memory_space<hbm>> -> memref<1x64x128xf32, #tpu.memory_space<hbm>>
      %dma_wait3A_30 = tpu.memref_squeeze %dma_wait3A_29 : memref<1x64x128xf32, #tpu.memory_space<hbm>> -> memref<64x128xf32, #tpu.memory_space<hbm>>
      %dma_wait3A_31 = arith.constant 0 : i32
      %dma_wait3A_32 = tpu.memref_slice %arg11[%mul3A_18, %dma_wait3A_31] : memref<1024x128xf32, #tpu.memory_space<vmem_shared>> -> memref<64x128xf32, #tpu.memory_space<vmem_shared>>
      tpu.wait_dma2 semaphore(%run_scoped3A : memref<!tpu.dma_semaphore, #tpu.memory_space<semaphore_mem>>) src(%dma_wait3A_32 : memref<64x128xf32, #tpu.memory_space<vmem_shared>>) dst(%dma_wait3A_30 : memref<64x128xf32, #tpu.memory_space<hbm>>)
      tpu.yield
    }) : () -> ()
    %mul3A_21 = arith.constant 64 : i32
    %mul3A_22 = arith.muli %arg1, %mul3A_21 : i32
    %mul3A_23 = arith.constant 64 : i32
    %mul3A_24 = arith.muli %arg1, %mul3A_23 : i32
    "tpu.region"() ({
      %run_scoped3A = tpu.sem_alloc : memref<!tpu.dma_semaphore, #tpu.memory_space<semaphore_mem>>
      %dma_start3A = arith.constant 0 : i32
      %dma_start3A_25 = tpu.memref_slice %arg7[%arg0, %mul3A_24, %dma_start3A] : memref<2x1024x128xf32, #tpu.memory_space<hbm>> -> memref<1x64x128xf32, #tpu.memory_space<hbm>>
      %dma_start3A_26 = tpu.memref_squeeze %dma_start3A_25 : memref<1x64x128xf32, #tpu.memory_space<hbm>> -> memref<64x128xf32, #tpu.memory_space<hbm>>
      %dma_start3A_27 = arith.constant 0 : i32
      %dma_start3A_28 = tpu.memref_slice %arg12[%mul3A_22, %dma_start3A_27] : memref<1024x128xf32, #tpu.memory_space<vmem_shared>> -> memref<64x128xf32, #tpu.memory_space<vmem_shared>>
      tpu.enqueue_dma source(%dma_start3A_28 : memref<64x128xf32, #tpu.memory_space<vmem_shared>>) target(%dma_start3A_26 : memref<64x128xf32, #tpu.memory_space<hbm>>) target_semaphore(%run_scoped3A : memref<!tpu.dma_semaphore, #tpu.memory_space<semaphore_mem>>)
      %dma_wait3A = arith.constant 0 : i32
      %dma_wait3A_29 = tpu.memref_slice %arg7[%arg0, %mul3A_24, %dma_wait3A] : memref<2x1024x128xf32, #tpu.memory_space<hbm>> -> memref<1x64x128xf32, #tpu.memory_space<hbm>>
      %dma_wait3A_30 = tpu.memref_squeeze %dma_wait3A_29 : memref<1x64x128xf32, #tpu.memory_space<hbm>> -> memref<64x128xf32, #tpu.memory_space<hbm>>
      %dma_wait3A_31 = arith.constant 0 : i32
      %dma_wait3A_32 = tpu.memref_slice %arg12[%mul3A_22, %dma_wait3A_31] : memref<1024x128xf32, #tpu.memory_space<vmem_shared>> -> memref<64x128xf32, #tpu.memory_space<vmem_shared>>
      tpu.wait_dma2 semaphore(%run_scoped3A : memref<!tpu.dma_semaphore, #tpu.memory_space<semaphore_mem>>) src(%dma_wait3A_32 : memref<64x128xf32, #tpu.memory_space<vmem_shared>>) dst(%dma_wait3A_30 : memref<64x128xf32, #tpu.memory_space<hbm>>)
      tpu.yield
    }) : () -> ()
    return
  }
}

module attributes {stable_mosaic.version = 14 : i64} {
  func.func @body(%arg0: i32, %arg1: memref<1x1024x128xf32, #tpu.memory_space<vmem>>, %arg2: memref<1x1024x128xf32, #tpu.memory_space<vmem>>, %arg3: memref<1024x128xf32, #tpu.memory_space<vmem>>, %arg4: memref<128x128xf32, #tpu.memory_space<vmem>>, %arg5: memref<128x128xf32, #tpu.memory_space<vmem>>, %arg6: memref<8x128xf32, #tpu.memory_space<vmem>>, %arg7: memref<1024x128xf32, #tpu.memory_space<vmem>>) attributes {dimension_semantics = [#tpu.dimension_semantics<arbitrary>], iteration_bounds = array<i64: 10>, scalar_prefetch = 0 : i64, scratch_operands = 0 : i64, tpu.core_type = #tpu.core_type<tc>, window_params = [{transform_indices = @transform_0, window_bounds = array<i64: 1, 1024, 128>}, {transform_indices = @transform_1, window_bounds = array<i64: 1, 1024, 128>}, {transform_indices = @transform_2, window_bounds = array<i64: 1024, 128>}, {pipeline_mode = #tpu.pipeline_mode<synchronous>, transform_indices = @transform_3, window_bounds = array<i64: 128, 128>}, {pipeline_mode = #tpu.pipeline_mode<synchronous>, transform_indices = @transform_4, window_bounds = array<i64: 128, 128>}, {pipeline_mode = #tpu.pipeline_mode<synchronous>, transform_indices = @transform_5, window_bounds = array<i64: 8, 128>}, {transform_indices = @transform_6, window_bounds = array<i64: 1024, 128>}]} {
    %get3A = arith.constant 0 : index
    %get3A_0 = arith.constant 0 : index
    %get3A_1 = arith.constant 0 : index
    %get3A_2 = vector.load %arg1[%get3A, %get3A_0, %get3A_1] : memref<1x1024x128xf32, #tpu.memory_space<vmem>>, vector<1x1024x128xf32>
    %get3A_3 = vector.shape_cast %get3A_2 : vector<1x1024x128xf32> to vector<1024x128xf32>
    %get3A_4 = arith.constant 0 : index
    %get3A_5 = arith.constant 0 : index
    %get3A_6 = vector.load %arg4[%get3A_4, %get3A_5] : memref<128x128xf32, #tpu.memory_space<vmem>>, vector<128x128xf32>
    %dot_general3A = arith.constant dense<0.000000e+00> : vector<1024x128xf32>
    %dot_general3A_7 = tpu.matmul %get3A_3, %get3A_6, %dot_general3A {dimension_numbers = #tpu.dot_dimension_numbers<[1], [0], [0], [1], [0, 0, 1, 1], [], []>, transpose_lhs_hint = false} : vector<1024x128xf32>, vector<128x128xf32>, vector<1024x128xf32> -> vector<1024x128xf32>
    %get3A_8 = arith.constant 0 : index
    %get3A_9 = arith.constant 0 : index
    %get3A_10 = vector.load %arg3[%get3A_8, %get3A_9] : memref<1024x128xf32, #tpu.memory_space<vmem>>, vector<1024x128xf32>
    %get3A_11 = arith.constant 0 : index
    %get3A_12 = arith.constant 0 : index
    %get3A_13 = vector.load %arg5[%get3A_11, %get3A_12] : memref<128x128xf32, #tpu.memory_space<vmem>>, vector<128x128xf32>
    %dot_general3A_14 = arith.constant dense<0.000000e+00> : vector<1024x128xf32>
    %dot_general3A_15 = tpu.matmul %get3A_10, %get3A_13, %dot_general3A_14 {dimension_numbers = #tpu.dot_dimension_numbers<[1], [0], [0], [1], [0, 0, 1, 1], [], []>, transpose_lhs_hint = false} : vector<1024x128xf32>, vector<128x128xf32>, vector<1024x128xf32> -> vector<1024x128xf32>
    %add3A = arith.addf %dot_general3A_7, %dot_general3A_15 : vector<1024x128xf32>
    %get3A_16 = arith.constant 0 : index
    %get3A_17 = arith.constant 0 : index
    %get3A_18 = arith.constant 0 : index
    %get3A_19 = vector.load %arg2[%get3A_16, %get3A_17, %get3A_18] : memref<1x1024x128xf32, #tpu.memory_space<vmem>>, vector<1x1024x128xf32>
    %get3A_20 = vector.shape_cast %get3A_19 : vector<1x1024x128xf32> to vector<1024x128xf32>
    %get3A_21 = arith.constant 0 : index
    %get3A_22 = arith.constant 0 : index
    %get3A_23 = vector.load %arg4[%get3A_21, %get3A_22] : memref<128x128xf32, #tpu.memory_space<vmem>>, vector<128x128xf32>
    %dot_general3A_24 = arith.constant dense<0.000000e+00> : vector<1024x128xf32>
    %dot_general3A_25 = tpu.matmul %get3A_20, %get3A_23, %dot_general3A_24 {dimension_numbers = #tpu.dot_dimension_numbers<[1], [0], [0], [1], [0, 0, 1, 1], [], []>, transpose_lhs_hint = false} : vector<1024x128xf32>, vector<128x128xf32>, vector<1024x128xf32> -> vector<1024x128xf32>
    %add3A_26 = arith.addf %add3A, %dot_general3A_25 : vector<1024x128xf32>
    %get3A_27 = arith.constant 0 : index
    %get3A_28 = arith.constant 0 : index
    %get3A_29 = vector.load %arg6[%get3A_27, %get3A_28] : memref<8x128xf32, #tpu.memory_space<vmem>>, vector<1x128xf32>
    %add3A_30 = vector.broadcast %get3A_29 : vector<1x128xf32> to vector<1024x128xf32>
    %add3A_31 = arith.addf %add3A_26, %add3A_30 : vector<1024x128xf32>
    %max3A = arith.constant 0.000000e+00 : f32
    %max3A_32 = vector.broadcast %max3A : f32 to vector<1024x128xf32>
    %max3A_33 = arith.maximumf %add3A_31, %max3A_32 : vector<1024x128xf32>
    %swap3A = arith.constant 0 : index
    %swap3A_34 = arith.constant 0 : index
    %swap3A_35 = vector.load %arg7[%swap3A, %swap3A_34] : memref<1024x128xf32, #tpu.memory_space<vmem>>, vector<1024x128xf32>
    tpu.vector_store %arg7[%swap3A, %swap3A_34], %max3A_33 {strides = array<i32>} : memref<1024x128xf32, #tpu.memory_space<vmem>>, vector<1024x128xf32>,
    return
  }
  func.func @transform_0(%arg0: i32) -> (i32, i32, i32) {
    %c0_i32 = arith.constant 0 : i32
    %c0_i32_0 = arith.constant 0 : i32
    %c0_i32_1 = arith.constant 0 : i32
    return %c0_i32, %arg0, %c0_i32_0 : i32, i32, i32
  }
  func.func @transform_1(%arg0: i32) -> (i32, i32, i32) {
    %c1_i32 = arith.constant 1 : i32
    %c0_i32 = arith.constant 0 : i32
    %c0_i32_0 = arith.constant 0 : i32
    return %c1_i32, %arg0, %c0_i32 : i32, i32, i32
  }
  func.func @transform_2(%arg0: i32) -> (i32, i32) {
    %c0_i32 = arith.constant 0 : i32
    %c0_i32_0 = arith.constant 0 : i32
    return %arg0, %c0_i32 : i32, i32
  }
  func.func @transform_3(%arg0: i32) -> (i32, i32) {
    %c0_i32 = arith.constant 0 : i32
    %c0_i32_0 = arith.constant 0 : i32
    %c0_i32_1 = arith.constant 0 : i32
    return %c0_i32, %c0_i32_0 : i32, i32
  }
  func.func @transform_4(%arg0: i32) -> (i32, i32) {
    %c0_i32 = arith.constant 0 : i32
    %c0_i32_0 = arith.constant 0 : i32
    %c0_i32_1 = arith.constant 0 : i32
    return %c0_i32, %c0_i32_0 : i32, i32
  }
  func.func @transform_5(%arg0: i32) -> (i32, i32) {
    %c0_i32 = arith.constant 0 : i32
    %c0_i32_0 = arith.constant 0 : i32
    %c0_i32_1 = arith.constant 0 : i32
    return %c0_i32, %c0_i32_0 : i32, i32
  }
  func.func @transform_6(%arg0: i32) -> (i32, i32) {
    %c0_i32 = arith.constant 0 : i32
    %c0_i32_0 = arith.constant 0 : i32
    return %arg0, %c0_i32 : i32, i32
  }
}

module attributes {stable_mosaic.version = 14 : i64} {
  func.func @body(%arg0: i32, %arg1: memref<1x1024x128xf32, #tpu.memory_space<vmem>>, %arg2: memref<1x1024x128xf32, #tpu.memory_space<vmem>>, %arg3: memref<1024x128xf32, #tpu.memory_space<vmem>>, %arg4: memref<128x128xf32, #tpu.memory_space<vmem>>, %arg5: memref<128x128xf32, #tpu.memory_space<vmem>>, %arg6: memref<8x128xf32, #tpu.memory_space<vmem>>, %arg7: memref<1024x128xf32, #tpu.memory_space<vmem>>, %arg8: memref<1024x128xf32, #tpu.memory_space<vmem>>) attributes {dimension_semantics = [#tpu.dimension_semantics<arbitrary>], iteration_bounds = array<i64: 10>, scalar_prefetch = 0 : i64, scratch_operands = 0 : i64, tpu.core_type = #tpu.core_type<tc>, window_params = [{transform_indices = @transform_0, window_bounds = array<i64: 1, 1024, 128>}, {transform_indices = @transform_1, window_bounds = array<i64: 1, 1024, 128>}, {transform_indices = @transform_2, window_bounds = array<i64: 1024, 128>}, {pipeline_mode = #tpu.pipeline_mode<synchronous>, transform_indices = @transform_3, window_bounds = array<i64: 128, 128>}, {pipeline_mode = #tpu.pipeline_mode<synchronous>, transform_indices = @transform_4, window_bounds = array<i64: 128, 128>}, {pipeline_mode = #tpu.pipeline_mode<synchronous>, transform_indices = @transform_5, window_bounds = array<i64: 8, 128>}, {transform_indices = @transform_6, window_bounds = array<i64: 1024, 128>}, {transform_indices = @transform_7, window_bounds = array<i64: 1024, 128>}]} {
    %get3A = arith.constant 0 : index
    %get3A_0 = arith.constant 0 : index
    %get3A_1 = arith.constant 0 : index
    %get3A_2 = vector.load %arg1[%get3A, %get3A_0, %get3A_1] : memref<1x1024x128xf32, #tpu.memory_space<vmem>>, vector<1x1024x128xf32>
    %get3A_3 = vector.shape_cast %get3A_2 : vector<1x1024x128xf32> to vector<1024x128xf32>
    %get3A_4 = arith.constant 0 : index
    %get3A_5 = arith.constant 0 : index
    %get3A_6 = vector.load %arg4[%get3A_4, %get3A_5] : memref<128x128xf32, #tpu.memory_space<vmem>>, vector<128x128xf32>
    %dot_general3A = arith.constant dense<0.000000e+00> : vector<1024x128xf32>
    %dot_general3A_7 = tpu.matmul %get3A_3, %get3A_6, %dot_general3A {dimension_numbers = #tpu.dot_dimension_numbers<[1], [0], [0], [1], [0, 0, 1, 1], [], []>, transpose_lhs_hint = false} : vector<1024x128xf32>, vector<128x128xf32>, vector<1024x128xf32> -> vector<1024x128xf32>
    %get3A_8 = arith.constant 0 : index
    %get3A_9 = arith.constant 0 : index
    %get3A_10 = vector.load %arg3[%get3A_8, %get3A_9] : memref<1024x128xf32, #tpu.memory_space<vmem>>, vector<1024x128xf32>
    %get3A_11 = arith.constant 0 : index
    %get3A_12 = arith.constant 0 : index
    %get3A_13 = vector.load %arg5[%get3A_11, %get3A_12] : memref<128x128xf32, #tpu.memory_space<vmem>>, vector<128x128xf32>
    %dot_general3A_14 = arith.constant dense<0.000000e+00> : vector<1024x128xf32>
    %dot_general3A_15 = tpu.matmul %get3A_10, %get3A_13, %dot_general3A_14 {dimension_numbers = #tpu.dot_dimension_numbers<[1], [0], [0], [1], [0, 0, 1, 1], [], []>, transpose_lhs_hint = false} : vector<1024x128xf32>, vector<128x128xf32>, vector<1024x128xf32> -> vector<1024x128xf32>
    %add3A = arith.addf %dot_general3A_7, %dot_general3A_15 : vector<1024x128xf32>
    %get3A_16 = arith.constant 0 : index
    %get3A_17 = arith.constant 0 : index
    %get3A_18 = arith.constant 0 : index
    %get3A_19 = vector.load %arg2[%get3A_16, %get3A_17, %get3A_18] : memref<1x1024x128xf32, #tpu.memory_space<vmem>>, vector<1x1024x128xf32>
    %get3A_20 = vector.shape_cast %get3A_19 : vector<1x1024x128xf32> to vector<1024x128xf32>
    %get3A_21 = arith.constant 0 : index
    %get3A_22 = arith.constant 0 : index
    %get3A_23 = vector.load %arg4[%get3A_21, %get3A_22] : memref<128x128xf32, #tpu.memory_space<vmem>>, vector<128x128xf32>
    %dot_general3A_24 = arith.constant dense<0.000000e+00> : vector<1024x128xf32>
    %dot_general3A_25 = tpu.matmul %get3A_20, %get3A_23, %dot_general3A_24 {dimension_numbers = #tpu.dot_dimension_numbers<[1], [0], [0], [1], [0, 0, 1, 1], [], []>, transpose_lhs_hint = false} : vector<1024x128xf32>, vector<128x128xf32>, vector<1024x128xf32> -> vector<1024x128xf32>
    %add3A_26 = arith.addf %add3A, %dot_general3A_25 : vector<1024x128xf32>
    %get3A_27 = arith.constant 0 : index
    %get3A_28 = arith.constant 0 : index
    %get3A_29 = vector.load %arg6[%get3A_27, %get3A_28] : memref<8x128xf32, #tpu.memory_space<vmem>>, vector<1x128xf32>
    %add3A_30 = vector.broadcast %get3A_29 : vector<1x128xf32> to vector<1024x128xf32>
    %add3A_31 = arith.addf %add3A_26, %add3A_30 : vector<1024x128xf32>
    %mul3A = arith.constant 1024 : i32
    %mul3A_32 = arith.muli %arg0, %mul3A : i32
    %iota3A = tpu.iota {dimensions = array<i32: 0>} : vector<1024x1xi32>
    %add3A_33 = vector.broadcast %mul3A_32 : i32 to vector<1024x1xi32>
    %add3A_34 = arith.addi %add3A_33, %iota3A : vector<1024x1xi32>
    %lt3A = arith.constant 10000 : i32
    %lt3A_35 = vector.broadcast %lt3A : i32 to vector<1024x1xi32>
    %lt3A_36 = arith.cmpi slt, %add3A_34, %lt3A_35 : vector<1024x1xi32>
    %convert_element_type3A = arith.extui %lt3A_36 : vector<1024x1xi1> to vector<1024x1xi32>
    %convert_element_type3A_37 = arith.sitofp %convert_element_type3A : vector<1024x1xi32> to vector<1024x1xf32>
    %mul3A_38 = vector.broadcast %convert_element_type3A_37 : vector<1024x1xf32> to vector<1024x128xf32>
    %mul3A_39 = arith.mulf %add3A_31, %mul3A_38 : vector<1024x128xf32>
    %swap3A = arith.constant 0 : index
    %swap3A_40 = arith.constant 0 : index
    %swap3A_41 = vector.load %arg7[%swap3A, %swap3A_40] : memref<1024x128xf32, #tpu.memory_space<vmem>>, vector<1024x128xf32>
    tpu.vector_store %arg7[%swap3A, %swap3A_40], %mul3A_39 {strides = array<i32>} : memref<1024x128xf32, #tpu.memory_space<vmem>>, vector<1024x128xf32>,
    %broadcast_in_dim3A = vector.shape_cast %convert_element_type3A_37 : vector<1024x1xf32> to vector<1024x1xf32>
    %broadcast_in_dim3A_42 = vector.broadcast %broadcast_in_dim3A : vector<1024x1xf32> to vector<1024x128xf32>
    %swap3A_43 = arith.constant 0 : index
    %swap3A_44 = arith.constant 0 : index
    %swap3A_45 = vector.load %arg8[%swap3A_43, %swap3A_44] : memref<1024x128xf32, #tpu.memory_space<vmem>>, vector<1024x128xf32>
    tpu.vector_store %arg8[%swap3A_43, %swap3A_44], %broadcast_in_dim3A_42 {strides = array<i32>} : memref<1024x128xf32, #tpu.memory_space<vmem>>, vector<1024x128xf32>,
    return
  }
  func.func @transform_0(%arg0: i32) -> (i32, i32, i32) {
    %c0_i32 = arith.constant 0 : i32
    %c0_i32_0 = arith.constant 0 : i32
    %c0_i32_1 = arith.constant 0 : i32
    return %c0_i32, %arg0, %c0_i32_0 : i32, i32, i32
  }
  func.func @transform_1(%arg0: i32) -> (i32, i32, i32) {
    %c1_i32 = arith.constant 1 : i32
    %c0_i32 = arith.constant 0 : i32
    %c0_i32_0 = arith.constant 0 : i32
    return %c1_i32, %arg0, %c0_i32 : i32, i32, i32
  }
  func.func @transform_2(%arg0: i32) -> (i32, i32) {
    %c0_i32 = arith.constant 0 : i32
    %c0_i32_0 = arith.constant 0 : i32
    return %arg0, %c0_i32 : i32, i32
  }
  func.func @transform_3(%arg0: i32) -> (i32, i32) {
    %c0_i32 = arith.constant 0 : i32
    %c0_i32_0 = arith.constant 0 : i32
    %c0_i32_1 = arith.constant 0 : i32
    return %c0_i32, %c0_i32_0 : i32, i32
  }
  func.func @transform_4(%arg0: i32) -> (i32, i32) {
    %c0_i32 = arith.constant 0 : i32
    %c0_i32_0 = arith.constant 0 : i32
    %c0_i32_1 = arith.constant 0 : i32
    return %c0_i32, %c0_i32_0 : i32, i32
  }
  func.func @transform_5(%arg0: i32) -> (i32, i32) {
    %c0_i32 = arith.constant 0 : i32
    %c0_i32_0 = arith.constant 0 : i32
    %c0_i32_1 = arith.constant 0 : i32
    return %c0_i32, %c0_i32_0 : i32, i32
  }
  func.func @transform_6(%arg0: i32) -> (i32, i32) {
    %c0_i32 = arith.constant 0 : i32
    %c0_i32_0 = arith.constant 0 : i32
    return %arg0, %c0_i32 : i32, i32
  }
  func.func @transform_7(%arg0: i32) -> (i32, i32) {
    %c0_i32 = arith.constant 0 : i32
    %c0_i32_0 = arith.constant 0 : i32
    return %arg0, %c0_i32 : i32, i32
  }
}

module attributes {stable_mosaic.version = 14 : i64} {
  func.func @body(%arg0: i32, %arg1: memref<1x1024x128xf32, #tpu.memory_space<vmem>>, %arg2: memref<1x1024x128xf32, #tpu.memory_space<vmem>>, %arg3: memref<1x1024x128xf32, #tpu.memory_space<vmem>>, %arg4: memref<1x1024x128xf32, #tpu.memory_space<vmem>>, %arg5: memref<1024x128xf32, #tpu.memory_space<vmem>>) attributes {dimension_semantics = [#tpu.dimension_semantics<arbitrary>], iteration_bounds = array<i64: 1>, scalar_prefetch = 0 : i64, scratch_operands = 0 : i64, tpu.core_type = #tpu.core_type<tc>, window_params = [{transform_indices = @transform_0, window_bounds = array<i64: 1, 1024, 128>}, {transform_indices = @transform_1, window_bounds = array<i64: 1, 1024, 128>}, {transform_indices = @transform_2, window_bounds = array<i64: 1, 1024, 128>}, {transform_indices = @transform_3, window_bounds = array<i64: 1, 1024, 128>}, {pipeline_mode = #tpu.pipeline_mode<synchronous>, transform_indices = @transform_4, window_bounds = array<i64: 1024, 128>}]} {
    %get3A = arith.constant 0 : index
    %get3A_0 = arith.constant 0 : index
    %get3A_1 = arith.constant 0 : index
    %get3A_2 = vector.load %arg1[%get3A, %get3A_0, %get3A_1] : memref<1x1024x128xf32, #tpu.memory_space<vmem>>, vector<1x1024x128xf32>
    %get3A_3 = vector.shape_cast %get3A_2 : vector<1x1024x128xf32> to vector<1024x128xf32>
    %get3A_4 = arith.constant 0 : index
    %get3A_5 = arith.constant 0 : index
    %get3A_6 = arith.constant 0 : index
    %get3A_7 = vector.load %arg2[%get3A_4, %get3A_5, %get3A_6] : memref<1x1024x128xf32, #tpu.memory_space<vmem>>, vector<1x1024x128xf32>
    %get3A_8 = vector.shape_cast %get3A_7 : vector<1x1024x128xf32> to vector<1024x128xf32>
    %add3A = arith.addf %get3A_3, %get3A_8 : vector<1024x128xf32>
    %get3A_9 = arith.constant 0 : index
    %get3A_10 = arith.constant 0 : index
    %get3A_11 = arith.constant 0 : index
    %get3A_12 = vector.load %arg3[%get3A_9, %get3A_10, %get3A_11] : memref<1x1024x128xf32, #tpu.memory_space<vmem>>, vector<1x1024x128xf32>
    %get3A_13 = vector.shape_cast %get3A_12 : vector<1x1024x128xf32> to vector<1024x128xf32>
    %get3A_14 = arith.constant 0 : index
    %get3A_15 = arith.constant 0 : index
    %get3A_16 = arith.constant 0 : index
    %get3A_17 = vector.load %arg4[%get3A_14, %get3A_15, %get3A_16] : memref<1x1024x128xf32, #tpu.memory_space<vmem>>, vector<1x1024x128xf32>
    %get3A_18 = vector.shape_cast %get3A_17 : vector<1x1024x128xf32> to vector<1024x128xf32>
    %add3A_19 = arith.addf %get3A_13, %get3A_18 : vector<1024x128xf32>
    %max3A = arith.constant 1.000000e+00 : f32
    %max3A_20 = vector.broadcast %max3A : f32 to vector<1024x128xf32>
    %max3A_21 = arith.maximumf %add3A_19, %max3A_20 : vector<1024x128xf32>
    %div3A = arith.divf %add3A, %max3A_21 : vector<1024x128xf32>
    %swap3A = arith.constant 0 : index
    %swap3A_22 = arith.constant 0 : index
    %swap3A_23 = vector.load %arg5[%swap3A, %swap3A_22] : memref<1024x128xf32, #tpu.memory_space<vmem>>, vector<1024x128xf32>
    tpu.vector_store %arg5[%swap3A, %swap3A_22], %div3A {strides = array<i32>} : memref<1024x128xf32, #tpu.memory_space<vmem>>, vector<1024x128xf32>,
    return
  }
  func.func @transform_0(%arg0: i32) -> (i32, i32, i32) {
    %c0_i32 = arith.constant 0 : i32
    %c0_i32_0 = arith.constant 0 : i32
    %c0_i32_1 = arith.constant 0 : i32
    %c0_i32_2 = arith.constant 0 : i32
    return %c0_i32, %c0_i32_0, %c0_i32_1 : i32, i32, i32
  }
  func.func @transform_1(%arg0: i32) -> (i32, i32, i32) {
    %c1_i32 = arith.constant 1 : i32
    %c0_i32 = arith.constant 0 : i32
    %c0_i32_0 = arith.constant 0 : i32
    %c0_i32_1 = arith.constant 0 : i32
    return %c1_i32, %c0_i32, %c0_i32_0 : i32, i32, i32
  }
  func.func @transform_2(%arg0: i32) -> (i32, i32, i32) {
    %c0_i32 = arith.constant 0 : i32
    %c0_i32_0 = arith.constant 0 : i32
    %c0_i32_1 = arith.constant 0 : i32
    %c0_i32_2 = arith.constant 0 : i32
    return %c0_i32, %c0_i32_0, %c0_i32_1 : i32, i32, i32
  }
  func.func @transform_3(%arg0: i32) -> (i32, i32, i32) {
    %c1_i32 = arith.constant 1 : i32
    %c0_i32 = arith.constant 0 : i32
    %c0_i32_0 = arith.constant 0 : i32
    %c0_i32_1 = arith.constant 0 : i32
    return %c1_i32, %c0_i32, %c0_i32_0 : i32, i32, i32
  }
  func.func @transform_4(%arg0: i32) -> (i32, i32) {
    %c0_i32 = arith.constant 0 : i32
    %c0_i32_0 = arith.constant 0 : i32
    %c0_i32_1 = arith.constant 0 : i32
    return %c0_i32, %c0_i32_0 : i32, i32
  }
}

</mosaic_0001>

<sc_bundles>
// kernel: kernel.12.cloned.1.call-start
scs
__scs_entry_jumppad:
0x0: {  	(pc) =	sbr.rel $0x88, $3  }
0x1: {  	(tag) =	ssettag $0x0;
	lr =	simm.s32 $0x1  }
0x2: {  	[smem:$0x3F98] =	sst lr;
	_ =	strace $0xD0000000  }
0x3: {  	_ = 	snop  }
0x4: {  	_ = 	snop  }
0x5: {  	_ = 	snop  }
0x6: {  	_ = 	snop  }
0x7: {  	_ = 	snop  }
__scs_overlays_trampoline_lowered:
0x8: {  	[smem:$0x3FA7] =	sst s0  }
0x9: {  	[smem:$0x3FA8] =	sst s1  }
0xa: {  	[smem:$0x3FA9] =	sst s2  }
0xb: {  	[smem:$0x3FAA] =	sst s3  }
0xc: {  	[smem:$0x3FAB] =	sst s4  }
0xd: {  	[smem:$0x3FAC] =	sst s5  }
0xe: {  	[smem:$0x3FAD] =	sst s6  }
0xf: {  	[smem:$0x3FAE] =	sst s7  }
0x10: {  	[smem:$0x3FAF] =	sst s8  }
0x11: {  	[smem:$0x3FB0] =	sst s9;
	s0 =	simm.s32 @!p0 $0x0  }
0x12: {  	s1 =	sld [smem:$0x3F96];
	s0 =	simm.s32 @p0 $0x1  }
0x13: {  	[smem:$0x3FB1] =	sst s0;
	s0 =	simm.s32 @!p1 $0x0  }
0x14: {  	s2 =	sld [smem:$0x3F95];
	s0 =	simm.s32 @p1 $0x1  }
0x15: {  	[smem:$0x3FB2] =	sst s0;
	s0 =	simm.s32 @!p2 $0x0  }
0x16: {  	s3 =	sld [smem:$0x3FDB];
	s0 =	simm.s32 @p2 $0x1  }
0x17: {  	s4 =	simm.s32 $0x1BF5;
	[smem:$0x3FB4] =	sst s0  }
0x18: {  	s0 =	sld [smem:$0x3F97];
	_ =	swait.ge [sflag:s4], $0x0  }
0x19: {  	s7 =	sld [smem:$0x3F98]  }
0x1a: {  	s8 =	sadd.s32 $0xFFFFE003, lr  }
0x1b: {  	s9 =	sadd.s32 $0xFFFFFEF7, lr;
	s5 =	simm.s32 $0xFFFFFFFF;
	p2 =	slt.u32 s8, $0xFFFFF086  }
0x1c: {  	p1 =	slt.u32 s9, $0xF7A;
	s5 =	simm.s32 @!p2 $0x0  }
0x1d: {  	s5 =	simm.s32 @p1 $0x1;
	p0 =	seq.s32 s7, s2  }
0x1e: {  	s7 =	smul.u32 @!p0 $0xF7A, s2;
	p2 =	seq.s32 @!p0 s5, $0x0  }
0x1f: {  	s9 =	smul.u32 $0xF7A, s1;
	s8 =	simm.s32 @!p0 $0x1BF5;
	p2 =	por !p2, p0  }
0x20: {  	[sflag:s8] =	ssyncset.s32 @!p0 $0xFFFFF086;
	s6 =	sadd.s32 @!p0 s3, s7;
	s7 =	simm.s32 @!p0 $0x108  }
0x21: {  	s3 =	sadd.s32 s3, s9;
	s6 =	sadd.s32 @!p0 $0x88, s6;
	s7 =	simm.s32 @p2 $0x1082  }
0x22: {  	[simem:s7], [sflag:s8] =	dma.local @!p0 [hbm:s6], $0xF7A  }
0x23: {  	s9 =	sor.u32 $0xD0000000, s2;
	s6 =	simm.s32 $0x108;
	_ =	swait.ge @!p0 [sflag:s8], $0x0  }
0x24: {  	s3 =	sadd.s32 $0x88, s3;
	s6 =	simm.s32 @!p1 $0x1082;
	[sflag:s4] =	ssyncset.s32 $0xFFFFF086  }
0x25: {  	[simem:s6], [sflag:s4] =	dma.local [hbm:s3], $0xF7A  }
0x26: {  	[smem:$0x3F98] =	sst s1;
	(tag) =	ssettag s2;
	_ =	strace s9  }
0x27: {  	s1 =	sld [smem:$0x3FA8]  }
0x28: {  	s2 =	sld [smem:$0x3FA9]  }
0x29: {  	s4 =	sld [smem:$0x3FAB]  }
0x2a: {  	p0 =	seq.s32 s5, $0x0;
	s5 =	sld [smem:$0x3FAC]  }
0x2b: {  	s6 =	sld [smem:$0x3FAD]  }
0x2c: {  	s7 =	sld [smem:$0x3FAE]  }
0x2d: {  	s3 =	simm.s32 $0x108;
	s8 =	sld [smem:$0x3FAF]  }
0x2e: {  	s3 =	simm.s32 @!p0 $0x1082;
	s9 =	sld [smem:$0x3FB0]  }
0x2f: {  	lr =	sadd.s32 s0, s3;
	s0 =	sld [smem:$0x3FA7]  }
0x30: {  	s3 =	sld [smem:$0x3FAA]  }
0x31: {  	[smem:$0x3FB3] =	sst s10  }
0x32: {  	s10 =	sld [smem:$0x3FB1];
	_ =	sdelay $0x3  }
0x33: {  	p0 =	seq.s32 s10, $0x1;
	s10 =	sld [smem:$0x3FB3];
	_ =	sdelay $0x3  }
0x34: {  	[smem:$0x3FB3] =	sst s10  }
0x35: {  	s10 =	sld [smem:$0x3FB2];
	_ =	sdelay $0x3  }
0x36: {  	p1 =	seq.s32 s10, $0x1;
	s10 =	sld [smem:$0x3FB3];
	_ =	sdelay $0x3  }
0x37: {  	[smem:$0x3FB3] =	sst s10  }
0x38: {  	s10 =	sld [smem:$0x3FB4]  }
0x39: {  	_ = 	snop;
	(pc) =	sbr.ind lr, $3  }
0x3a: {  	_ = 	snop  }
0x3b: {  	_ = 	snop  }
0x3c: {  	p2 =	seq.s32 s10, $0x1;
	s10 =	sld [smem:$0x3FB3]  }
0x3d: {  	_ =	shalt  }
0x3e: {  	_ =	shalt  }
0x3f: {  	_ =	shalt  }
0x40: {  	_ =	shalt  }
0x41: {  	_ =	shalt  }
0x42: {  	_ =	shalt  }
0x43: {  	_ =	shalt  }
0x44: {  	_ =	shalt  }
0x45: {  	_ =	shalt  }
0x46: {  	_ =	shalt  }
0x47: {  	_ =	shalt  }
0x48: {  	_ =	shalt  }
0x49: {  	_ =	shalt  }
0x4a: {  	_ =	shalt  }
0x4b: {  	_ =	shalt  }
0x4c: {  	_ =	shalt  }
0x4d: {  	_ =	shalt  }
0x4e: {  	_ =	shalt  }
0x4f: {  	_ =	shalt  }
0x50: {  	_ =	shalt  }
0x51: {  	_ =	shalt  }
0x52: {  	_ =	shalt  }
0x53: {  	_ =	shalt  }
0x54: {  	_ =	shalt  }
0x55: {  	_ =	shalt  }
0x56: {  	_ =	shalt  }
0x57: {  	_ =	shalt  }
0x58: {  	_ =	shalt  }
0x59: {  	_ =	shalt  }
0x5a: {  	_ =	shalt  }
0x5b: {  	_ =	shalt  }
0x5c: {  	_ =	shalt  }
0x5d: {  	_ =	shalt  }
0x5e: {  	_ =	shalt  }
0x5f: {  	_ =	shalt  }
0x60: {  	_ =	shalt  }
0x61: {  	_ =	shalt  }
0x62: {  	_ =	shalt  }
0x63: {  	_ =	shalt  }
0x64: {  	_ =	shalt  }
0x65: {  	_ =	shalt  }
0x66: {  	_ =	shalt  }
0x67: {  	_ =	shalt  }
0x68: {  	_ =	shalt  }
0x69: {  	_ =	shalt  }
0x6a: {  	_ =	shalt  }
0x6b: {  	_ =	shalt  }
0x6c: {  	_ =	shalt  }
0x6d: {  	_ =	shalt  }
0x6e: {  	_ =	shalt  }
0x6f: {  	_ =	shalt  }
0x70: {  	_ =	shalt  }
0x71: {  	_ =	shalt  }
0x72: {  	_ =	shalt  }
0x73: {  	_ =	shalt  }
0x74: {  	_ =	shalt  }
0x75: {  	_ =	shalt  }
0x76: {  	_ =	shalt  }
0x77: {  	_ =	shalt  }
0x78: {  	_ =	shalt  }
0x79: {  	_ =	shalt  }
0x7a: {  	_ =	shalt  }
0x7b: {  	_ =	shalt  }
0x7c: {  	_ =	shalt  }
0x7d: {  	_ =	shalt  }
0x7e: {  	_ =	shalt  }
0x7f: {  	_ =	shalt  }
0x80: {  	_ =	shalt  }
0x81: {  	_ =	shalt  }
0x82: {  	_ =	shalt  }
0x83: {  	_ =	shalt  }
0x84: {  	_ =	shalt  }
0x85: {  	_ =	shalt  }
0x86: {  	_ =	shalt  }
0x87: {  	_ =	shalt  }
.Lfunc_end0:
.L_simem_size_0:
called_computation.1_lowered:
.L_overlay_start_0:
0x88: {  	s2 =	sld [smem:$0x3FD9]  }
0x89: {  	s3 =	sld [smem:$0x3FFE];
	_ =	sdelay $0x1  }
0x8a: {  	s1 =	srdreg.scid  }
0x8b: {  	s0 =	sand.u32 $0x1, s1  }
0x8c: {  	s17 =	sshll.u32 s0, $0xA;
	s2 =	sadd.s32 s3, s2  }
0x8d: {  	s2 =	sadd.s32 s2, s17  }
0x8e: {  	[smem:$0x3FBF] =	sst s2  }
0x8f: {  	_ = 	snop  }
0x90: {  	s2 =	sld [smem:$0x3FD0];
	(tm) =	ssettm $0x1  }
0x91: {  	s18 =	sld [smem:$0x3FFB];
	_ =	sdelay $0x3  }
0x92: {  	_ =	strace s18  }
0x93: {  	s3 =	sld [smem:$0x3FFC];
	_ =	sdelay $0x3  }
0x94: {  	_ =	strace s3  }
0x95: {  	s3 =	sld [smem:$0x3FFD];
	_ =	sdelay $0x3  }
0x96: {  	_ =	strace s3  }
0x97: {  	_ =	strace $0x8FFFFFFF  }
0x98: {  	s19 =	sld [smem:$0x3FDB];
	_ =	sdelay $0x1  }
0x99: {  	s4 =	simm.s32 $_scs_section_size  }
0x9a: {  	s5 =	simm.s32 $_size__tile_overlayer_lowered;
	s6 =	simm.s32 $_tile_overlayer_lowered  }
0x9b: {  	s22 =	simm.s32 $0x1BFF;
	s21 =	sshll.u32 s6, $0x1;
	s3 =	sadd.s32 s4, s19  }
0x9c: {  	s7 =	simm.s32 $0x0;
	s20 =	sshll.u32 s5, $0x1;
	s5 =	sadd.s32 s21, s3  }
0x9d: {  	[timem:s7], [sflag:s22] =	dma.local [hbm:s5], s20  }
0x9e: {  	_ =	swait.ge [sflag:s22], s20  }
0x9f: {  	s4 =	ssub.s32 $0x0, s20;
	[sflag:s22] =	ssyncset.done $0x0  }
0xa0: {  	[sflag:s22] =	ssyncadd.s32 s4;
	_ =	sdelay $0x1  }
0xa1: {  	s23 =	simm.s32 $0x1B8B  }
0xa2: {  	_ =	swait.ge [sflag:s23], $0x1  }
0xa3: {  	[sflag:s23] =	ssyncset.done $0x0  }
0xa4: {  	s25 =	simm.s32 $0x1B8E;
	s24 =	sld [smem:$0x3FFE];
	[sflag:s23] =	ssyncadd.s32 $0xFFFFFFFF  }
0xa5: {  	s26 =	simm.s32 $execute0_lowered;
	[smem:$0x3FD2] =	sst s25  }
0xa6: {  	s5 =	sshll.u32 s26, $0x1;
	_ =	strace $0x80000049;
	[dreg:$0x1] =	wrdreg $0xFFFFFFFF  }
0xa7: {  	s28 =	simm.s32 $_size_execute0_lowered;
	s3 =	sadd.s32 s3, s5;
	[dreg:$0x0] =	wrdreg $0x0  }
0xa8: {  	s5 =	sshll.u32 s28, $0x1;
	[dreg:$0x2] =	wrdreg s3  }
0xa9: {  	[dreg:$0x3] =	wrdreg s5  }
0xaa: {  	[dreg:$0x4] =	wrdreg $0xC0  }
0xab: {  	_ =	task [dreg:s7], $0x5FFFF  }
0xac: {  	[dreg:$0x1] =	wrdreg $0xFFFFFFFF  }
0xad: {  	[dreg:$0x0] =	wrdreg $0x60  }
0xae: {  	[dreg:$0x2] =	wrdreg s24  }
0xaf: {  	[dreg:$0x3] =	wrdreg s2  }
0xb0: {  	[dreg:$0x4] =	wrdreg $0xA0000  }
0xb1: {  	[dreg:$0x5] =	wrdreg $0x9  }
0xb2: {  	_ =	task.clear_ibuf [dreg:s7], $0x6FFFF;
	_ =	strace $0x90000049  }
0xb3: {  	s29 =	simm.s32 $0x9;
	_ =	strace $0x8000004B  }
0xb4: {  	_ =	swait.ge [sflag:s29], $0x1  }
0xb5: {  	[sflag:s29] =	ssyncadd.s32 $0xFFFFFFFF  }
0xb6: {  	_ =	strace $0x9000004B  }
0xb7: {  	_ =	sfence  }
0xb8: {  	s30 =	sld [smem:$0x0];
	_ =	sdelay $0x2  }
0xb9: {  	s31 =	sshll.u32 s1, $0xD;
	s1 =	sshrl.u32 s1, $0x2  }
0xba: {  	s3 =	sand.u32 $0x4000, s31;
	s1 =	sadd.s32 s1, s30  }
0xbb: {  	s0 =	sor.u32 s3, s0;
	s1 =	sshll.u32 s1, $0x11  }
0xbc: {  	s0 =	sor.u32 s1, s0  }
0xbd: {  	s0 =	sadd.s32 $0x8F2B, s0  }
0xbe: {  	[sflag:s0] =	ssyncadd.remote.s32 $0x1  }
0xbf: {  	_ =	sfence.sel $0xFFFF  }
0xc0: {  	[dreg:$0x0] =	wrdreg $0xFFFFFFFF;
	(pc) =	sbr.abs _section_cstart, $3  }
0xc1: {  	[dreg:$0x1] =	wrdreg $0xFFFFFFFF  }
0xc2: {  	_ =	task.clear_ibuf [dreg:s7], $0x2FFFF;
	_ =	strace $0x9FFFFFFF  }
0xc3: {  	(tm) =	ssettm $0x7FFFFFFF  }
tec
execute0_lowered:
.L_overlay_start_1:
0x0: {  	(tag) =	ssettag $0x1  }
0x1: {  	s0 =	rddreg [dreg:$0x0]  }
0x2: {  	s1 =	rddreg [dreg:$0x1]  }
0x3: {  	s2 =	rddreg [dreg:$0x2];
	s3 =	simm.s32 $0x0  }
0x4: {  	s4 =	simm.s32 $0x100;
	[smem:$0x7FF] =	sst s3  }
0x5: {  	s26 =	simm.s32 $0x1080;
	_ =	strace $0x8000004A;
	[dreg:$0x4] =	wrdreg s4  }
0x6: {  	s5 =	simm.s32 $0x180;
	[dreg:$0x5] =	wrdreg s26  }
0x7: {  	s6 =	simm.s32 $0x1100;
	[dreg:$0x6] =	wrdreg s5  }
0x8: {  	s7 =	simm.s32 $0x200;
	[dreg:$0x7] =	wrdreg s6  }
0x9: {  	s8 =	simm.s32 $0x1180;
	[dreg:$0x8] =	wrdreg s7  }
0xa: {  	s9 =	simm.s32 $0x280;
	[dreg:$0x9] =	wrdreg s8  }
0xb: {  	s10 =	simm.s32 $0x1200;
	[dreg:$0xa] =	wrdreg s9  }
0xc: {  	s11 =	simm.s32 $0x300;
	[dreg:$0xb] =	wrdreg s10  }
0xd: {  	s12 =	simm.s32 $0x1280;
	[dreg:$0xc] =	wrdreg s11  }
0xe: {  	s13 =	simm.s32 $0x380;
	[dreg:$0xd] =	wrdreg s12  }
0xf: {  	s14 =	simm.s32 $0x1300;
	[dreg:$0xe] =	wrdreg s13  }
0x10: {  	s15 =	simm.s32 $0x400;
	[dreg:$0xf] =	wrdreg s14  }
0x11: {  	s16 =	simm.s32 $0x1380;
	[dreg:$0x10] =	wrdreg s15  }
0x12: {  	s17 =	simm.s32 $0x480;
	[dreg:$0x11] =	wrdreg s16  }
0x13: {  	s18 =	simm.s32 $0x1400;
	[dreg:$0x12] =	wrdreg s17  }
0x14: {  	s19 =	simm.s32 $0x500;
	[dreg:$0x13] =	wrdreg s18  }
0x15: {  	s20 =	simm.s32 $0x1480;
	[dreg:$0x14] =	wrdreg s19  }
0x16: {  	s21 =	simm.s32 $0x580;
	[dreg:$0x15] =	wrdreg s20  }
0x17: {  	s22 =	simm.s32 $0x1500;
	[dreg:$0x16] =	wrdreg s21  }
0x18: {  	s23 =	simm.s32 $0x600;
	[dreg:$0x17] =	wrdreg s22  }
0x19: {  	s24 =	simm.s32 $0x1580;
	[dreg:$0x18] =	wrdreg s23  }
0x1a: {  	s25 =	simm.s32 $0x680;
	[dreg:$0x19] =	wrdreg s24  }
0x1b: {  	[dreg:$0x1a] =	wrdreg s25;
	s26 =	simm.s32 $0x1600  }
0x1c: {  	s11 =	simm.s32 $0x1680;
	[dreg:$0x1b] =	wrdreg s26  }
0x1d: {  	s13 =	simm.s32 $0x780;
	[dreg:$0x1d] =	wrdreg s11  }
0x1e: {  	s15 =	simm.s32 $0x1700;
	[dreg:$0x1e] =	wrdreg s13  }
0x1f: {  	s28 =	simm.s32 $0x1;
	s17 =	simm.s32 $0x880;
	[dreg:$0x1f] =	wrdreg s15  }
0x20: {  	s29 =	simm.s32 $0x2;
	s18 =	simm.s32 $0x900;
	[smem:$0x7DA] =	sst s17  }
0x21: {  	s30 =	simm.s32 $0x4;
	s19 =	simm.s32 $0x1880;
	[smem:$0x7DB] =	sst s18  }
0x22: {  	s31 =	simm.s32 $0x0;
	s21 =	simm.s32 $0x980;
	[smem:$0x7DC] =	sst s19  }
0x23: {  	s5 =	sadd.s32 $0xD800, s0;
	s22 =	simm.s32 $0x1900;
	[smem:$0x7DD] =	sst s21  }
0x24: {  	s12 =	stileid.u32;
	s23 =	simm.s32 $0xA00;
	[smem:$0x7DE] =	sst s22  }
0x25: {  	s6 =	sadd.s32 $0x3800, s0;
	s24 =	simm.s32 $0x1980;
	[smem:$0x7DF] =	sst s23  }
0x26: {  	s9 =	srdreg.scid;
	s11 =	simm.s32 $0x1780;
	[smem:$0x7E0] =	sst s24  }
0x27: {  	s7 =	smul.u32 $0x14000, s12;
	s26 =	simm.s32 $0xA80;
	[smem:$0x7D9] =	sst s11  }
0x28: {  	s9 =	sand.u32 $0x1, s9;
	s13 =	simm.s32 $0x1A00;
	[smem:$0x7E1] =	sst s26  }
0x29: {  	s20 =	sshll.u32 s12, $0x5;
	s15 =	simm.s32 $0x1A80;
	[smem:$0x7E2] =	sst s13  }
0x2a: {  	s25 =	smul.u32 $0x50000, s12;
	s18 =	simm.s32 $0x1B00;
	[smem:$0x7E5] =	sst s15  }
0x2b: {  	s17 =	sshll.u32 s12, $0x6;
	s19 =	simm.s32 $0xC00;
	[smem:$0x7E7] =	sst s18  }
0x2c: {  	s21 =	simm.s32 $0x1B80;
	s22 =	simm.s32 $0xC80;
	[smem:$0x7E8] =	sst s19  }
0x2d: {  	s24 =	simm.s32 $0x1C00;
	s10 =	smul.u32 $0x140000, s9;
	[smem:$0x7EA] =	sst s21  }
0x2e: {  	s14 =	ssub.s32 $0x2, s9;
	p0 =	seq.s32 s9, $0x0;
	[smem:$0x7EC] =	sst s22  }
0x2f: {  	s9 =	sshll.u32 s12, $0x7;
	[smem:$0x7ED] =	sst s24;
	s15 =	simm.s32 $0xD80  }
0x30: {  	s18 =	simm.s32 $0xE00;
	s19 =	simm.s32 $0x1D80;
	[smem:$0x7F3] =	sst s15  }
0x31: {  	s21 =	simm.s32 $0x1E00;
	s22 =	simm.s32 $0xF00;
	[smem:$0x7F5] =	sst s18  }
0x32: {  	s24 =	simm.s32 $0xF80;
	s8 =	sshrl.u32 s7, $0x3;
	[smem:$0x7F6] =	sst s19  }
0x33: {  	s16 =	sshrl.u32 s14, $0x1;
	s11 =	sshrl.u32 s25, $0x2;
	[smem:$0x7F8] =	sst s21  }
0x34: {  	s25 =	simm.s32 $0xD00;
	s19 =	simm.s32 $0x5;
	[smem:$0x7F9] =	sst s22  }
0x35: {  	s21 =	simm.s32 $0x800;
	[smem:$0x7FB] =	sst s24;
	s22 =	simm.s32 $0x1800  }
0x36: {  	s24 =	simm.s32 $0x80;
	s8 =	sadd.s32 s8, s0;
	s7 =	sadd.s32 s7, s10  }
0x37: {  	s10 =	simm.s32 $0x700;
	s4 =	ssub.s32 s14, s16;
	s14 =	simm.s32 $0xB00  }
0x38: {  	s11 =	sadd.s32 s11, s2;
	s16 =	simm.s32 $0xB80;
	[smem:$0x7EF] =	sst s25  }
0x39: {  	s25 =	simm.s32 $0x1F00;
	s7 =	sshrl.u32 s7, $0x3;
	[dreg:$0x1c] =	wrdreg s10  }
0x3a: {  	s10 =	sor.u32 $0x800, s20;
	[smem:$0x7E3] =	sst s14;
	s8 =	sadd.s32 $0x35800, s8  }
0x3b: {  	[smem:$0x7E6] =	sst s16;
	s14 =	simm.s32 $0x1C80;
	s18 =	sshrl.u32 s11, $0x3  }
0x3c: {  	[smem:$0x7FC] =	sst s25;
	s25 =	simm.s32 $0x2000;
	s0 =	sadd.s32 s7, s0  }
0x3d: {  	s10 =	smov.u32 @p0 s9;
	[smem:$0x7E4] =	sst s8;
	s9 =	sor.u32 $0x1C05, s17  }
0x3e: {  	[smem:$0x7F1] =	sst s14;
	s17 =	simm.s32 $0x1D00;
	s20 =	sshll.u32 s10, $0x4  }
0x3f: {  	s7 =	simm.s32 $0x8;
	[smem:$0x7F4] =	sst s17;
	s13 =	sadd.s32 s6, s20  }
0x40: {  	s7 =	simm.s32 @!p0 $0x2;
	s23 =	sadd.s32 s1, s20;
	[smem:$0x7E9] =	sst s13  }
0x41: {  	s10 =	sshll.u32 s10, $0x7;
	s16 =	sshrl.u32 s7, $0x1;
	[smem:$0x7EB] =	sst s23  }
0x42: {  	s12 =	sor.u32 $0x100, s20;
	s20 =	simm.s32 $0xE80;
	[smem:$0x7F2] =	sst s16  }
0x43: {  	s15 =	sadd.s32 $0x5D800, s0;
	s26 =	sadd.s32 s6, s12;
	[smem:$0x7F7] =	sst s20  }
0x44: {  	s12 =	sadd.s32 s1, s12;
	s16 =	smax.u32 s4, $0x1;
	[smem:$0x7EE] =	sst s26  }
0x45: {  	s4 =	sadd.s32 $0x1000, s10;
	s23 =	simm.s32 $0x1E80;
	[smem:$0x7F0] =	sst s12  }
0x46: {  	s20 =	simm.s32 $0x1000;
	[smem:$0x7FA] =	sst s23;
	s26 =	simm.s32 $0x1F80  }
0x47: {  	s23 =	simm.s32 $0x3;
	[smem:$0x7FD] =	sst s26;
	s26 =	simm.s32 $0x6000  }
.LBB2_1:
0x48: {  	s0 =	sld [smem:$0x7E4];
	_ =	sdelay $0x2  }
0x49: {  	[spmem:s18], [sflag:s9] =	dma.local [hbm:s0], $0x2800  }
0x4a: {  	_ =	swait.ge [sflag:s19], $0x2800  }
0x4b: {  	s17 =	sld [smem:$0x7E9]  }
0x4c: {  	[sflag:s19] =	ssyncset.done $0x0  }
0x4d: {  	s8 =	sld [smem:$0x7EB];
	[sflag:s19] =	ssyncadd.s32 $0xFFFFD800  }
0x4e: {  	[tilespmem:s3], [sflag:$0x3] =	stream.linear.gather [hbm4b:s17+s3], $0x800, $0x38;
	[tilespmem:$0x1E000] =	vst v63  }
0x4f: {  	s10 =	sld [smem:$0x7EE]  }
0x50: {  	[tilespmem:s20], [sflag:$0x3] =	stream.linear.gather [hbm4b:s8+s3], $0x800, $0x38;
	[tilespmem:$0x1E000] =	vst v63  }
0x51: {  	s11 =	sld [smem:$0x7F0]  }
0x52: {  	[tilespmem:s21], [sflag:$0x4] =	stream.linear.gather [hbm4b:s10+s3], $0x800, $0x38;
	[tilespmem:$0x1E000] =	vst v63  }
0x53: {  	_ = 	snop  }
0x54: {  	[tilespmem:s22], [sflag:$0x4] =	stream.linear.gather [hbm4b:s11+s3], $0x800, $0x38;
	[tilespmem:$0x1E000] =	vst v63  }
0x55: {  	[bflag:$0x0] =	sbarrier.arrive $0xFFFF  }
0x56: {  	_ =	swait.ge [sflag:s23], $0x800  }
0x57: {  	[sflag:s23] =	ssyncset.done $0x0  }
0x58: {  	[sflag:s23] =	ssyncadd.s32 $0xFFFFF800  }
0x59: {  	_ =	swait.ge [sflag:s23], $0x800  }
0x5a: {  	[sflag:s23] =	ssyncset.done $0x0  }
0x5b: {  	[sflag:s23] =	ssyncadd.s32 $0xFFFFF800  }
0x5c: {  	[tilespmem:s25], [sflag:$0x1] =	stream.indirect.gather [hbm4b:s5+s24], $0x80, s3, s24, $0xb8;
	[tilespmem:$0x1E000] =	vst v63  }
0x5d: {  	_ = 	snop  }
0x5e: {  	[tilespmem:s26], [sflag:$0x2] =	stream.indirect.gather [hbm4b:s5+s24], $0x80, s24, s24, $0xb8;
	[tilespmem:$0x1E000] =	vst v63  }
0x5f: {  	_ =	swait.ge [sflag:s28], $0x4000  }
0x60: {  	[sflag:s28] =	ssyncset.done $0x0  }
0x61: {  	[sflag:s28] =	ssyncadd.s32 $0xFFFFC000  }
0x62: {  	[spmem:s2] =	stream.indirect.scatter.add.f32 [tilespmem:s25], [sflag:$0x5], $0x80, s20, s24, $0xb8;
	[tilespmem:$0x1E000] =	vst v63  }
0x63: {  	_ =	swait.ge [sflag:s19], $0x4000  }
0x64: {  	[sflag:s19] =	ssyncset.done $0x0  }
0x65: {  	s12 =	rddreg [dreg:$0x4];
	[sflag:s19] =	ssyncadd.s32 $0xFFFFC000  }
0x66: {  	[tilespmem:s25], [sflag:$0x1] =	stream.indirect.gather [hbm4b:s5+s24], $0x80, s12, s24, $0xb8;
	[tilespmem:$0x1E000] =	vst v63  }
0x67: {  	_ =	swait.ge [sflag:s29], $0x4000  }
0x68: {  	[sflag:s29] =	ssyncset.done $0x0  }
0x69: {  	s13 =	rddreg [dreg:$0x5];
	[sflag:s29] =	ssyncadd.s32 $0xFFFFC000  }
0x6a: {  	[spmem:s2] =	stream.indirect.scatter.add.f32 [tilespmem:s26], [sflag:$0x5], $0x80, s13, s24, $0xb8;
	[tilespmem:$0x1E000] =	vst v63  }
0x6b: {  	_ =	swait.ge [sflag:s19], $0x4000  }
0x6c: {  	[sflag:s19] =	ssyncset.done $0x0  }
0x6d: {  	s14 =	rddreg [dreg:$0x6];
	[sflag:s19] =	ssyncadd.s32 $0xFFFFC000  }
0x6e: {  	[tilespmem:s26], [sflag:$0x2] =	stream.indirect.gather [hbm4b:s5+s24], $0x80, s14, s24, $0xb8;
	[tilespmem:$0x1E000] =	vst v63  }
0x6f: {  	_ =	swait.ge [sflag:s28], $0x4000  }
0x70: {  	[sflag:s28] =	ssyncset.done $0x0  }
0x71: {  	s17 =	rddreg [dreg:$0x7];
	[sflag:s28] =	ssyncadd.s32 $0xFFFFC000  }
0x72: {  	[spmem:s2] =	stream.indirect.scatter.add.f32 [tilespmem:s25], [sflag:$0x5], $0x80, s17, s24, $0xb8;
	[tilespmem:$0x1E000] =	vst v63  }
0x73: {  	_ =	swait.ge [sflag:s19], $0x4000  }
0x74: {  	[sflag:s19] =	ssyncset.done $0x0  }
0x75: {  	s8 =	rddreg [dreg:$0x8];
	[sflag:s19] =	ssyncadd.s32 $0xFFFFC000  }
0x76: {  	[tilespmem:s25], [sflag:$0x1] =	stream.indirect.gather [hbm4b:s5+s24], $0x80, s8, s24, $0xb8;
	[tilespmem:$0x1E000] =	vst v63  }
0x77: {  	_ =	swait.ge [sflag:s29], $0x4000  }
0x78: {  	[sflag:s29] =	ssyncset.done $0x0  }
0x79: {  	s10 =	rddreg [dreg:$0x9];
	[sflag:s29] =	ssyncadd.s32 $0xFFFFC000  }
0x7a: {  	[spmem:s2] =	stream.indirect.scatter.add.f32 [tilespmem:s26], [sflag:$0x5], $0x80, s10, s24, $0xb8;
	[tilespmem:$0x1E000] =	vst v63  }
0x7b: {  	_ =	swait.ge [sflag:s19], $0x4000  }
0x7c: {  	[sflag:s19] =	ssyncset.done $0x0  }
0x7d: {  	s11 =	rddreg [dreg:$0xa];
	[sflag:s19] =	ssyncadd.s32 $0xFFFFC000  }
0x7e: {  	[tilespmem:s26], [sflag:$0x2] =	stream.indirect.gather [hbm4b:s5+s24], $0x80, s11, s24, $0xb8;
	[tilespmem:$0x1E000] =	vst v63  }
0x7f: {  	_ =	swait.ge [sflag:s28], $0x4000  }
0x80: {  	[sflag:s28] =	ssyncset.done $0x0  }
0x81: {  	s12 =	rddreg [dreg:$0xb];
	[sflag:s28] =	ssyncadd.s32 $0xFFFFC000  }
0x82: {  	[spmem:s2] =	stream.indirect.scatter.add.f32 [tilespmem:s25], [sflag:$0x5], $0x80, s12, s24, $0xb8;
	[tilespmem:$0x1E000] =	vst v63  }
0x83: {  	_ =	swait.ge [sflag:s19], $0x4000  }
0x84: {  	[sflag:s19] =	ssyncset.done $0x0  }
0x85: {  	s13 =	rddreg [dreg:$0xc];
	[sflag:s19] =	ssyncadd.s32 $0xFFFFC000  }
0x86: {  	[tilespmem:s25], [sflag:$0x1] =	stream.indirect.gather [hbm4b:s5+s24], $0x80, s13, s24, $0xb8;
	[tilespmem:$0x1E000] =	vst v63  }
0x87: {  	_ =	swait.ge [sflag:s29], $0x4000  }
0x88: {  	[sflag:s29] =	ssyncset.done $0x0  }
0x89: {  	s14 =	rddreg [dreg:$0xd];
	[sflag:s29] =	ssyncadd.s32 $0xFFFFC000  }
0x8a: {  	[spmem:s2] =	stream.indirect.scatter.add.f32 [tilespmem:s26], [sflag:$0x5], $0x80, s14, s24, $0xb8;
	[tilespmem:$0x1E000] =	vst v63  }
0x8b: {  	_ =	swait.ge [sflag:s19], $0x4000  }
0x8c: {  	[sflag:s19] =	ssyncset.done $0x0  }
0x8d: {  	s17 =	rddreg [dreg:$0xe];
	[sflag:s19] =	ssyncadd.s32 $0xFFFFC000  }
0x8e: {  	[tilespmem:s26], [sflag:$0x2] =	stream.indirect.gather [hbm4b:s5+s24], $0x80, s17, s24, $0xb8;
	[tilespmem:$0x1E000] =	vst v63  }
0x8f: {  	_ =	swait.ge [sflag:s28], $0x4000  }
0x90: {  	[sflag:s28] =	ssyncset.done $0x0  }
0x91: {  	s8 =	rddreg [dreg:$0xf];
	[sflag:s28] =	ssyncadd.s32 $0xFFFFC000  }
0x92: {  	[spmem:s2] =	stream.indirect.scatter.add.f32 [tilespmem:s25], [sflag:$0x5], $0x80, s8, s24, $0xb8;
	[tilespmem:$0x1E000] =	vst v63  }
0x93: {  	_ =	swait.ge [sflag:s19], $0x4000  }
0x94: {  	[sflag:s19] =	ssyncset.done $0x0  }
0x95: {  	s10 =	rddreg [dreg:$0x10];
	[sflag:s19] =	ssyncadd.s32 $0xFFFFC000  }
0x96: {  	[tilespmem:s25], [sflag:$0x1] =	stream.indirect.gather [hbm4b:s5+s24], $0x80, s10, s24, $0xb8;
	[tilespmem:$0x1E000] =	vst v63  }
0x97: {  	_ =	swait.ge [sflag:s29], $0x4000  }
0x98: {  	[sflag:s29] =	ssyncset.done $0x0  }
0x99: {  	s11 =	rddreg [dreg:$0x11];
	[sflag:s29] =	ssyncadd.s32 $0xFFFFC000  }
0x9a: {  	[spmem:s2] =	stream.indirect.scatter.add.f32 [tilespmem:s26], [sflag:$0x5], $0x80, s11, s24, $0xb8;
	[tilespmem:$0x1E000] =	vst v63  }
0x9b: {  	_ =	swait.ge [sflag:s19], $0x4000  }
0x9c: {  	[sflag:s19] =	ssyncset.done $0x0  }
0x9d: {  	s12 =	rddreg [dreg:$0x12];
	[sflag:s19] =	ssyncadd.s32 $0xFFFFC000  }
0x9e: {  	[tilespmem:s26], [sflag:$0x2] =	stream.indirect.gather [hbm4b:s5+s24], $0x80, s12, s24, $0xb8;
	[tilespmem:$0x1E000] =	vst v63  }
0x9f: {  	_ =	swait.ge [sflag:s28], $0x4000  }
0xa0: {  	[sflag:s28] =	ssyncset.done $0x0  }
0xa1: {  	s13 =	rddreg [dreg:$0x13];
	[sflag:s28] =	ssyncadd.s32 $0xFFFFC000  }
0xa2: {  	[spmem:s2] =	stream.indirect.scatter.add.f32 [tilespmem:s25], [sflag:$0x5], $0x80, s13, s24, $0xb8;
	[tilespmem:$0x1E000] =	vst v63  }
0xa3: {  	_ =	swait.ge [sflag:s19], $0x4000  }
0xa4: {  	[sflag:s19] =	ssyncset.done $0x0  }
0xa5: {  	s14 =	rddreg [dreg:$0x14];
	[sflag:s19] =	ssyncadd.s32 $0xFFFFC000  }
0xa6: {  	[tilespmem:s25], [sflag:$0x1] =	stream.indirect.gather [hbm4b:s5+s24], $0x80, s14, s24, $0xb8;
	[tilespmem:$0x1E000] =	vst v63  }
0xa7: {  	_ =	swait.ge [sflag:s29], $0x4000  }
0xa8: {  	[sflag:s29] =	ssyncset.done $0x0  }
0xa9: {  	s17 =	rddreg [dreg:$0x15];
	[sflag:s29] =	ssyncadd.s32 $0xFFFFC000  }
0xaa: {  	[spmem:s2] =	stream.indirect.scatter.add.f32 [tilespmem:s26], [sflag:$0x5], $0x80, s17, s24, $0xb8;
	[tilespmem:$0x1E000] =	vst v63  }
0xab: {  	_ =	swait.ge [sflag:s19], $0x4000  }
0xac: {  	[sflag:s19] =	ssyncset.done $0x0  }
0xad: {  	s8 =	rddreg [dreg:$0x16];
	[sflag:s19] =	ssyncadd.s32 $0xFFFFC000  }
0xae: {  	[tilespmem:s26], [sflag:$0x2] =	stream.indirect.gather [hbm4b:s5+s24], $0x80, s8, s24, $0xb8;
	[tilespmem:$0x1E000] =	vst v63  }
0xaf: {  	_ =	swait.ge [sflag:s28], $0x4000  }
0xb0: {  	[sflag:s28] =	ssyncset.done $0x0  }
0xb1: {  	s10 =	rddreg [dreg:$0x17];
	[sflag:s28] =	ssyncadd.s32 $0xFFFFC000  }
0xb2: {  	[spmem:s2] =	stream.indirect.scatter.add.f32 [tilespmem:s25], [sflag:$0x5], $0x80, s10, s24, $0xb8;
	[tilespmem:$0x1E000] =	vst v63  }
0xb3: {  	_ =	swait.ge [sflag:s19], $0x4000  }
0xb4: {  	[sflag:s19] =	ssyncset.done $0x0  }
0xb5: {  	s11 =	rddreg [dreg:$0x18];
	[sflag:s19] =	ssyncadd.s32 $0xFFFFC000  }
0xb6: {  	[tilespmem:s25], [sflag:$0x1] =	stream.indirect.gather [hbm4b:s5+s24], $0x80, s11, s24, $0xb8;
	[tilespmem:$0x1E000] =	vst v63  }
0xb7: {  	_ =	swait.ge [sflag:s29], $0x4000  }
0xb8: {  	[sflag:s29] =	ssyncset.done $0x0  }
0xb9: {  	s12 =	rddreg [dreg:$0x19];
	[sflag:s29] =	ssyncadd.s32 $0xFFFFC000  }
0xba: {  	[spmem:s2] =	stream.indirect.scatter.add.f32 [tilespmem:s26], [sflag:$0x5], $0x80, s12, s24, $0xb8;
	[tilespmem:$0x1E000] =	vst v63  }
0xbb: {  	_ =	swait.ge [sflag:s19], $0x4000  }
0xbc: {  	[sflag:s19] =	ssyncset.done $0x0  }
0xbd: {  	s13 =	rddreg [dreg:$0x1a];
	[sflag:s19] =	ssyncadd.s32 $0xFFFFC000  }
0xbe: {  	[tilespmem:s26], [sflag:$0x2] =	stream.indirect.gather [hbm4b:s5+s24], $0x80, s13, s24, $0xb8;
	[tilespmem:$0x1E000] =	vst v63  }
0xbf: {  	_ =	swait.ge [sflag:s28], $0x4000  }
0xc0: {  	[sflag:s28] =	ssyncset.done $0x0  }
0xc1: {  	s14 =	rddreg [dreg:$0x1b];
	[sflag:s28] =	ssyncadd.s32 $0xFFFFC000  }
0xc2: {  	[spmem:s2] =	stream.indirect.scatter.add.f32 [tilespmem:s25], [sflag:$0x5], $0x80, s14, s24, $0xb8;
	[tilespmem:$0x1E000] =	vst v63  }
0xc3: {  	_ =	swait.ge [sflag:s19], $0x4000  }
0xc4: {  	[sflag:s19] =	ssyncset.done $0x0  }
0xc5: {  	s17 =	rddreg [dreg:$0x1c];
	[sflag:s19] =	ssyncadd.s32 $0xFFFFC000  }
0xc6: {  	[tilespmem:s25], [sflag:$0x1] =	stream.indirect.gather [hbm4b:s5+s24], $0x80, s17, s24, $0xb8;
	[tilespmem:$0x1E000] =	vst v63  }
0xc7: {  	_ =	swait.ge [sflag:s29], $0x4000  }
0xc8: {  	[sflag:s29] =	ssyncset.done $0x0  }
0xc9: {  	s8 =	rddreg [dreg:$0x1d];
	[sflag:s29] =	ssyncadd.s32 $0xFFFFC000  }
0xca: {  	[spmem:s2] =	stream.indirect.scatter.add.f32 [tilespmem:s26], [sflag:$0x5], $0x80, s8, s24, $0xb8;
	[tilespmem:$0x1E000] =	vst v63  }
0xcb: {  	_ =	swait.ge [sflag:s19], $0x4000  }
0xcc: {  	[sflag:s19] =	ssyncset.done $0x0  }
0xcd: {  	s10 =	rddreg [dreg:$0x1e];
	[sflag:s19] =	ssyncadd.s32 $0xFFFFC000  }
0xce: {  	[tilespmem:s26], [sflag:$0x2] =	stream.indirect.gather [hbm4b:s5+s24], $0x80, s10, s24, $0xb8;
	[tilespmem:$0x1E000] =	vst v63  }
0xcf: {  	_ =	swait.ge [sflag:s28], $0x4000  }
0xd0: {  	[sflag:s28] =	ssyncset.done $0x0  }
0xd1: {  	s11 =	rddreg [dreg:$0x1f];
	[sflag:s28] =	ssyncadd.s32 $0xFFFFC000  }
0xd2: {  	[spmem:s2] =	stream.indirect.scatter.add.f32 [tilespmem:s25], [sflag:$0x5], $0x80, s11, s24, $0xb8;
	[tilespmem:$0x1E000] =	vst v63  }
0xd3: {  	_ =	swait.ge [sflag:s19], $0x4000  }
0xd4: {  	[sflag:s19] =	ssyncset.done $0x0  }
0xd5: {  	[sflag:s19] =	ssyncadd.s32 $0xFFFFC000  }
0xd6: {  	_ =	swait.ge [sflag:s29], $0x4000  }
0xd7: {  	s12 =	sld [smem:$0x7D9]  }
0xd8: {  	[sflag:s29] =	ssyncset.done $0x0  }
0xd9: {  	[sflag:s29] =	ssyncadd.s32 $0xFFFFC000  }
0xda: {  	[spmem:s2] =	stream.indirect.scatter.add.f32 [tilespmem:s26], [sflag:$0x5], $0x80, s12, s24, $0xb8;
	[tilespmem:$0x1E000] =	vst v63  }
0xdb: {  	p0 =	sle.u32 s7, $0x2;
	_ =	swait.ge [sflag:s19], $0x4000  }
0xdc: {  	s0 =	sshrl.u32 @!p0 s4, $0x3;
	[sflag:s19] =	ssyncset.done $0x0  }
0xdd: {  	s8 =	sadd.s32 @!p0 s6, s0;
	s10 =	simm.s32 @!p0 $0x0;
	[sflag:s19] =	ssyncadd.s32 $0xFFFFC000  }
0xde: {  	[tilespmem:s10], [sflag:$0x3] =	stream.linear.gather @!p0 [hbm4b:s8+s10], $0x800, $0x38;
	[tilespmem:$0x1E000] =	vst v63  }
0xdf: {  	s0 =	sadd.s32 @!p0 s1, s0;
	s8 =	simm.s32 @!p0 $0x1000  }
0xe0: {  	[tilespmem:s8], [sflag:$0x3] =	stream.linear.gather @!p0 [hbm4b:s0+s10], $0x800, $0x38;
	[tilespmem:$0x1E000] =	vst v63  }
0xe1: {  	_ =	swait.ge [sflag:s30], $0x800  }
0xe2: {  	[sflag:s30] =	ssyncset.done $0x0  }
0xe3: {  	[sflag:s30] =	ssyncadd.s32 $0xFFFFF800  }
0xe4: {  	_ =	swait.ge [sflag:s30], $0x800  }
0xe5: {  	[sflag:s30] =	ssyncset.done $0x0  }
0xe6: {  	s13 =	sld [smem:$0x7DA];
	[sflag:s30] =	ssyncadd.s32 $0xFFFFF800  }
0xe7: {  	[tilespmem:s25], [sflag:$0x1] =	stream.indirect.gather [hbm4b:s5+s24], $0x80, s21, s24, $0xb8;
	[tilespmem:$0x1E000] =	vst v63  }
0xe8: {  	_ = 	snop  }
0xe9: {  	[tilespmem:s26], [sflag:$0x2] =	stream.indirect.gather [hbm4b:s5+s24], $0x80, s13, s24, $0xb8;
	[tilespmem:$0x1E000] =	vst v63  }
0xea: {  	_ =	swait.ge [sflag:s28], $0x4000  }
0xeb: {  	[sflag:s28] =	ssyncset.done $0x0  }
0xec: {  	[sflag:s28] =	ssyncadd.s32 $0xFFFFC000  }
0xed: {  	[spmem:s2] =	stream.indirect.scatter.add.f32 [tilespmem:s25], [sflag:$0x5], $0x80, s22, s24, $0xb8;
	[tilespmem:$0x1E000] =	vst v63  }
0xee: {  	_ =	swait.ge [sflag:s19], $0x4000  }
0xef: {  	s14 =	sld [smem:$0x7DB]  }
0xf0: {  	[sflag:s19] =	ssyncset.done $0x0  }
0xf1: {  	[sflag:s19] =	ssyncadd.s32 $0xFFFFC000  }
0xf2: {  	[tilespmem:s25], [sflag:$0x1] =	stream.indirect.gather [hbm4b:s5+s24], $0x80, s14, s24, $0xb8;
	[tilespmem:$0x1E000] =	vst v63  }
0xf3: {  	_ =	swait.ge [sflag:s29], $0x4000  }
0xf4: {  	s17 =	sld [smem:$0x7DC]  }
0xf5: {  	[sflag:s29] =	ssyncset.done $0x0  }
0xf6: {  	[sflag:s29] =	ssyncadd.s32 $0xFFFFC000  }
0xf7: {  	[spmem:s2] =	stream.indirect.scatter.add.f32 [tilespmem:s26], [sflag:$0x5], $0x80, s17, s24, $0xb8;
	[tilespmem:$0x1E000] =	vst v63  }
0xf8: {  	_ =	swait.ge [sflag:s19], $0x4000  }
0xf9: {  	s8 =	sld [smem:$0x7DD]  }
0xfa: {  	[sflag:s19] =	ssyncset.done $0x0  }
0xfb: {  	[sflag:s19] =	ssyncadd.s32 $0xFFFFC000  }
0xfc: {  	[tilespmem:s26], [sflag:$0x2] =	stream.indirect.gather [hbm4b:s5+s24], $0x80, s8, s24, $0xb8;
	[tilespmem:$0x1E000] =	vst v63  }
0xfd: {  	_ =	swait.ge [sflag:s28], $0x4000  }
0xfe: {  	s10 =	sld [smem:$0x7DE]  }
0xff: {  	[sflag:s28] =	ssyncset.done $0x0  }
0x100: {  	[sflag:s28] =	ssyncadd.s32 $0xFFFFC000  }
0x101: {  	[spmem:s2] =	stream.indirect.scatter.add.f32 [tilespmem:s25], [sflag:$0x5], $0x80, s10, s24, $0xb8;
	[tilespmem:$0x1E000] =	vst v63  }
0x102: {  	_ =	swait.ge [sflag:s19], $0x4000  }
0x103: {  	s11 =	sld [smem:$0x7DF]  }
0x104: {  	[sflag:s19] =	ssyncset.done $0x0  }
0x105: {  	[sflag:s19] =	ssyncadd.s32 $0xFFFFC000  }
0x106: {  	[tilespmem:s25], [sflag:$0x1] =	stream.indirect.gather [hbm4b:s5+s24], $0x80, s11, s24, $0xb8;
	[tilespmem:$0x1E000] =	vst v63  }
0x107: {  	_ =	swait.ge [sflag:s29], $0x4000  }
0x108: {  	s12 =	sld [smem:$0x7E0]  }
0x109: {  	[sflag:s29] =	ssyncset.done $0x0  }
0x10a: {  	[sflag:s29] =	ssyncadd.s32 $0xFFFFC000  }
0x10b: {  	[spmem:s2] =	stream.indirect.scatter.add.f32 [tilespmem:s26], [sflag:$0x5], $0x80, s12, s24, $0xb8;
	[tilespmem:$0x1E000] =	vst v63  }
0x10c: {  	_ =	swait.ge [sflag:s19], $0x4000  }
0x10d: {  	s13 =	sld [smem:$0x7E1]  }
0x10e: {  	[sflag:s19] =	ssyncset.done $0x0  }
0x10f: {  	[sflag:s19] =	ssyncadd.s32 $0xFFFFC000  }
0x110: {  	[tilespmem:s26], [sflag:$0x2] =	stream.indirect.gather [hbm4b:s5+s24], $0x80, s13, s24, $0xb8;
	[tilespmem:$0x1E000] =	vst v63  }
0x111: {  	_ =	swait.ge [sflag:s28], $0x4000  }
0x112: {  	s14 =	sld [smem:$0x7E2]  }
0x113: {  	[sflag:s28] =	ssyncset.done $0x0  }
0x114: {  	[sflag:s28] =	ssyncadd.s32 $0xFFFFC000  }
0x115: {  	[spmem:s2] =	stream.indirect.scatter.add.f32 [tilespmem:s25], [sflag:$0x5], $0x80, s14, s24, $0xb8;
	[tilespmem:$0x1E000] =	vst v63  }
0x116: {  	_ =	swait.ge [sflag:s19], $0x4000  }
0x117: {  	s17 =	sld [smem:$0x7E3]  }
0x118: {  	[sflag:s19] =	ssyncset.done $0x0  }
0x119: {  	[sflag:s19] =	ssyncadd.s32 $0xFFFFC000  }
0x11a: {  	[tilespmem:s25], [sflag:$0x1] =	stream.indirect.gather [hbm4b:s5+s24], $0x80, s17, s24, $0xb8;
	[tilespmem:$0x1E000] =	vst v63  }
0x11b: {  	_ =	swait.ge [sflag:s29], $0x4000  }
0x11c: {  	s8 =	sld [smem:$0x7E5]  }
0x11d: {  	[sflag:s29] =	ssyncset.done $0x0  }
0x11e: {  	[sflag:s29] =	ssyncadd.s32 $0xFFFFC000  }
0x11f: {  	[spmem:s2] =	stream.indirect.scatter.add.f32 [tilespmem:s26], [sflag:$0x5], $0x80, s8, s24, $0xb8;
	[tilespmem:$0x1E000] =	vst v63  }
0x120: {  	_ =	swait.ge [sflag:s19], $0x4000  }
0x121: {  	s10 =	sld [smem:$0x7E6]  }
0x122: {  	[sflag:s19] =	ssyncset.done $0x0  }
0x123: {  	[sflag:s19] =	ssyncadd.s32 $0xFFFFC000  }
0x124: {  	[tilespmem:s26], [sflag:$0x2] =	stream.indirect.gather [hbm4b:s5+s24], $0x80, s10, s24, $0xb8;
	[tilespmem:$0x1E000] =	vst v63  }
0x125: {  	_ =	swait.ge [sflag:s28], $0x4000  }
0x126: {  	s11 =	sld [smem:$0x7E7]  }
0x127: {  	[sflag:s28] =	ssyncset.done $0x0  }
0x128: {  	[sflag:s28] =	ssyncadd.s32 $0xFFFFC000  }
0x129: {  	[spmem:s2] =	stream.indirect.scatter.add.f32 [tilespmem:s25], [sflag:$0x5], $0x80, s11, s24, $0xb8;
	[tilespmem:$0x1E000] =	vst v63  }
0x12a: {  	_ =	swait.ge [sflag:s19], $0x4000  }
0x12b: {  	s12 =	sld [smem:$0x7E8]  }
0x12c: {  	[sflag:s19] =	ssyncset.done $0x0  }
0x12d: {  	[sflag:s19] =	ssyncadd.s32 $0xFFFFC000  }
0x12e: {  	[tilespmem:s25], [sflag:$0x1] =	stream.indirect.gather [hbm4b:s5+s24], $0x80, s12, s24, $0xb8;
	[tilespmem:$0x1E000] =	vst v63  }
0x12f: {  	_ =	swait.ge [sflag:s29], $0x4000  }
0x130: {  	s13 =	sld [smem:$0x7EA]  }
0x131: {  	[sflag:s29] =	ssyncset.done $0x0  }
0x132: {  	[sflag:s29] =	ssyncadd.s32 $0xFFFFC000  }
0x133: {  	[spmem:s2] =	stream.indirect.scatter.add.f32 [tilespmem:s26], [sflag:$0x5], $0x80, s13, s24, $0xb8;
	[tilespmem:$0x1E000] =	vst v63  }
0x134: {  	_ =	swait.ge [sflag:s19], $0x4000  }
0x135: {  	s14 =	sld [smem:$0x7EC]  }
0x136: {  	[sflag:s19] =	ssyncset.done $0x0  }
0x137: {  	[sflag:s19] =	ssyncadd.s32 $0xFFFFC000  }
0x138: {  	[tilespmem:s26], [sflag:$0x2] =	stream.indirect.gather [hbm4b:s5+s24], $0x80, s14, s24, $0xb8;
	[tilespmem:$0x1E000] =	vst v63  }
0x139: {  	_ =	swait.ge [sflag:s28], $0x4000  }
0x13a: {  	s17 =	sld [smem:$0x7ED]  }
0x13b: {  	[sflag:s28] =	ssyncset.done $0x0  }
0x13c: {  	[sflag:s28] =	ssyncadd.s32 $0xFFFFC000  }
0x13d: {  	[spmem:s2] =	stream.indirect.scatter.add.f32 [tilespmem:s25], [sflag:$0x5], $0x80, s17, s24, $0xb8;
	[tilespmem:$0x1E000] =	vst v63  }
0x13e: {  	_ =	swait.ge [sflag:s19], $0x4000  }
0x13f: {  	s8 =	sld [smem:$0x7EF]  }
0x140: {  	[sflag:s19] =	ssyncset.done $0x0  }
0x141: {  	[sflag:s19] =	ssyncadd.s32 $0xFFFFC000  }
0x142: {  	[tilespmem:s25], [sflag:$0x1] =	stream.indirect.gather [hbm4b:s5+s24], $0x80, s8, s24, $0xb8;
	[tilespmem:$0x1E000] =	vst v63  }
0x143: {  	_ =	swait.ge [sflag:s29], $0x4000  }
0x144: {  	s10 =	sld [smem:$0x7F1]  }
0x145: {  	[sflag:s29] =	ssyncset.done $0x0  }
0x146: {  	[sflag:s29] =	ssyncadd.s32 $0xFFFFC000  }
0x147: {  	[spmem:s2] =	stream.indirect.scatter.add.f32 [tilespmem:s26], [sflag:$0x5], $0x80, s10, s24, $0xb8;
	[tilespmem:$0x1E000] =	vst v63  }
0x148: {  	_ =	swait.ge [sflag:s19], $0x4000  }
0x149: {  	s11 =	sld [smem:$0x7F3]  }
0x14a: {  	[sflag:s19] =	ssyncset.done $0x0  }
0x14b: {  	[sflag:s19] =	ssyncadd.s32 $0xFFFFC000  }
0x14c: {  	[tilespmem:s26], [sflag:$0x2] =	stream.indirect.gather [hbm4b:s5+s24], $0x80, s11, s24, $0xb8;
	[tilespmem:$0x1E000] =	vst v63  }
0x14d: {  	_ =	swait.ge [sflag:s28], $0x4000  }
0x14e: {  	s12 =	sld [smem:$0x7F4]  }
0x14f: {  	[sflag:s28] =	ssyncset.done $0x0  }
0x150: {  	[sflag:s28] =	ssyncadd.s32 $0xFFFFC000  }
0x151: {  	[spmem:s2] =	stream.indirect.scatter.add.f32 [tilespmem:s25], [sflag:$0x5], $0x80, s12, s24, $0xb8;
	[tilespmem:$0x1E000] =	vst v63  }
0x152: {  	_ =	swait.ge [sflag:s19], $0x4000  }
0x153: {  	s13 =	sld [smem:$0x7F5]  }
0x154: {  	[sflag:s19] =	ssyncset.done $0x0  }
0x155: {  	[sflag:s19] =	ssyncadd.s32 $0xFFFFC000  }
0x156: {  	[tilespmem:s25], [sflag:$0x1] =	stream.indirect.gather [hbm4b:s5+s24], $0x80, s13, s24, $0xb8;
	[tilespmem:$0x1E000] =	vst v63  }
0x157: {  	_ =	swait.ge [sflag:s29], $0x4000  }
0x158: {  	s14 =	sld [smem:$0x7F6]  }
0x159: {  	[sflag:s29] =	ssyncset.done $0x0  }
0x15a: {  	[sflag:s29] =	ssyncadd.s32 $0xFFFFC000  }
0x15b: {  	[spmem:s2] =	stream.indirect.scatter.add.f32 [tilespmem:s26], [sflag:$0x5], $0x80, s14, s24, $0xb8;
	[tilespmem:$0x1E000] =	vst v63  }
0x15c: {  	_ =	swait.ge [sflag:s19], $0x4000  }
0x15d: {  	s17 =	sld [smem:$0x7F7]  }
0x15e: {  	[sflag:s19] =	ssyncset.done $0x0  }
0x15f: {  	[sflag:s19] =	ssyncadd.s32 $0xFFFFC000  }
0x160: {  	[tilespmem:s26], [sflag:$0x2] =	stream.indirect.gather [hbm4b:s5+s24], $0x80, s17, s24, $0xb8;
	[tilespmem:$0x1E000] =	vst v63  }
0x161: {  	_ =	swait.ge [sflag:s28], $0x4000  }
0x162: {  	s8 =	sld [smem:$0x7F8]  }
0x163: {  	[sflag:s28] =	ssyncset.done $0x0  }
0x164: {  	[sflag:s28] =	ssyncadd.s32 $0xFFFFC000  }
0x165: {  	[spmem:s2] =	stream.indirect.scatter.add.f32 [tilespmem:s25], [sflag:$0x5], $0x80, s8, s24, $0xb8;
	[tilespmem:$0x1E000] =	vst v63  }
0x166: {  	_ =	swait.ge [sflag:s19], $0x4000  }
0x167: {  	s10 =	sld [smem:$0x7F9]  }
0x168: {  	[sflag:s19] =	ssyncset.done $0x0  }
0x169: {  	[sflag:s19] =	ssyncadd.s32 $0xFFFFC000  }
0x16a: {  	[tilespmem:s25], [sflag:$0x1] =	stream.indirect.gather [hbm4b:s5+s24], $0x80, s10, s24, $0xb8;
	[tilespmem:$0x1E000] =	vst v63  }
0x16b: {  	_ =	swait.ge [sflag:s29], $0x4000  }
0x16c: {  	s11 =	sld [smem:$0x7FA]  }
0x16d: {  	[sflag:s29] =	ssyncset.done $0x0  }
0x16e: {  	[sflag:s29] =	ssyncadd.s32 $0xFFFFC000  }
0x16f: {  	[spmem:s2] =	stream.indirect.scatter.add.f32 [tilespmem:s26], [sflag:$0x5], $0x80, s11, s24, $0xb8;
	[tilespmem:$0x1E000] =	vst v63  }
0x170: {  	_ =	swait.ge [sflag:s19], $0x4000  }
0x171: {  	s12 =	sld [smem:$0x7FB]  }
0x172: {  	[sflag:s19] =	ssyncset.done $0x0  }
0x173: {  	[sflag:s19] =	ssyncadd.s32 $0xFFFFC000  }
0x174: {  	[tilespmem:s26], [sflag:$0x2] =	stream.indirect.gather [hbm4b:s5+s24], $0x80, s12, s24, $0xb8;
	[tilespmem:$0x1E000] =	vst v63  }
0x175: {  	_ =	swait.ge [sflag:s28], $0x4000  }
0x176: {  	s13 =	sld [smem:$0x7FC]  }
0x177: {  	[sflag:s28] =	ssyncset.done $0x0  }
0x178: {  	[sflag:s28] =	ssyncadd.s32 $0xFFFFC000  }
0x179: {  	[spmem:s2] =	stream.indirect.scatter.add.f32 [tilespmem:s25], [sflag:$0x5], $0x80, s13, s24, $0xb8;
	[tilespmem:$0x1E000] =	vst v63  }
0x17a: {  	_ =	swait.ge [sflag:s19], $0x4000  }
0x17b: {  	[sflag:s19] =	ssyncset.done $0x0  }
0x17c: {  	[sflag:s19] =	ssyncadd.s32 $0xFFFFC000  }
0x17d: {  	_ =	swait.ge [sflag:s29], $0x4000  }
0x17e: {  	s14 =	sld [smem:$0x7FD]  }
0x17f: {  	[sflag:s29] =	ssyncset.done $0x0;
	s17 =	sld [smem:$0x7F2]  }
0x180: {  	[sflag:s29] =	ssyncadd.s32 $0xFFFFC000  }
0x181: {  	[spmem:s2] =	stream.indirect.scatter.add.f32 [tilespmem:s26], [sflag:$0x5], $0x80, s14, s24, $0xb8;
	[tilespmem:$0x1E000] =	vst v63  }
0x182: {  	p1 =	sle.u32 s7, $0x3;
	s0 =	sadd.s32 $0xFFFFFFFF, s17  }
0x183: {  	s8 =	sadd.s32 @!p1 $0x800, s4;
	p0 =	sne.s32 s0, $0x0  }
.Ltmp0:
0x184: {  	s8 =	sshrl.u32 @!p1 s8, $0x3;
	_ =	swait.ge [sflag:s19], $0x4000;
	(pc) =	sbr.rel @!p0 .LBB2_3-.Ltmp0, $4  }
0x185: {  	s10 =	simm.s32 @!p1 $0x0;
	s11 =	simm.s32 @!p1 $0x800;
	[sflag:s19] =	ssyncset.done $0x0  }
0x186: {  	s12 =	sadd.s32 @!p1 s6, s8;
	s17 =	smov.u32 s4;
	[sflag:s19] =	ssyncadd.s32 $0xFFFFC000  }
0x187: {  	[tilespmem:s11], [sflag:$0x4] =	stream.linear.gather @!p1 [hbm4b:s12+s10], $0x800, $0x38;
	[tilespmem:$0x1E000] =	vst v63  }
0x188: {  	s11 =	sadd.s32 @!p1 s1, s8;
	s12 =	simm.s32 @!p1 $0x1800;
	s8 =	simm.s32 $0x2  }
.LBB2_2:
0x189: {  	[tilespmem:s12], [sflag:$0x4] =	stream.linear.gather @!p1 [hbm4b:s11+s10], $0x800, $0x38;
	[tilespmem:$0x1E000] =	vst v63  }
0x18a: {  	_ =	swait.ge [sflag:s23], $0x800  }
0x18b: {  	[sflag:s23] =	ssyncset.done $0x0  }
0x18c: {  	[sflag:s23] =	ssyncadd.s32 $0xFFFFF800  }
0x18d: {  	_ =	swait.ge [sflag:s23], $0x800  }
0x18e: {  	[sflag:s23] =	ssyncset.done $0x0  }
0x18f: {  	[sflag:s23] =	ssyncadd.s32 $0xFFFFF800  }
0x190: {  	[tilespmem:s25], [sflag:$0x1] =	stream.indirect.gather [hbm4b:s5+s24], $0x80, s3, s24, $0xb8;
	[tilespmem:$0x1E000] =	vst v63  }
0x191: {  	_ = 	snop  }
0x192: {  	[tilespmem:s26], [sflag:$0x2] =	stream.indirect.gather [hbm4b:s5+s24], $0x80, s24, s24, $0xb8;
	[tilespmem:$0x1E000] =	vst v63  }
0x193: {  	_ =	swait.ge [sflag:s28], $0x4000  }
0x194: {  	[sflag:s28] =	ssyncset.done $0x0  }
0x195: {  	[sflag:s28] =	ssyncadd.s32 $0xFFFFC000  }
0x196: {  	[spmem:s2] =	stream.indirect.scatter.add.f32 [tilespmem:s25], [sflag:$0x5], $0x80, s20, s24, $0xb8;
	[tilespmem:$0x1E000] =	vst v63  }
0x197: {  	_ =	swait.ge [sflag:s19], $0x4000  }
0x198: {  	[sflag:s19] =	ssyncset.done $0x0  }
0x199: {  	s11 =	rddreg [dreg:$0x4];
	[sflag:s19] =	ssyncadd.s32 $0xFFFFC000  }
0x19a: {  	[tilespmem:s25], [sflag:$0x1] =	stream.indirect.gather [hbm4b:s5+s24], $0x80, s11, s24, $0xb8;
	[tilespmem:$0x1E000] =	vst v63  }
0x19b: {  	_ =	swait.ge [sflag:s29], $0x4000  }
0x19c: {  	[sflag:s29] =	ssyncset.done $0x0  }
0x19d: {  	s12 =	rddreg [dreg:$0x5];
	[sflag:s29] =	ssyncadd.s32 $0xFFFFC000  }
0x19e: {  	[spmem:s2] =	stream.indirect.scatter.add.f32 [tilespmem:s26], [sflag:$0x5], $0x80, s12, s24, $0xb8;
	[tilespmem:$0x1E000] =	vst v63  }
0x19f: {  	_ =	swait.ge [sflag:s19], $0x4000  }
0x1a0: {  	[sflag:s19] =	ssyncset.done $0x0  }
0x1a1: {  	s13 =	rddreg [dreg:$0x6];
	[sflag:s19] =	ssyncadd.s32 $0xFFFFC000  }
0x1a2: {  	[tilespmem:s26], [sflag:$0x2] =	stream.indirect.gather [hbm4b:s5+s24], $0x80, s13, s24, $0xb8;
	[tilespmem:$0x1E000] =	vst v63  }
0x1a3: {  	_ =	swait.ge [sflag:s28], $0x4000  }
0x1a4: {  	[sflag:s28] =	ssyncset.done $0x0  }
0x1a5: {  	s14 =	rddreg [dreg:$0x7];
	[sflag:s28] =	ssyncadd.s32 $0xFFFFC000  }
0x1a6: {  	[spmem:s2] =	stream.indirect.scatter.add.f32 [tilespmem:s25], [sflag:$0x5], $0x80, s14, s24, $0xb8;
	[tilespmem:$0x1E000] =	vst v63  }
0x1a7: {  	_ =	swait.ge [sflag:s19], $0x4000  }
0x1a8: {  	[sflag:s19] =	ssyncset.done $0x0  }
0x1a9: {  	s11 =	rddreg [dreg:$0x8];
	[sflag:s19] =	ssyncadd.s32 $0xFFFFC000  }
0x1aa: {  	[tilespmem:s25], [sflag:$0x1] =	stream.indirect.gather [hbm4b:s5+s24], $0x80, s11, s24, $0xb8;
	[tilespmem:$0x1E000] =	vst v63  }
0x1ab: {  	_ =	swait.ge [sflag:s29], $0x4000  }
0x1ac: {  	[sflag:s29] =	ssyncset.done $0x0  }
0x1ad: {  	s12 =	rddreg [dreg:$0x9];
	[sflag:s29] =	ssyncadd.s32 $0xFFFFC000  }
0x1ae: {  	[spmem:s2] =	stream.indirect.scatter.add.f32 [tilespmem:s26], [sflag:$0x5], $0x80, s12, s24, $0xb8;
	[tilespmem:$0x1E000] =	vst v63  }
0x1af: {  	_ =	swait.ge [sflag:s19], $0x4000  }
0x1b0: {  	[sflag:s19] =	ssyncset.done $0x0  }
0x1b1: {  	s13 =	rddreg [dreg:$0xa];
	[sflag:s19] =	ssyncadd.s32 $0xFFFFC000  }
0x1b2: {  	[tilespmem:s26], [sflag:$0x2] =	stream.indirect.gather [hbm4b:s5+s24], $0x80, s13, s24, $0xb8;
	[tilespmem:$0x1E000] =	vst v63  }
0x1b3: {  	_ =	swait.ge [sflag:s28], $0x4000  }
0x1b4: {  	[sflag:s28] =	ssyncset.done $0x0  }
0x1b5: {  	s14 =	rddreg [dreg:$0xb];
	[sflag:s28] =	ssyncadd.s32 $0xFFFFC000  }
0x1b6: {  	[spmem:s2] =	stream.indirect.scatter.add.f32 [tilespmem:s25], [sflag:$0x5], $0x80, s14, s24, $0xb8;
	[tilespmem:$0x1E000] =	vst v63  }
0x1b7: {  	_ =	swait.ge [sflag:s19], $0x4000  }
0x1b8: {  	[sflag:s19] =	ssyncset.done $0x0  }
0x1b9: {  	s11 =	rddreg [dreg:$0xc];
	[sflag:s19] =	ssyncadd.s32 $0xFFFFC000  }
0x1ba: {  	[tilespmem:s25], [sflag:$0x1] =	stream.indirect.gather [hbm4b:s5+s24], $0x80, s11, s24, $0xb8;
	[tilespmem:$0x1E000] =	vst v63  }
0x1bb: {  	_ =	swait.ge [sflag:s29], $0x4000  }
0x1bc: {  	[sflag:s29] =	ssyncset.done $0x0  }
0x1bd: {  	s12 =	rddreg [dreg:$0xd];
	[sflag:s29] =	ssyncadd.s32 $0xFFFFC000  }
0x1be: {  	[spmem:s2] =	stream.indirect.scatter.add.f32 [tilespmem:s26], [sflag:$0x5], $0x80, s12, s24, $0xb8;
	[tilespmem:$0x1E000] =	vst v63  }
0x1bf: {  	_ =	swait.ge [sflag:s19], $0x4000  }
0x1c0: {  	[sflag:s19] =	ssyncset.done $0x0  }
0x1c1: {  	s13 =	rddreg [dreg:$0xe];
	[sflag:s19] =	ssyncadd.s32 $0xFFFFC000  }
0x1c2: {  	[tilespmem:s26], [sflag:$0x2] =	stream.indirect.gather [hbm4b:s5+s24], $0x80, s13, s24, $0xb8;
	[tilespmem:$0x1E000] =	vst v63  }
0x1c3: {  	_ =	swait.ge [sflag:s28], $0x4000  }
0x1c4: {  	[sflag:s28] =	ssyncset.done $0x0  }
0x1c5: {  	s14 =	rddreg [dreg:$0xf];
	[sflag:s28] =	ssyncadd.s32 $0xFFFFC000  }
0x1c6: {  	[spmem:s2] =	stream.indirect.scatter.add.f32 [tilespmem:s25], [sflag:$0x5], $0x80, s14, s24, $0xb8;
	[tilespmem:$0x1E000] =	vst v63  }
0x1c7: {  	_ =	swait.ge [sflag:s19], $0x4000  }
0x1c8: {  	[sflag:s19] =	ssyncset.done $0x0  }
0x1c9: {  	s11 =	rddreg [dreg:$0x10];
	[sflag:s19] =	ssyncadd.s32 $0xFFFFC000  }
0x1ca: {  	[tilespmem:s25], [sflag:$0x1] =	stream.indirect.gather [hbm4b:s5+s24], $0x80, s11, s24, $0xb8;
	[tilespmem:$0x1E000] =	vst v63  }
0x1cb: {  	_ =	swait.ge [sflag:s29], $0x4000  }
0x1cc: {  	[sflag:s29] =	ssyncset.done $0x0  }
0x1cd: {  	s12 =	rddreg [dreg:$0x11];
	[sflag:s29] =	ssyncadd.s32 $0xFFFFC000  }
0x1ce: {  	[spmem:s2] =	stream.indirect.scatter.add.f32 [tilespmem:s26], [sflag:$0x5], $0x80, s12, s24, $0xb8;
	[tilespmem:$0x1E000] =	vst v63  }
0x1cf: {  	_ =	swait.ge [sflag:s19], $0x4000  }
0x1d0: {  	[sflag:s19] =	ssyncset.done $0x0  }
0x1d1: {  	s13 =	rddreg [dreg:$0x12];
	[sflag:s19] =	ssyncadd.s32 $0xFFFFC000  }
0x1d2: {  	[tilespmem:s26], [sflag:$0x2] =	stream.indirect.gather [hbm4b:s5+s24], $0x80, s13, s24, $0xb8;
	[tilespmem:$0x1E000] =	vst v63  }
0x1d3: {  	_ =	swait.ge [sflag:s28], $0x4000  }
0x1d4: {  	[sflag:s28] =	ssyncset.done $0x0  }
0x1d5: {  	s14 =	rddreg [dreg:$0x13];
	[sflag:s28] =	ssyncadd.s32 $0xFFFFC000  }
0x1d6: {  	[spmem:s2] =	stream.indirect.scatter.add.f32 [tilespmem:s25], [sflag:$0x5], $0x80, s14, s24, $0xb8;
	[tilespmem:$0x1E000] =	vst v63  }
0x1d7: {  	_ =	swait.ge [sflag:s19], $0x4000  }
0x1d8: {  	[sflag:s19] =	ssyncset.done $0x0  }
0x1d9: {  	s11 =	rddreg [dreg:$0x14];
	[sflag:s19] =	ssyncadd.s32 $0xFFFFC000  }
0x1da: {  	[tilespmem:s25], [sflag:$0x1] =	stream.indirect.gather [hbm4b:s5+s24], $0x80, s11, s24, $0xb8;
	[tilespmem:$0x1E000] =	vst v63  }
0x1db: {  	_ =	swait.ge [sflag:s29], $0x4000  }
0x1dc: {  	[sflag:s29] =	ssyncset.done $0x0  }
0x1dd: {  	s12 =	rddreg [dreg:$0x15];
	[sflag:s29] =	ssyncadd.s32 $0xFFFFC000  }
0x1de: {  	[spmem:s2] =	stream.indirect.scatter.add.f32 [tilespmem:s26], [sflag:$0x5], $0x80, s12, s24, $0xb8;
	[tilespmem:$0x1E000] =	vst v63  }
0x1df: {  	_ =	swait.ge [sflag:s19], $0x4000  }
0x1e0: {  	[sflag:s19] =	ssyncset.done $0x0  }
0x1e1: {  	s13 =	rddreg [dreg:$0x16];
	[sflag:s19] =	ssyncadd.s32 $0xFFFFC000  }
0x1e2: {  	[tilespmem:s26], [sflag:$0x2] =	stream.indirect.gather [hbm4b:s5+s24], $0x80, s13, s24, $0xb8;
	[tilespmem:$0x1E000] =	vst v63  }
0x1e3: {  	_ =	swait.ge [sflag:s28], $0x4000  }
0x1e4: {  	[sflag:s28] =	ssyncset.done $0x0  }
0x1e5: {  	s14 =	rddreg [dreg:$0x17];
	[sflag:s28] =	ssyncadd.s32 $0xFFFFC000  }
0x1e6: {  	[spmem:s2] =	stream.indirect.scatter.add.f32 [tilespmem:s25], [sflag:$0x5], $0x80, s14, s24, $0xb8;
	[tilespmem:$0x1E000] =	vst v63  }
0x1e7: {  	_ =	swait.ge [sflag:s19], $0x4000  }
0x1e8: {  	[sflag:s19] =	ssyncset.done $0x0  }
0x1e9: {  	s11 =	rddreg [dreg:$0x18];
	[sflag:s19] =	ssyncadd.s32 $0xFFFFC000  }
0x1ea: {  	[tilespmem:s25], [sflag:$0x1] =	stream.indirect.gather [hbm4b:s5+s24], $0x80, s11, s24, $0xb8;
	[tilespmem:$0x1E000] =	vst v63  }
0x1eb: {  	_ =	swait.ge [sflag:s29], $0x4000  }
0x1ec: {  	[sflag:s29] =	ssyncset.done $0x0  }
0x1ed: {  	s12 =	rddreg [dreg:$0x19];
	[sflag:s29] =	ssyncadd.s32 $0xFFFFC000  }
0x1ee: {  	[spmem:s2] =	stream.indirect.scatter.add.f32 [tilespmem:s26], [sflag:$0x5], $0x80, s12, s24, $0xb8;
	[tilespmem:$0x1E000] =	vst v63  }
0x1ef: {  	_ =	swait.ge [sflag:s19], $0x4000  }
0x1f0: {  	[sflag:s19] =	ssyncset.done $0x0  }
0x1f1: {  	s13 =	rddreg [dreg:$0x1a];
	[sflag:s19] =	ssyncadd.s32 $0xFFFFC000  }
0x1f2: {  	[tilespmem:s26], [sflag:$0x2] =	stream.indirect.gather [hbm4b:s5+s24], $0x80, s13, s24, $0xb8;
	[tilespmem:$0x1E000] =	vst v63  }
0x1f3: {  	_ =	swait.ge [sflag:s28], $0x4000  }
0x1f4: {  	[sflag:s28] =	ssyncset.done $0x0  }
0x1f5: {  	s14 =	rddreg [dreg:$0x1b];
	[sflag:s28] =	ssyncadd.s32 $0xFFFFC000  }
0x1f6: {  	[spmem:s2] =	stream.indirect.scatter.add.f32 [tilespmem:s25], [sflag:$0x5], $0x80, s14, s24, $0xb8;
	[tilespmem:$0x1E000] =	vst v63  }
0x1f7: {  	_ =	swait.ge [sflag:s19], $0x4000  }
0x1f8: {  	[sflag:s19] =	ssyncset.done $0x0  }
0x1f9: {  	s11 =	rddreg [dreg:$0x1c];
	[sflag:s19] =	ssyncadd.s32 $0xFFFFC000  }
0x1fa: {  	[tilespmem:s25], [sflag:$0x1] =	stream.indirect.gather [hbm4b:s5+s24], $0x80, s11, s24, $0xb8;
	[tilespmem:$0x1E000] =	vst v63  }
0x1fb: {  	_ =	swait.ge [sflag:s29], $0x4000  }
0x1fc: {  	[sflag:s29] =	ssyncset.done $0x0  }
0x1fd: {  	s12 =	rddreg [dreg:$0x1d];
	[sflag:s29] =	ssyncadd.s32 $0xFFFFC000  }
0x1fe: {  	[spmem:s2] =	stream.indirect.scatter.add.f32 [tilespmem:s26], [sflag:$0x5], $0x80, s12, s24, $0xb8;
	[tilespmem:$0x1E000] =	vst v63  }
0x1ff: {  	_ =	swait.ge [sflag:s19], $0x4000  }
0x200: {  	[sflag:s19] =	ssyncset.done $0x0  }
0x201: {  	s13 =	rddreg [dreg:$0x1e];
	[sflag:s19] =	ssyncadd.s32 $0xFFFFC000  }
0x202: {  	[tilespmem:s26], [sflag:$0x2] =	stream.indirect.gather [hbm4b:s5+s24], $0x80, s13, s24, $0xb8;
	[tilespmem:$0x1E000] =	vst v63  }
0x203: {  	_ =	swait.ge [sflag:s28], $0x4000  }
0x204: {  	[sflag:s28] =	ssyncset.done $0x0  }
0x205: {  	s14 =	rddreg [dreg:$0x1f];
	[sflag:s28] =	ssyncadd.s32 $0xFFFFC000  }
0x206: {  	[spmem:s2] =	stream.indirect.scatter.add.f32 [tilespmem:s25], [sflag:$0x5], $0x80, s14, s24, $0xb8;
	[tilespmem:$0x1E000] =	vst v63  }
0x207: {  	_ =	swait.ge [sflag:s19], $0x4000  }
0x208: {  	[sflag:s19] =	ssyncset.done $0x0  }
0x209: {  	[sflag:s19] =	ssyncadd.s32 $0xFFFFC000  }
0x20a: {  	_ =	swait.ge [sflag:s29], $0x4000  }
0x20b: {  	s11 =	sld [smem:$0x7D9]  }
0x20c: {  	[sflag:s29] =	ssyncset.done $0x0  }
0x20d: {  	s8 =	sadd.s32 $0x2, s8;
	[sflag:s29] =	ssyncadd.s32 $0xFFFFC000  }
0x20e: {  	[spmem:s2] =	stream.indirect.scatter.add.f32 [tilespmem:s26], [sflag:$0x5], $0x80, s11, s24, $0xb8;
	[tilespmem:$0x1E000] =	vst v63  }
0x20f: {  	s17 =	sadd.s32 $0x1000, s17;
	p1 =	sge.u32 s8, s7;
	_ =	swait.ge [sflag:s19], $0x4000  }
0x210: {  	s10 =	sshrl.u32 @!p1 s17, $0x3;
	[sflag:s19] =	ssyncset.done $0x0  }
0x211: {  	s12 =	simm.s32 @!p1 $0x0;
	s11 =	sadd.s32 @!p1 s6, s10;
	[sflag:s19] =	ssyncadd.s32 $0xFFFFC000  }
0x212: {  	[tilespmem:s12], [sflag:$0x3] =	stream.linear.gather @!p1 [hbm4b:s11+s12], $0x800, $0x38;
	[tilespmem:$0x1E000] =	vst v63  }
0x213: {  	s10 =	sadd.s32 @!p1 s1, s10;
	s11 =	simm.s32 @!p1 $0x1000  }
0x214: {  	[tilespmem:s11], [sflag:$0x3] =	stream.linear.gather @!p1 [hbm4b:s10+s12], $0x800, $0x38;
	[tilespmem:$0x1E000] =	vst v63  }
0x215: {  	_ =	swait.ge [sflag:s30], $0x800  }
0x216: {  	[sflag:s30] =	ssyncset.done $0x0  }
0x217: {  	[sflag:s30] =	ssyncadd.s32 $0xFFFFF800  }
0x218: {  	_ =	swait.ge [sflag:s30], $0x800  }
0x219: {  	[sflag:s30] =	ssyncset.done $0x0  }
0x21a: {  	s12 =	sld [smem:$0x7DA];
	[sflag:s30] =	ssyncadd.s32 $0xFFFFF800  }
0x21b: {  	[tilespmem:s25], [sflag:$0x1] =	stream.indirect.gather [hbm4b:s5+s24], $0x80, s21, s24, $0xb8;
	[tilespmem:$0x1E000] =	vst v63  }
0x21c: {  	_ = 	snop  }
0x21d: {  	[tilespmem:s26], [sflag:$0x2] =	stream.indirect.gather [hbm4b:s5+s24], $0x80, s12, s24, $0xb8;
	[tilespmem:$0x1E000] =	vst v63  }
0x21e: {  	_ =	swait.ge [sflag:s28], $0x4000  }
0x21f: {  	[sflag:s28] =	ssyncset.done $0x0  }
0x220: {  	[sflag:s28] =	ssyncadd.s32 $0xFFFFC000  }
0x221: {  	[spmem:s2] =	stream.indirect.scatter.add.f32 [tilespmem:s25], [sflag:$0x5], $0x80, s22, s24, $0xb8;
	[tilespmem:$0x1E000] =	vst v63  }
0x222: {  	_ =	swait.ge [sflag:s19], $0x4000  }
0x223: {  	s13 =	sld [smem:$0x7DB]  }
0x224: {  	[sflag:s19] =	ssyncset.done $0x0  }
0x225: {  	[sflag:s19] =	ssyncadd.s32 $0xFFFFC000  }
0x226: {  	[tilespmem:s25], [sflag:$0x1] =	stream.indirect.gather [hbm4b:s5+s24], $0x80, s13, s24, $0xb8;
	[tilespmem:$0x1E000] =	vst v63  }
0x227: {  	_ =	swait.ge [sflag:s29], $0x4000  }
0x228: {  	s14 =	sld [smem:$0x7DC]  }
0x229: {  	[sflag:s29] =	ssyncset.done $0x0  }
0x22a: {  	[sflag:s29] =	ssyncadd.s32 $0xFFFFC000  }
0x22b: {  	[spmem:s2] =	stream.indirect.scatter.add.f32 [tilespmem:s26], [sflag:$0x5], $0x80, s14, s24, $0xb8;
	[tilespmem:$0x1E000] =	vst v63  }
0x22c: {  	_ =	swait.ge [sflag:s19], $0x4000  }
0x22d: {  	s11 =	sld [smem:$0x7DD]  }
0x22e: {  	[sflag:s19] =	ssyncset.done $0x0  }
0x22f: {  	[sflag:s19] =	ssyncadd.s32 $0xFFFFC000  }
0x230: {  	[tilespmem:s26], [sflag:$0x2] =	stream.indirect.gather [hbm4b:s5+s24], $0x80, s11, s24, $0xb8;
	[tilespmem:$0x1E000] =	vst v63  }
0x231: {  	_ =	swait.ge [sflag:s28], $0x4000  }
0x232: {  	s12 =	sld [smem:$0x7DE]  }
0x233: {  	[sflag:s28] =	ssyncset.done $0x0  }
0x234: {  	[sflag:s28] =	ssyncadd.s32 $0xFFFFC000  }
0x235: {  	[spmem:s2] =	stream.indirect.scatter.add.f32 [tilespmem:s25], [sflag:$0x5], $0x80, s12, s24, $0xb8;
	[tilespmem:$0x1E000] =	vst v63  }
0x236: {  	_ =	swait.ge [sflag:s19], $0x4000  }
0x237: {  	s13 =	sld [smem:$0x7DF]  }
0x238: {  	[sflag:s19] =	ssyncset.done $0x0  }
0x239: {  	[sflag:s19] =	ssyncadd.s32 $0xFFFFC000  }
0x23a: {  	[tilespmem:s25], [sflag:$0x1] =	stream.indirect.gather [hbm4b:s5+s24], $0x80, s13, s24, $0xb8;
	[tilespmem:$0x1E000] =	vst v63  }
0x23b: {  	_ =	swait.ge [sflag:s29], $0x4000  }
0x23c: {  	s14 =	sld [smem:$0x7E0]  }
0x23d: {  	[sflag:s29] =	ssyncset.done $0x0  }
0x23e: {  	[sflag:s29] =	ssyncadd.s32 $0xFFFFC000  }
0x23f: {  	[spmem:s2] =	stream.indirect.scatter.add.f32 [tilespmem:s26], [sflag:$0x5], $0x80, s14, s24, $0xb8;
	[tilespmem:$0x1E000] =	vst v63  }
0x240: {  	_ =	swait.ge [sflag:s19], $0x4000  }
0x241: {  	s11 =	sld [smem:$0x7E1]  }
0x242: {  	[sflag:s19] =	ssyncset.done $0x0  }
0x243: {  	[sflag:s19] =	ssyncadd.s32 $0xFFFFC000  }
0x244: {  	[tilespmem:s26], [sflag:$0x2] =	stream.indirect.gather [hbm4b:s5+s24], $0x80, s11, s24, $0xb8;
	[tilespmem:$0x1E000] =	vst v63  }
0x245: {  	_ =	swait.ge [sflag:s28], $0x4000  }
0x246: {  	s12 =	sld [smem:$0x7E2]  }
0x247: {  	[sflag:s28] =	ssyncset.done $0x0  }
0x248: {  	[sflag:s28] =	ssyncadd.s32 $0xFFFFC000  }
0x249: {  	[spmem:s2] =	stream.indirect.scatter.add.f32 [tilespmem:s25], [sflag:$0x5], $0x80, s12, s24, $0xb8;
	[tilespmem:$0x1E000] =	vst v63  }
0x24a: {  	_ =	swait.ge [sflag:s19], $0x4000  }
0x24b: {  	s13 =	sld [smem:$0x7E3]  }
0x24c: {  	[sflag:s19] =	ssyncset.done $0x0  }
0x24d: {  	[sflag:s19] =	ssyncadd.s32 $0xFFFFC000  }
0x24e: {  	[tilespmem:s25], [sflag:$0x1] =	stream.indirect.gather [hbm4b:s5+s24], $0x80, s13, s24, $0xb8;
	[tilespmem:$0x1E000] =	vst v63  }
0x24f: {  	_ =	swait.ge [sflag:s29], $0x4000  }
0x250: {  	s14 =	sld [smem:$0x7E5]  }
0x251: {  	[sflag:s29] =	ssyncset.done $0x0  }
0x252: {  	[sflag:s29] =	ssyncadd.s32 $0xFFFFC000  }
0x253: {  	[spmem:s2] =	stream.indirect.scatter.add.f32 [tilespmem:s26], [sflag:$0x5], $0x80, s14, s24, $0xb8;
	[tilespmem:$0x1E000] =	vst v63  }
0x254: {  	_ =	swait.ge [sflag:s19], $0x4000  }
0x255: {  	s11 =	sld [smem:$0x7E6]  }
0x256: {  	[sflag:s19] =	ssyncset.done $0x0  }
0x257: {  	[sflag:s19] =	ssyncadd.s32 $0xFFFFC000  }
0x258: {  	[tilespmem:s26], [sflag:$0x2] =	stream.indirect.gather [hbm4b:s5+s24], $0x80, s11, s24, $0xb8;
	[tilespmem:$0x1E000] =	vst v63  }
0x259: {  	_ =	swait.ge [sflag:s28], $0x4000  }
0x25a: {  	s12 =	sld [smem:$0x7E7]  }
0x25b: {  	[sflag:s28] =	ssyncset.done $0x0  }
0x25c: {  	[sflag:s28] =	ssyncadd.s32 $0xFFFFC000  }
0x25d: {  	[spmem:s2] =	stream.indirect.scatter.add.f32 [tilespmem:s25], [sflag:$0x5], $0x80, s12, s24, $0xb8;
	[tilespmem:$0x1E000] =	vst v63  }
0x25e: {  	_ =	swait.ge [sflag:s19], $0x4000  }
0x25f: {  	s13 =	sld [smem:$0x7E8]  }
0x260: {  	[sflag:s19] =	ssyncset.done $0x0  }
0x261: {  	[sflag:s19] =	ssyncadd.s32 $0xFFFFC000  }
0x262: {  	[tilespmem:s25], [sflag:$0x1] =	stream.indirect.gather [hbm4b:s5+s24], $0x80, s13, s24, $0xb8;
	[tilespmem:$0x1E000] =	vst v63  }
0x263: {  	_ =	swait.ge [sflag:s29], $0x4000  }
0x264: {  	s14 =	sld [smem:$0x7EA]  }
0x265: {  	[sflag:s29] =	ssyncset.done $0x0  }
0x266: {  	[sflag:s29] =	ssyncadd.s32 $0xFFFFC000  }
0x267: {  	[spmem:s2] =	stream.indirect.scatter.add.f32 [tilespmem:s26], [sflag:$0x5], $0x80, s14, s24, $0xb8;
	[tilespmem:$0x1E000] =	vst v63  }
0x268: {  	_ =	swait.ge [sflag:s19], $0x4000  }
0x269: {  	s11 =	sld [smem:$0x7EC]  }
0x26a: {  	[sflag:s19] =	ssyncset.done $0x0  }
0x26b: {  	[sflag:s19] =	ssyncadd.s32 $0xFFFFC000  }
0x26c: {  	[tilespmem:s26], [sflag:$0x2] =	stream.indirect.gather [hbm4b:s5+s24], $0x80, s11, s24, $0xb8;
	[tilespmem:$0x1E000] =	vst v63  }
0x26d: {  	_ =	swait.ge [sflag:s28], $0x4000  }
0x26e: {  	s12 =	sld [smem:$0x7ED]  }
0x26f: {  	[sflag:s28] =	ssyncset.done $0x0  }
0x270: {  	[sflag:s28] =	ssyncadd.s32 $0xFFFFC000  }
0x271: {  	[spmem:s2] =	stream.indirect.scatter.add.f32 [tilespmem:s25], [sflag:$0x5], $0x80, s12, s24, $0xb8;
	[tilespmem:$0x1E000] =	vst v63  }
0x272: {  	_ =	swait.ge [sflag:s19], $0x4000  }
0x273: {  	s13 =	sld [smem:$0x7EF]  }
0x274: {  	[sflag:s19] =	ssyncset.done $0x0  }
0x275: {  	[sflag:s19] =	ssyncadd.s32 $0xFFFFC000  }
0x276: {  	[tilespmem:s25], [sflag:$0x1] =	stream.indirect.gather [hbm4b:s5+s24], $0x80, s13, s24, $0xb8;
	[tilespmem:$0x1E000] =	vst v63  }
0x277: {  	_ =	swait.ge [sflag:s29], $0x4000  }
0x278: {  	s14 =	sld [smem:$0x7F1]  }
0x279: {  	[sflag:s29] =	ssyncset.done $0x0  }
0x27a: {  	[sflag:s29] =	ssyncadd.s32 $0xFFFFC000  }
0x27b: {  	[spmem:s2] =	stream.indirect.scatter.add.f32 [tilespmem:s26], [sflag:$0x5], $0x80, s14, s24, $0xb8;
	[tilespmem:$0x1E000] =	vst v63  }
0x27c: {  	_ =	swait.ge [sflag:s19], $0x4000  }
0x27d: {  	s11 =	sld [smem:$0x7F3]  }
0x27e: {  	[sflag:s19] =	ssyncset.done $0x0  }
0x27f: {  	[sflag:s19] =	ssyncadd.s32 $0xFFFFC000  }
0x280: {  	[tilespmem:s26], [sflag:$0x2] =	stream.indirect.gather [hbm4b:s5+s24], $0x80, s11, s24, $0xb8;
	[tilespmem:$0x1E000] =	vst v63  }
0x281: {  	_ =	swait.ge [sflag:s28], $0x4000  }
0x282: {  	s12 =	sld [smem:$0x7F4]  }
0x283: {  	[sflag:s28] =	ssyncset.done $0x0  }
0x284: {  	[sflag:s28] =	ssyncadd.s32 $0xFFFFC000  }
0x285: {  	[spmem:s2] =	stream.indirect.scatter.add.f32 [tilespmem:s25], [sflag:$0x5], $0x80, s12, s24, $0xb8;
	[tilespmem:$0x1E000] =	vst v63  }
0x286: {  	_ =	swait.ge [sflag:s19], $0x4000  }
0x287: {  	s13 =	sld [smem:$0x7F5]  }
0x288: {  	[sflag:s19] =	ssyncset.done $0x0  }
0x289: {  	[sflag:s19] =	ssyncadd.s32 $0xFFFFC000  }
0x28a: {  	[tilespmem:s25], [sflag:$0x1] =	stream.indirect.gather [hbm4b:s5+s24], $0x80, s13, s24, $0xb8;
	[tilespmem:$0x1E000] =	vst v63  }
0x28b: {  	_ =	swait.ge [sflag:s29], $0x4000  }
0x28c: {  	s14 =	sld [smem:$0x7F6]  }
0x28d: {  	[sflag:s29] =	ssyncset.done $0x0  }
0x28e: {  	[sflag:s29] =	ssyncadd.s32 $0xFFFFC000  }
0x28f: {  	[spmem:s2] =	stream.indirect.scatter.add.f32 [tilespmem:s26], [sflag:$0x5], $0x80, s14, s24, $0xb8;
	[tilespmem:$0x1E000] =	vst v63  }
0x290: {  	_ =	swait.ge [sflag:s19], $0x4000  }
0x291: {  	s11 =	sld [smem:$0x7F7]  }
0x292: {  	[sflag:s19] =	ssyncset.done $0x0  }
0x293: {  	[sflag:s19] =	ssyncadd.s32 $0xFFFFC000  }
0x294: {  	[tilespmem:s26], [sflag:$0x2] =	stream.indirect.gather [hbm4b:s5+s24], $0x80, s11, s24, $0xb8;
	[tilespmem:$0x1E000] =	vst v63  }
0x295: {  	_ =	swait.ge [sflag:s28], $0x4000  }
0x296: {  	s12 =	sld [smem:$0x7F8]  }
0x297: {  	[sflag:s28] =	ssyncset.done $0x0  }
0x298: {  	[sflag:s28] =	ssyncadd.s32 $0xFFFFC000  }
0x299: {  	[spmem:s2] =	stream.indirect.scatter.add.f32 [tilespmem:s25], [sflag:$0x5], $0x80, s12, s24, $0xb8;
	[tilespmem:$0x1E000] =	vst v63  }
0x29a: {  	_ =	swait.ge [sflag:s19], $0x4000  }
0x29b: {  	s13 =	sld [smem:$0x7F9]  }
0x29c: {  	[sflag:s19] =	ssyncset.done $0x0  }
0x29d: {  	[sflag:s19] =	ssyncadd.s32 $0xFFFFC000  }
0x29e: {  	[tilespmem:s25], [sflag:$0x1] =	stream.indirect.gather [hbm4b:s5+s24], $0x80, s13, s24, $0xb8;
	[tilespmem:$0x1E000] =	vst v63  }
0x29f: {  	_ =	swait.ge [sflag:s29], $0x4000  }
0x2a0: {  	s14 =	sld [smem:$0x7FA]  }
0x2a1: {  	[sflag:s29] =	ssyncset.done $0x0  }
0x2a2: {  	[sflag:s29] =	ssyncadd.s32 $0xFFFFC000  }
0x2a3: {  	[spmem:s2] =	stream.indirect.scatter.add.f32 [tilespmem:s26], [sflag:$0x5], $0x80, s14, s24, $0xb8;
	[tilespmem:$0x1E000] =	vst v63  }
0x2a4: {  	_ =	swait.ge [sflag:s19], $0x4000  }
0x2a5: {  	s11 =	sld [smem:$0x7FB]  }
0x2a6: {  	[sflag:s19] =	ssyncset.done $0x0  }
0x2a7: {  	[sflag:s19] =	ssyncadd.s32 $0xFFFFC000  }
0x2a8: {  	[tilespmem:s26], [sflag:$0x2] =	stream.indirect.gather [hbm4b:s5+s24], $0x80, s11, s24, $0xb8;
	[tilespmem:$0x1E000] =	vst v63  }
0x2a9: {  	_ =	swait.ge [sflag:s28], $0x4000  }
0x2aa: {  	s12 =	sld [smem:$0x7FC]  }
0x2ab: {  	[sflag:s28] =	ssyncset.done $0x0  }
0x2ac: {  	[sflag:s28] =	ssyncadd.s32 $0xFFFFC000  }
0x2ad: {  	[spmem:s2] =	stream.indirect.scatter.add.f32 [tilespmem:s25], [sflag:$0x5], $0x80, s12, s24, $0xb8;
	[tilespmem:$0x1E000] =	vst v63  }
0x2ae: {  	_ =	swait.ge [sflag:s19], $0x4000  }
0x2af: {  	[sflag:s19] =	ssyncset.done $0x0  }
0x2b0: {  	[sflag:s19] =	ssyncadd.s32 $0xFFFFC000  }
0x2b1: {  	_ =	swait.ge [sflag:s29], $0x4000  }
0x2b2: {  	s13 =	sld [smem:$0x7FD]  }
0x2b3: {  	s0 =	sadd.s32 $0xFFFFFFFF, s0;
	s14 =	sadd.s32 $0x1, s8;
	[sflag:s29] =	ssyncset.done $0x0  }
0x2b4: {  	p0 =	sne.s32 s0, $0x0;
	p1 =	sge.u32 s14, s7;
	[sflag:s29] =	ssyncadd.s32 $0xFFFFC000  }
0x2b5: {  	[spmem:s2] =	stream.indirect.scatter.add.f32 [tilespmem:s26], [sflag:$0x5], $0x80, s13, s24, $0xb8;
	[tilespmem:$0x1E000] =	vst v63  }
.Ltmp1:
0x2b6: {  	s10 =	sadd.s32 @!p1 $0x800, s17;
	(pc) =	sbr.rel @p0 .LBB2_2-.Ltmp1, $4  }
0x2b7: {  	s11 =	sshrl.u32 @!p1 s10, $0x3;
	s10 =	simm.s32 @!p1 $0x0;
	_ =	swait.ge [sflag:s19], $0x4000  }
0x2b8: {  	s14 =	sadd.s32 @!p1 s6, s11;
	s11 =	sadd.s32 @!p1 s1, s11;
	[sflag:s19] =	ssyncset.done $0x0  }
0x2b9: {  	s12 =	simm.s32 @!p1 $0x1800;
	s13 =	simm.s32 @!p1 $0x800;
	[sflag:s19] =	ssyncadd.s32 $0xFFFFC000  }
0x2ba: {  	[tilespmem:s13], [sflag:$0x4] =	stream.linear.gather @!p1 [hbm4b:s14+s10], $0x800, $0x38;
	[tilespmem:$0x1E000] =	vst v63  }
.LBB2_3:
0x2bb: {  	[tilespmem:s12], [sflag:$0x4] =	stream.linear.gather @!p1 [hbm4b:s11+s10], $0x800, $0x38;
	[tilespmem:$0x1E000] =	vst v63  }
0x2bc: {  	s31 =	sadd.s32 $0x1, s31  }
0x2bd: {  	p0 =	sne.s32 s31, s16  }
.Ltmp2:
0x2be: {  	[bflag:$0x0] =	sbarrier.arrive $0xFFFF;
	(pc) =	sbr.rel @p0 .LBB2_1-.Ltmp2, $4  }
0x2bf: {  	[hbm:s15], [sflag:s9] =	dma.local [spmem:s18], $0x2800  }
0x2c0: {  	_ =	swait.ge [sflag:s19], $0x2800  }
0x2c1: {  	[sflag:s19] =	ssyncset.done $0x0  }
0x2c2: {  	[sflag:s19] =	ssyncadd.s32 $0xFFFFD800  }
0x2c3: {  	_ =	sfence.sel $0x180000  }
0x2c4: {  	[bflag:$0x0] =	sbarrier.arrive $0xFFFF  }
0x2c5: {  	_ =	strace $0x9000004A  }
0x2c6: {  	s0 =	stileid.u32;
	[bflag:$0x2] =	sbarrier.arrive $0xFFFF  }
0x2c7: {  	p0 =	sne.s32 s0, $0x0;
	s0 =	rddreg [dreg:$0x3]  }
0x2c8: {  	s0 =	sadd.s32 @!p0 $0x100000, s0  }
0x2c9: {  	[sflag:s0] =	ssyncadd.tile.s32 @!p0 $0x1;
	_ =	shalt  }
.Lfunc_end2:
_tile_overlayer_lowered:
.L_overlay_start_2:
0x2ca: {  	(tag) =	ssettag $0x2  }
0x2cb: {  	s0 =	rddreg [dreg:$0x0];
	s2 =	stileid.u32  }
0x2cc: {  	s1 =	rddreg [dreg:$0x1];
	p0 =	sne.s32 s2, $0x0  }
0x2cd: {  	s3 =	rddreg [dreg:$0x2];
	[bflag:$0x3] =	sbarrier.arrive $0xFFFF;
	s2 =	simm.s32 @!p0 $0x1C05  }
0x2ce: {  	[timem:s3], [sflag:s2] =	dma.local @!p0 [hbm:s0], s1  }
0x2cf: {  	s0 =	simm.s32 @!p0 $0x5  }
0x2d0: {  	_ =	swait.ge @!p0 [sflag:s0], s1  }
0x2d1: {  	s1 =	ssub.s32 @!p0 $0x0, s1;
	[sflag:s0] =	ssyncset.done @!p0 $0x0  }
0x2d2: {  	[sflag:s0] =	ssyncadd.s32 @!p0 s1  }
0x2d3: {  	[bflag:$0x3] =	sbarrier.arrive $0xFFFF  }
0x2d4: {  	_ =	shalt  }

// kernel: kernel.15.cloned.1.call-start
scs
__scs_entry_jumppad:
0x0: {  	(pc) =	sbr.rel $0x88, $3  }
0x1: {  	(tag) =	ssettag $0x0;
	lr =	simm.s32 $0x1  }
0x2: {  	[smem:$0x3F98] =	sst lr;
	_ =	strace $0xD0000000  }
0x3: {  	_ = 	snop  }
0x4: {  	_ = 	snop  }
0x5: {  	_ = 	snop  }
0x6: {  	_ = 	snop  }
0x7: {  	_ = 	snop  }
__scs_overlays_trampoline_lowered:
0x8: {  	[smem:$0x3FA7] =	sst s0  }
0x9: {  	[smem:$0x3FA8] =	sst s1  }
0xa: {  	[smem:$0x3FA9] =	sst s2  }
0xb: {  	[smem:$0x3FAA] =	sst s3  }
0xc: {  	[smem:$0x3FAB] =	sst s4  }
0xd: {  	[smem:$0x3FAC] =	sst s5  }
0xe: {  	[smem:$0x3FAD] =	sst s6  }
0xf: {  	[smem:$0x3FAE] =	sst s7  }
0x10: {  	[smem:$0x3FAF] =	sst s8  }
0x11: {  	[smem:$0x3FB0] =	sst s9;
	s0 =	simm.s32 @!p0 $0x0  }
0x12: {  	s1 =	sld [smem:$0x3F96];
	s0 =	simm.s32 @p0 $0x1  }
0x13: {  	[smem:$0x3FB1] =	sst s0;
	s0 =	simm.s32 @!p1 $0x0  }
0x14: {  	s2 =	sld [smem:$0x3F95];
	s0 =	simm.s32 @p1 $0x1  }
0x15: {  	[smem:$0x3FB2] =	sst s0;
	s0 =	simm.s32 @!p2 $0x0  }
0x16: {  	s3 =	sld [smem:$0x3FDB];
	s0 =	simm.s32 @p2 $0x1  }
0x17: {  	s4 =	simm.s32 $0x1BF5;
	[smem:$0x3FB4] =	sst s0  }
0x18: {  	s0 =	sld [smem:$0x3F97];
	_ =	swait.ge [sflag:s4], $0x0  }
0x19: {  	s7 =	sld [smem:$0x3F98]  }
0x1a: {  	s8 =	sadd.s32 $0xFFFFE003, lr  }
0x1b: {  	s9 =	sadd.s32 $0xFFFFFEF7, lr;
	s5 =	simm.s32 $0xFFFFFFFF;
	p2 =	slt.u32 s8, $0xFFFFF086  }
0x1c: {  	p1 =	slt.u32 s9, $0xF7A;
	s5 =	simm.s32 @!p2 $0x0  }
0x1d: {  	s5 =	simm.s32 @p1 $0x1;
	p0 =	seq.s32 s7, s2  }
0x1e: {  	s7 =	smul.u32 @!p0 $0xF7A, s2;
	p2 =	seq.s32 @!p0 s5, $0x0  }
0x1f: {  	s9 =	smul.u32 $0xF7A, s1;
	s8 =	simm.s32 @!p0 $0x1BF5;
	p2 =	por !p2, p0  }
0x20: {  	[sflag:s8] =	ssyncset.s32 @!p0 $0xFFFFF086;
	s6 =	sadd.s32 @!p0 s3, s7;
	s7 =	simm.s32 @!p0 $0x108  }
0x21: {  	s3 =	sadd.s32 s3, s9;
	s6 =	sadd.s32 @!p0 $0x88, s6;
	s7 =	simm.s32 @p2 $0x1082  }
0x22: {  	[simem:s7], [sflag:s8] =	dma.local @!p0 [hbm:s6], $0xF7A  }
0x23: {  	s9 =	sor.u32 $0xD0000000, s2;
	s6 =	simm.s32 $0x108;
	_ =	swait.ge @!p0 [sflag:s8], $0x0  }
0x24: {  	s3 =	sadd.s32 $0x88, s3;
	s6 =	simm.s32 @!p1 $0x1082;
	[sflag:s4] =	ssyncset.s32 $0xFFFFF086  }
0x25: {  	[simem:s6], [sflag:s4] =	dma.local [hbm:s3], $0xF7A  }
0x26: {  	[smem:$0x3F98] =	sst s1;
	(tag) =	ssettag s2;
	_ =	strace s9  }
0x27: {  	s1 =	sld [smem:$0x3FA8]  }
0x28: {  	s2 =	sld [smem:$0x3FA9]  }
0x29: {  	s4 =	sld [smem:$0x3FAB]  }
0x2a: {  	p0 =	seq.s32 s5, $0x0;
	s5 =	sld [smem:$0x3FAC]  }
0x2b: {  	s6 =	sld [smem:$0x3FAD]  }
0x2c: {  	s7 =	sld [smem:$0x3FAE]  }
0x2d: {  	s3 =	simm.s32 $0x108;
	s8 =	sld [smem:$0x3FAF]  }
0x2e: {  	s3 =	simm.s32 @!p0 $0x1082;
	s9 =	sld [smem:$0x3FB0]  }
0x2f: {  	lr =	sadd.s32 s0, s3;
	s0 =	sld [smem:$0x3FA7]  }
0x30: {  	s3 =	sld [smem:$0x3FAA]  }
0x31: {  	[smem:$0x3FB3] =	sst s10  }
0x32: {  	s10 =	sld [smem:$0x3FB1];
	_ =	sdelay $0x3  }
0x33: {  	p0 =	seq.s32 s10, $0x1;
	s10 =	sld [smem:$0x3FB3];
	_ =	sdelay $0x3  }
0x34: {  	[smem:$0x3FB3] =	sst s10  }
0x35: {  	s10 =	sld [smem:$0x3FB2];
	_ =	sdelay $0x3  }
0x36: {  	p1 =	seq.s32 s10, $0x1;
	s10 =	sld [smem:$0x3FB3];
	_ =	sdelay $0x3  }
0x37: {  	[smem:$0x3FB3] =	sst s10  }
0x38: {  	s10 =	sld [smem:$0x3FB4]  }
0x39: {  	_ = 	snop;
	(pc) =	sbr.ind lr, $3  }
0x3a: {  	_ = 	snop  }
0x3b: {  	_ = 	snop  }
0x3c: {  	p2 =	seq.s32 s10, $0x1;
	s10 =	sld [smem:$0x3FB3]  }
0x3d: {  	_ =	shalt  }
0x3e: {  	_ =	shalt  }
0x3f: {  	_ =	shalt  }
0x40: {  	_ =	shalt  }
0x41: {  	_ =	shalt  }
0x42: {  	_ =	shalt  }
0x43: {  	_ =	shalt  }
0x44: {  	_ =	shalt  }
0x45: {  	_ =	shalt  }
0x46: {  	_ =	shalt  }
0x47: {  	_ =	shalt  }
0x48: {  	_ =	shalt  }
0x49: {  	_ =	shalt  }
0x4a: {  	_ =	shalt  }
0x4b: {  	_ =	shalt  }
0x4c: {  	_ =	shalt  }
0x4d: {  	_ =	shalt  }
0x4e: {  	_ =	shalt  }
0x4f: {  	_ =	shalt  }
0x50: {  	_ =	shalt  }
0x51: {  	_ =	shalt  }
0x52: {  	_ =	shalt  }
0x53: {  	_ =	shalt  }
0x54: {  	_ =	shalt  }
0x55: {  	_ =	shalt  }
0x56: {  	_ =	shalt  }
0x57: {  	_ =	shalt  }
0x58: {  	_ =	shalt  }
0x59: {  	_ =	shalt  }
0x5a: {  	_ =	shalt  }
0x5b: {  	_ =	shalt  }
0x5c: {  	_ =	shalt  }
0x5d: {  	_ =	shalt  }
0x5e: {  	_ =	shalt  }
0x5f: {  	_ =	shalt  }
0x60: {  	_ =	shalt  }
0x61: {  	_ =	shalt  }
0x62: {  	_ =	shalt  }
0x63: {  	_ =	shalt  }
0x64: {  	_ =	shalt  }
0x65: {  	_ =	shalt  }
0x66: {  	_ =	shalt  }
0x67: {  	_ =	shalt  }
0x68: {  	_ =	shalt  }
0x69: {  	_ =	shalt  }
0x6a: {  	_ =	shalt  }
0x6b: {  	_ =	shalt  }
0x6c: {  	_ =	shalt  }
0x6d: {  	_ =	shalt  }
0x6e: {  	_ =	shalt  }
0x6f: {  	_ =	shalt  }
0x70: {  	_ =	shalt  }
0x71: {  	_ =	shalt  }
0x72: {  	_ =	shalt  }
0x73: {  	_ =	shalt  }
0x74: {  	_ =	shalt  }
0x75: {  	_ =	shalt  }
0x76: {  	_ =	shalt  }
0x77: {  	_ =	shalt  }
0x78: {  	_ =	shalt  }
0x79: {  	_ =	shalt  }
0x7a: {  	_ =	shalt  }
0x7b: {  	_ =	shalt  }
0x7c: {  	_ =	shalt  }
0x7d: {  	_ =	shalt  }
0x7e: {  	_ =	shalt  }
0x7f: {  	_ =	shalt  }
0x80: {  	_ =	shalt  }
0x81: {  	_ =	shalt  }
0x82: {  	_ =	shalt  }
0x83: {  	_ =	shalt  }
0x84: {  	_ =	shalt  }
0x85: {  	_ =	shalt  }
0x86: {  	_ =	shalt  }
0x87: {  	_ =	shalt  }
.Lfunc_end0:
.L_simem_size_0:
called_computation.2_lowered:
.L_overlay_start_0:
0x88: {  	s2 =	sld [smem:$0x3FD9]  }
0x89: {  	s3 =	sld [smem:$0x3FFE];
	_ =	sdelay $0x1  }
0x8a: {  	s1 =	srdreg.scid  }
0x8b: {  	s0 =	sand.u32 $0x1, s1  }
0x8c: {  	s17 =	sshll.u32 s0, $0xA;
	s2 =	sadd.s32 s3, s2  }
0x8d: {  	s2 =	sadd.s32 s2, s17  }
0x8e: {  	[smem:$0x3FBF] =	sst s2  }
0x8f: {  	_ = 	snop  }
0x90: {  	s2 =	sld [smem:$0x3FD0];
	(tm) =	ssettm $0x1  }
0x91: {  	s18 =	sld [smem:$0x3FFB];
	_ =	sdelay $0x3  }
0x92: {  	_ =	strace s18  }
0x93: {  	s3 =	sld [smem:$0x3FFC];
	_ =	sdelay $0x3  }
0x94: {  	_ =	strace s3  }
0x95: {  	s3 =	sld [smem:$0x3FFD];
	_ =	sdelay $0x3  }
0x96: {  	_ =	strace s3  }
0x97: {  	_ =	strace $0x8FFFFFFF  }
0x98: {  	s19 =	sld [smem:$0x3FDB];
	_ =	sdelay $0x1  }
0x99: {  	s4 =	simm.s32 $_scs_section_size  }
0x9a: {  	s5 =	simm.s32 $_size__tile_overlayer_lowered;
	s6 =	simm.s32 $_tile_overlayer_lowered  }
0x9b: {  	s22 =	simm.s32 $0x1BFF;
	s21 =	sshll.u32 s6, $0x1;
	s3 =	sadd.s32 s4, s19  }
0x9c: {  	s7 =	simm.s32 $0x0;
	s20 =	sshll.u32 s5, $0x1;
	s5 =	sadd.s32 s21, s3  }
0x9d: {  	[timem:s7], [sflag:s22] =	dma.local [hbm:s5], s20  }
0x9e: {  	_ =	swait.ge [sflag:s22], s20  }
0x9f: {  	s4 =	ssub.s32 $0x0, s20;
	[sflag:s22] =	ssyncset.done $0x0  }
0xa0: {  	[sflag:s22] =	ssyncadd.s32 s4;
	_ =	sdelay $0x1  }
0xa1: {  	s23 =	simm.s32 $0x1B8B  }
0xa2: {  	_ =	swait.ge [sflag:s23], $0x1  }
0xa3: {  	[sflag:s23] =	ssyncset.done $0x0  }
0xa4: {  	s25 =	simm.s32 $0x1B8E;
	s24 =	sld [smem:$0x3FFE];
	[sflag:s23] =	ssyncadd.s32 $0xFFFFFFFF  }
0xa5: {  	s26 =	simm.s32 $execute0_lowered;
	[smem:$0x3FD2] =	sst s25  }
0xa6: {  	s5 =	sshll.u32 s26, $0x1;
	_ =	strace $0x8000004C;
	[dreg:$0x1] =	wrdreg $0xFFFFFFFF  }
0xa7: {  	s28 =	simm.s32 $_size_execute0_lowered;
	s3 =	sadd.s32 s3, s5;
	[dreg:$0x0] =	wrdreg $0x0  }
0xa8: {  	s5 =	sshll.u32 s28, $0x1;
	[dreg:$0x2] =	wrdreg s3  }
0xa9: {  	[dreg:$0x3] =	wrdreg s5  }
0xaa: {  	[dreg:$0x4] =	wrdreg $0xC0  }
0xab: {  	_ =	task [dreg:s7], $0x5FFFF  }
0xac: {  	[dreg:$0x1] =	wrdreg $0xFFFFFFFF  }
0xad: {  	[dreg:$0x0] =	wrdreg $0x60  }
0xae: {  	[dreg:$0x2] =	wrdreg s24  }
0xaf: {  	[dreg:$0x3] =	wrdreg s2  }
0xb0: {  	[dreg:$0x4] =	wrdreg $0x52000  }
0xb1: {  	[dreg:$0x5] =	wrdreg $0x72000  }
0xb2: {  	[dreg:$0x6] =	wrdreg $0x9  }
0xb3: {  	_ =	task.clear_ibuf [dreg:s7], $0x7FFFF;
	_ =	strace $0x9000004C  }
0xb4: {  	s29 =	simm.s32 $0x9;
	_ =	strace $0x8000004E  }
0xb5: {  	_ =	swait.ge [sflag:s29], $0x1  }
0xb6: {  	[sflag:s29] =	ssyncadd.s32 $0xFFFFFFFF  }
0xb7: {  	_ =	strace $0x9000004E  }
0xb8: {  	_ =	sfence  }
0xb9: {  	s30 =	sld [smem:$0x0];
	_ =	sdelay $0x2  }
0xba: {  	s31 =	sshll.u32 s1, $0xD;
	s1 =	sshrl.u32 s1, $0x2  }
0xbb: {  	s3 =	sand.u32 $0x4000, s31;
	s1 =	sadd.s32 s1, s30  }
0xbc: {  	s0 =	sor.u32 s3, s0;
	s1 =	sshll.u32 s1, $0x11  }
0xbd: {  	s0 =	sor.u32 s1, s0  }
0xbe: {  	s0 =	sadd.s32 $0x8F2B, s0  }
0xbf: {  	[sflag:s0] =	ssyncadd.remote.s32 $0x1  }
0xc0: {  	_ =	sfence.sel $0xFFFF  }
0xc1: {  	[dreg:$0x0] =	wrdreg $0xFFFFFFFF;
	(pc) =	sbr.abs _section_cstart, $3  }
0xc2: {  	[dreg:$0x1] =	wrdreg $0xFFFFFFFF  }
0xc3: {  	_ =	task.clear_ibuf [dreg:s7], $0x2FFFF;
	_ =	strace $0x9FFFFFFF  }
0xc4: {  	(tm) =	ssettm $0x7FFFFFFF  }
0xc5: {  	_ =	shalt  }
tec
execute0_lowered:
.L_overlay_start_1:
0x0: {  	(tag) =	ssettag $0x1  }
0x1: {  	s26 =	rddreg [dreg:$0x0]  }
0x2: {  	s25 =	rddreg [dreg:$0x1]  }
0x3: {  	s2 =	rddreg [dreg:$0x2]  }
0x4: {  	s3 =	rddreg [dreg:$0x3]  }
0x5: {  	s0 =	rddreg [dreg:$0x4];
	s4 =	simm.s32 $0x0;
	s1 =	stileid.u32  }
0x6: {  	s9 =	srdreg.scid;
	[smem:$0x7FF] =	sst s4;
	s5 =	sshll.u32 s1, $0xA  }
0x7: {  	s28 =	sshll.u32 s1, $0xD;
	s6 =	sshll.u32 s1, $0x6;
	_ =	strace $0x8000004D  }
0x8: {  	s5 =	sadd.s32 s5, s26;
	s7 =	sadd.s32 s28, s2;
	s6 =	sor.u32 $0x1C01, s6  }
0x9: {  	s5 =	sadd.s32 $0x53800, s5;
	s8 =	sshrl.u32 s7, $0x3;
	s7 =	simm.s32 $0x1  }
0xa: {  	[spmem:s8], [sflag:s6] =	dma.local [hbm:s5], $0x400  }
0xb: {  	s29 =	sand.u32 $0x1, s9;
	_ =	swait.ge [sflag:s7], $0x400  }
0xc: {  	s9 =	sshll.u32 s29, $0x4;
	s10 =	sadd.s32 s28, s3;
	[sflag:s7] =	ssyncset.done $0x0  }
0xd: {  	s11 =	sor.u32 s1, s9;
	s9 =	sshrl.u32 s10, $0x3;
	[sflag:s7] =	ssyncadd.s32 $0xFFFFFC00  }
0xe: {  	[spmem:s9], [sflag:s6] =	dma.local [hbm:s5], $0x400  }
0xf: {  	s30 =	sshll.u32 s11, $0x6;
	_ =	swait.ge [sflag:s7], $0x400  }
0x10: {  	s10 =	sadd.s32 s30, s26;
	[sflag:s7] =	ssyncset.done $0x0  }
0x11: {  	s10 =	sadd.s32 $0xAD800, s10;
	[sflag:s7] =	ssyncadd.s32 $0xFFFFFC00  }
0x12: {  	[tilespmem:s4], [sflag:$0x1] =	stream.linear.gather [hbm4b:s10+s4], $0x200, $0x38;
	[tilespmem:$0x9200] =	vst v63  }
0x13: {  	_ =	swait.ge [sflag:s7], $0x200  }
0x14: {  	s23 =	smul.u32 $0x1400, s11;
	[sflag:s7] =	ssyncset.done $0x0  }
0x15: {  	s22 =	sadd.s32 $0x3800, s26;
	[sflag:s7] =	ssyncadd.s32 $0xFFFFFE00  }
0x16: {  	s12 =	simm.s32 $0x200;
	s11 =	sadd.s32 s22, s23;
	[bflag:$0x0] =	sbarrier.arrive $0xFFFF  }
0x17: {  	[tilespmem:s12], [sflag:$0x1] =	stream.linear.gather [hbm4b:s11+s4], $0x2800, $0x38;
	[tilespmem:$0x9200] =	vst v63  }
0x18: {  	_ =	swait.ge [sflag:s7], $0x2800  }
0x19: {  	[sflag:s7] =	ssyncset.done $0x0  }
0x1a: {  	s13 =	simm.s32 $0x50;
	[sflag:s7] =	ssyncadd.s32 $0xFFFFD800  }
0x1b: {  	[spmem:s2] =	stream.indirect.scatter.add.f32 [tilespmem:s12], [sflag:$0x1], $0x80, s4, s13, $0xb8;
	[tilespmem:$0x9200] =	vst v63  }
0x1c: {  	_ =	swait.ge [sflag:s7], $0x2800  }
0x1d: {  	s24 =	sadd.s32 $0x2B800, s26;
	[sflag:s7] =	ssyncset.done $0x0  }
0x1e: {  	s15 =	simm.s32 $0x2A00;
	s14 =	sadd.s32 s24, s23;
	[sflag:s7] =	ssyncadd.s32 $0xFFFFD800  }
0x1f: {  	[tilespmem:s15], [sflag:$0x1] =	stream.linear.gather [hbm4b:s14+s4], $0x2800, $0x38;
	[tilespmem:$0x9200] =	vst v63  }
0x20: {  	_ =	swait.ge [sflag:s7], $0x2800  }
0x21: {  	[sflag:s7] =	ssyncset.done $0x0  }
0x22: {  	[sflag:s7] =	ssyncadd.s32 $0xFFFFD800  }
0x23: {  	[spmem:s3] =	stream.indirect.scatter.add.f32 [tilespmem:s15], [sflag:$0x1], $0x80, s4, s13, $0xb8;
	[tilespmem:$0x9200] =	vst v63  }
0x24: {  	_ =	swait.ge [sflag:s7], $0x2800  }
0x25: {  	s18 =	sadd.s32 $0x500, s23;
	[sflag:s7] =	ssyncset.done $0x0  }
0x26: {  	s16 =	sadd.s32 s22, s18;
	[sflag:s7] =	ssyncadd.s32 $0xFFFFD800  }
0x27: {  	[tilespmem:s12], [sflag:$0x1] =	stream.linear.gather [hbm4b:s16+s4], $0x2800, $0x38;
	[tilespmem:$0x9200] =	vst v63  }
0x28: {  	_ =	swait.ge [sflag:s7], $0x2800  }
0x29: {  	[sflag:s7] =	ssyncset.done $0x0  }
0x2a: {  	s17 =	simm.s32 $0x80;
	[sflag:s7] =	ssyncadd.s32 $0xFFFFD800  }
0x2b: {  	[spmem:s2] =	stream.indirect.scatter.add.f32 [tilespmem:s12], [sflag:$0x1], $0x80, s17, s13, $0xb8;
	[tilespmem:$0x9200] =	vst v63  }
0x2c: {  	_ =	swait.ge [sflag:s7], $0x2800  }
0x2d: {  	[sflag:s7] =	ssyncset.done $0x0  }
0x2e: {  	s18 =	sadd.s32 s24, s18;
	[sflag:s7] =	ssyncadd.s32 $0xFFFFD800  }
0x2f: {  	[tilespmem:s15], [sflag:$0x1] =	stream.linear.gather [hbm4b:s18+s4], $0x2800, $0x38;
	[tilespmem:$0x9200] =	vst v63  }
0x30: {  	_ =	swait.ge [sflag:s7], $0x2800  }
0x31: {  	[sflag:s7] =	ssyncset.done $0x0  }
0x32: {  	[sflag:s7] =	ssyncadd.s32 $0xFFFFD800  }
0x33: {  	[spmem:s3] =	stream.indirect.scatter.add.f32 [tilespmem:s15], [sflag:$0x1], $0x80, s17, s13, $0xb8;
	[tilespmem:$0x9200] =	vst v63  }
0x34: {  	_ =	swait.ge [sflag:s7], $0x2800  }
0x35: {  	s21 =	sadd.s32 $0xA00, s23;
	[sflag:s7] =	ssyncset.done $0x0  }
0x36: {  	s19 =	sadd.s32 s22, s21;
	[sflag:s7] =	ssyncadd.s32 $0xFFFFD800  }
0x37: {  	[tilespmem:s12], [sflag:$0x1] =	stream.linear.gather [hbm4b:s19+s4], $0x2800, $0x38;
	[tilespmem:$0x9200] =	vst v63  }
0x38: {  	_ =	swait.ge [sflag:s7], $0x2800  }
0x39: {  	[sflag:s7] =	ssyncset.done $0x0  }
0x3a: {  	s20 =	simm.s32 $0x100;
	[sflag:s7] =	ssyncadd.s32 $0xFFFFD800  }
0x3b: {  	[spmem:s2] =	stream.indirect.scatter.add.f32 [tilespmem:s12], [sflag:$0x1], $0x80, s20, s13, $0xb8;
	[tilespmem:$0x9200] =	vst v63  }
0x3c: {  	_ =	swait.ge [sflag:s7], $0x2800  }
0x3d: {  	[sflag:s7] =	ssyncset.done $0x0  }
0x3e: {  	s21 =	sadd.s32 s24, s21;
	[sflag:s7] =	ssyncadd.s32 $0xFFFFD800  }
0x3f: {  	[tilespmem:s15], [sflag:$0x1] =	stream.linear.gather [hbm4b:s21+s4], $0x2800, $0x38;
	[tilespmem:$0x9200] =	vst v63  }
0x40: {  	_ =	swait.ge [sflag:s7], $0x2800  }
0x41: {  	[sflag:s7] =	ssyncset.done $0x0  }
0x42: {  	[sflag:s7] =	ssyncadd.s32 $0xFFFFD800  }
0x43: {  	[spmem:s3] =	stream.indirect.scatter.add.f32 [tilespmem:s15], [sflag:$0x1], $0x80, s20, s13, $0xb8;
	[tilespmem:$0x9200] =	vst v63  }
0x44: {  	_ =	swait.ge [sflag:s7], $0x2800  }
0x45: {  	s30 =	sadd.s32 $0xF00, s23;
	[sflag:s7] =	ssyncset.done $0x0  }
0x46: {  	s22 =	sadd.s32 s22, s30;
	[sflag:s7] =	ssyncadd.s32 $0xFFFFD800  }
0x47: {  	[tilespmem:s12], [sflag:$0x1] =	stream.linear.gather [hbm4b:s22+s4], $0x2800, $0x38;
	[tilespmem:$0x9200] =	vst v63  }
0x48: {  	_ =	swait.ge [sflag:s7], $0x2800  }
0x49: {  	[sflag:s7] =	ssyncset.done $0x0  }
0x4a: {  	s23 =	simm.s32 $0x180;
	[sflag:s7] =	ssyncadd.s32 $0xFFFFD800  }
0x4b: {  	[spmem:s2] =	stream.indirect.scatter.add.f32 [tilespmem:s12], [sflag:$0x1], $0x80, s23, s13, $0xb8;
	[tilespmem:$0x9200] =	vst v63  }
0x4c: {  	_ =	swait.ge [sflag:s7], $0x2800  }
0x4d: {  	[sflag:s7] =	ssyncset.done $0x0  }
0x4e: {  	s24 =	sadd.s32 s24, s30;
	[sflag:s7] =	ssyncadd.s32 $0xFFFFD800  }
0x4f: {  	[tilespmem:s15], [sflag:$0x1] =	stream.linear.gather [hbm4b:s24+s4], $0x2800, $0x38;
	[tilespmem:$0x9200] =	vst v63  }
0x50: {  	_ =	swait.ge [sflag:s7], $0x2800  }
0x51: {  	s31 =	sshll.u32 s29, $0x11;
	[sflag:s7] =	ssyncset.done $0x0  }
0x52: {  	s28 =	sor.u32 s28, s31;
	[sflag:s7] =	ssyncadd.s32 $0xFFFFD800  }
0x53: {  	[spmem:s3] =	stream.indirect.scatter.add.f32 [tilespmem:s15], [sflag:$0x1], $0x80, s23, s13, $0xb8;
	[tilespmem:$0x9200] =	vst v63  }
0x54: {  	s29 =	ssub.s32 $0x2, s29;
	s28 =	sshrl.u32 s28, $0x3;
	_ =	swait.ge [sflag:s7], $0x2800  }
0x55: {  	s31 =	sshrl.u32 s29, $0x1;
	s25 =	sadd.s32 s25, s28;
	[sflag:s7] =	ssyncset.done $0x0  }
0x56: {  	s26 =	sadd.s32 s28, s26;
	s28 =	ssub.s32 s29, s31;
	[sflag:s7] =	ssyncadd.s32 $0xFFFFD800  }
0x57: {  	s28 =	smax.u32 s28, $0x1;
	[bflag:$0x0] =	sbarrier.arrive $0xFFFF  }
0x58: {  	[hbm:s25], [sflag:s6] =	dma.local [spmem:s8], $0x400  }
0x59: {  	p0 =	sne.s32 s28, $0x1;
	_ =	swait.ge [sflag:s7], $0x400  }
.Ltmp0:
0x5a: {  	[sflag:s7] =	ssyncset.done $0x0;
	(pc) =	sbr.rel @!p0 .LBB2_2-.Ltmp0, $4  }
0x5b: {  	s26 =	sadd.s32 $0x57800, s26;
	[sflag:s7] =	ssyncadd.s32 $0xFFFFFC00  }
0x5c: {  	[hbm:s26], [sflag:s6] =	dma.local [spmem:s9], $0x400  }
0x5d: {  	_ =	swait.ge [sflag:s7], $0x400  }
0x5e: {  	s28 =	sadd.s32 $0xFFFFFFFF, s28;
	[sflag:s7] =	ssyncset.done $0x0  }
.LBB2_1:
0x5f: {  	p0 =	sne.s32 s28, $0x1;
	s28 =	sadd.s32 $0xFFFFFFFF, s28;
	[sflag:s7] =	ssyncadd.s32 $0xFFFFFC00  }
0x60: {  	[spmem:s8], [sflag:s6] =	dma.local [hbm:s5], $0x400  }
0x61: {  	_ =	swait.ge [sflag:s7], $0x400  }
0x62: {  	[sflag:s7] =	ssyncset.done $0x0  }
0x63: {  	[sflag:s7] =	ssyncadd.s32 $0xFFFFFC00  }
0x64: {  	[spmem:s9], [sflag:s6] =	dma.local [hbm:s5], $0x400  }
0x65: {  	_ =	swait.ge [sflag:s7], $0x400  }
0x66: {  	[sflag:s7] =	ssyncset.done $0x0  }
0x67: {  	[sflag:s7] =	ssyncadd.s32 $0xFFFFFC00  }
0x68: {  	[tilespmem:s4], [sflag:$0x1] =	stream.linear.gather [hbm4b:s10+s4], $0x200, $0x38;
	[tilespmem:$0x9200] =	vst v63  }
0x69: {  	_ =	swait.ge [sflag:s7], $0x200  }
0x6a: {  	[sflag:s7] =	ssyncset.done $0x0  }
0x6b: {  	[sflag:s7] =	ssyncadd.s32 $0xFFFFFE00  }
0x6c: {  	[bflag:$0x0] =	sbarrier.arrive $0xFFFF  }
0x6d: {  	[tilespmem:s12], [sflag:$0x1] =	stream.linear.gather [hbm4b:s11+s4], $0x2800, $0x38;
	[tilespmem:$0x9200] =	vst v63  }
0x6e: {  	_ =	swait.ge [sflag:s7], $0x2800  }
0x6f: {  	[sflag:s7] =	ssyncset.done $0x0  }
0x70: {  	[sflag:s7] =	ssyncadd.s32 $0xFFFFD800  }
0x71: {  	[spmem:s2] =	stream.indirect.scatter.add.f32 [tilespmem:s12], [sflag:$0x1], $0x80, s4, s13, $0xb8;
	[tilespmem:$0x9200] =	vst v63  }
0x72: {  	_ =	swait.ge [sflag:s7], $0x2800  }
0x73: {  	[sflag:s7] =	ssyncset.done $0x0  }
0x74: {  	[sflag:s7] =	ssyncadd.s32 $0xFFFFD800  }
0x75: {  	[tilespmem:s15], [sflag:$0x1] =	stream.linear.gather [hbm4b:s14+s4], $0x2800, $0x38;
	[tilespmem:$0x9200] =	vst v63  }
0x76: {  	_ =	swait.ge [sflag:s7], $0x2800  }
0x77: {  	[sflag:s7] =	ssyncset.done $0x0  }
0x78: {  	[sflag:s7] =	ssyncadd.s32 $0xFFFFD800  }
0x79: {  	[spmem:s3] =	stream.indirect.scatter.add.f32 [tilespmem:s15], [sflag:$0x1], $0x80, s4, s13, $0xb8;
	[tilespmem:$0x9200] =	vst v63  }
0x7a: {  	_ =	swait.ge [sflag:s7], $0x2800  }
0x7b: {  	[sflag:s7] =	ssyncset.done $0x0  }
0x7c: {  	[sflag:s7] =	ssyncadd.s32 $0xFFFFD800  }
0x7d: {  	[tilespmem:s12], [sflag:$0x1] =	stream.linear.gather [hbm4b:s16+s4], $0x2800, $0x38;
	[tilespmem:$0x9200] =	vst v63  }
0x7e: {  	_ =	swait.ge [sflag:s7], $0x2800  }
0x7f: {  	[sflag:s7] =	ssyncset.done $0x0  }
0x80: {  	[sflag:s7] =	ssyncadd.s32 $0xFFFFD800  }
0x81: {  	[spmem:s2] =	stream.indirect.scatter.add.f32 [tilespmem:s12], [sflag:$0x1], $0x80, s17, s13, $0xb8;
	[tilespmem:$0x9200] =	vst v63  }
0x82: {  	_ =	swait.ge [sflag:s7], $0x2800  }
0x83: {  	[sflag:s7] =	ssyncset.done $0x0  }
0x84: {  	[sflag:s7] =	ssyncadd.s32 $0xFFFFD800  }
0x85: {  	[tilespmem:s15], [sflag:$0x1] =	stream.linear.gather [hbm4b:s18+s4], $0x2800, $0x38;
	[tilespmem:$0x9200] =	vst v63  }
0x86: {  	_ =	swait.ge [sflag:s7], $0x2800  }
0x87: {  	[sflag:s7] =	ssyncset.done $0x0  }
0x88: {  	[sflag:s7] =	ssyncadd.s32 $0xFFFFD800  }
0x89: {  	[spmem:s3] =	stream.indirect.scatter.add.f32 [tilespmem:s15], [sflag:$0x1], $0x80, s17, s13, $0xb8;
	[tilespmem:$0x9200] =	vst v63  }
0x8a: {  	_ =	swait.ge [sflag:s7], $0x2800  }
0x8b: {  	[sflag:s7] =	ssyncset.done $0x0  }
0x8c: {  	[sflag:s7] =	ssyncadd.s32 $0xFFFFD800  }
0x8d: {  	[tilespmem:s12], [sflag:$0x1] =	stream.linear.gather [hbm4b:s19+s4], $0x2800, $0x38;
	[tilespmem:$0x9200] =	vst v63  }
0x8e: {  	_ =	swait.ge [sflag:s7], $0x2800  }
0x8f: {  	[sflag:s7] =	ssyncset.done $0x0  }
0x90: {  	[sflag:s7] =	ssyncadd.s32 $0xFFFFD800  }
0x91: {  	[spmem:s2] =	stream.indirect.scatter.add.f32 [tilespmem:s12], [sflag:$0x1], $0x80, s20, s13, $0xb8;
	[tilespmem:$0x9200] =	vst v63  }
0x92: {  	_ =	swait.ge [sflag:s7], $0x2800  }
0x93: {  	[sflag:s7] =	ssyncset.done $0x0  }
0x94: {  	[sflag:s7] =	ssyncadd.s32 $0xFFFFD800  }
0x95: {  	[tilespmem:s15], [sflag:$0x1] =	stream.linear.gather [hbm4b:s21+s4], $0x2800, $0x38;
	[tilespmem:$0x9200] =	vst v63  }
0x96: {  	_ =	swait.ge [sflag:s7], $0x2800  }
0x97: {  	[sflag:s7] =	ssyncset.done $0x0  }
0x98: {  	[sflag:s7] =	ssyncadd.s32 $0xFFFFD800  }
0x99: {  	[spmem:s3] =	stream.indirect.scatter.add.f32 [tilespmem:s15], [sflag:$0x1], $0x80, s20, s13, $0xb8;
	[tilespmem:$0x9200] =	vst v63  }
0x9a: {  	_ =	swait.ge [sflag:s7], $0x2800  }
0x9b: {  	[sflag:s7] =	ssyncset.done $0x0  }
0x9c: {  	[sflag:s7] =	ssyncadd.s32 $0xFFFFD800  }
0x9d: {  	[tilespmem:s12], [sflag:$0x1] =	stream.linear.gather [hbm4b:s22+s4], $0x2800, $0x38;
	[tilespmem:$0x9200] =	vst v63  }
0x9e: {  	_ =	swait.ge [sflag:s7], $0x2800  }
0x9f: {  	[sflag:s7] =	ssyncset.done $0x0  }
0xa0: {  	[sflag:s7] =	ssyncadd.s32 $0xFFFFD800  }
0xa1: {  	[spmem:s2] =	stream.indirect.scatter.add.f32 [tilespmem:s12], [sflag:$0x1], $0x80, s23, s13, $0xb8;
	[tilespmem:$0x9200] =	vst v63  }
0xa2: {  	_ =	swait.ge [sflag:s7], $0x2800  }
0xa3: {  	[sflag:s7] =	ssyncset.done $0x0  }
0xa4: {  	[sflag:s7] =	ssyncadd.s32 $0xFFFFD800  }
0xa5: {  	[tilespmem:s15], [sflag:$0x1] =	stream.linear.gather [hbm4b:s24+s4], $0x2800, $0x38;
	[tilespmem:$0x9200] =	vst v63  }
0xa6: {  	_ =	swait.ge [sflag:s7], $0x2800  }
0xa7: {  	[sflag:s7] =	ssyncset.done $0x0  }
0xa8: {  	[sflag:s7] =	ssyncadd.s32 $0xFFFFD800  }
0xa9: {  	[spmem:s3] =	stream.indirect.scatter.add.f32 [tilespmem:s15], [sflag:$0x1], $0x80, s23, s13, $0xb8;
	[tilespmem:$0x9200] =	vst v63  }
0xaa: {  	_ =	swait.ge [sflag:s7], $0x2800  }
0xab: {  	[sflag:s7] =	ssyncset.done $0x0  }
0xac: {  	[sflag:s7] =	ssyncadd.s32 $0xFFFFD800  }
0xad: {  	[bflag:$0x0] =	sbarrier.arrive $0xFFFF  }
0xae: {  	[hbm:s25], [sflag:s6] =	dma.local [spmem:s8], $0x400  }
0xaf: {  	_ =	swait.ge [sflag:s7], $0x400  }
.Ltmp1:
0xb0: {  	[sflag:s7] =	ssyncset.done $0x0;
	(pc) =	sbr.rel @p0 .LBB2_1-.Ltmp1, $4  }
0xb1: {  	[sflag:s7] =	ssyncadd.s32 $0xFFFFFC00  }
0xb2: {  	[hbm:s26], [sflag:s6] =	dma.local [spmem:s9], $0x400  }
0xb3: {  	_ =	swait.ge [sflag:s7], $0x400  }
0xb4: {  	[sflag:s7] =	ssyncset.done $0x0  }
.LBB2_2:
0xb5: {  	[sflag:s7] =	ssyncadd.s32 $0xFFFFFC00  }
0xb6: {  	_ =	sfence.sel $0x180000  }
0xb7: {  	[bflag:$0x0] =	sbarrier.arrive $0xFFFF  }
0xb8: {  	p0 =	sne.s32 s1, $0x0;
	_ =	strace $0x9000004D  }
0xb9: {  	s0 =	sadd.s32 @!p0 $0x100000, s0;
	[bflag:$0x2] =	sbarrier.arrive $0xFFFF  }
0xba: {  	[sflag:s0] =	ssyncadd.tile.s32 @!p0 $0x1;
	_ =	shalt  }
.Lfunc_end2:
_tile_overlayer_lowered:
.L_overlay_start_2:
0xbb: {  	(tag) =	ssettag $0x2  }
0xbc: {  	s0 =	rddreg [dreg:$0x0];
	s2 =	stileid.u32  }
0xbd: {  	s1 =	rddreg [dreg:$0x1];
	p0 =	sne.s32 s2, $0x0  }
0xbe: {  	s3 =	rddreg [dreg:$0x2];
	[bflag:$0x3] =	sbarrier.arrive $0xFFFF;
	s2 =	simm.s32 @!p0 $0x1C01  }
0xbf: {  	[timem:s3], [sflag:s2] =	dma.local @!p0 [hbm:s0], s1  }
0xc0: {  	s0 =	simm.s32 @!p0 $0x1  }
0xc1: {  	_ =	swait.ge @!p0 [sflag:s0], s1  }
0xc2: {  	s1 =	ssub.s32 @!p0 $0x0, s1;
	[sflag:s0] =	ssyncset.done @!p0 $0x0  }
0xc3: {  	[sflag:s0] =	ssyncadd.s32 @!p0 s1  }
0xc4: {  	[bflag:$0x3] =	sbarrier.arrive $0xFFFF  }
0xc5: {  	_ =	shalt  }

// kernel: kernel.18.cloned.1.call-start
scs
__scs_entry_jumppad:
0x0: {  	(pc) =	sbr.rel $0x88, $3  }
0x1: {  	(tag) =	ssettag $0x0;
	lr =	simm.s32 $0x1  }
0x2: {  	[smem:$0x3F98] =	sst lr;
	_ =	strace $0xD0000000  }
0x3: {  	_ = 	snop  }
0x4: {  	_ = 	snop  }
0x5: {  	_ = 	snop  }
0x6: {  	_ = 	snop  }
0x7: {  	_ = 	snop  }
__scs_overlays_trampoline_lowered:
0x8: {  	[smem:$0x3FA7] =	sst s0  }
0x9: {  	[smem:$0x3FA8] =	sst s1  }
0xa: {  	[smem:$0x3FA9] =	sst s2  }
0xb: {  	[smem:$0x3FAA] =	sst s3  }
0xc: {  	[smem:$0x3FAB] =	sst s4  }
0xd: {  	[smem:$0x3FAC] =	sst s5  }
0xe: {  	[smem:$0x3FAD] =	sst s6  }
0xf: {  	[smem:$0x3FAE] =	sst s7  }
0x10: {  	[smem:$0x3FAF] =	sst s8  }
0x11: {  	[smem:$0x3FB0] =	sst s9;
	s0 =	simm.s32 @!p0 $0x0  }
0x12: {  	s1 =	sld [smem:$0x3F96];
	s0 =	simm.s32 @p0 $0x1  }
0x13: {  	[smem:$0x3FB1] =	sst s0;
	s0 =	simm.s32 @!p1 $0x0  }
0x14: {  	s2 =	sld [smem:$0x3F95];
	s0 =	simm.s32 @p1 $0x1  }
0x15: {  	[smem:$0x3FB2] =	sst s0;
	s0 =	simm.s32 @!p2 $0x0  }
0x16: {  	s3 =	sld [smem:$0x3FDB];
	s0 =	simm.s32 @p2 $0x1  }
0x17: {  	s4 =	simm.s32 $0x1BF5;
	[smem:$0x3FB4] =	sst s0  }
0x18: {  	s0 =	sld [smem:$0x3F97];
	_ =	swait.ge [sflag:s4], $0x0  }
0x19: {  	s7 =	sld [smem:$0x3F98]  }
0x1a: {  	s8 =	sadd.s32 $0xFFFFE003, lr  }
0x1b: {  	s9 =	sadd.s32 $0xFFFFFEF7, lr;
	s5 =	simm.s32 $0xFFFFFFFF;
	p2 =	slt.u32 s8, $0xFFFFF086  }
0x1c: {  	p1 =	slt.u32 s9, $0xF7A;
	s5 =	simm.s32 @!p2 $0x0  }
0x1d: {  	s5 =	simm.s32 @p1 $0x1;
	p0 =	seq.s32 s7, s2  }
0x1e: {  	s7 =	smul.u32 @!p0 $0xF7A, s2;
	p2 =	seq.s32 @!p0 s5, $0x0  }
0x1f: {  	s9 =	smul.u32 $0xF7A, s1;
	s8 =	simm.s32 @!p0 $0x1BF5;
	p2 =	por !p2, p0  }
0x20: {  	[sflag:s8] =	ssyncset.s32 @!p0 $0xFFFFF086;
	s6 =	sadd.s32 @!p0 s3, s7;
	s7 =	simm.s32 @!p0 $0x108  }
0x21: {  	s3 =	sadd.s32 s3, s9;
	s6 =	sadd.s32 @!p0 $0x88, s6;
	s7 =	simm.s32 @p2 $0x1082  }
0x22: {  	[simem:s7], [sflag:s8] =	dma.local @!p0 [hbm:s6], $0xF7A  }
0x23: {  	s9 =	sor.u32 $0xD0000000, s2;
	s6 =	simm.s32 $0x108;
	_ =	swait.ge @!p0 [sflag:s8], $0x0  }
0x24: {  	s3 =	sadd.s32 $0x88, s3;
	s6 =	simm.s32 @!p1 $0x1082;
	[sflag:s4] =	ssyncset.s32 $0xFFFFF086  }
0x25: {  	[simem:s6], [sflag:s4] =	dma.local [hbm:s3], $0xF7A  }
0x26: {  	[smem:$0x3F98] =	sst s1;
	(tag) =	ssettag s2;
	_ =	strace s9  }
0x27: {  	s1 =	sld [smem:$0x3FA8]  }
0x28: {  	s2 =	sld [smem:$0x3FA9]  }
0x29: {  	s4 =	sld [smem:$0x3FAB]  }
0x2a: {  	p0 =	seq.s32 s5, $0x0;
	s5 =	sld [smem:$0x3FAC]  }
0x2b: {  	s6 =	sld [smem:$0x3FAD]  }
0x2c: {  	s7 =	sld [smem:$0x3FAE]  }
0x2d: {  	s3 =	simm.s32 $0x108;
	s8 =	sld [smem:$0x3FAF]  }
0x2e: {  	s3 =	simm.s32 @!p0 $0x1082;
	s9 =	sld [smem:$0x3FB0]  }
0x2f: {  	lr =	sadd.s32 s0, s3;
	s0 =	sld [smem:$0x3FA7]  }
0x30: {  	s3 =	sld [smem:$0x3FAA]  }
0x31: {  	[smem:$0x3FB3] =	sst s10  }
0x32: {  	s10 =	sld [smem:$0x3FB1];
	_ =	sdelay $0x3  }
0x33: {  	p0 =	seq.s32 s10, $0x1;
	s10 =	sld [smem:$0x3FB3];
	_ =	sdelay $0x3  }
0x34: {  	[smem:$0x3FB3] =	sst s10  }
0x35: {  	s10 =	sld [smem:$0x3FB2];
	_ =	sdelay $0x3  }
0x36: {  	p1 =	seq.s32 s10, $0x1;
	s10 =	sld [smem:$0x3FB3];
	_ =	sdelay $0x3  }
0x37: {  	[smem:$0x3FB3] =	sst s10  }
0x38: {  	s10 =	sld [smem:$0x3FB4]  }
0x39: {  	_ = 	snop;
	(pc) =	sbr.ind lr, $3  }
0x3a: {  	_ = 	snop  }
0x3b: {  	_ = 	snop  }
0x3c: {  	p2 =	seq.s32 s10, $0x1;
	s10 =	sld [smem:$0x3FB3]  }
0x3d: {  	_ =	shalt  }
0x3e: {  	_ =	shalt  }
0x3f: {  	_ =	shalt  }
0x40: {  	_ =	shalt  }
0x41: {  	_ =	shalt  }
0x42: {  	_ =	shalt  }
0x43: {  	_ =	shalt  }
0x44: {  	_ =	shalt  }
0x45: {  	_ =	shalt  }
0x46: {  	_ =	shalt  }
0x47: {  	_ =	shalt  }
0x48: {  	_ =	shalt  }
0x49: {  	_ =	shalt  }
0x4a: {  	_ =	shalt  }
0x4b: {  	_ =	shalt  }
0x4c: {  	_ =	shalt  }
0x4d: {  	_ =	shalt  }
0x4e: {  	_ =	shalt  }
0x4f: {  	_ =	shalt  }
0x50: {  	_ =	shalt  }
0x51: {  	_ =	shalt  }
0x52: {  	_ =	shalt  }
0x53: {  	_ =	shalt  }
0x54: {  	_ =	shalt  }
0x55: {  	_ =	shalt  }
0x56: {  	_ =	shalt  }
0x57: {  	_ =	shalt  }
0x58: {  	_ =	shalt  }
0x59: {  	_ =	shalt  }
0x5a: {  	_ =	shalt  }
0x5b: {  	_ =	shalt  }
0x5c: {  	_ =	shalt  }
0x5d: {  	_ =	shalt  }
0x5e: {  	_ =	shalt  }
0x5f: {  	_ =	shalt  }
0x60: {  	_ =	shalt  }
0x61: {  	_ =	shalt  }
0x62: {  	_ =	shalt  }
0x63: {  	_ =	shalt  }
0x64: {  	_ =	shalt  }
0x65: {  	_ =	shalt  }
0x66: {  	_ =	shalt  }
0x67: {  	_ =	shalt  }
0x68: {  	_ =	shalt  }
0x69: {  	_ =	shalt  }
0x6a: {  	_ =	shalt  }
0x6b: {  	_ =	shalt  }
0x6c: {  	_ =	shalt  }
0x6d: {  	_ =	shalt  }
0x6e: {  	_ =	shalt  }
0x6f: {  	_ =	shalt  }
0x70: {  	_ =	shalt  }
0x71: {  	_ =	shalt  }
0x72: {  	_ =	shalt  }
0x73: {  	_ =	shalt  }
0x74: {  	_ =	shalt  }
0x75: {  	_ =	shalt  }
0x76: {  	_ =	shalt  }
0x77: {  	_ =	shalt  }
0x78: {  	_ =	shalt  }
0x79: {  	_ =	shalt  }
0x7a: {  	_ =	shalt  }
0x7b: {  	_ =	shalt  }
0x7c: {  	_ =	shalt  }
0x7d: {  	_ =	shalt  }
0x7e: {  	_ =	shalt  }
0x7f: {  	_ =	shalt  }
0x80: {  	_ =	shalt  }
0x81: {  	_ =	shalt  }
0x82: {  	_ =	shalt  }
0x83: {  	_ =	shalt  }
0x84: {  	_ =	shalt  }
0x85: {  	_ =	shalt  }
0x86: {  	_ =	shalt  }
0x87: {  	_ =	shalt  }
.Lfunc_end0:
.L_simem_size_0:
called_computation.3_lowered:
.L_overlay_start_0:
0x88: {  	s2 =	sld [smem:$0x3FD9]  }
0x89: {  	s3 =	sld [smem:$0x3FFE];
	_ =	sdelay $0x1  }
0x8a: {  	s1 =	srdreg.scid  }
0x8b: {  	s0 =	sand.u32 $0x1, s1  }
0x8c: {  	s17 =	sshll.u32 s0, $0xA;
	s2 =	sadd.s32 s3, s2  }
0x8d: {  	s2 =	sadd.s32 s2, s17  }
0x8e: {  	[smem:$0x3FBF] =	sst s2  }
0x8f: {  	_ = 	snop  }
0x90: {  	s2 =	sld [smem:$0x3FD0];
	(tm) =	ssettm $0x1  }
0x91: {  	s18 =	sld [smem:$0x3FFB];
	_ =	sdelay $0x3  }
0x92: {  	_ =	strace s18  }
0x93: {  	s3 =	sld [smem:$0x3FFC];
	_ =	sdelay $0x3  }
0x94: {  	_ =	strace s3  }
0x95: {  	s3 =	sld [smem:$0x3FFD];
	_ =	sdelay $0x3  }
0x96: {  	_ =	strace s3  }
0x97: {  	_ =	strace $0x8FFFFFFF  }
0x98: {  	s19 =	sld [smem:$0x3FDB];
	_ =	sdelay $0x1  }
0x99: {  	s4 =	simm.s32 $_scs_section_size  }
0x9a: {  	s5 =	simm.s32 $_size__tile_overlayer_lowered;
	s6 =	simm.s32 $_tile_overlayer_lowered  }
0x9b: {  	s22 =	simm.s32 $0x1BFF;
	s21 =	sshll.u32 s6, $0x1;
	s3 =	sadd.s32 s4, s19  }
0x9c: {  	s7 =	simm.s32 $0x0;
	s20 =	sshll.u32 s5, $0x1;
	s5 =	sadd.s32 s21, s3  }
0x9d: {  	[timem:s7], [sflag:s22] =	dma.local [hbm:s5], s20  }
0x9e: {  	_ =	swait.ge [sflag:s22], s20  }
0x9f: {  	s4 =	ssub.s32 $0x0, s20;
	[sflag:s22] =	ssyncset.done $0x0  }
0xa0: {  	[sflag:s22] =	ssyncadd.s32 s4;
	_ =	sdelay $0x1  }
0xa1: {  	s23 =	simm.s32 $0x1B8B  }
0xa2: {  	_ =	swait.ge [sflag:s23], $0x1  }
0xa3: {  	[sflag:s23] =	ssyncset.done $0x0  }
0xa4: {  	s25 =	simm.s32 $0x1B8E;
	s24 =	sld [smem:$0x3FFE];
	[sflag:s23] =	ssyncadd.s32 $0xFFFFFFFF  }
0xa5: {  	s26 =	simm.s32 $execute0_lowered;
	[smem:$0x3FD2] =	sst s25  }
0xa6: {  	s5 =	sshll.u32 s26, $0x1;
	_ =	strace $0x8000004F;
	[dreg:$0x1] =	wrdreg $0xFFFFFFFF  }
0xa7: {  	s28 =	simm.s32 $_size_execute0_lowered;
	s3 =	sadd.s32 s3, s5;
	[dreg:$0x0] =	wrdreg $0x0  }
0xa8: {  	s5 =	sshll.u32 s28, $0x1;
	[dreg:$0x2] =	wrdreg s3  }
0xa9: {  	[dreg:$0x3] =	wrdreg s5  }
0xaa: {  	[dreg:$0x4] =	wrdreg $0xC0  }
0xab: {  	_ =	task [dreg:s7], $0x5FFFF  }
0xac: {  	[dreg:$0x1] =	wrdreg $0xFFFFFFFF  }
0xad: {  	[dreg:$0x0] =	wrdreg $0x60  }
0xae: {  	[dreg:$0x2] =	wrdreg s2  }
0xaf: {  	[dreg:$0x3] =	wrdreg s24  }
0xb0: {  	[dreg:$0x4] =	wrdreg $0x9  }
0xb1: {  	_ =	task.clear_ibuf [dreg:s7], $0x5FFFF;
	_ =	strace $0x9000004F  }
0xb2: {  	s29 =	simm.s32 $0x9;
	_ =	strace $0x80000051  }
0xb3: {  	_ =	swait.ge [sflag:s29], $0x1  }
0xb4: {  	[sflag:s29] =	ssyncadd.s32 $0xFFFFFFFF  }
0xb5: {  	_ =	strace $0x90000051  }
0xb6: {  	_ =	sfence  }
0xb7: {  	s30 =	sld [smem:$0x0];
	_ =	sdelay $0x2  }
0xb8: {  	s31 =	sshll.u32 s1, $0xD;
	s1 =	sshrl.u32 s1, $0x2  }
0xb9: {  	s3 =	sand.u32 $0x4000, s31;
	s1 =	sadd.s32 s1, s30  }
0xba: {  	s0 =	sor.u32 s3, s0;
	s1 =	sshll.u32 s1, $0x11  }
0xbb: {  	s0 =	sor.u32 s1, s0  }
0xbc: {  	s0 =	sadd.s32 $0x8F2B, s0  }
0xbd: {  	[sflag:s0] =	ssyncadd.remote.s32 $0x1  }
0xbe: {  	_ =	sfence.sel $0xFFFF  }
0xbf: {  	[dreg:$0x0] =	wrdreg $0xFFFFFFFF;
	(pc) =	sbr.abs _section_cstart, $3  }
0xc0: {  	[dreg:$0x1] =	wrdreg $0xFFFFFFFF  }
0xc1: {  	_ =	task.clear_ibuf [dreg:s7], $0x2FFFF;
	_ =	strace $0x9FFFFFFF  }
0xc2: {  	(tm) =	ssettm $0x7FFFFFFF  }
0xc3: {  	_ =	shalt  }
tec
execute0_lowered:
.L_overlay_start_1:
0x0: {  	(tag) =	ssettag $0x1  }
0x1: {  	s0 =	srdreg.scid  }
0x2: {  	s14 =	sand.u32 $0x1, s0  }
0x3: {  	s2 =	rddreg [dreg:$0x0];
	s0 =	stileid.u32;
	s1 =	sshll.u32 s14, $0x4  }
0x4: {  	s9 =	rddreg [dreg:$0x1];
	s3 =	simm.s32 $0x0;
	s6 =	sor.u32 s0, s1  }
0x5: {  	[smem:$0x7FF] =	sst s3;
	s4 =	sshll.u32 s6, $0x6  }
0x6: {  	s1 =	rddreg [dreg:$0x2];
	s4 =	sadd.s32 s4, s9  }
0x7: {  	_ =	strace $0x80000050;
	s5 =	sadd.s32 $0xAD800, s4;
	s4 =	simm.s32 $0x2  }
0x8: {  	[tilespmem:s3], [sflag:$0x2] =	stream.linear.gather [hbm4b:s5+s3], $0x200, $0x38;
	[tilespmem:$0x2A00] =	vst v63  }
0x9: {  	_ =	swait.ge [sflag:s4], $0x200  }
0xa: {  	s7 =	simm.s32 $0x200;
	s8 =	simm.s32 $0x1;
	[sflag:s4] =	ssyncset.done $0x0  }
0xb: {  	s10 =	smul.u32 $0x1400, s6;
	s6 =	simm.s32 $0x50;
	[sflag:s4] =	ssyncadd.s32 $0xFFFFFE00  }
0xc: {  	[tilespmem:s7], [sflag:$0x1] =	stream.indirect.gather [hbm4b:s2+s6], $0x80, s3, s6, $0xb8;
	[tilespmem:$0x2A00] =	vst v63  }
0xd: {  	_ =	swait.ge [sflag:s8], $0x2800  }
0xe: {  	s15 =	sadd.s32 s10, s9;
	[sflag:s8] =	ssyncset.done $0x0  }
0xf: {  	s9 =	sadd.s32 $0x3800, s15;
	[sflag:s8] =	ssyncadd.s32 $0xFFFFD800  }
0x10: {  	[hbm4b:s9+s3] =	stream.linear.scatter [tilespmem:s7], [sflag:$0x2], $0x2800, $0x38;
	[tilespmem:$0x2A00] =	vst v63  }
0x11: {  	_ =	swait.ge [sflag:s4], $0x2800  }
0x12: {  	[sflag:s4] =	ssyncset.done $0x0  }
0x13: {  	s10 =	simm.s32 $0x80;
	[sflag:s4] =	ssyncadd.s32 $0xFFFFD800  }
0x14: {  	[tilespmem:s7], [sflag:$0x1] =	stream.indirect.gather [hbm4b:s2+s6], $0x80, s10, s6, $0xb8;
	[tilespmem:$0x2A00] =	vst v63  }
0x15: {  	_ =	swait.ge [sflag:s8], $0x2800  }
0x16: {  	[sflag:s8] =	ssyncset.done $0x0  }
0x17: {  	s11 =	sadd.s32 $0x3D00, s15;
	[sflag:s8] =	ssyncadd.s32 $0xFFFFD800  }
0x18: {  	[hbm4b:s11+s3] =	stream.linear.scatter [tilespmem:s7], [sflag:$0x2], $0x2800, $0x38;
	[tilespmem:$0x2A00] =	vst v63  }
0x19: {  	_ =	swait.ge [sflag:s4], $0x2800  }
0x1a: {  	[sflag:s4] =	ssyncset.done $0x0  }
0x1b: {  	s12 =	simm.s32 $0x100;
	[sflag:s4] =	ssyncadd.s32 $0xFFFFD800  }
0x1c: {  	[tilespmem:s7], [sflag:$0x1] =	stream.indirect.gather [hbm4b:s2+s6], $0x80, s12, s6, $0xb8;
	[tilespmem:$0x2A00] =	vst v63  }
0x1d: {  	_ =	swait.ge [sflag:s8], $0x2800  }
0x1e: {  	[sflag:s8] =	ssyncset.done $0x0  }
0x1f: {  	s16 =	ssub.s32 $0x2, s14;
	s13 =	sadd.s32 $0x4200, s15;
	[sflag:s8] =	ssyncadd.s32 $0xFFFFD800  }
0x20: {  	[hbm4b:s13+s3] =	stream.linear.scatter [tilespmem:s7], [sflag:$0x2], $0x2800, $0x38;
	[tilespmem:$0x2A00] =	vst v63  }
0x21: {  	s17 =	sshrl.u32 s16, $0x1;
	_ =	swait.ge [sflag:s4], $0x2800  }
0x22: {  	s16 =	ssub.s32 s16, s17;
	[sflag:s4] =	ssyncset.done $0x0  }
0x23: {  	s14 =	simm.s32 $0x180;
	s16 =	smax.u32 s16, $0x1;
	[sflag:s4] =	ssyncadd.s32 $0xFFFFD800  }
0x24: {  	[tilespmem:s7], [sflag:$0x1] =	stream.indirect.gather [hbm4b:s2+s6], $0x80, s14, s6, $0xb8;
	[tilespmem:$0x2A00] =	vst v63  }
0x25: {  	p0 =	sne.s32 s16, $0x1;
	_ =	swait.ge [sflag:s8], $0x2800  }
.Ltmp0:
0x26: {  	[sflag:s8] =	ssyncset.done $0x0;
	(pc) =	sbr.rel @!p0 .LBB2_2-.Ltmp0, $4  }
0x27: {  	s15 =	sadd.s32 $0x4700, s15;
	[sflag:s8] =	ssyncadd.s32 $0xFFFFD800  }
0x28: {  	[hbm4b:s15+s3] =	stream.linear.scatter [tilespmem:s7], [sflag:$0x2], $0x2800, $0x38;
	[tilespmem:$0x2A00] =	vst v63  }
0x29: {  	_ =	swait.ge [sflag:s4], $0x2800  }
0x2a: {  	s16 =	sadd.s32 $0xFFFFFFFF, s16;
	[sflag:s4] =	ssyncset.done $0x0  }
.LBB2_1:
0x2b: {  	p0 =	sne.s32 s16, $0x1;
	s16 =	sadd.s32 $0xFFFFFFFF, s16;
	[sflag:s4] =	ssyncadd.s32 $0xFFFFD800  }
0x2c: {  	[tilespmem:s3], [sflag:$0x2] =	stream.linear.gather [hbm4b:s5+s3], $0x200, $0x38;
	[tilespmem:$0x2A00] =	vst v63  }
0x2d: {  	_ =	swait.ge [sflag:s4], $0x200  }
0x2e: {  	[sflag:s4] =	ssyncset.done $0x0  }
0x2f: {  	[sflag:s4] =	ssyncadd.s32 $0xFFFFFE00  }
0x30: {  	[tilespmem:s7], [sflag:$0x1] =	stream.indirect.gather [hbm4b:s2+s6], $0x80, s3, s6, $0xb8;
	[tilespmem:$0x2A00] =	vst v63  }
0x31: {  	_ =	swait.ge [sflag:s8], $0x2800  }
0x32: {  	[sflag:s8] =	ssyncset.done $0x0  }
0x33: {  	[sflag:s8] =	ssyncadd.s32 $0xFFFFD800  }
0x34: {  	[hbm4b:s9+s3] =	stream.linear.scatter [tilespmem:s7], [sflag:$0x2], $0x2800, $0x38;
	[tilespmem:$0x2A00] =	vst v63  }
0x35: {  	_ =	swait.ge [sflag:s4], $0x2800  }
0x36: {  	[sflag:s4] =	ssyncset.done $0x0  }
0x37: {  	[sflag:s4] =	ssyncadd.s32 $0xFFFFD800  }
0x38: {  	[tilespmem:s7], [sflag:$0x1] =	stream.indirect.gather [hbm4b:s2+s6], $0x80, s10, s6, $0xb8;
	[tilespmem:$0x2A00] =	vst v63  }
0x39: {  	_ =	swait.ge [sflag:s8], $0x2800  }
0x3a: {  	[sflag:s8] =	ssyncset.done $0x0  }
0x3b: {  	[sflag:s8] =	ssyncadd.s32 $0xFFFFD800  }
0x3c: {  	[hbm4b:s11+s3] =	stream.linear.scatter [tilespmem:s7], [sflag:$0x2], $0x2800, $0x38;
	[tilespmem:$0x2A00] =	vst v63  }
0x3d: {  	_ =	swait.ge [sflag:s4], $0x2800  }
0x3e: {  	[sflag:s4] =	ssyncset.done $0x0  }
0x3f: {  	[sflag:s4] =	ssyncadd.s32 $0xFFFFD800  }
0x40: {  	[tilespmem:s7], [sflag:$0x1] =	stream.indirect.gather [hbm4b:s2+s6], $0x80, s12, s6, $0xb8;
	[tilespmem:$0x2A00] =	vst v63  }
0x41: {  	_ =	swait.ge [sflag:s8], $0x2800  }
0x42: {  	[sflag:s8] =	ssyncset.done $0x0  }
0x43: {  	[sflag:s8] =	ssyncadd.s32 $0xFFFFD800  }
0x44: {  	[hbm4b:s13+s3] =	stream.linear.scatter [tilespmem:s7], [sflag:$0x2], $0x2800, $0x38;
	[tilespmem:$0x2A00] =	vst v63  }
0x45: {  	_ =	swait.ge [sflag:s4], $0x2800  }
0x46: {  	[sflag:s4] =	ssyncset.done $0x0  }
0x47: {  	[sflag:s4] =	ssyncadd.s32 $0xFFFFD800  }
0x48: {  	[tilespmem:s7], [sflag:$0x1] =	stream.indirect.gather [hbm4b:s2+s6], $0x80, s14, s6, $0xb8;
	[tilespmem:$0x2A00] =	vst v63  }
0x49: {  	_ =	swait.ge [sflag:s8], $0x2800  }
.Ltmp1:
0x4a: {  	[sflag:s8] =	ssyncset.done $0x0;
	(pc) =	sbr.rel @p0 .LBB2_1-.Ltmp1, $4  }
0x4b: {  	[sflag:s8] =	ssyncadd.s32 $0xFFFFD800  }
0x4c: {  	[hbm4b:s15+s3] =	stream.linear.scatter [tilespmem:s7], [sflag:$0x2], $0x2800, $0x38;
	[tilespmem:$0x2A00] =	vst v63  }
0x4d: {  	_ =	swait.ge [sflag:s4], $0x2800  }
0x4e: {  	[sflag:s4] =	ssyncset.done $0x0  }
.LBB2_2:
0x4f: {  	[sflag:s4] =	ssyncadd.s32 $0xFFFFD800  }
0x50: {  	_ =	sfence.sel $0x180000  }
0x51: {  	[bflag:$0x0] =	sbarrier.arrive $0xFFFF  }
0x52: {  	p0 =	sne.s32 s0, $0x0;
	_ =	strace $0x90000050  }
0x53: {  	s0 =	sadd.s32 @!p0 $0x100000, s1;
	[bflag:$0x2] =	sbarrier.arrive $0xFFFF  }
0x54: {  	[sflag:s0] =	ssyncadd.tile.s32 @!p0 $0x1;
	_ =	shalt  }
.Lfunc_end2:
_tile_overlayer_lowered:
.L_overlay_start_2:
0x55: {  	(tag) =	ssettag $0x2  }
0x56: {  	s0 =	rddreg [dreg:$0x0];
	s2 =	stileid.u32  }
0x57: {  	s1 =	rddreg [dreg:$0x1];
	p0 =	sne.s32 s2, $0x0  }
0x58: {  	s3 =	rddreg [dreg:$0x2];
	[bflag:$0x3] =	sbarrier.arrive $0xFFFF;
	s2 =	simm.s32 @!p0 $0x1C02  }
0x59: {  	[timem:s3], [sflag:s2] =	dma.local @!p0 [hbm:s0], s1  }
0x5a: {  	s0 =	simm.s32 @!p0 $0x2  }
0x5b: {  	_ =	swait.ge @!p0 [sflag:s0], s1  }
0x5c: {  	s1 =	ssub.s32 @!p0 $0x0, s1;
	[sflag:s0] =	ssyncset.done @!p0 $0x0  }
0x5d: {  	[sflag:s0] =	ssyncadd.s32 @!p0 s1  }
0x5e: {  	[bflag:$0x3] =	sbarrier.arrive $0xFFFF  }
0x5f: {  	_ =	shalt  }

// kernel: kernel.9.cloned.1.call-start
scs
__scs_entry_jumppad:
0x0: {  	(pc) =	sbr.rel $0x88, $3  }
0x1: {  	(tag) =	ssettag $0x0;
	lr =	simm.s32 $0x1  }
0x2: {  	[smem:$0x3F98] =	sst lr;
	_ =	strace $0xD0000000  }
0x3: {  	_ = 	snop  }
0x4: {  	_ = 	snop  }
0x5: {  	_ = 	snop  }
0x6: {  	_ = 	snop  }
0x7: {  	_ = 	snop  }
__scs_overlays_trampoline_lowered:
0x8: {  	[smem:$0x3FA7] =	sst s0  }
0x9: {  	[smem:$0x3FA8] =	sst s1  }
0xa: {  	[smem:$0x3FA9] =	sst s2  }
0xb: {  	[smem:$0x3FAA] =	sst s3  }
0xc: {  	[smem:$0x3FAB] =	sst s4  }
0xd: {  	[smem:$0x3FAC] =	sst s5  }
0xe: {  	[smem:$0x3FAD] =	sst s6  }
0xf: {  	[smem:$0x3FAE] =	sst s7  }
0x10: {  	[smem:$0x3FAF] =	sst s8  }
0x11: {  	[smem:$0x3FB0] =	sst s9;
	s0 =	simm.s32 @!p0 $0x0  }
0x12: {  	s1 =	sld [smem:$0x3F96];
	s0 =	simm.s32 @p0 $0x1  }
0x13: {  	[smem:$0x3FB1] =	sst s0;
	s0 =	simm.s32 @!p1 $0x0  }
0x14: {  	s2 =	sld [smem:$0x3F95];
	s0 =	simm.s32 @p1 $0x1  }
0x15: {  	[smem:$0x3FB2] =	sst s0;
	s0 =	simm.s32 @!p2 $0x0  }
0x16: {  	s3 =	sld [smem:$0x3FDB];
	s0 =	simm.s32 @p2 $0x1  }
0x17: {  	s4 =	simm.s32 $0x1BF5;
	[smem:$0x3FB4] =	sst s0  }
0x18: {  	s0 =	sld [smem:$0x3F97];
	_ =	swait.ge [sflag:s4], $0x0  }
0x19: {  	s7 =	sld [smem:$0x3F98]  }
0x1a: {  	s8 =	sadd.s32 $0xFFFFE003, lr  }
0x1b: {  	s9 =	sadd.s32 $0xFFFFFEF7, lr;
	s5 =	simm.s32 $0xFFFFFFFF;
	p2 =	slt.u32 s8, $0xFFFFF086  }
0x1c: {  	p1 =	slt.u32 s9, $0xF7A;
	s5 =	simm.s32 @!p2 $0x0  }
0x1d: {  	s5 =	simm.s32 @p1 $0x1;
	p0 =	seq.s32 s7, s2  }
0x1e: {  	s7 =	smul.u32 @!p0 $0xF7A, s2;
	p2 =	seq.s32 @!p0 s5, $0x0  }
0x1f: {  	s9 =	smul.u32 $0xF7A, s1;
	s8 =	simm.s32 @!p0 $0x1BF5;
	p2 =	por !p2, p0  }
0x20: {  	[sflag:s8] =	ssyncset.s32 @!p0 $0xFFFFF086;
	s6 =	sadd.s32 @!p0 s3, s7;
	s7 =	simm.s32 @!p0 $0x108  }
0x21: {  	s3 =	sadd.s32 s3, s9;
	s6 =	sadd.s32 @!p0 $0x88, s6;
	s7 =	simm.s32 @p2 $0x1082  }
0x22: {  	[simem:s7], [sflag:s8] =	dma.local @!p0 [hbm:s6], $0xF7A  }
0x23: {  	s9 =	sor.u32 $0xD0000000, s2;
	s6 =	simm.s32 $0x108;
	_ =	swait.ge @!p0 [sflag:s8], $0x0  }
0x24: {  	s3 =	sadd.s32 $0x88, s3;
	s6 =	simm.s32 @!p1 $0x1082;
	[sflag:s4] =	ssyncset.s32 $0xFFFFF086  }
0x25: {  	[simem:s6], [sflag:s4] =	dma.local [hbm:s3], $0xF7A  }
0x26: {  	[smem:$0x3F98] =	sst s1;
	(tag) =	ssettag s2;
	_ =	strace s9  }
0x27: {  	s1 =	sld [smem:$0x3FA8]  }
0x28: {  	s2 =	sld [smem:$0x3FA9]  }
0x29: {  	s4 =	sld [smem:$0x3FAB]  }
0x2a: {  	p0 =	seq.s32 s5, $0x0;
	s5 =	sld [smem:$0x3FAC]  }
0x2b: {  	s6 =	sld [smem:$0x3FAD]  }
0x2c: {  	s7 =	sld [smem:$0x3FAE]  }
0x2d: {  	s3 =	simm.s32 $0x108;
	s8 =	sld [smem:$0x3FAF]  }
0x2e: {  	s3 =	simm.s32 @!p0 $0x1082;
	s9 =	sld [smem:$0x3FB0]  }
0x2f: {  	lr =	sadd.s32 s0, s3;
	s0 =	sld [smem:$0x3FA7]  }
0x30: {  	s3 =	sld [smem:$0x3FAA]  }
0x31: {  	[smem:$0x3FB3] =	sst s10  }
0x32: {  	s10 =	sld [smem:$0x3FB1];
	_ =	sdelay $0x3  }
0x33: {  	p0 =	seq.s32 s10, $0x1;
	s10 =	sld [smem:$0x3FB3];
	_ =	sdelay $0x3  }
0x34: {  	[smem:$0x3FB3] =	sst s10  }
0x35: {  	s10 =	sld [smem:$0x3FB2];
	_ =	sdelay $0x3  }
0x36: {  	p1 =	seq.s32 s10, $0x1;
	s10 =	sld [smem:$0x3FB3];
	_ =	sdelay $0x3  }
0x37: {  	[smem:$0x3FB3] =	sst s10  }
0x38: {  	s10 =	sld [smem:$0x3FB4]  }
0x39: {  	_ = 	snop;
	(pc) =	sbr.ind lr, $3  }
0x3a: {  	_ = 	snop  }
0x3b: {  	_ = 	snop  }
0x3c: {  	p2 =	seq.s32 s10, $0x1;
	s10 =	sld [smem:$0x3FB3]  }
0x3d: {  	_ =	shalt  }
0x3e: {  	_ =	shalt  }
0x3f: {  	_ =	shalt  }
0x40: {  	_ =	shalt  }
0x41: {  	_ =	shalt  }
0x42: {  	_ =	shalt  }
0x43: {  	_ =	shalt  }
0x44: {  	_ =	shalt  }
0x45: {  	_ =	shalt  }
0x46: {  	_ =	shalt  }
0x47: {  	_ =	shalt  }
0x48: {  	_ =	shalt  }
0x49: {  	_ =	shalt  }
0x4a: {  	_ =	shalt  }
0x4b: {  	_ =	shalt  }
0x4c: {  	_ =	shalt  }
0x4d: {  	_ =	shalt  }
0x4e: {  	_ =	shalt  }
0x4f: {  	_ =	shalt  }
0x50: {  	_ =	shalt  }
0x51: {  	_ =	shalt  }
0x52: {  	_ =	shalt  }
0x53: {  	_ =	shalt  }
0x54: {  	_ =	shalt  }
0x55: {  	_ =	shalt  }
0x56: {  	_ =	shalt  }
0x57: {  	_ =	shalt  }
0x58: {  	_ =	shalt  }
0x59: {  	_ =	shalt  }
0x5a: {  	_ =	shalt  }
0x5b: {  	_ =	shalt  }
0x5c: {  	_ =	shalt  }
0x5d: {  	_ =	shalt  }
0x5e: {  	_ =	shalt  }
0x5f: {  	_ =	shalt  }
0x60: {  	_ =	shalt  }
0x61: {  	_ =	shalt  }
0x62: {  	_ =	shalt  }
0x63: {  	_ =	shalt  }
0x64: {  	_ =	shalt  }
0x65: {  	_ =	shalt  }
0x66: {  	_ =	shalt  }
0x67: {  	_ =	shalt  }
0x68: {  	_ =	shalt  }
0x69: {  	_ =	shalt  }
0x6a: {  	_ =	shalt  }
0x6b: {  	_ =	shalt  }
0x6c: {  	_ =	shalt  }
0x6d: {  	_ =	shalt  }
0x6e: {  	_ =	shalt  }
0x6f: {  	_ =	shalt  }
0x70: {  	_ =	shalt  }
0x71: {  	_ =	shalt  }
0x72: {  	_ =	shalt  }
0x73: {  	_ =	shalt  }
0x74: {  	_ =	shalt  }
0x75: {  	_ =	shalt  }
0x76: {  	_ =	shalt  }
0x77: {  	_ =	shalt  }
0x78: {  	_ =	shalt  }
0x79: {  	_ =	shalt  }
0x7a: {  	_ =	shalt  }
0x7b: {  	_ =	shalt  }
0x7c: {  	_ =	shalt  }
0x7d: {  	_ =	shalt  }
0x7e: {  	_ =	shalt  }
0x7f: {  	_ =	shalt  }
0x80: {  	_ =	shalt  }
0x81: {  	_ =	shalt  }
0x82: {  	_ =	shalt  }
0x83: {  	_ =	shalt  }
0x84: {  	_ =	shalt  }
0x85: {  	_ =	shalt  }
0x86: {  	_ =	shalt  }
0x87: {  	_ =	shalt  }
.Lfunc_end0:
.L_simem_size_0:
called_computation_lowered:
.L_overlay_start_0:
0x88: {  	s2 =	sld [smem:$0x3FD9]  }
0x89: {  	s3 =	sld [smem:$0x3FFE];
	_ =	sdelay $0x1  }
0x8a: {  	s1 =	srdreg.scid  }
0x8b: {  	s0 =	sand.u32 $0x1, s1  }
0x8c: {  	s17 =	sshll.u32 s0, $0xA;
	s2 =	sadd.s32 s3, s2  }
0x8d: {  	s2 =	sadd.s32 s2, s17  }
0x8e: {  	[smem:$0x3FBF] =	sst s2  }
0x8f: {  	_ = 	snop  }
0x90: {  	s2 =	sld [smem:$0x3FD0];
	(tm) =	ssettm $0x1  }
0x91: {  	s18 =	sld [smem:$0x3FFB];
	_ =	sdelay $0x3  }
0x92: {  	_ =	strace s18  }
0x93: {  	s3 =	sld [smem:$0x3FFC];
	_ =	sdelay $0x3  }
0x94: {  	_ =	strace s3  }
0x95: {  	s3 =	sld [smem:$0x3FFD];
	_ =	sdelay $0x3  }
0x96: {  	_ =	strace s3  }
0x97: {  	_ =	strace $0x8FFFFFFF  }
0x98: {  	s19 =	sld [smem:$0x3FDB];
	_ =	sdelay $0x1  }
0x99: {  	s4 =	simm.s32 $_scs_section_size  }
0x9a: {  	s5 =	simm.s32 $_size__tile_overlayer_lowered;
	s6 =	simm.s32 $_tile_overlayer_lowered  }
0x9b: {  	s22 =	simm.s32 $0x1BFF;
	s21 =	sshll.u32 s6, $0x1;
	s3 =	sadd.s32 s4, s19  }
0x9c: {  	s7 =	simm.s32 $0x0;
	s20 =	sshll.u32 s5, $0x1;
	s5 =	sadd.s32 s21, s3  }
0x9d: {  	[timem:s7], [sflag:s22] =	dma.local [hbm:s5], s20  }
0x9e: {  	_ =	swait.ge [sflag:s22], s20  }
0x9f: {  	s4 =	ssub.s32 $0x0, s20;
	[sflag:s22] =	ssyncset.done $0x0  }
0xa0: {  	[sflag:s22] =	ssyncadd.s32 s4;
	_ =	sdelay $0x1  }
0xa1: {  	s23 =	simm.s32 $0x1B8B  }
0xa2: {  	_ =	swait.ge [sflag:s23], $0x1  }
0xa3: {  	[sflag:s23] =	ssyncset.done $0x0  }
0xa4: {  	s25 =	simm.s32 $0x1B8E;
	s24 =	sld [smem:$0x3FFE];
	[sflag:s23] =	ssyncadd.s32 $0xFFFFFFFF  }
0xa5: {  	s26 =	simm.s32 $execute0_lowered;
	[smem:$0x3FD2] =	sst s25  }
0xa6: {  	s5 =	sshll.u32 s26, $0x1;
	_ =	strace $0x80000046;
	[dreg:$0x1] =	wrdreg $0xFFFFFFFF  }
0xa7: {  	s28 =	simm.s32 $_size_execute0_lowered;
	s3 =	sadd.s32 s3, s5;
	[dreg:$0x0] =	wrdreg $0x0  }
0xa8: {  	s5 =	sshll.u32 s28, $0x1;
	[dreg:$0x2] =	wrdreg s3  }
0xa9: {  	[dreg:$0x3] =	wrdreg s5  }
0xaa: {  	[dreg:$0x4] =	wrdreg $0xC0  }
0xab: {  	_ =	task [dreg:s7], $0x5FFFF  }
0xac: {  	[dreg:$0x1] =	wrdreg $0xFFFFFFFF  }
0xad: {  	[dreg:$0x0] =	wrdreg $0x60  }
0xae: {  	[dreg:$0x2] =	wrdreg s24  }
0xaf: {  	[dreg:$0x3] =	wrdreg s2  }
0xb0: {  	[dreg:$0x4] =	wrdreg $0xA0000  }
0xb1: {  	[dreg:$0x5] =	wrdreg $0x9  }
0xb2: {  	_ =	task.clear_ibuf [dreg:s7], $0x6FFFF;
	_ =	strace $0x90000046  }
0xb3: {  	s29 =	simm.s32 $0x9;
	_ =	strace $0x80000048  }
0xb4: {  	_ =	swait.ge [sflag:s29], $0x1  }
0xb5: {  	[sflag:s29] =	ssyncadd.s32 $0xFFFFFFFF  }
0xb6: {  	_ =	strace $0x90000048  }
0xb7: {  	_ =	sfence  }
0xb8: {  	s30 =	sld [smem:$0x0];
	_ =	sdelay $0x2  }
0xb9: {  	s31 =	sshll.u32 s1, $0xD;
	s1 =	sshrl.u32 s1, $0x2  }
0xba: {  	s3 =	sand.u32 $0x4000, s31;
	s1 =	sadd.s32 s1, s30  }
0xbb: {  	s0 =	sor.u32 s3, s0;
	s1 =	sshll.u32 s1, $0x11  }
0xbc: {  	s0 =	sor.u32 s1, s0  }
0xbd: {  	s0 =	sadd.s32 $0x8F2B, s0  }
0xbe: {  	[sflag:s0] =	ssyncadd.remote.s32 $0x1  }
0xbf: {  	_ =	sfence.sel $0xFFFF  }
0xc0: {  	[dreg:$0x0] =	wrdreg $0xFFFFFFFF;
	(pc) =	sbr.abs _section_cstart, $3  }
0xc1: {  	[dreg:$0x1] =	wrdreg $0xFFFFFFFF  }
0xc2: {  	_ =	task.clear_ibuf [dreg:s7], $0x2FFFF;
	_ =	strace $0x9FFFFFFF  }
0xc3: {  	(tm) =	ssettm $0x7FFFFFFF  }
tec
execute0_lowered:
.L_overlay_start_1:
0x0: {  	(tag) =	ssettag $0x1  }
0x1: {  	s0 =	rddreg [dreg:$0x0]  }
0x2: {  	s1 =	rddreg [dreg:$0x1]  }
0x3: {  	s2 =	rddreg [dreg:$0x2];
	s3 =	simm.s32 $0x0  }
0x4: {  	s4 =	simm.s32 $0x100;
	[smem:$0x7FF] =	sst s3  }
0x5: {  	s26 =	simm.s32 $0x1080;
	_ =	strace $0x80000047;
	[dreg:$0x4] =	wrdreg s4  }
0x6: {  	s5 =	simm.s32 $0x180;
	[dreg:$0x5] =	wrdreg s26  }
0x7: {  	s6 =	simm.s32 $0x1100;
	[dreg:$0x6] =	wrdreg s5  }
0x8: {  	s7 =	simm.s32 $0x200;
	[dreg:$0x7] =	wrdreg s6  }
0x9: {  	s8 =	simm.s32 $0x1180;
	[dreg:$0x8] =	wrdreg s7  }
0xa: {  	s9 =	simm.s32 $0x280;
	[dreg:$0x9] =	wrdreg s8  }
0xb: {  	s10 =	simm.s32 $0x1200;
	[dreg:$0xa] =	wrdreg s9  }
0xc: {  	s11 =	simm.s32 $0x300;
	[dreg:$0xb] =	wrdreg s10  }
0xd: {  	s12 =	simm.s32 $0x1280;
	[dreg:$0xc] =	wrdreg s11  }
0xe: {  	s13 =	simm.s32 $0x380;
	[dreg:$0xd] =	wrdreg s12  }
0xf: {  	s14 =	simm.s32 $0x1300;
	[dreg:$0xe] =	wrdreg s13  }
0x10: {  	s15 =	simm.s32 $0x400;
	[dreg:$0xf] =	wrdreg s14  }
0x11: {  	s16 =	simm.s32 $0x1380;
	[dreg:$0x10] =	wrdreg s15  }
0x12: {  	s17 =	simm.s32 $0x480;
	[dreg:$0x11] =	wrdreg s16  }
0x13: {  	s18 =	simm.s32 $0x1400;
	[dreg:$0x12] =	wrdreg s17  }
0x14: {  	s19 =	simm.s32 $0x500;
	[dreg:$0x13] =	wrdreg s18  }
0x15: {  	s20 =	simm.s32 $0x1480;
	[dreg:$0x14] =	wrdreg s19  }
0x16: {  	s21 =	simm.s32 $0x580;
	[dreg:$0x15] =	wrdreg s20  }
0x17: {  	s22 =	simm.s32 $0x1500;
	[dreg:$0x16] =	wrdreg s21  }
0x18: {  	s23 =	simm.s32 $0x600;
	[dreg:$0x17] =	wrdreg s22  }
0x19: {  	s24 =	simm.s32 $0x1580;
	[dreg:$0x18] =	wrdreg s23  }
0x1a: {  	s25 =	simm.s32 $0x680;
	[dreg:$0x19] =	wrdreg s24  }
0x1b: {  	[dreg:$0x1a] =	wrdreg s25;
	s26 =	simm.s32 $0x1600  }
0x1c: {  	s11 =	simm.s32 $0x1680;
	[dreg:$0x1b] =	wrdreg s26  }
0x1d: {  	s13 =	simm.s32 $0x780;
	[dreg:$0x1d] =	wrdreg s11  }
0x1e: {  	s15 =	simm.s32 $0x1700;
	[dreg:$0x1e] =	wrdreg s13  }
0x1f: {  	s28 =	simm.s32 $0x1;
	s17 =	simm.s32 $0x880;
	[dreg:$0x1f] =	wrdreg s15  }
0x20: {  	s29 =	simm.s32 $0x2;
	s18 =	simm.s32 $0x900;
	[smem:$0x7DA] =	sst s17  }
0x21: {  	s30 =	simm.s32 $0x4;
	s19 =	simm.s32 $0x1880;
	[smem:$0x7DB] =	sst s18  }
0x22: {  	s31 =	simm.s32 $0x0;
	s21 =	simm.s32 $0x980;
	[smem:$0x7DC] =	sst s19  }
0x23: {  	s5 =	sadd.s32 $0xD800, s0;
	s22 =	simm.s32 $0x1900;
	[smem:$0x7DD] =	sst s21  }
0x24: {  	s12 =	stileid.u32;
	s23 =	simm.s32 $0xA00;
	[smem:$0x7DE] =	sst s22  }
0x25: {  	s6 =	sadd.s32 $0x3800, s0;
	s24 =	simm.s32 $0x1980;
	[smem:$0x7DF] =	sst s23  }
0x26: {  	s9 =	srdreg.scid;
	s11 =	simm.s32 $0x1780;
	[smem:$0x7E0] =	sst s24  }
0x27: {  	s7 =	smul.u32 $0x14000, s12;
	s26 =	simm.s32 $0xA80;
	[smem:$0x7D9] =	sst s11  }
0x28: {  	s9 =	sand.u32 $0x1, s9;
	s13 =	simm.s32 $0x1A00;
	[smem:$0x7E1] =	sst s26  }
0x29: {  	s20 =	sshll.u32 s12, $0x5;
	s15 =	simm.s32 $0x1A80;
	[smem:$0x7E2] =	sst s13  }
0x2a: {  	s25 =	smul.u32 $0x50000, s12;
	s18 =	simm.s32 $0x1B00;
	[smem:$0x7E5] =	sst s15  }
0x2b: {  	s17 =	sshll.u32 s12, $0x6;
	s19 =	simm.s32 $0xC00;
	[smem:$0x7E7] =	sst s18  }
0x2c: {  	s21 =	simm.s32 $0x1B80;
	s22 =	simm.s32 $0xC80;
	[smem:$0x7E8] =	sst s19  }
0x2d: {  	s24 =	simm.s32 $0x1C00;
	s10 =	smul.u32 $0x140000, s9;
	[smem:$0x7EA] =	sst s21  }
0x2e: {  	s14 =	ssub.s32 $0x2, s9;
	p0 =	seq.s32 s9, $0x0;
	[smem:$0x7EC] =	sst s22  }
0x2f: {  	s9 =	sshll.u32 s12, $0x7;
	[smem:$0x7ED] =	sst s24;
	s15 =	simm.s32 $0xD80  }
0x30: {  	s18 =	simm.s32 $0xE00;
	s19 =	simm.s32 $0x1D80;
	[smem:$0x7F3] =	sst s15  }
0x31: {  	s21 =	simm.s32 $0x1E00;
	s22 =	simm.s32 $0xF00;
	[smem:$0x7F5] =	sst s18  }
0x32: {  	s24 =	simm.s32 $0xF80;
	s8 =	sshrl.u32 s7, $0x3;
	[smem:$0x7F6] =	sst s19  }
0x33: {  	s16 =	sshrl.u32 s14, $0x1;
	s11 =	sshrl.u32 s25, $0x2;
	[smem:$0x7F8] =	sst s21  }
0x34: {  	s25 =	simm.s32 $0xD00;
	s19 =	simm.s32 $0x5;
	[smem:$0x7F9] =	sst s22  }
0x35: {  	s21 =	simm.s32 $0x800;
	[smem:$0x7FB] =	sst s24;
	s22 =	simm.s32 $0x1800  }
0x36: {  	s24 =	simm.s32 $0x80;
	s8 =	sadd.s32 s8, s0;
	s7 =	sadd.s32 s7, s10  }
0x37: {  	s10 =	simm.s32 $0x700;
	s4 =	ssub.s32 s14, s16;
	s14 =	simm.s32 $0xB00  }
0x38: {  	s11 =	sadd.s32 s11, s2;
	s16 =	simm.s32 $0xB80;
	[smem:$0x7EF] =	sst s25  }
0x39: {  	s25 =	simm.s32 $0x1F00;
	s7 =	sshrl.u32 s7, $0x3;
	[dreg:$0x1c] =	wrdreg s10  }
0x3a: {  	s10 =	sor.u32 $0x800, s20;
	[smem:$0x7E3] =	sst s14;
	s8 =	sadd.s32 $0x35800, s8  }
0x3b: {  	[smem:$0x7E6] =	sst s16;
	s14 =	simm.s32 $0x1C80;
	s18 =	sshrl.u32 s11, $0x3  }
0x3c: {  	[smem:$0x7FC] =	sst s25;
	s25 =	simm.s32 $0x2000;
	s0 =	sadd.s32 s7, s0  }
0x3d: {  	s10 =	smov.u32 @p0 s9;
	[smem:$0x7E4] =	sst s8;
	s9 =	sor.u32 $0x1C05, s17  }
0x3e: {  	[smem:$0x7F1] =	sst s14;
	s17 =	simm.s32 $0x1D00;
	s20 =	sshll.u32 s10, $0x4  }
0x3f: {  	s7 =	simm.s32 $0x8;
	[smem:$0x7F4] =	sst s17;
	s13 =	sadd.s32 s6, s20  }
0x40: {  	s7 =	simm.s32 @!p0 $0x2;
	s23 =	sadd.s32 s1, s20;
	[smem:$0x7E9] =	sst s13  }
0x41: {  	s10 =	sshll.u32 s10, $0x7;
	s16 =	sshrl.u32 s7, $0x1;
	[smem:$0x7EB] =	sst s23  }
0x42: {  	s12 =	sor.u32 $0x100, s20;
	s20 =	simm.s32 $0xE80;
	[smem:$0x7F2] =	sst s16  }
0x43: {  	s15 =	sadd.s32 $0x5D800, s0;
	s26 =	sadd.s32 s6, s12;
	[smem:$0x7F7] =	sst s20  }
0x44: {  	s12 =	sadd.s32 s1, s12;
	s16 =	smax.u32 s4, $0x1;
	[smem:$0x7EE] =	sst s26  }
0x45: {  	s4 =	sadd.s32 $0x1000, s10;
	s23 =	simm.s32 $0x1E80;
	[smem:$0x7F0] =	sst s12  }
0x46: {  	s20 =	simm.s32 $0x1000;
	[smem:$0x7FA] =	sst s23;
	s26 =	simm.s32 $0x1F80  }
0x47: {  	s23 =	simm.s32 $0x3;
	[smem:$0x7FD] =	sst s26;
	s26 =	simm.s32 $0x6000  }
.LBB2_1:
0x48: {  	s0 =	sld [smem:$0x7E4];
	_ =	sdelay $0x2  }
0x49: {  	[spmem:s18], [sflag:s9] =	dma.local [hbm:s0], $0x2800  }
0x4a: {  	_ =	swait.ge [sflag:s19], $0x2800  }
0x4b: {  	s17 =	sld [smem:$0x7E9]  }
0x4c: {  	[sflag:s19] =	ssyncset.done $0x0  }
0x4d: {  	s8 =	sld [smem:$0x7EB];
	[sflag:s19] =	ssyncadd.s32 $0xFFFFD800  }
0x4e: {  	[tilespmem:s3], [sflag:$0x3] =	stream.linear.gather [hbm4b:s17+s3], $0x800, $0x38;
	[tilespmem:$0x1E000] =	vst v63  }
0x4f: {  	s10 =	sld [smem:$0x7EE]  }
0x50: {  	[tilespmem:s20], [sflag:$0x3] =	stream.linear.gather [hbm4b:s8+s3], $0x800, $0x38;
	[tilespmem:$0x1E000] =	vst v63  }
0x51: {  	s11 =	sld [smem:$0x7F0]  }
0x52: {  	[tilespmem:s21], [sflag:$0x4] =	stream.linear.gather [hbm4b:s10+s3], $0x800, $0x38;
	[tilespmem:$0x1E000] =	vst v63  }
0x53: {  	_ = 	snop  }
0x54: {  	[tilespmem:s22], [sflag:$0x4] =	stream.linear.gather [hbm4b:s11+s3], $0x800, $0x38;
	[tilespmem:$0x1E000] =	vst v63  }
0x55: {  	[bflag:$0x0] =	sbarrier.arrive $0xFFFF  }
0x56: {  	_ =	swait.ge [sflag:s23], $0x800  }
0x57: {  	[sflag:s23] =	ssyncset.done $0x0  }
0x58: {  	[sflag:s23] =	ssyncadd.s32 $0xFFFFF800  }
0x59: {  	_ =	swait.ge [sflag:s23], $0x800  }
0x5a: {  	[sflag:s23] =	ssyncset.done $0x0  }
0x5b: {  	[sflag:s23] =	ssyncadd.s32 $0xFFFFF800  }
0x5c: {  	[tilespmem:s25], [sflag:$0x1] =	stream.indirect.gather [hbm4b:s5+s24], $0x80, s3, s24, $0xb8;
	[tilespmem:$0x1E000] =	vst v63  }
0x5d: {  	_ = 	snop  }
0x5e: {  	[tilespmem:s26], [sflag:$0x2] =	stream.indirect.gather [hbm4b:s5+s24], $0x80, s24, s24, $0xb8;
	[tilespmem:$0x1E000] =	vst v63  }
0x5f: {  	_ =	swait.ge [sflag:s28], $0x4000  }
0x60: {  	[sflag:s28] =	ssyncset.done $0x0  }
0x61: {  	[sflag:s28] =	ssyncadd.s32 $0xFFFFC000  }
0x62: {  	[spmem:s2] =	stream.indirect.scatter.add.f32 [tilespmem:s25], [sflag:$0x5], $0x80, s20, s24, $0xb8;
	[tilespmem:$0x1E000] =	vst v63  }
0x63: {  	_ =	swait.ge [sflag:s19], $0x4000  }
0x64: {  	[sflag:s19] =	ssyncset.done $0x0  }
0x65: {  	s12 =	rddreg [dreg:$0x4];
	[sflag:s19] =	ssyncadd.s32 $0xFFFFC000  }
0x66: {  	[tilespmem:s25], [sflag:$0x1] =	stream.indirect.gather [hbm4b:s5+s24], $0x80, s12, s24, $0xb8;
	[tilespmem:$0x1E000] =	vst v63  }
0x67: {  	_ =	swait.ge [sflag:s29], $0x4000  }
0x68: {  	[sflag:s29] =	ssyncset.done $0x0  }
0x69: {  	s13 =	rddreg [dreg:$0x5];
	[sflag:s29] =	ssyncadd.s32 $0xFFFFC000  }
0x6a: {  	[spmem:s2] =	stream.indirect.scatter.add.f32 [tilespmem:s26], [sflag:$0x5], $0x80, s13, s24, $0xb8;
	[tilespmem:$0x1E000] =	vst v63  }
0x6b: {  	_ =	swait.ge [sflag:s19], $0x4000  }
0x6c: {  	[sflag:s19] =	ssyncset.done $0x0  }
0x6d: {  	s14 =	rddreg [dreg:$0x6];
	[sflag:s19] =	ssyncadd.s32 $0xFFFFC000  }
0x6e: {  	[tilespmem:s26], [sflag:$0x2] =	stream.indirect.gather [hbm4b:s5+s24], $0x80, s14, s24, $0xb8;
	[tilespmem:$0x1E000] =	vst v63  }
0x6f: {  	_ =	swait.ge [sflag:s28], $0x4000  }
0x70: {  	[sflag:s28] =	ssyncset.done $0x0  }
0x71: {  	s17 =	rddreg [dreg:$0x7];
	[sflag:s28] =	ssyncadd.s32 $0xFFFFC000  }
0x72: {  	[spmem:s2] =	stream.indirect.scatter.add.f32 [tilespmem:s25], [sflag:$0x5], $0x80, s17, s24, $0xb8;
	[tilespmem:$0x1E000] =	vst v63  }
0x73: {  	_ =	swait.ge [sflag:s19], $0x4000  }
0x74: {  	[sflag:s19] =	ssyncset.done $0x0  }
0x75: {  	s8 =	rddreg [dreg:$0x8];
	[sflag:s19] =	ssyncadd.s32 $0xFFFFC000  }
0x76: {  	[tilespmem:s25], [sflag:$0x1] =	stream.indirect.gather [hbm4b:s5+s24], $0x80, s8, s24, $0xb8;
	[tilespmem:$0x1E000] =	vst v63  }
0x77: {  	_ =	swait.ge [sflag:s29], $0x4000  }
0x78: {  	[sflag:s29] =	ssyncset.done $0x0  }
0x79: {  	s10 =	rddreg [dreg:$0x9];
	[sflag:s29] =	ssyncadd.s32 $0xFFFFC000  }
0x7a: {  	[spmem:s2] =	stream.indirect.scatter.add.f32 [tilespmem:s26], [sflag:$0x5], $0x80, s10, s24, $0xb8;
	[tilespmem:$0x1E000] =	vst v63  }
0x7b: {  	_ =	swait.ge [sflag:s19], $0x4000  }
0x7c: {  	[sflag:s19] =	ssyncset.done $0x0  }
0x7d: {  	s11 =	rddreg [dreg:$0xa];
	[sflag:s19] =	ssyncadd.s32 $0xFFFFC000  }
0x7e: {  	[tilespmem:s26], [sflag:$0x2] =	stream.indirect.gather [hbm4b:s5+s24], $0x80, s11, s24, $0xb8;
	[tilespmem:$0x1E000] =	vst v63  }
0x7f: {  	_ =	swait.ge [sflag:s28], $0x4000  }
0x80: {  	[sflag:s28] =	ssyncset.done $0x0  }
0x81: {  	s12 =	rddreg [dreg:$0xb];
	[sflag:s28] =	ssyncadd.s32 $0xFFFFC000  }
0x82: {  	[spmem:s2] =	stream.indirect.scatter.add.f32 [tilespmem:s25], [sflag:$0x5], $0x80, s12, s24, $0xb8;
	[tilespmem:$0x1E000] =	vst v63  }
0x83: {  	_ =	swait.ge [sflag:s19], $0x4000  }
0x84: {  	[sflag:s19] =	ssyncset.done $0x0  }
0x85: {  	s13 =	rddreg [dreg:$0xc];
	[sflag:s19] =	ssyncadd.s32 $0xFFFFC000  }
0x86: {  	[tilespmem:s25], [sflag:$0x1] =	stream.indirect.gather [hbm4b:s5+s24], $0x80, s13, s24, $0xb8;
	[tilespmem:$0x1E000] =	vst v63  }
0x87: {  	_ =	swait.ge [sflag:s29], $0x4000  }
0x88: {  	[sflag:s29] =	ssyncset.done $0x0  }
0x89: {  	s14 =	rddreg [dreg:$0xd];
	[sflag:s29] =	ssyncadd.s32 $0xFFFFC000  }
0x8a: {  	[spmem:s2] =	stream.indirect.scatter.add.f32 [tilespmem:s26], [sflag:$0x5], $0x80, s14, s24, $0xb8;
	[tilespmem:$0x1E000] =	vst v63  }
0x8b: {  	_ =	swait.ge [sflag:s19], $0x4000  }
0x8c: {  	[sflag:s19] =	ssyncset.done $0x0  }
0x8d: {  	s17 =	rddreg [dreg:$0xe];
	[sflag:s19] =	ssyncadd.s32 $0xFFFFC000  }
0x8e: {  	[tilespmem:s26], [sflag:$0x2] =	stream.indirect.gather [hbm4b:s5+s24], $0x80, s17, s24, $0xb8;
	[tilespmem:$0x1E000] =	vst v63  }
0x8f: {  	_ =	swait.ge [sflag:s28], $0x4000  }
0x90: {  	[sflag:s28] =	ssyncset.done $0x0  }
0x91: {  	s8 =	rddreg [dreg:$0xf];
	[sflag:s28] =	ssyncadd.s32 $0xFFFFC000  }
0x92: {  	[spmem:s2] =	stream.indirect.scatter.add.f32 [tilespmem:s25], [sflag:$0x5], $0x80, s8, s24, $0xb8;
	[tilespmem:$0x1E000] =	vst v63  }
0x93: {  	_ =	swait.ge [sflag:s19], $0x4000  }
0x94: {  	[sflag:s19] =	ssyncset.done $0x0  }
0x95: {  	s10 =	rddreg [dreg:$0x10];
	[sflag:s19] =	ssyncadd.s32 $0xFFFFC000  }
0x96: {  	[tilespmem:s25], [sflag:$0x1] =	stream.indirect.gather [hbm4b:s5+s24], $0x80, s10, s24, $0xb8;
	[tilespmem:$0x1E000] =	vst v63  }
0x97: {  	_ =	swait.ge [sflag:s29], $0x4000  }
0x98: {  	[sflag:s29] =	ssyncset.done $0x0  }
0x99: {  	s11 =	rddreg [dreg:$0x11];
	[sflag:s29] =	ssyncadd.s32 $0xFFFFC000  }
0x9a: {  	[spmem:s2] =	stream.indirect.scatter.add.f32 [tilespmem:s26], [sflag:$0x5], $0x80, s11, s24, $0xb8;
	[tilespmem:$0x1E000] =	vst v63  }
0x9b: {  	_ =	swait.ge [sflag:s19], $0x4000  }
0x9c: {  	[sflag:s19] =	ssyncset.done $0x0  }
0x9d: {  	s12 =	rddreg [dreg:$0x12];
	[sflag:s19] =	ssyncadd.s32 $0xFFFFC000  }
0x9e: {  	[tilespmem:s26], [sflag:$0x2] =	stream.indirect.gather [hbm4b:s5+s24], $0x80, s12, s24, $0xb8;
	[tilespmem:$0x1E000] =	vst v63  }
0x9f: {  	_ =	swait.ge [sflag:s28], $0x4000  }
0xa0: {  	[sflag:s28] =	ssyncset.done $0x0  }
0xa1: {  	s13 =	rddreg [dreg:$0x13];
	[sflag:s28] =	ssyncadd.s32 $0xFFFFC000  }
0xa2: {  	[spmem:s2] =	stream.indirect.scatter.add.f32 [tilespmem:s25], [sflag:$0x5], $0x80, s13, s24, $0xb8;
	[tilespmem:$0x1E000] =	vst v63  }
0xa3: {  	_ =	swait.ge [sflag:s19], $0x4000  }
0xa4: {  	[sflag:s19] =	ssyncset.done $0x0  }
0xa5: {  	s14 =	rddreg [dreg:$0x14];
	[sflag:s19] =	ssyncadd.s32 $0xFFFFC000  }
0xa6: {  	[tilespmem:s25], [sflag:$0x1] =	stream.indirect.gather [hbm4b:s5+s24], $0x80, s14, s24, $0xb8;
	[tilespmem:$0x1E000] =	vst v63  }
0xa7: {  	_ =	swait.ge [sflag:s29], $0x4000  }
0xa8: {  	[sflag:s29] =	ssyncset.done $0x0  }
0xa9: {  	s17 =	rddreg [dreg:$0x15];
	[sflag:s29] =	ssyncadd.s32 $0xFFFFC000  }
0xaa: {  	[spmem:s2] =	stream.indirect.scatter.add.f32 [tilespmem:s26], [sflag:$0x5], $0x80, s17, s24, $0xb8;
	[tilespmem:$0x1E000] =	vst v63  }
0xab: {  	_ =	swait.ge [sflag:s19], $0x4000  }
0xac: {  	[sflag:s19] =	ssyncset.done $0x0  }
0xad: {  	s8 =	rddreg [dreg:$0x16];
	[sflag:s19] =	ssyncadd.s32 $0xFFFFC000  }
0xae: {  	[tilespmem:s26], [sflag:$0x2] =	stream.indirect.gather [hbm4b:s5+s24], $0x80, s8, s24, $0xb8;
	[tilespmem:$0x1E000] =	vst v63  }
0xaf: {  	_ =	swait.ge [sflag:s28], $0x4000  }
0xb0: {  	[sflag:s28] =	ssyncset.done $0x0  }
0xb1: {  	s10 =	rddreg [dreg:$0x17];
	[sflag:s28] =	ssyncadd.s32 $0xFFFFC000  }
0xb2: {  	[spmem:s2] =	stream.indirect.scatter.add.f32 [tilespmem:s25], [sflag:$0x5], $0x80, s10, s24, $0xb8;
	[tilespmem:$0x1E000] =	vst v63  }
0xb3: {  	_ =	swait.ge [sflag:s19], $0x4000  }
0xb4: {  	[sflag:s19] =	ssyncset.done $0x0  }
0xb5: {  	s11 =	rddreg [dreg:$0x18];
	[sflag:s19] =	ssyncadd.s32 $0xFFFFC000  }
0xb6: {  	[tilespmem:s25], [sflag:$0x1] =	stream.indirect.gather [hbm4b:s5+s24], $0x80, s11, s24, $0xb8;
	[tilespmem:$0x1E000] =	vst v63  }
0xb7: {  	_ =	swait.ge [sflag:s29], $0x4000  }
0xb8: {  	[sflag:s29] =	ssyncset.done $0x0  }
0xb9: {  	s12 =	rddreg [dreg:$0x19];
	[sflag:s29] =	ssyncadd.s32 $0xFFFFC000  }
0xba: {  	[spmem:s2] =	stream.indirect.scatter.add.f32 [tilespmem:s26], [sflag:$0x5], $0x80, s12, s24, $0xb8;
	[tilespmem:$0x1E000] =	vst v63  }
0xbb: {  	_ =	swait.ge [sflag:s19], $0x4000  }
0xbc: {  	[sflag:s19] =	ssyncset.done $0x0  }
0xbd: {  	s13 =	rddreg [dreg:$0x1a];
	[sflag:s19] =	ssyncadd.s32 $0xFFFFC000  }
0xbe: {  	[tilespmem:s26], [sflag:$0x2] =	stream.indirect.gather [hbm4b:s5+s24], $0x80, s13, s24, $0xb8;
	[tilespmem:$0x1E000] =	vst v63  }
0xbf: {  	_ =	swait.ge [sflag:s28], $0x4000  }
0xc0: {  	[sflag:s28] =	ssyncset.done $0x0  }
0xc1: {  	s14 =	rddreg [dreg:$0x1b];
	[sflag:s28] =	ssyncadd.s32 $0xFFFFC000  }
0xc2: {  	[spmem:s2] =	stream.indirect.scatter.add.f32 [tilespmem:s25], [sflag:$0x5], $0x80, s14, s24, $0xb8;
	[tilespmem:$0x1E000] =	vst v63  }
0xc3: {  	_ =	swait.ge [sflag:s19], $0x4000  }
0xc4: {  	[sflag:s19] =	ssyncset.done $0x0  }
0xc5: {  	s17 =	rddreg [dreg:$0x1c];
	[sflag:s19] =	ssyncadd.s32 $0xFFFFC000  }
0xc6: {  	[tilespmem:s25], [sflag:$0x1] =	stream.indirect.gather [hbm4b:s5+s24], $0x80, s17, s24, $0xb8;
	[tilespmem:$0x1E000] =	vst v63  }
0xc7: {  	_ =	swait.ge [sflag:s29], $0x4000  }
0xc8: {  	[sflag:s29] =	ssyncset.done $0x0  }
0xc9: {  	s8 =	rddreg [dreg:$0x1d];
	[sflag:s29] =	ssyncadd.s32 $0xFFFFC000  }
0xca: {  	[spmem:s2] =	stream.indirect.scatter.add.f32 [tilespmem:s26], [sflag:$0x5], $0x80, s8, s24, $0xb8;
	[tilespmem:$0x1E000] =	vst v63  }
0xcb: {  	_ =	swait.ge [sflag:s19], $0x4000  }
0xcc: {  	[sflag:s19] =	ssyncset.done $0x0  }
0xcd: {  	s10 =	rddreg [dreg:$0x1e];
	[sflag:s19] =	ssyncadd.s32 $0xFFFFC000  }
0xce: {  	[tilespmem:s26], [sflag:$0x2] =	stream.indirect.gather [hbm4b:s5+s24], $0x80, s10, s24, $0xb8;
	[tilespmem:$0x1E000] =	vst v63  }
0xcf: {  	_ =	swait.ge [sflag:s28], $0x4000  }
0xd0: {  	[sflag:s28] =	ssyncset.done $0x0  }
0xd1: {  	s11 =	rddreg [dreg:$0x1f];
	[sflag:s28] =	ssyncadd.s32 $0xFFFFC000  }
0xd2: {  	[spmem:s2] =	stream.indirect.scatter.add.f32 [tilespmem:s25], [sflag:$0x5], $0x80, s11, s24, $0xb8;
	[tilespmem:$0x1E000] =	vst v63  }
0xd3: {  	_ =	swait.ge [sflag:s19], $0x4000  }
0xd4: {  	[sflag:s19] =	ssyncset.done $0x0  }
0xd5: {  	[sflag:s19] =	ssyncadd.s32 $0xFFFFC000  }
0xd6: {  	_ =	swait.ge [sflag:s29], $0x4000  }
0xd7: {  	s12 =	sld [smem:$0x7D9]  }
0xd8: {  	[sflag:s29] =	ssyncset.done $0x0  }
0xd9: {  	[sflag:s29] =	ssyncadd.s32 $0xFFFFC000  }
0xda: {  	[spmem:s2] =	stream.indirect.scatter.add.f32 [tilespmem:s26], [sflag:$0x5], $0x80, s12, s24, $0xb8;
	[tilespmem:$0x1E000] =	vst v63  }
0xdb: {  	p0 =	sle.u32 s7, $0x2;
	_ =	swait.ge [sflag:s19], $0x4000  }
0xdc: {  	s0 =	sshrl.u32 @!p0 s4, $0x3;
	[sflag:s19] =	ssyncset.done $0x0  }
0xdd: {  	s8 =	sadd.s32 @!p0 s6, s0;
	s10 =	simm.s32 @!p0 $0x0;
	[sflag:s19] =	ssyncadd.s32 $0xFFFFC000  }
0xde: {  	[tilespmem:s10], [sflag:$0x3] =	stream.linear.gather @!p0 [hbm4b:s8+s10], $0x800, $0x38;
	[tilespmem:$0x1E000] =	vst v63  }
0xdf: {  	s0 =	sadd.s32 @!p0 s1, s0;
	s8 =	simm.s32 @!p0 $0x1000  }
0xe0: {  	[tilespmem:s8], [sflag:$0x3] =	stream.linear.gather @!p0 [hbm4b:s0+s10], $0x800, $0x38;
	[tilespmem:$0x1E000] =	vst v63  }
0xe1: {  	_ =	swait.ge [sflag:s30], $0x800  }
0xe2: {  	[sflag:s30] =	ssyncset.done $0x0  }
0xe3: {  	[sflag:s30] =	ssyncadd.s32 $0xFFFFF800  }
0xe4: {  	_ =	swait.ge [sflag:s30], $0x800  }
0xe5: {  	[sflag:s30] =	ssyncset.done $0x0  }
0xe6: {  	s13 =	sld [smem:$0x7DA];
	[sflag:s30] =	ssyncadd.s32 $0xFFFFF800  }
0xe7: {  	[tilespmem:s25], [sflag:$0x1] =	stream.indirect.gather [hbm4b:s5+s24], $0x80, s21, s24, $0xb8;
	[tilespmem:$0x1E000] =	vst v63  }
0xe8: {  	_ = 	snop  }
0xe9: {  	[tilespmem:s26], [sflag:$0x2] =	stream.indirect.gather [hbm4b:s5+s24], $0x80, s13, s24, $0xb8;
	[tilespmem:$0x1E000] =	vst v63  }
0xea: {  	_ =	swait.ge [sflag:s28], $0x4000  }
0xeb: {  	[sflag:s28] =	ssyncset.done $0x0  }
0xec: {  	[sflag:s28] =	ssyncadd.s32 $0xFFFFC000  }
0xed: {  	[spmem:s2] =	stream.indirect.scatter.add.f32 [tilespmem:s25], [sflag:$0x5], $0x80, s22, s24, $0xb8;
	[tilespmem:$0x1E000] =	vst v63  }
0xee: {  	_ =	swait.ge [sflag:s19], $0x4000  }
0xef: {  	s14 =	sld [smem:$0x7DB]  }
0xf0: {  	[sflag:s19] =	ssyncset.done $0x0  }
0xf1: {  	[sflag:s19] =	ssyncadd.s32 $0xFFFFC000  }
0xf2: {  	[tilespmem:s25], [sflag:$0x1] =	stream.indirect.gather [hbm4b:s5+s24], $0x80, s14, s24, $0xb8;
	[tilespmem:$0x1E000] =	vst v63  }
0xf3: {  	_ =	swait.ge [sflag:s29], $0x4000  }
0xf4: {  	s17 =	sld [smem:$0x7DC]  }
0xf5: {  	[sflag:s29] =	ssyncset.done $0x0  }
0xf6: {  	[sflag:s29] =	ssyncadd.s32 $0xFFFFC000  }
0xf7: {  	[spmem:s2] =	stream.indirect.scatter.add.f32 [tilespmem:s26], [sflag:$0x5], $0x80, s17, s24, $0xb8;
	[tilespmem:$0x1E000] =	vst v63  }
0xf8: {  	_ =	swait.ge [sflag:s19], $0x4000  }
0xf9: {  	s8 =	sld [smem:$0x7DD]  }
0xfa: {  	[sflag:s19] =	ssyncset.done $0x0  }
0xfb: {  	[sflag:s19] =	ssyncadd.s32 $0xFFFFC000  }
0xfc: {  	[tilespmem:s26], [sflag:$0x2] =	stream.indirect.gather [hbm4b:s5+s24], $0x80, s8, s24, $0xb8;
	[tilespmem:$0x1E000] =	vst v63  }
0xfd: {  	_ =	swait.ge [sflag:s28], $0x4000  }
0xfe: {  	s10 =	sld [smem:$0x7DE]  }
0xff: {  	[sflag:s28] =	ssyncset.done $0x0  }
0x100: {  	[sflag:s28] =	ssyncadd.s32 $0xFFFFC000  }
0x101: {  	[spmem:s2] =	stream.indirect.scatter.add.f32 [tilespmem:s25], [sflag:$0x5], $0x80, s10, s24, $0xb8;
	[tilespmem:$0x1E000] =	vst v63  }
0x102: {  	_ =	swait.ge [sflag:s19], $0x4000  }
0x103: {  	s11 =	sld [smem:$0x7DF]  }
0x104: {  	[sflag:s19] =	ssyncset.done $0x0  }
0x105: {  	[sflag:s19] =	ssyncadd.s32 $0xFFFFC000  }
0x106: {  	[tilespmem:s25], [sflag:$0x1] =	stream.indirect.gather [hbm4b:s5+s24], $0x80, s11, s24, $0xb8;
	[tilespmem:$0x1E000] =	vst v63  }
0x107: {  	_ =	swait.ge [sflag:s29], $0x4000  }
0x108: {  	s12 =	sld [smem:$0x7E0]  }
0x109: {  	[sflag:s29] =	ssyncset.done $0x0  }
0x10a: {  	[sflag:s29] =	ssyncadd.s32 $0xFFFFC000  }
0x10b: {  	[spmem:s2] =	stream.indirect.scatter.add.f32 [tilespmem:s26], [sflag:$0x5], $0x80, s12, s24, $0xb8;
	[tilespmem:$0x1E000] =	vst v63  }
0x10c: {  	_ =	swait.ge [sflag:s19], $0x4000  }
0x10d: {  	s13 =	sld [smem:$0x7E1]  }
0x10e: {  	[sflag:s19] =	ssyncset.done $0x0  }
0x10f: {  	[sflag:s19] =	ssyncadd.s32 $0xFFFFC000  }
0x110: {  	[tilespmem:s26], [sflag:$0x2] =	stream.indirect.gather [hbm4b:s5+s24], $0x80, s13, s24, $0xb8;
	[tilespmem:$0x1E000] =	vst v63  }
0x111: {  	_ =	swait.ge [sflag:s28], $0x4000  }
0x112: {  	s14 =	sld [smem:$0x7E2]  }
0x113: {  	[sflag:s28] =	ssyncset.done $0x0  }
0x114: {  	[sflag:s28] =	ssyncadd.s32 $0xFFFFC000  }
0x115: {  	[spmem:s2] =	stream.indirect.scatter.add.f32 [tilespmem:s25], [sflag:$0x5], $0x80, s14, s24, $0xb8;
	[tilespmem:$0x1E000] =	vst v63  }
0x116: {  	_ =	swait.ge [sflag:s19], $0x4000  }
0x117: {  	s17 =	sld [smem:$0x7E3]  }
0x118: {  	[sflag:s19] =	ssyncset.done $0x0  }
0x119: {  	[sflag:s19] =	ssyncadd.s32 $0xFFFFC000  }
0x11a: {  	[tilespmem:s25], [sflag:$0x1] =	stream.indirect.gather [hbm4b:s5+s24], $0x80, s17, s24, $0xb8;
	[tilespmem:$0x1E000] =	vst v63  }
0x11b: {  	_ =	swait.ge [sflag:s29], $0x4000  }
0x11c: {  	s8 =	sld [smem:$0x7E5]  }
0x11d: {  	[sflag:s29] =	ssyncset.done $0x0  }
0x11e: {  	[sflag:s29] =	ssyncadd.s32 $0xFFFFC000  }
0x11f: {  	[spmem:s2] =	stream.indirect.scatter.add.f32 [tilespmem:s26], [sflag:$0x5], $0x80, s8, s24, $0xb8;
	[tilespmem:$0x1E000] =	vst v63  }
0x120: {  	_ =	swait.ge [sflag:s19], $0x4000  }
0x121: {  	s10 =	sld [smem:$0x7E6]  }
0x122: {  	[sflag:s19] =	ssyncset.done $0x0  }
0x123: {  	[sflag:s19] =	ssyncadd.s32 $0xFFFFC000  }
0x124: {  	[tilespmem:s26], [sflag:$0x2] =	stream.indirect.gather [hbm4b:s5+s24], $0x80, s10, s24, $0xb8;
	[tilespmem:$0x1E000] =	vst v63  }
0x125: {  	_ =	swait.ge [sflag:s28], $0x4000  }
0x126: {  	s11 =	sld [smem:$0x7E7]  }
0x127: {  	[sflag:s28] =	ssyncset.done $0x0  }
0x128: {  	[sflag:s28] =	ssyncadd.s32 $0xFFFFC000  }
0x129: {  	[spmem:s2] =	stream.indirect.scatter.add.f32 [tilespmem:s25], [sflag:$0x5], $0x80, s11, s24, $0xb8;
	[tilespmem:$0x1E000] =	vst v63  }
0x12a: {  	_ =	swait.ge [sflag:s19], $0x4000  }
0x12b: {  	s12 =	sld [smem:$0x7E8]  }
0x12c: {  	[sflag:s19] =	ssyncset.done $0x0  }
0x12d: {  	[sflag:s19] =	ssyncadd.s32 $0xFFFFC000  }
0x12e: {  	[tilespmem:s25], [sflag:$0x1] =	stream.indirect.gather [hbm4b:s5+s24], $0x80, s12, s24, $0xb8;
	[tilespmem:$0x1E000] =	vst v63  }
0x12f: {  	_ =	swait.ge [sflag:s29], $0x4000  }
0x130: {  	s13 =	sld [smem:$0x7EA]  }
0x131: {  	[sflag:s29] =	ssyncset.done $0x0  }
0x132: {  	[sflag:s29] =	ssyncadd.s32 $0xFFFFC000  }
0x133: {  	[spmem:s2] =	stream.indirect.scatter.add.f32 [tilespmem:s26], [sflag:$0x5], $0x80, s13, s24, $0xb8;
	[tilespmem:$0x1E000] =	vst v63  }
0x134: {  	_ =	swait.ge [sflag:s19], $0x4000  }
0x135: {  	s14 =	sld [smem:$0x7EC]  }
0x136: {  	[sflag:s19] =	ssyncset.done $0x0  }
0x137: {  	[sflag:s19] =	ssyncadd.s32 $0xFFFFC000  }
0x138: {  	[tilespmem:s26], [sflag:$0x2] =	stream.indirect.gather [hbm4b:s5+s24], $0x80, s14, s24, $0xb8;
	[tilespmem:$0x1E000] =	vst v63  }
0x139: {  	_ =	swait.ge [sflag:s28], $0x4000  }
0x13a: {  	s17 =	sld [smem:$0x7ED]  }
0x13b: {  	[sflag:s28] =	ssyncset.done $0x0  }
0x13c: {  	[sflag:s28] =	ssyncadd.s32 $0xFFFFC000  }
0x13d: {  	[spmem:s2] =	stream.indirect.scatter.add.f32 [tilespmem:s25], [sflag:$0x5], $0x80, s17, s24, $0xb8;
	[tilespmem:$0x1E000] =	vst v63  }
0x13e: {  	_ =	swait.ge [sflag:s19], $0x4000  }
0x13f: {  	s8 =	sld [smem:$0x7EF]  }
0x140: {  	[sflag:s19] =	ssyncset.done $0x0  }
0x141: {  	[sflag:s19] =	ssyncadd.s32 $0xFFFFC000  }
0x142: {  	[tilespmem:s25], [sflag:$0x1] =	stream.indirect.gather [hbm4b:s5+s24], $0x80, s8, s24, $0xb8;
	[tilespmem:$0x1E000] =	vst v63  }
0x143: {  	_ =	swait.ge [sflag:s29], $0x4000  }
0x144: {  	s10 =	sld [smem:$0x7F1]  }
0x145: {  	[sflag:s29] =	ssyncset.done $0x0  }
0x146: {  	[sflag:s29] =	ssyncadd.s32 $0xFFFFC000  }
0x147: {  	[spmem:s2] =	stream.indirect.scatter.add.f32 [tilespmem:s26], [sflag:$0x5], $0x80, s10, s24, $0xb8;
	[tilespmem:$0x1E000] =	vst v63  }
0x148: {  	_ =	swait.ge [sflag:s19], $0x4000  }
0x149: {  	s11 =	sld [smem:$0x7F3]  }
0x14a: {  	[sflag:s19] =	ssyncset.done $0x0  }
0x14b: {  	[sflag:s19] =	ssyncadd.s32 $0xFFFFC000  }
0x14c: {  	[tilespmem:s26], [sflag:$0x2] =	stream.indirect.gather [hbm4b:s5+s24], $0x80, s11, s24, $0xb8;
	[tilespmem:$0x1E000] =	vst v63  }
0x14d: {  	_ =	swait.ge [sflag:s28], $0x4000  }
0x14e: {  	s12 =	sld [smem:$0x7F4]  }
0x14f: {  	[sflag:s28] =	ssyncset.done $0x0  }
0x150: {  	[sflag:s28] =	ssyncadd.s32 $0xFFFFC000  }
0x151: {  	[spmem:s2] =	stream.indirect.scatter.add.f32 [tilespmem:s25], [sflag:$0x5], $0x80, s12, s24, $0xb8;
	[tilespmem:$0x1E000] =	vst v63  }
0x152: {  	_ =	swait.ge [sflag:s19], $0x4000  }
0x153: {  	s13 =	sld [smem:$0x7F5]  }
0x154: {  	[sflag:s19] =	ssyncset.done $0x0  }
0x155: {  	[sflag:s19] =	ssyncadd.s32 $0xFFFFC000  }
0x156: {  	[tilespmem:s25], [sflag:$0x1] =	stream.indirect.gather [hbm4b:s5+s24], $0x80, s13, s24, $0xb8;
	[tilespmem:$0x1E000] =	vst v63  }
0x157: {  	_ =	swait.ge [sflag:s29], $0x4000  }
0x158: {  	s14 =	sld [smem:$0x7F6]  }
0x159: {  	[sflag:s29] =	ssyncset.done $0x0  }
0x15a: {  	[sflag:s29] =	ssyncadd.s32 $0xFFFFC000  }
0x15b: {  	[spmem:s2] =	stream.indirect.scatter.add.f32 [tilespmem:s26], [sflag:$0x5], $0x80, s14, s24, $0xb8;
	[tilespmem:$0x1E000] =	vst v63  }
0x15c: {  	_ =	swait.ge [sflag:s19], $0x4000  }
0x15d: {  	s17 =	sld [smem:$0x7F7]  }
0x15e: {  	[sflag:s19] =	ssyncset.done $0x0  }
0x15f: {  	[sflag:s19] =	ssyncadd.s32 $0xFFFFC000  }
0x160: {  	[tilespmem:s26], [sflag:$0x2] =	stream.indirect.gather [hbm4b:s5+s24], $0x80, s17, s24, $0xb8;
	[tilespmem:$0x1E000] =	vst v63  }
0x161: {  	_ =	swait.ge [sflag:s28], $0x4000  }
0x162: {  	s8 =	sld [smem:$0x7F8]  }
0x163: {  	[sflag:s28] =	ssyncset.done $0x0  }
0x164: {  	[sflag:s28] =	ssyncadd.s32 $0xFFFFC000  }
0x165: {  	[spmem:s2] =	stream.indirect.scatter.add.f32 [tilespmem:s25], [sflag:$0x5], $0x80, s8, s24, $0xb8;
	[tilespmem:$0x1E000] =	vst v63  }
0x166: {  	_ =	swait.ge [sflag:s19], $0x4000  }
0x167: {  	s10 =	sld [smem:$0x7F9]  }
0x168: {  	[sflag:s19] =	ssyncset.done $0x0  }
0x169: {  	[sflag:s19] =	ssyncadd.s32 $0xFFFFC000  }
0x16a: {  	[tilespmem:s25], [sflag:$0x1] =	stream.indirect.gather [hbm4b:s5+s24], $0x80, s10, s24, $0xb8;
	[tilespmem:$0x1E000] =	vst v63  }
0x16b: {  	_ =	swait.ge [sflag:s29], $0x4000  }
0x16c: {  	s11 =	sld [smem:$0x7FA]  }
0x16d: {  	[sflag:s29] =	ssyncset.done $0x0  }
0x16e: {  	[sflag:s29] =	ssyncadd.s32 $0xFFFFC000  }
0x16f: {  	[spmem:s2] =	stream.indirect.scatter.add.f32 [tilespmem:s26], [sflag:$0x5], $0x80, s11, s24, $0xb8;
	[tilespmem:$0x1E000] =	vst v63  }
0x170: {  	_ =	swait.ge [sflag:s19], $0x4000  }
0x171: {  	s12 =	sld [smem:$0x7FB]  }
0x172: {  	[sflag:s19] =	ssyncset.done $0x0  }
0x173: {  	[sflag:s19] =	ssyncadd.s32 $0xFFFFC000  }
0x174: {  	[tilespmem:s26], [sflag:$0x2] =	stream.indirect.gather [hbm4b:s5+s24], $0x80, s12, s24, $0xb8;
	[tilespmem:$0x1E000] =	vst v63  }
0x175: {  	_ =	swait.ge [sflag:s28], $0x4000  }
0x176: {  	s13 =	sld [smem:$0x7FC]  }
0x177: {  	[sflag:s28] =	ssyncset.done $0x0  }
0x178: {  	[sflag:s28] =	ssyncadd.s32 $0xFFFFC000  }
0x179: {  	[spmem:s2] =	stream.indirect.scatter.add.f32 [tilespmem:s25], [sflag:$0x5], $0x80, s13, s24, $0xb8;
	[tilespmem:$0x1E000] =	vst v63  }
0x17a: {  	_ =	swait.ge [sflag:s19], $0x4000  }
0x17b: {  	[sflag:s19] =	ssyncset.done $0x0  }
0x17c: {  	[sflag:s19] =	ssyncadd.s32 $0xFFFFC000  }
0x17d: {  	_ =	swait.ge [sflag:s29], $0x4000  }
0x17e: {  	s14 =	sld [smem:$0x7FD]  }
0x17f: {  	[sflag:s29] =	ssyncset.done $0x0;
	s17 =	sld [smem:$0x7F2]  }
0x180: {  	[sflag:s29] =	ssyncadd.s32 $0xFFFFC000  }
0x181: {  	[spmem:s2] =	stream.indirect.scatter.add.f32 [tilespmem:s26], [sflag:$0x5], $0x80, s14, s24, $0xb8;
	[tilespmem:$0x1E000] =	vst v63  }
0x182: {  	p1 =	sle.u32 s7, $0x3;
	s0 =	sadd.s32 $0xFFFFFFFF, s17  }
0x183: {  	s8 =	sadd.s32 @!p1 $0x800, s4;
	p0 =	sne.s32 s0, $0x0  }
.Ltmp0:
0x184: {  	s8 =	sshrl.u32 @!p1 s8, $0x3;
	_ =	swait.ge [sflag:s19], $0x4000;
	(pc) =	sbr.rel @!p0 .LBB2_3-.Ltmp0, $4  }
0x185: {  	s10 =	simm.s32 @!p1 $0x0;
	s11 =	simm.s32 @!p1 $0x800;
	[sflag:s19] =	ssyncset.done $0x0  }
0x186: {  	s12 =	sadd.s32 @!p1 s6, s8;
	s17 =	smov.u32 s4;
	[sflag:s19] =	ssyncadd.s32 $0xFFFFC000  }
0x187: {  	[tilespmem:s11], [sflag:$0x4] =	stream.linear.gather @!p1 [hbm4b:s12+s10], $0x800, $0x38;
	[tilespmem:$0x1E000] =	vst v63  }
0x188: {  	s11 =	sadd.s32 @!p1 s1, s8;
	s12 =	simm.s32 @!p1 $0x1800;
	s8 =	simm.s32 $0x2  }
.LBB2_2:
0x189: {  	[tilespmem:s12], [sflag:$0x4] =	stream.linear.gather @!p1 [hbm4b:s11+s10], $0x800, $0x38;
	[tilespmem:$0x1E000] =	vst v63  }
0x18a: {  	_ =	swait.ge [sflag:s23], $0x800  }
0x18b: {  	[sflag:s23] =	ssyncset.done $0x0  }
0x18c: {  	[sflag:s23] =	ssyncadd.s32 $0xFFFFF800  }
0x18d: {  	_ =	swait.ge [sflag:s23], $0x800  }
0x18e: {  	[sflag:s23] =	ssyncset.done $0x0  }
0x18f: {  	[sflag:s23] =	ssyncadd.s32 $0xFFFFF800  }
0x190: {  	[tilespmem:s25], [sflag:$0x1] =	stream.indirect.gather [hbm4b:s5+s24], $0x80, s3, s24, $0xb8;
	[tilespmem:$0x1E000] =	vst v63  }
0x191: {  	_ = 	snop  }
0x192: {  	[tilespmem:s26], [sflag:$0x2] =	stream.indirect.gather [hbm4b:s5+s24], $0x80, s24, s24, $0xb8;
	[tilespmem:$0x1E000] =	vst v63  }
0x193: {  	_ =	swait.ge [sflag:s28], $0x4000  }
0x194: {  	[sflag:s28] =	ssyncset.done $0x0  }
0x195: {  	[sflag:s28] =	ssyncadd.s32 $0xFFFFC000  }
0x196: {  	[spmem:s2] =	stream.indirect.scatter.add.f32 [tilespmem:s25], [sflag:$0x5], $0x80, s20, s24, $0xb8;
	[tilespmem:$0x1E000] =	vst v63  }
0x197: {  	_ =	swait.ge [sflag:s19], $0x4000  }
0x198: {  	[sflag:s19] =	ssyncset.done $0x0  }
0x199: {  	s11 =	rddreg [dreg:$0x4];
	[sflag:s19] =	ssyncadd.s32 $0xFFFFC000  }
0x19a: {  	[tilespmem:s25], [sflag:$0x1] =	stream.indirect.gather [hbm4b:s5+s24], $0x80, s11, s24, $0xb8;
	[tilespmem:$0x1E000] =	vst v63  }
0x19b: {  	_ =	swait.ge [sflag:s29], $0x4000  }
0x19c: {  	[sflag:s29] =	ssyncset.done $0x0  }
0x19d: {  	s12 =	rddreg [dreg:$0x5];
	[sflag:s29] =	ssyncadd.s32 $0xFFFFC000  }
0x19e: {  	[spmem:s2] =	stream.indirect.scatter.add.f32 [tilespmem:s26], [sflag:$0x5], $0x80, s12, s24, $0xb8;
	[tilespmem:$0x1E000] =	vst v63  }
0x19f: {  	_ =	swait.ge [sflag:s19], $0x4000  }
0x1a0: {  	[sflag:s19] =	ssyncset.done $0x0  }
0x1a1: {  	s13 =	rddreg [dreg:$0x6];
	[sflag:s19] =	ssyncadd.s32 $0xFFFFC000  }
0x1a2: {  	[tilespmem:s26], [sflag:$0x2] =	stream.indirect.gather [hbm4b:s5+s24], $0x80, s13, s24, $0xb8;
	[tilespmem:$0x1E000] =	vst v63  }
0x1a3: {  	_ =	swait.ge [sflag:s28], $0x4000  }
0x1a4: {  	[sflag:s28] =	ssyncset.done $0x0  }
0x1a5: {  	s14 =	rddreg [dreg:$0x7];
	[sflag:s28] =	ssyncadd.s32 $0xFFFFC000  }
0x1a6: {  	[spmem:s2] =	stream.indirect.scatter.add.f32 [tilespmem:s25], [sflag:$0x5], $0x80, s14, s24, $0xb8;
	[tilespmem:$0x1E000] =	vst v63  }
0x1a7: {  	_ =	swait.ge [sflag:s19], $0x4000  }
0x1a8: {  	[sflag:s19] =	ssyncset.done $0x0  }
0x1a9: {  	s11 =	rddreg [dreg:$0x8];
	[sflag:s19] =	ssyncadd.s32 $0xFFFFC000  }
0x1aa: {  	[tilespmem:s25], [sflag:$0x1] =	stream.indirect.gather [hbm4b:s5+s24], $0x80, s11, s24, $0xb8;
	[tilespmem:$0x1E000] =	vst v63  }
0x1ab: {  	_ =	swait.ge [sflag:s29], $0x4000  }
0x1ac: {  	[sflag:s29] =	ssyncset.done $0x0  }
0x1ad: {  	s12 =	rddreg [dreg:$0x9];
	[sflag:s29] =	ssyncadd.s32 $0xFFFFC000  }
0x1ae: {  	[spmem:s2] =	stream.indirect.scatter.add.f32 [tilespmem:s26], [sflag:$0x5], $0x80, s12, s24, $0xb8;
	[tilespmem:$0x1E000] =	vst v63  }
0x1af: {  	_ =	swait.ge [sflag:s19], $0x4000  }
0x1b0: {  	[sflag:s19] =	ssyncset.done $0x0  }
0x1b1: {  	s13 =	rddreg [dreg:$0xa];
	[sflag:s19] =	ssyncadd.s32 $0xFFFFC000  }
0x1b2: {  	[tilespmem:s26], [sflag:$0x2] =	stream.indirect.gather [hbm4b:s5+s24], $0x80, s13, s24, $0xb8;
	[tilespmem:$0x1E000] =	vst v63  }
0x1b3: {  	_ =	swait.ge [sflag:s28], $0x4000  }
0x1b4: {  	[sflag:s28] =	ssyncset.done $0x0  }
0x1b5: {  	s14 =	rddreg [dreg:$0xb];
	[sflag:s28] =	ssyncadd.s32 $0xFFFFC000  }
0x1b6: {  	[spmem:s2] =	stream.indirect.scatter.add.f32 [tilespmem:s25], [sflag:$0x5], $0x80, s14, s24, $0xb8;
	[tilespmem:$0x1E000] =	vst v63  }
0x1b7: {  	_ =	swait.ge [sflag:s19], $0x4000  }
0x1b8: {  	[sflag:s19] =	ssyncset.done $0x0  }
0x1b9: {  	s11 =	rddreg [dreg:$0xc];
	[sflag:s19] =	ssyncadd.s32 $0xFFFFC000  }
0x1ba: {  	[tilespmem:s25], [sflag:$0x1] =	stream.indirect.gather [hbm4b:s5+s24], $0x80, s11, s24, $0xb8;
	[tilespmem:$0x1E000] =	vst v63  }
0x1bb: {  	_ =	swait.ge [sflag:s29], $0x4000  }
0x1bc: {  	[sflag:s29] =	ssyncset.done $0x0  }
0x1bd: {  	s12 =	rddreg [dreg:$0xd];
	[sflag:s29] =	ssyncadd.s32 $0xFFFFC000  }
0x1be: {  	[spmem:s2] =	stream.indirect.scatter.add.f32 [tilespmem:s26], [sflag:$0x5], $0x80, s12, s24, $0xb8;
	[tilespmem:$0x1E000] =	vst v63  }
0x1bf: {  	_ =	swait.ge [sflag:s19], $0x4000  }
0x1c0: {  	[sflag:s19] =	ssyncset.done $0x0  }
0x1c1: {  	s13 =	rddreg [dreg:$0xe];
	[sflag:s19] =	ssyncadd.s32 $0xFFFFC000  }
0x1c2: {  	[tilespmem:s26], [sflag:$0x2] =	stream.indirect.gather [hbm4b:s5+s24], $0x80, s13, s24, $0xb8;
	[tilespmem:$0x1E000] =	vst v63  }
0x1c3: {  	_ =	swait.ge [sflag:s28], $0x4000  }
0x1c4: {  	[sflag:s28] =	ssyncset.done $0x0  }
0x1c5: {  	s14 =	rddreg [dreg:$0xf];
	[sflag:s28] =	ssyncadd.s32 $0xFFFFC000  }
0x1c6: {  	[spmem:s2] =	stream.indirect.scatter.add.f32 [tilespmem:s25], [sflag:$0x5], $0x80, s14, s24, $0xb8;
	[tilespmem:$0x1E000] =	vst v63  }
0x1c7: {  	_ =	swait.ge [sflag:s19], $0x4000  }
0x1c8: {  	[sflag:s19] =	ssyncset.done $0x0  }
0x1c9: {  	s11 =	rddreg [dreg:$0x10];
	[sflag:s19] =	ssyncadd.s32 $0xFFFFC000  }
0x1ca: {  	[tilespmem:s25], [sflag:$0x1] =	stream.indirect.gather [hbm4b:s5+s24], $0x80, s11, s24, $0xb8;
	[tilespmem:$0x1E000] =	vst v63  }
0x1cb: {  	_ =	swait.ge [sflag:s29], $0x4000  }
0x1cc: {  	[sflag:s29] =	ssyncset.done $0x0  }
0x1cd: {  	s12 =	rddreg [dreg:$0x11];
	[sflag:s29] =	ssyncadd.s32 $0xFFFFC000  }
0x1ce: {  	[spmem:s2] =	stream.indirect.scatter.add.f32 [tilespmem:s26], [sflag:$0x5], $0x80, s12, s24, $0xb8;
	[tilespmem:$0x1E000] =	vst v63  }
0x1cf: {  	_ =	swait.ge [sflag:s19], $0x4000  }
0x1d0: {  	[sflag:s19] =	ssyncset.done $0x0  }
0x1d1: {  	s13 =	rddreg [dreg:$0x12];
	[sflag:s19] =	ssyncadd.s32 $0xFFFFC000  }
0x1d2: {  	[tilespmem:s26], [sflag:$0x2] =	stream.indirect.gather [hbm4b:s5+s24], $0x80, s13, s24, $0xb8;
	[tilespmem:$0x1E000] =	vst v63  }
0x1d3: {  	_ =	swait.ge [sflag:s28], $0x4000  }
0x1d4: {  	[sflag:s28] =	ssyncset.done $0x0  }
0x1d5: {  	s14 =	rddreg [dreg:$0x13];
	[sflag:s28] =	ssyncadd.s32 $0xFFFFC000  }
0x1d6: {  	[spmem:s2] =	stream.indirect.scatter.add.f32 [tilespmem:s25], [sflag:$0x5], $0x80, s14, s24, $0xb8;
	[tilespmem:$0x1E000] =	vst v63  }
0x1d7: {  	_ =	swait.ge [sflag:s19], $0x4000  }
0x1d8: {  	[sflag:s19] =	ssyncset.done $0x0  }
0x1d9: {  	s11 =	rddreg [dreg:$0x14];
	[sflag:s19] =	ssyncadd.s32 $0xFFFFC000  }
0x1da: {  	[tilespmem:s25], [sflag:$0x1] =	stream.indirect.gather [hbm4b:s5+s24], $0x80, s11, s24, $0xb8;
	[tilespmem:$0x1E000] =	vst v63  }
0x1db: {  	_ =	swait.ge [sflag:s29], $0x4000  }
0x1dc: {  	[sflag:s29] =	ssyncset.done $0x0  }
0x1dd: {  	s12 =	rddreg [dreg:$0x15];
	[sflag:s29] =	ssyncadd.s32 $0xFFFFC000  }
0x1de: {  	[spmem:s2] =	stream.indirect.scatter.add.f32 [tilespmem:s26], [sflag:$0x5], $0x80, s12, s24, $0xb8;
	[tilespmem:$0x1E000] =	vst v63  }
0x1df: {  	_ =	swait.ge [sflag:s19], $0x4000  }
0x1e0: {  	[sflag:s19] =	ssyncset.done $0x0  }
0x1e1: {  	s13 =	rddreg [dreg:$0x16];
	[sflag:s19] =	ssyncadd.s32 $0xFFFFC000  }
0x1e2: {  	[tilespmem:s26], [sflag:$0x2] =	stream.indirect.gather [hbm4b:s5+s24], $0x80, s13, s24, $0xb8;
	[tilespmem:$0x1E000] =	vst v63  }
0x1e3: {  	_ =	swait.ge [sflag:s28], $0x4000  }
0x1e4: {  	[sflag:s28] =	ssyncset.done $0x0  }
0x1e5: {  	s14 =	rddreg [dreg:$0x17];
	[sflag:s28] =	ssyncadd.s32 $0xFFFFC000  }
0x1e6: {  	[spmem:s2] =	stream.indirect.scatter.add.f32 [tilespmem:s25], [sflag:$0x5], $0x80, s14, s24, $0xb8;
	[tilespmem:$0x1E000] =	vst v63  }
0x1e7: {  	_ =	swait.ge [sflag:s19], $0x4000  }
0x1e8: {  	[sflag:s19] =	ssyncset.done $0x0  }
0x1e9: {  	s11 =	rddreg [dreg:$0x18];
	[sflag:s19] =	ssyncadd.s32 $0xFFFFC000  }
0x1ea: {  	[tilespmem:s25], [sflag:$0x1] =	stream.indirect.gather [hbm4b:s5+s24], $0x80, s11, s24, $0xb8;
	[tilespmem:$0x1E000] =	vst v63  }
0x1eb: {  	_ =	swait.ge [sflag:s29], $0x4000  }
0x1ec: {  	[sflag:s29] =	ssyncset.done $0x0  }
0x1ed: {  	s12 =	rddreg [dreg:$0x19];
	[sflag:s29] =	ssyncadd.s32 $0xFFFFC000  }
0x1ee: {  	[spmem:s2] =	stream.indirect.scatter.add.f32 [tilespmem:s26], [sflag:$0x5], $0x80, s12, s24, $0xb8;
	[tilespmem:$0x1E000] =	vst v63  }
0x1ef: {  	_ =	swait.ge [sflag:s19], $0x4000  }
0x1f0: {  	[sflag:s19] =	ssyncset.done $0x0  }
0x1f1: {  	s13 =	rddreg [dreg:$0x1a];
	[sflag:s19] =	ssyncadd.s32 $0xFFFFC000  }
0x1f2: {  	[tilespmem:s26], [sflag:$0x2] =	stream.indirect.gather [hbm4b:s5+s24], $0x80, s13, s24, $0xb8;
	[tilespmem:$0x1E000] =	vst v63  }
0x1f3: {  	_ =	swait.ge [sflag:s28], $0x4000  }
0x1f4: {  	[sflag:s28] =	ssyncset.done $0x0  }
0x1f5: {  	s14 =	rddreg [dreg:$0x1b];
	[sflag:s28] =	ssyncadd.s32 $0xFFFFC000  }
0x1f6: {  	[spmem:s2] =	stream.indirect.scatter.add.f32 [tilespmem:s25], [sflag:$0x5], $0x80, s14, s24, $0xb8;
	[tilespmem:$0x1E000] =	vst v63  }
0x1f7: {  	_ =	swait.ge [sflag:s19], $0x4000  }
0x1f8: {  	[sflag:s19] =	ssyncset.done $0x0  }
0x1f9: {  	s11 =	rddreg [dreg:$0x1c];
	[sflag:s19] =	ssyncadd.s32 $0xFFFFC000  }
0x1fa: {  	[tilespmem:s25], [sflag:$0x1] =	stream.indirect.gather [hbm4b:s5+s24], $0x80, s11, s24, $0xb8;
	[tilespmem:$0x1E000] =	vst v63  }
0x1fb: {  	_ =	swait.ge [sflag:s29], $0x4000  }
0x1fc: {  	[sflag:s29] =	ssyncset.done $0x0  }
0x1fd: {  	s12 =	rddreg [dreg:$0x1d];
	[sflag:s29] =	ssyncadd.s32 $0xFFFFC000  }
0x1fe: {  	[spmem:s2] =	stream.indirect.scatter.add.f32 [tilespmem:s26], [sflag:$0x5], $0x80, s12, s24, $0xb8;
	[tilespmem:$0x1E000] =	vst v63  }
0x1ff: {  	_ =	swait.ge [sflag:s19], $0x4000  }
0x200: {  	[sflag:s19] =	ssyncset.done $0x0  }
0x201: {  	s13 =	rddreg [dreg:$0x1e];
	[sflag:s19] =	ssyncadd.s32 $0xFFFFC000  }
0x202: {  	[tilespmem:s26], [sflag:$0x2] =	stream.indirect.gather [hbm4b:s5+s24], $0x80, s13, s24, $0xb8;
	[tilespmem:$0x1E000] =	vst v63  }
0x203: {  	_ =	swait.ge [sflag:s28], $0x4000  }
0x204: {  	[sflag:s28] =	ssyncset.done $0x0  }
0x205: {  	s14 =	rddreg [dreg:$0x1f];
	[sflag:s28] =	ssyncadd.s32 $0xFFFFC000  }
0x206: {  	[spmem:s2] =	stream.indirect.scatter.add.f32 [tilespmem:s25], [sflag:$0x5], $0x80, s14, s24, $0xb8;
	[tilespmem:$0x1E000] =	vst v63  }
0x207: {  	_ =	swait.ge [sflag:s19], $0x4000  }
0x208: {  	[sflag:s19] =	ssyncset.done $0x0  }
0x209: {  	[sflag:s19] =	ssyncadd.s32 $0xFFFFC000  }
0x20a: {  	_ =	swait.ge [sflag:s29], $0x4000  }
0x20b: {  	s11 =	sld [smem:$0x7D9]  }
0x20c: {  	[sflag:s29] =	ssyncset.done $0x0  }
0x20d: {  	s8 =	sadd.s32 $0x2, s8;
	[sflag:s29] =	ssyncadd.s32 $0xFFFFC000  }
0x20e: {  	[spmem:s2] =	stream.indirect.scatter.add.f32 [tilespmem:s26], [sflag:$0x5], $0x80, s11, s24, $0xb8;
	[tilespmem:$0x1E000] =	vst v63  }
0x20f: {  	s17 =	sadd.s32 $0x1000, s17;
	p1 =	sge.u32 s8, s7;
	_ =	swait.ge [sflag:s19], $0x4000  }
0x210: {  	s10 =	sshrl.u32 @!p1 s17, $0x3;
	[sflag:s19] =	ssyncset.done $0x0  }
0x211: {  	s12 =	simm.s32 @!p1 $0x0;
	s11 =	sadd.s32 @!p1 s6, s10;
	[sflag:s19] =	ssyncadd.s32 $0xFFFFC000  }
0x212: {  	[tilespmem:s12], [sflag:$0x3] =	stream.linear.gather @!p1 [hbm4b:s11+s12], $0x800, $0x38;
	[tilespmem:$0x1E000] =	vst v63  }
0x213: {  	s10 =	sadd.s32 @!p1 s1, s10;
	s11 =	simm.s32 @!p1 $0x1000  }
0x214: {  	[tilespmem:s11], [sflag:$0x3] =	stream.linear.gather @!p1 [hbm4b:s10+s12], $0x800, $0x38;
	[tilespmem:$0x1E000] =	vst v63  }
0x215: {  	_ =	swait.ge [sflag:s30], $0x800  }
0x216: {  	[sflag:s30] =	ssyncset.done $0x0  }
0x217: {  	[sflag:s30] =	ssyncadd.s32 $0xFFFFF800  }
0x218: {  	_ =	swait.ge [sflag:s30], $0x800  }
0x219: {  	[sflag:s30] =	ssyncset.done $0x0  }
0x21a: {  	s12 =	sld [smem:$0x7DA];
	[sflag:s30] =	ssyncadd.s32 $0xFFFFF800  }
0x21b: {  	[tilespmem:s25], [sflag:$0x1] =	stream.indirect.gather [hbm4b:s5+s24], $0x80, s21, s24, $0xb8;
	[tilespmem:$0x1E000] =	vst v63  }
0x21c: {  	_ = 	snop  }
0x21d: {  	[tilespmem:s26], [sflag:$0x2] =	stream.indirect.gather [hbm4b:s5+s24], $0x80, s12, s24, $0xb8;
	[tilespmem:$0x1E000] =	vst v63  }
0x21e: {  	_ =	swait.ge [sflag:s28], $0x4000  }
0x21f: {  	[sflag:s28] =	ssyncset.done $0x0  }
0x220: {  	[sflag:s28] =	ssyncadd.s32 $0xFFFFC000  }
0x221: {  	[spmem:s2] =	stream.indirect.scatter.add.f32 [tilespmem:s25], [sflag:$0x5], $0x80, s22, s24, $0xb8;
	[tilespmem:$0x1E000] =	vst v63  }
0x222: {  	_ =	swait.ge [sflag:s19], $0x4000  }
0x223: {  	s13 =	sld [smem:$0x7DB]  }
0x224: {  	[sflag:s19] =	ssyncset.done $0x0  }
0x225: {  	[sflag:s19] =	ssyncadd.s32 $0xFFFFC000  }
0x226: {  	[tilespmem:s25], [sflag:$0x1] =	stream.indirect.gather [hbm4b:s5+s24], $0x80, s13, s24, $0xb8;
	[tilespmem:$0x1E000] =	vst v63  }
0x227: {  	_ =	swait.ge [sflag:s29], $0x4000  }
0x228: {  	s14 =	sld [smem:$0x7DC]  }
0x229: {  	[sflag:s29] =	ssyncset.done $0x0  }
0x22a: {  	[sflag:s29] =	ssyncadd.s32 $0xFFFFC000  }
0x22b: {  	[spmem:s2] =	stream.indirect.scatter.add.f32 [tilespmem:s26], [sflag:$0x5], $0x80, s14, s24, $0xb8;
	[tilespmem:$0x1E000] =	vst v63  }
0x22c: {  	_ =	swait.ge [sflag:s19], $0x4000  }
0x22d: {  	s11 =	sld [smem:$0x7DD]  }
0x22e: {  	[sflag:s19] =	ssyncset.done $0x0  }
0x22f: {  	[sflag:s19] =	ssyncadd.s32 $0xFFFFC000  }
0x230: {  	[tilespmem:s26], [sflag:$0x2] =	stream.indirect.gather [hbm4b:s5+s24], $0x80, s11, s24, $0xb8;
	[tilespmem:$0x1E000] =	vst v63  }
0x231: {  	_ =	swait.ge [sflag:s28], $0x4000  }
0x232: {  	s12 =	sld [smem:$0x7DE]  }
0x233: {  	[sflag:s28] =	ssyncset.done $0x0  }
0x234: {  	[sflag:s28] =	ssyncadd.s32 $0xFFFFC000  }
0x235: {  	[spmem:s2] =	stream.indirect.scatter.add.f32 [tilespmem:s25], [sflag:$0x5], $0x80, s12, s24, $0xb8;
	[tilespmem:$0x1E000] =	vst v63  }
0x236: {  	_ =	swait.ge [sflag:s19], $0x4000  }
0x237: {  	s13 =	sld [smem:$0x7DF]  }
0x238: {  	[sflag:s19] =	ssyncset.done $0x0  }
0x239: {  	[sflag:s19] =	ssyncadd.s32 $0xFFFFC000  }
0x23a: {  	[tilespmem:s25], [sflag:$0x1] =	stream.indirect.gather [hbm4b:s5+s24], $0x80, s13, s24, $0xb8;
	[tilespmem:$0x1E000] =	vst v63  }
0x23b: {  	_ =	swait.ge [sflag:s29], $0x4000  }
0x23c: {  	s14 =	sld [smem:$0x7E0]  }
0x23d: {  	[sflag:s29] =	ssyncset.done $0x0  }
0x23e: {  	[sflag:s29] =	ssyncadd.s32 $0xFFFFC000  }
0x23f: {  	[spmem:s2] =	stream.indirect.scatter.add.f32 [tilespmem:s26], [sflag:$0x5], $0x80, s14, s24, $0xb8;
	[tilespmem:$0x1E000] =	vst v63  }
0x240: {  	_ =	swait.ge [sflag:s19], $0x4000  }
0x241: {  	s11 =	sld [smem:$0x7E1]  }
0x242: {  	[sflag:s19] =	ssyncset.done $0x0  }
0x243: {  	[sflag:s19] =	ssyncadd.s32 $0xFFFFC000  }
0x244: {  	[tilespmem:s26], [sflag:$0x2] =	stream.indirect.gather [hbm4b:s5+s24], $0x80, s11, s24, $0xb8;
	[tilespmem:$0x1E000] =	vst v63  }
0x245: {  	_ =	swait.ge [sflag:s28], $0x4000  }
0x246: {  	s12 =	sld [smem:$0x7E2]  }
0x247: {  	[sflag:s28] =	ssyncset.done $0x0  }
0x248: {  	[sflag:s28] =	ssyncadd.s32 $0xFFFFC000  }
0x249: {  	[spmem:s2] =	stream.indirect.scatter.add.f32 [tilespmem:s25], [sflag:$0x5], $0x80, s12, s24, $0xb8;
	[tilespmem:$0x1E000] =	vst v63  }
0x24a: {  	_ =	swait.ge [sflag:s19], $0x4000  }
0x24b: {  	s13 =	sld [smem:$0x7E3]  }
0x24c: {  	[sflag:s19] =	ssyncset.done $0x0  }
0x24d: {  	[sflag:s19] =	ssyncadd.s32 $0xFFFFC000  }
0x24e: {  	[tilespmem:s25], [sflag:$0x1] =	stream.indirect.gather [hbm4b:s5+s24], $0x80, s13, s24, $0xb8;
	[tilespmem:$0x1E000] =	vst v63  }
0x24f: {  	_ =	swait.ge [sflag:s29], $0x4000  }
0x250: {  	s14 =	sld [smem:$0x7E5]  }
0x251: {  	[sflag:s29] =	ssyncset.done $0x0  }
0x252: {  	[sflag:s29] =	ssyncadd.s32 $0xFFFFC000  }
0x253: {  	[spmem:s2] =	stream.indirect.scatter.add.f32 [tilespmem:s26], [sflag:$0x5], $0x80, s14, s24, $0xb8;
	[tilespmem:$0x1E000] =	vst v63  }
0x254: {  	_ =	swait.ge [sflag:s19], $0x4000  }
0x255: {  	s11 =	sld [smem:$0x7E6]  }
0x256: {  	[sflag:s19] =	ssyncset.done $0x0  }
0x257: {  	[sflag:s19] =	ssyncadd.s32 $0xFFFFC000  }
0x258: {  	[tilespmem:s26], [sflag:$0x2] =	stream.indirect.gather [hbm4b:s5+s24], $0x80, s11, s24, $0xb8;
	[tilespmem:$0x1E000] =	vst v63  }
0x259: {  	_ =	swait.ge [sflag:s28], $0x4000  }
0x25a: {  	s12 =	sld [smem:$0x7E7]  }
0x25b: {  	[sflag:s28] =	ssyncset.done $0x0  }
0x25c: {  	[sflag:s28] =	ssyncadd.s32 $0xFFFFC000  }
0x25d: {  	[spmem:s2] =	stream.indirect.scatter.add.f32 [tilespmem:s25], [sflag:$0x5], $0x80, s12, s24, $0xb8;
	[tilespmem:$0x1E000] =	vst v63  }
0x25e: {  	_ =	swait.ge [sflag:s19], $0x4000  }
0x25f: {  	s13 =	sld [smem:$0x7E8]  }
0x260: {  	[sflag:s19] =	ssyncset.done $0x0  }
0x261: {  	[sflag:s19] =	ssyncadd.s32 $0xFFFFC000  }
0x262: {  	[tilespmem:s25], [sflag:$0x1] =	stream.indirect.gather [hbm4b:s5+s24], $0x80, s13, s24, $0xb8;
	[tilespmem:$0x1E000] =	vst v63  }
0x263: {  	_ =	swait.ge [sflag:s29], $0x4000  }
0x264: {  	s14 =	sld [smem:$0x7EA]  }
0x265: {  	[sflag:s29] =	ssyncset.done $0x0  }
0x266: {  	[sflag:s29] =	ssyncadd.s32 $0xFFFFC000  }
0x267: {  	[spmem:s2] =	stream.indirect.scatter.add.f32 [tilespmem:s26], [sflag:$0x5], $0x80, s14, s24, $0xb8;
	[tilespmem:$0x1E000] =	vst v63  }
0x268: {  	_ =	swait.ge [sflag:s19], $0x4000  }
0x269: {  	s11 =	sld [smem:$0x7EC]  }
0x26a: {  	[sflag:s19] =	ssyncset.done $0x0  }
0x26b: {  	[sflag:s19] =	ssyncadd.s32 $0xFFFFC000  }
0x26c: {  	[tilespmem:s26], [sflag:$0x2] =	stream.indirect.gather [hbm4b:s5+s24], $0x80, s11, s24, $0xb8;
	[tilespmem:$0x1E000] =	vst v63  }
0x26d: {  	_ =	swait.ge [sflag:s28], $0x4000  }
0x26e: {  	s12 =	sld [smem:$0x7ED]  }
0x26f: {  	[sflag:s28] =	ssyncset.done $0x0  }
0x270: {  	[sflag:s28] =	ssyncadd.s32 $0xFFFFC000  }
0x271: {  	[spmem:s2] =	stream.indirect.scatter.add.f32 [tilespmem:s25], [sflag:$0x5], $0x80, s12, s24, $0xb8;
	[tilespmem:$0x1E000] =	vst v63  }
0x272: {  	_ =	swait.ge [sflag:s19], $0x4000  }
0x273: {  	s13 =	sld [smem:$0x7EF]  }
0x274: {  	[sflag:s19] =	ssyncset.done $0x0  }
0x275: {  	[sflag:s19] =	ssyncadd.s32 $0xFFFFC000  }
0x276: {  	[tilespmem:s25], [sflag:$0x1] =	stream.indirect.gather [hbm4b:s5+s24], $0x80, s13, s24, $0xb8;
	[tilespmem:$0x1E000] =	vst v63  }
0x277: {  	_ =	swait.ge [sflag:s29], $0x4000  }
0x278: {  	s14 =	sld [smem:$0x7F1]  }
0x279: {  	[sflag:s29] =	ssyncset.done $0x0  }
0x27a: {  	[sflag:s29] =	ssyncadd.s32 $0xFFFFC000  }
0x27b: {  	[spmem:s2] =	stream.indirect.scatter.add.f32 [tilespmem:s26], [sflag:$0x5], $0x80, s14, s24, $0xb8;
	[tilespmem:$0x1E000] =	vst v63  }
0x27c: {  	_ =	swait.ge [sflag:s19], $0x4000  }
0x27d: {  	s11 =	sld [smem:$0x7F3]  }
0x27e: {  	[sflag:s19] =	ssyncset.done $0x0  }
0x27f: {  	[sflag:s19] =	ssyncadd.s32 $0xFFFFC000  }
0x280: {  	[tilespmem:s26], [sflag:$0x2] =	stream.indirect.gather [hbm4b:s5+s24], $0x80, s11, s24, $0xb8;
	[tilespmem:$0x1E000] =	vst v63  }
0x281: {  	_ =	swait.ge [sflag:s28], $0x4000  }
0x282: {  	s12 =	sld [smem:$0x7F4]  }
0x283: {  	[sflag:s28] =	ssyncset.done $0x0  }
0x284: {  	[sflag:s28] =	ssyncadd.s32 $0xFFFFC000  }
0x285: {  	[spmem:s2] =	stream.indirect.scatter.add.f32 [tilespmem:s25], [sflag:$0x5], $0x80, s12, s24, $0xb8;
	[tilespmem:$0x1E000] =	vst v63  }
0x286: {  	_ =	swait.ge [sflag:s19], $0x4000  }
0x287: {  	s13 =	sld [smem:$0x7F5]  }
0x288: {  	[sflag:s19] =	ssyncset.done $0x0  }
0x289: {  	[sflag:s19] =	ssyncadd.s32 $0xFFFFC000  }
0x28a: {  	[tilespmem:s25], [sflag:$0x1] =	stream.indirect.gather [hbm4b:s5+s24], $0x80, s13, s24, $0xb8;
	[tilespmem:$0x1E000] =	vst v63  }
0x28b: {  	_ =	swait.ge [sflag:s29], $0x4000  }
0x28c: {  	s14 =	sld [smem:$0x7F6]  }
0x28d: {  	[sflag:s29] =	ssyncset.done $0x0  }
0x28e: {  	[sflag:s29] =	ssyncadd.s32 $0xFFFFC000  }
0x28f: {  	[spmem:s2] =	stream.indirect.scatter.add.f32 [tilespmem:s26], [sflag:$0x5], $0x80, s14, s24, $0xb8;
	[tilespmem:$0x1E000] =	vst v63  }
0x290: {  	_ =	swait.ge [sflag:s19], $0x4000  }
0x291: {  	s11 =	sld [smem:$0x7F7]  }
0x292: {  	[sflag:s19] =	ssyncset.done $0x0  }
0x293: {  	[sflag:s19] =	ssyncadd.s32 $0xFFFFC000  }
0x294: {  	[tilespmem:s26], [sflag:$0x2] =	stream.indirect.gather [hbm4b:s5+s24], $0x80, s11, s24, $0xb8;
	[tilespmem:$0x1E000] =	vst v63  }
0x295: {  	_ =	swait.ge [sflag:s28], $0x4000  }
0x296: {  	s12 =	sld [smem:$0x7F8]  }
0x297: {  	[sflag:s28] =	ssyncset.done $0x0  }
0x298: {  	[sflag:s28] =	ssyncadd.s32 $0xFFFFC000  }
0x299: {  	[spmem:s2] =	stream.indirect.scatter.add.f32 [tilespmem:s25], [sflag:$0x5], $0x80, s12, s24, $0xb8;
	[tilespmem:$0x1E000] =	vst v63  }
0x29a: {  	_ =	swait.ge [sflag:s19], $0x4000  }
0x29b: {  	s13 =	sld [smem:$0x7F9]  }
0x29c: {  	[sflag:s19] =	ssyncset.done $0x0  }
0x29d: {  	[sflag:s19] =	ssyncadd.s32 $0xFFFFC000  }
0x29e: {  	[tilespmem:s25], [sflag:$0x1] =	stream.indirect.gather [hbm4b:s5+s24], $0x80, s13, s24, $0xb8;
	[tilespmem:$0x1E000] =	vst v63  }
0x29f: {  	_ =	swait.ge [sflag:s29], $0x4000  }
0x2a0: {  	s14 =	sld [smem:$0x7FA]  }
0x2a1: {  	[sflag:s29] =	ssyncset.done $0x0  }
0x2a2: {  	[sflag:s29] =	ssyncadd.s32 $0xFFFFC000  }
0x2a3: {  	[spmem:s2] =	stream.indirect.scatter.add.f32 [tilespmem:s26], [sflag:$0x5], $0x80, s14, s24, $0xb8;
	[tilespmem:$0x1E000] =	vst v63  }
0x2a4: {  	_ =	swait.ge [sflag:s19], $0x4000  }
0x2a5: {  	s11 =	sld [smem:$0x7FB]  }
0x2a6: {  	[sflag:s19] =	ssyncset.done $0x0  }
0x2a7: {  	[sflag:s19] =	ssyncadd.s32 $0xFFFFC000  }
0x2a8: {  	[tilespmem:s26], [sflag:$0x2] =	stream.indirect.gather [hbm4b:s5+s24], $0x80, s11, s24, $0xb8;
	[tilespmem:$0x1E000] =	vst v63  }
0x2a9: {  	_ =	swait.ge [sflag:s28], $0x4000  }
0x2aa: {  	s12 =	sld [smem:$0x7FC]  }
0x2ab: {  	[sflag:s28] =	ssyncset.done $0x0  }
0x2ac: {  	[sflag:s28] =	ssyncadd.s32 $0xFFFFC000  }
0x2ad: {  	[spmem:s2] =	stream.indirect.scatter.add.f32 [tilespmem:s25], [sflag:$0x5], $0x80, s12, s24, $0xb8;
	[tilespmem:$0x1E000] =	vst v63  }
0x2ae: {  	_ =	swait.ge [sflag:s19], $0x4000  }
0x2af: {  	[sflag:s19] =	ssyncset.done $0x0  }
0x2b0: {  	[sflag:s19] =	ssyncadd.s32 $0xFFFFC000  }
0x2b1: {  	_ =	swait.ge [sflag:s29], $0x4000  }
0x2b2: {  	s13 =	sld [smem:$0x7FD]  }
0x2b3: {  	s0 =	sadd.s32 $0xFFFFFFFF, s0;
	s14 =	sadd.s32 $0x1, s8;
	[sflag:s29] =	ssyncset.done $0x0  }
0x2b4: {  	p0 =	sne.s32 s0, $0x0;
	p1 =	sge.u32 s14, s7;
	[sflag:s29] =	ssyncadd.s32 $0xFFFFC000  }
0x2b5: {  	[spmem:s2] =	stream.indirect.scatter.add.f32 [tilespmem:s26], [sflag:$0x5], $0x80, s13, s24, $0xb8;
	[tilespmem:$0x1E000] =	vst v63  }
.Ltmp1:
0x2b6: {  	s10 =	sadd.s32 @!p1 $0x800, s17;
	(pc) =	sbr.rel @p0 .LBB2_2-.Ltmp1, $4  }
0x2b7: {  	s11 =	sshrl.u32 @!p1 s10, $0x3;
	s10 =	simm.s32 @!p1 $0x0;
	_ =	swait.ge [sflag:s19], $0x4000  }
0x2b8: {  	s14 =	sadd.s32 @!p1 s6, s11;
	s11 =	sadd.s32 @!p1 s1, s11;
	[sflag:s19] =	ssyncset.done $0x0  }
0x2b9: {  	s12 =	simm.s32 @!p1 $0x1800;
	s13 =	simm.s32 @!p1 $0x800;
	[sflag:s19] =	ssyncadd.s32 $0xFFFFC000  }
0x2ba: {  	[tilespmem:s13], [sflag:$0x4] =	stream.linear.gather @!p1 [hbm4b:s14+s10], $0x800, $0x38;
	[tilespmem:$0x1E000] =	vst v63  }
.LBB2_3:
0x2bb: {  	[tilespmem:s12], [sflag:$0x4] =	stream.linear.gather @!p1 [hbm4b:s11+s10], $0x800, $0x38;
	[tilespmem:$0x1E000] =	vst v63  }
0x2bc: {  	s31 =	sadd.s32 $0x1, s31  }
0x2bd: {  	p0 =	sne.s32 s31, s16  }
.Ltmp2:
0x2be: {  	[bflag:$0x0] =	sbarrier.arrive $0xFFFF;
	(pc) =	sbr.rel @p0 .LBB2_1-.Ltmp2, $4  }
0x2bf: {  	[hbm:s15], [sflag:s9] =	dma.local [spmem:s18], $0x2800  }
0x2c0: {  	_ =	swait.ge [sflag:s19], $0x2800  }
0x2c1: {  	[sflag:s19] =	ssyncset.done $0x0  }
0x2c2: {  	[sflag:s19] =	ssyncadd.s32 $0xFFFFD800  }
0x2c3: {  	_ =	sfence.sel $0x180000  }
0x2c4: {  	[bflag:$0x0] =	sbarrier.arrive $0xFFFF  }
0x2c5: {  	_ =	strace $0x90000047  }
0x2c6: {  	s0 =	stileid.u32;
	[bflag:$0x2] =	sbarrier.arrive $0xFFFF  }
0x2c7: {  	p0 =	sne.s32 s0, $0x0;
	s0 =	rddreg [dreg:$0x3]  }
0x2c8: {  	s0 =	sadd.s32 @!p0 $0x100000, s0  }
0x2c9: {  	[sflag:s0] =	ssyncadd.tile.s32 @!p0 $0x1;
	_ =	shalt  }
.Lfunc_end2:
_tile_overlayer_lowered:
.L_overlay_start_2:
0x2ca: {  	(tag) =	ssettag $0x2  }
0x2cb: {  	s0 =	rddreg [dreg:$0x0];
	s2 =	stileid.u32  }
0x2cc: {  	s1 =	rddreg [dreg:$0x1];
	p0 =	sne.s32 s2, $0x0  }
0x2cd: {  	s3 =	rddreg [dreg:$0x2];
	[bflag:$0x3] =	sbarrier.arrive $0xFFFF;
	s2 =	simm.s32 @!p0 $0x1C05  }
0x2ce: {  	[timem:s3], [sflag:s2] =	dma.local @!p0 [hbm:s0], s1  }
0x2cf: {  	s0 =	simm.s32 @!p0 $0x5  }
0x2d0: {  	_ =	swait.ge @!p0 [sflag:s0], s1  }
0x2d1: {  	s1 =	ssub.s32 @!p0 $0x0, s1;
	[sflag:s0] =	ssyncset.done @!p0 $0x0  }
0x2d2: {  	[sflag:s0] =	ssyncadd.s32 @!p0 s1  }
0x2d3: {  	[bflag:$0x3] =	sbarrier.arrive $0xFFFF  }
0x2d4: {  	_ =	shalt  }

</sc_bundles>
